<compile_context>
chip_gen: v7x
topology: tpu7x:2x2x1
jax: 0.10.2.dev20260603
libtpu: 0.0.44.dev20260713+nightly
codegen_flags: <defaults>
</compile_context>

<pallas_src>
import functools

import jax
import jax.numpy as jnp
from jax import lax
from jax.experimental import pallas as pl
from jax.experimental.pallas import tpu as pltpu
from jax.experimental.pallas import tpu_sc as plsc

_N = 10000
_E = 320000
_D = 128
_TD = 256
_CHUNK = 128
_NW = 32
_RSPAN = 632


def _mesh():
    return plsc.VectorSubcoreMesh(core_axis_name="c", subcore_axis_name="s")


def _sc_gather(table, src, dst):
    n_chunks = _E // _CHUNK
    iters = (n_chunks + _NW - 1) // _NW

    @functools.partial(
        pl.kernel,
        out_type=[
            jax.ShapeDtypeStruct((_E, _TD), jnp.float32),
            jax.ShapeDtypeStruct((_E, _TD), jnp.float32),
        ],
        mesh=_mesh(),
        scratch_types=[
            pltpu.MemorySpace.VMEM((_CHUNK,), jnp.int32),
            pltpu.MemorySpace.VMEM((_CHUNK,), jnp.int32),
            pltpu.MemorySpace.VMEM((_CHUNK, _TD), jnp.float32),
            pltpu.MemorySpace.VMEM((_CHUNK, _TD), jnp.float32),
            pltpu.SemaphoreType.DMA,
            pltpu.SemaphoreType.DMA,
        ],
    )
    def k(t_hbm, s_hbm, d_hbm, os_hbm, od_hbm, idx_s, idx_d, row_s, row_d,
          sem1, sem2):
        w = lax.axis_index("s") * 2 + lax.axis_index("c")

        def body(i, carry):
            c = w + _NW * i

            @pl.when(c < n_chunks)
            def _():
                base = c * _CHUNK
                pltpu.sync_copy(s_hbm.at[pl.ds(base, _CHUNK)], idx_s)
                pltpu.sync_copy(d_hbm.at[pl.ds(base, _CHUNK)], idx_d)
                cp1 = pltpu.async_copy(t_hbm.at[idx_s], row_s, sem1)
                cp2 = pltpu.async_copy(t_hbm.at[idx_d], row_d, sem2)
                cp1.wait()
                cp2.wait()
                pltpu.sync_copy(row_s, os_hbm.at[pl.ds(base, _CHUNK)])
                pltpu.sync_copy(row_d, od_hbm.at[pl.ds(base, _CHUNK)])

            return carry

        lax.fori_loop(0, iters, body, 0)

    return k(table, src, dst)


def _sc_scatter(msg, dst):
    per_core = _E // 2
    chunks_per_core = per_core // _CHUNK

    @functools.partial(
        pl.kernel,
        out_type=jax.ShapeDtypeStruct((2, _N, _D), jnp.float32),
        mesh=_mesh(),
        scratch_types=[
            pltpu.MemorySpace.VMEM((_CHUNK,), jnp.int32),
            pltpu.MemorySpace.VMEM((_CHUNK, _D), jnp.float32),
            pltpu.MemorySpace.VMEM((64, _D), jnp.float32),
            pltpu.MemorySpace.VMEM_SHARED((_N, _D), jnp.float32),
            pltpu.SemaphoreType.DMA,
        ],
    )
    def k(m_hbm, d_hbm, out_hbm, idx_v, rows_v, zbuf, acc, sem):
        cid = lax.axis_index("c")
        sid = lax.axis_index("s")
        zero = jnp.zeros((16,), jnp.float32)

        def zb(t, carry):
            zbuf[t // 8, pl.ds((t % 8) * 16, 16)] = zero
            return carry

        lax.fori_loop(0, 64 * 8, zb, 0)
        base_row = jnp.minimum((sid * 625) // 8 * 8, _N - _RSPAN)

        def zcopy(b, carry):
            pltpu.sync_copy(zbuf, acc.at[pl.ds(base_row + b * 64, 64)])
            return carry

        lax.fori_loop(0, 9, zcopy, 0)
        pltpu.sync_copy(zbuf.at[pl.ds(0, 56)],
                        acc.at[pl.ds(base_row + 576, 56)])
        plsc.subcore_barrier()

        @pl.when(sid == 0)
        def _():
            def body(kk, carry):
                base = cid * per_core + kk * _CHUNK
                pltpu.sync_copy(d_hbm.at[pl.ds(base, _CHUNK)], idx_v)
                pltpu.sync_copy(m_hbm.at[pl.ds(base, _CHUNK)], rows_v)
                pltpu.sync_copy(rows_v, acc.at[idx_v], add=True)
                return carry

            lax.fori_loop(0, chunks_per_core, body, 0)

        plsc.subcore_barrier()
        pltpu.sync_copy(acc.at[pl.ds(base_row, _RSPAN)],
                        out_hbm.at[cid, pl.ds(base_row, _RSPAN)])

    return k(msg, dst)


def _sc_counts(dst):
    per_core = _E // 2
    chunks_per_core = per_core // _CHUNK

    @functools.partial(
        pl.kernel,
        out_type=jax.ShapeDtypeStruct((2, _N, _D), jnp.float32),
        mesh=_mesh(),
        scratch_types=[
            pltpu.MemorySpace.VMEM((_CHUNK,), jnp.int32),
            pltpu.MemorySpace.VMEM((_CHUNK, _D), jnp.float32),
            pltpu.MemorySpace.VMEM((64, _D), jnp.float32),
            pltpu.MemorySpace.VMEM_SHARED((_N, _D), jnp.float32),
            pltpu.SemaphoreType.DMA,
        ],
    )
    def k(d_hbm, out_hbm, idx_v, ones_v, zbuf, acc, sem):
        cid = lax.axis_index("c")
        sid = lax.axis_index("s")
        lanes = lax.iota(jnp.int32, 16)
        onehot = jnp.where(lanes == 0, 1.0, 0.0).astype(jnp.float32)
        zero = jnp.zeros((16,), jnp.float32)

        def fill(t, carry):
            g = t % 8
            ones_v[t // 8, pl.ds(g * 16, 16)] = jnp.where(g == 0, onehot,
                                                          zero)
            return carry

        lax.fori_loop(0, _CHUNK * 8, fill, 0)

        def zb(t, carry):
            zbuf[t // 8, pl.ds((t % 8) * 16, 16)] = zero
            return carry

        lax.fori_loop(0, 64 * 8, zb, 0)
        base_row = jnp.minimum((sid * 625) // 8 * 8, _N - _RSPAN)

        def zcopy(b, carry):
            pltpu.sync_copy(zbuf, acc.at[pl.ds(base_row + b * 64, 64)])
            return carry

        lax.fori_loop(0, 9, zcopy, 0)
        pltpu.sync_copy(zbuf.at[pl.ds(0, 56)],
                        acc.at[pl.ds(base_row + 576, 56)])
        plsc.subcore_barrier()

        @pl.when(sid == 0)
        def _():
            def body(kk, carry):
                base = cid * per_core + kk * _CHUNK
                pltpu.sync_copy(d_hbm.at[pl.ds(base, _CHUNK)], idx_v)
                pltpu.sync_copy(ones_v, acc.at[idx_v], add=True)
                return carry

            lax.fori_loop(0, chunks_per_core, body, 0)

        plsc.subcore_barrier()
        pltpu.sync_copy(acc.at[pl.ds(base_row, _RSPAN)],
                        out_hbm.at[cid, pl.ds(base_row, _RSPAN)])

    return k(dst)


def _silu(v):
    return v * jax.nn.sigmoid(v)


_BE = 2000
_BN = 2000
_BC = 400


def _tc_msg_mlp(ts, td, ea, w1at, w1bt, w1ct, w1d, b1, w2t, b2):

    def body(ts_ref, td_ref, ea_ref, w1at_ref, w1bt_ref, w1ct_ref, w1d_ref,
             b1_ref, w2t_ref, b2_ref, out_ref):
        dp = ts_ref[:, 128:144] - td_ref[:, 128:144]
        dist = jnp.sqrt(jnp.sum(dp * dp, axis=1, keepdims=True))
        h1 = jnp.dot(td_ref[:, 0:128], w1at_ref[...],
                     preferred_element_type=jnp.float32)
        h1 += jnp.dot(ts_ref[:, 0:128], w1bt_ref[...],
                      preferred_element_type=jnp.float32)
        h1 += jnp.dot(ea_ref[...], w1ct_ref[...],
                      preferred_element_type=jnp.float32)
        h1 += dist * w1d_ref[...] + b1_ref[...]
        out_ref[...] = jnp.dot(_silu(h1), w2t_ref[...],
                               preferred_element_type=jnp.float32) + b2_ref[...]

    full = lambda i: (0, 0)
    return pl.pallas_call(
        body,
        grid=(_E // _BE,),
        in_specs=[
            pl.BlockSpec((_BE, _TD), lambda i: (i, 0)),
            pl.BlockSpec((_BE, _TD), lambda i: (i, 0)),
            pl.BlockSpec((_BE, 4), lambda i: (i, 0)),
            pl.BlockSpec((128, 256), full),
            pl.BlockSpec((128, 256), full),
            pl.BlockSpec((4, 256), full),
            pl.BlockSpec((1, 256), full),
            pl.BlockSpec((1, 256), full),
            pl.BlockSpec((256, 128), full),
            pl.BlockSpec((1, 128), full),
        ],
        out_specs=pl.BlockSpec((_BE, _D), lambda i: (i, 0)),
        out_shape=jax.ShapeDtypeStruct((_E, _D), jnp.float32),
    )(ts, td, ea, w1at, w1bt, w1ct, w1d, b1, w2t, b2)


def _tc_combine(s, cnt, x, pos_pad, noise_pad, c1t, c1b, c2t, c2b):

    def body(s_ref, cnt_ref, x_ref, pos_ref, noi_ref, c1t_ref, c1b_ref,
             c2t_ref, c2b_ref, nx_ref, np_ref):
        cnt = cnt_ref[...]
        aggr = jnp.sum(s_ref[...], axis=0) / jnp.maximum(cnt, 1.0)
        nx_ref[...] = x_ref[...] + aggr
        t = _silu(jnp.dot(aggr, c1t_ref[...],
                          preferred_element_type=jnp.float32) + c1b_ref[...])
        cu = jnp.dot(t, c2t_ref[...],
                     preferred_element_type=jnp.float32) + c2b_ref[...]
        np_ref[...] = pos_ref[...] + cu * noi_ref[...]

    full = lambda i: (0, 0)
    return pl.pallas_call(
        body,
        grid=(_N // _BC,),
        in_specs=[
            pl.BlockSpec((2, _BC, _D), lambda i: (0, i, 0)),
            pl.BlockSpec((_BC, 1), lambda i: (i, 0)),
            pl.BlockSpec((_BC, _D), lambda i: (i, 0)),
            pl.BlockSpec((_BC, 128), lambda i: (i, 0)),
            pl.BlockSpec((_BC, 128), lambda i: (i, 0)),
            pl.BlockSpec((128, 128), full),
            pl.BlockSpec((1, 128), full),
            pl.BlockSpec((128, 1), full),
            pl.BlockSpec((1, 1), full),
        ],
        out_specs=[
            pl.BlockSpec((_BC, _D), lambda i: (i, 0)),
            pl.BlockSpec((_BC, 128), lambda i: (i, 0)),
        ],
        out_shape=[
            jax.ShapeDtypeStruct((_N, _D), jnp.float32),
            jax.ShapeDtypeStruct((_N, 128), jnp.float32),
        ],
    )(s, cnt, x, pos_pad, noise_pad, c1t, c1b, c2t, c2b)


def _tc_cnt_reduce(cparts):

    def body(c_ref, o_ref):
        o_ref[...] = jnp.sum(c_ref[...], axis=0)

    return pl.pallas_call(
        body,
        grid=(_N // _BN,),
        in_specs=[pl.BlockSpec((2, _BN, 1), lambda i: (0, i, 0))],
        out_specs=pl.BlockSpec((_BN, 1), lambda i: (i, 0)),
        out_shape=jax.ShapeDtypeStruct((_N, 1), jnp.float32),
    )(cparts)


def _tc_emb(x, wt, b):
    def body(x_ref, w_ref, b_ref, o_ref):
        o_ref[...] = jnp.dot(x_ref[...], w_ref[...],
                             preferred_element_type=jnp.float32) + b_ref[...]

    full = lambda i: (0, 0)
    return pl.pallas_call(
        body,
        grid=(_N // _BN,),
        in_specs=[
            pl.BlockSpec((_BN, _D), lambda i: (i, 0)),
            pl.BlockSpec((128, 128), full),
            pl.BlockSpec((1, 128), full),
        ],
        out_specs=pl.BlockSpec((_BN, _D), lambda i: (i, 0)),
        out_shape=jax.ShapeDtypeStruct((_N, _D), jnp.float32),
    )(x, wt, b)


def _tc_readout(h, o1t, b1, o2t, b2):
    def body(h_ref, o1t_ref, b1_ref, o2t_ref, b2_ref, out_ref):
        g = jnp.mean(h_ref[...], axis=0, keepdims=True)
        z = _silu(jnp.dot(g, o1t_ref[...],
                          preferred_element_type=jnp.float32) + b1_ref[...])
        out_ref[...] = jnp.dot(z, o2t_ref[...],
                               preferred_element_type=jnp.float32) + b2_ref[...]

    return pl.pallas_call(
        body,
        out_shape=jax.ShapeDtypeStruct((1, 1), jnp.float32),
    )(h, o1t, b1, o2t, b2)


def kernel(x, pos, edge_index, edge_attr, params, noises):
    src = edge_index[0]
    dst = edge_index[1]

    h = _tc_emb(x, params["emb"]["W"].T, params["emb"]["b"].reshape(1, _D))

    pos_pad = jnp.pad(pos, ((0, 0), (0, 125)))
    cnt = _tc_cnt_reduce(_sc_counts(dst)[:, :, 0:1])

    for i in range(4):
        p = params["layers"][i]
        w1 = p["msg1"]["W"]
        table = jnp.concatenate([h, pos_pad], axis=1)
        ts, td = _sc_gather(table, src, dst)
        msg = _tc_msg_mlp(
            ts, td, edge_attr,
            w1[:, 0:128].T, w1[:, 128:256].T, w1[:, 256:260].T,
            w1[:, 260].reshape(1, 256), p["msg1"]["b"].reshape(1, 256),
            p["msg2"]["W"].T, p["msg2"]["b"].reshape(1, _D))
        s = _sc_scatter(msg, dst)
        noise_pad = jnp.pad(noises[i], ((0, 0), (0, 125)))
        h, pos_pad = _tc_combine(
            s, cnt, h, pos_pad, noise_pad,
            p["coord1"]["W"].T, p["coord1"]["b"].reshape(1, _D),
            p["coord2"]["W"].T, p["coord2"]["b"].reshape(1, 1))

    out = _tc_readout(
        h, params["out1"]["W"].T, params["out1"]["b"].reshape(1, 64),
        params["out2"]["W"].T, params["out2"]["b"].reshape(1, 1))
    return out.reshape(1)

# --- scband reference (transcript-rebuilt; emitter-appended) ---
"""Pipeline reference for scband-egnn-44822278701572 (READ-ONLY COPY).

The authoritative reference and input builder live on the scoring server;
editing this copy changes nothing except your own understanding.
"""

import jax, jax.numpy as jnp
import numpy as np

N = 10000
E = 320000
NODE_DIM = 128
EDGE_DIM = 4
NUM_LAYERS = 4

def _lin(key, fi, fo):
    k1, k2 = jax.random.split(key)
    b = 1.0 / np.sqrt(fi)
    return {"W": jax.random.uniform(k1, (fo, fi), minval=-b, maxval=b, dtype=jnp.float32),
            "b": jax.random.uniform(k2, (fo,), minval=-b, maxval=b, dtype=jnp.float32)}

def setup_inputs(seed: int = 0):
    key = jax.random.key(seed)
    ks = jax.random.split(key, 6)
    x = jax.random.normal(ks[0], (N, NODE_DIM), dtype=jnp.float32)
    pos = jax.random.normal(ks[1], (N, 3), dtype=jnp.float32)
    edge_index = jax.random.randint(ks[2], (2, E), 0, N, dtype=jnp.int32)
    edge_attr = jax.random.normal(ks[3], (E, EDGE_DIM), dtype=jnp.float32)
    noises = jax.random.normal(ks[4], (NUM_LAYERS, N, 3), dtype=jnp.float32)
    pk = jax.random.split(ks[5], 4 * NUM_LAYERS + 3)
    params = {"emb": _lin(pk[0], NODE_DIM, NODE_DIM),
              "out1": _lin(pk[1], NODE_DIM, NODE_DIM // 2),
              "out2": _lin(pk[2], NODE_DIM // 2, 1),
              "layers": []}
    for i in range(NUM_LAYERS):
        base = 3 + 4 * i
        params["layers"].append({
            "msg1": _lin(pk[base], 2 * NODE_DIM + EDGE_DIM + 1, 2 * NODE_DIM),
            "msg2": _lin(pk[base + 1], 2 * NODE_DIM, NODE_DIM),
            "coord1": _lin(pk[base + 2], NODE_DIM, NODE_DIM),
            "coord2": _lin(pk[base + 3], NODE_DIM, 1)})
    return {"x": x, "pos": pos, "edge_index": edge_index, "edge_attr": edge_attr, "params": params, "noises": noises}

def _apply(p, h):
    return h @ p["W"].T + p["b"]

def _layer(p, x, pos, src, dst, edge_attr, noise):
    # pos.detach().requires_grad_(True) in torch -> stop_gradient in jax
    pos = jax.lax.stop_gradient(pos)
    rel = pos[src] - pos[dst]  # pos_j - pos_i (j = source, i = target)
    dist = jnp.sqrt(jnp.sum(rel * rel, axis=-1, keepdims=True))
    mi = jnp.concatenate([x[dst], x[src], edge_attr, dist], axis=-1)
    msg = _apply(p["msg2"], jax.nn.silu(_apply(p["msg1"], mi)))
    s = jax.ops.segment_sum(msg, dst, num_segments=N)
    cnt = jax.ops.segment_sum(jnp.ones((dst.shape[0], 1), msg.dtype), dst, num_segments=N)
    aggr = s / jnp.maximum(cnt, 1.0)  # mean aggregation (0 for isolated nodes)
    new_x = x + aggr
    cu = _apply(p["coord2"], jax.nn.silu(_apply(p["coord1"], aggr)))
    new_pos = pos + cu * noise  # noise plays role of torch.randn_like(pos)
    return new_x, new_pos

def reference(x, pos, edge_index, edge_attr, params, noises):
    src = edge_index[0]
    dst = edge_index[1]
    h = _apply(params["emb"], x)
    p = pos
    for i in range(NUM_LAYERS):
        h, p = _layer(params["layers"][i], h, p, src, dst, edge_attr, noises[i])
    g = jnp.mean(h, axis=0)
    return _apply(params["out2"], jax.nn.silu(_apply(params["out1"], g)))

if __name__ == "__main__":
    import jax
    _d = setup_inputs()
    print(jax.jit(kernel)(*tuple(_d.values())))

</pallas_src>

<mosaic_0001>
#map = affine_map<(d0, d1) -> (0, 0)>
#map1 = affine_map<(d0, d1) -> (0)>
module attributes {stable_mosaic.version = 14 : i64} {
  func.func @k(%arg0: i32, %arg1: i32, %arg2: memref<10000x256xf32, #tpu.memory_space<hbm>>, %arg3: memref<320000xi32, #tpu.memory_space<hbm>>, %arg4: memref<320000xi32, #tpu.memory_space<hbm>>, %arg5: memref<320000x256xf32, #tpu.memory_space<hbm>>, %arg6: memref<320000x256xf32, #tpu.memory_space<hbm>>, %arg7: memref<128xi32, #tpu.memory_space<vmem>>, %arg8: memref<128xi32, #tpu.memory_space<vmem>>, %arg9: memref<128x256xf32, #tpu.memory_space<vmem>>, %arg10: memref<128x256xf32, #tpu.memory_space<vmem>>, %arg11: memref<!tpu.dma_semaphore, #tpu.memory_space<semaphore_mem>>, %arg12: memref<!tpu.dma_semaphore, #tpu.memory_space<semaphore_mem>>) attributes {dimension_semantics = [#tpu.dimension_semantics<core_parallel>, #tpu.dimension_semantics<subcore_parallel>], iteration_bounds = array<i64: 2, 16>, scalar_prefetch = 0 : i64, scratch_operands = 6 : i64, tpu.core_type = #tpu.core_type<sc_vector_subcore>, window_params = [{transform_indices = #map}, {transform_indices = #map1}, {transform_indices = #map1}, {transform_indices = #map}, {transform_indices = #map}]} {
    %mul3A = arith.constant 2 : i32
    %mul3A_0 = arith.muli %arg1, %mul3A : i32
    %add3A = arith.addi %mul3A_0, %arg0 : i32
    %scan3A = arith.constant 0 : i32
    %scan3A_1 = arith.constant 0 : i32
    %scan3A_2 = arith.constant 79 : i32
    %scan3A_3 = arith.addi %scan3A_1, %scan3A_2 : i32
    %scan3A_4 = arith.constant 1 : i32
    scf.for %scan3A_6 = %scan3A_1 to %scan3A_3 step %scan3A_4  : i32 {
      %mul3A_7 = arith.constant 32 : i32
      %mul3A_8 = arith.muli %mul3A_7, %scan3A_6 : i32
      %add3A_9 = arith.addi %add3A, %mul3A_8 : i32
      %lt3A = arith.constant 2500 : i32
      %lt3A_10 = arith.cmpi slt, %add3A_9, %lt3A : i32
      %convert_element_type3A = arith.extui %lt3A_10 : i1 to i32
      %cond3A = arith.constant 0 : i32
      %cond3A_11 = arith.cmpi ne, %convert_element_type3A, %cond3A : i32
      scf.if %cond3A_11 {
        %mul3A_12 = arith.constant 128 : i32
        %mul3A_13 = arith.muli %add3A_9, %mul3A_12 : i32
        "tpu.region"() ({
          %run_scoped3A = tpu.sem_alloc : memref<!tpu.dma_semaphore, #tpu.memory_space<semaphore_mem>>
          %dma_start3A_24 = tpu.memref_slice %arg3[%mul3A_13] : memref<320000xi32, #tpu.memory_space<hbm>> -> memref<128xi32, #tpu.memory_space<hbm>>
          %dma_start3A_25 = tpu.memref_slice %arg3[%mul3A_13] : memref<320000xi32, #tpu.memory_space<hbm>> -> memref<128xi32, #tpu.memory_space<hbm>>
          tpu.enqueue_dma source(%dma_start3A_25 : memref<128xi32, #tpu.memory_space<hbm>>) target(%arg7 : memref<128xi32, #tpu.memory_space<vmem>>) target_semaphore(%run_scoped3A : memref<!tpu.dma_semaphore, #tpu.memory_space<semaphore_mem>>)
          %dma_wait3A_26 = tpu.memref_slice %arg3[%mul3A_13] : memref<320000xi32, #tpu.memory_space<hbm>> -> memref<128xi32, #tpu.memory_space<hbm>>
          %dma_wait3A_27 = tpu.memref_slice %arg3[%mul3A_13] : memref<320000xi32, #tpu.memory_space<hbm>> -> memref<128xi32, #tpu.memory_space<hbm>>
          tpu.wait_dma2 semaphore(%run_scoped3A : memref<!tpu.dma_semaphore, #tpu.memory_space<semaphore_mem>>) src(%dma_wait3A_27 : memref<128xi32, #tpu.memory_space<hbm>>) dst(%arg7 : memref<128xi32, #tpu.memory_space<vmem>>)
          tpu.yield
        }) : () -> ()
        "tpu.region"() ({
          %run_scoped3A = tpu.sem_alloc : memref<!tpu.dma_semaphore, #tpu.memory_space<semaphore_mem>>
          %dma_start3A_24 = tpu.memref_slice %arg4[%mul3A_13] : memref<320000xi32, #tpu.memory_space<hbm>> -> memref<128xi32, #tpu.memory_space<hbm>>
          %dma_start3A_25 = tpu.memref_slice %arg4[%mul3A_13] : memref<320000xi32, #tpu.memory_space<hbm>> -> memref<128xi32, #tpu.memory_space<hbm>>
          tpu.enqueue_dma source(%dma_start3A_25 : memref<128xi32, #tpu.memory_space<hbm>>) target(%arg8 : memref<128xi32, #tpu.memory_space<vmem>>) target_semaphore(%run_scoped3A : memref<!tpu.dma_semaphore, #tpu.memory_space<semaphore_mem>>)
          %dma_wait3A_26 = tpu.memref_slice %arg4[%mul3A_13] : memref<320000xi32, #tpu.memory_space<hbm>> -> memref<128xi32, #tpu.memory_space<hbm>>
          %dma_wait3A_27 = tpu.memref_slice %arg4[%mul3A_13] : memref<320000xi32, #tpu.memory_space<hbm>> -> memref<128xi32, #tpu.memory_space<hbm>>
          tpu.wait_dma2 semaphore(%run_scoped3A : memref<!tpu.dma_semaphore, #tpu.memory_space<semaphore_mem>>) src(%dma_wait3A_27 : memref<128xi32, #tpu.memory_space<hbm>>) dst(%arg8 : memref<128xi32, #tpu.memory_space<vmem>>)
          tpu.yield
        }) : () -> ()
        %dma_start3A = arith.constant 0 : i32
        %dma_start3A_14 = arith.constant 0 : i32
        %dma_start3A_15 = tpu.memref_slice %arg2[%dma_start3A, %dma_start3A_14] : memref<10000x256xf32, #tpu.memory_space<hbm>> -> memref<10000x256xf32, #tpu.memory_space<hbm>>
        tpu.enqueue_indirect_dma source(%dma_start3A_15 : memref<10000x256xf32, #tpu.memory_space<hbm>>) target(%arg9 : memref<128x256xf32, #tpu.memory_space<vmem>>) offsets(%arg7 : memref<128xi32, #tpu.memory_space<vmem>>) semaphore(%arg11 : memref<!tpu.dma_semaphore, #tpu.memory_space<semaphore_mem>>)
        %dma_start3A_16 = arith.constant 0 : i32
        %dma_start3A_17 = arith.constant 0 : i32
        %dma_start3A_18 = tpu.memref_slice %arg2[%dma_start3A_16, %dma_start3A_17] : memref<10000x256xf32, #tpu.memory_space<hbm>> -> memref<10000x256xf32, #tpu.memory_space<hbm>>
        tpu.enqueue_indirect_dma source(%dma_start3A_18 : memref<10000x256xf32, #tpu.memory_space<hbm>>) target(%arg10 : memref<128x256xf32, #tpu.memory_space<vmem>>) offsets(%arg8 : memref<128xi32, #tpu.memory_space<vmem>>) semaphore(%arg12 : memref<!tpu.dma_semaphore, #tpu.memory_space<semaphore_mem>>)
        %dma_wait3A = arith.constant 0 : i32
        %dma_wait3A_19 = arith.constant 0 : i32
        %dma_wait3A_20 = tpu.memref_slice %arg2[%dma_wait3A, %dma_wait3A_19] : memref<10000x256xf32, #tpu.memory_space<hbm>> -> memref<10000x256xf32, #tpu.memory_space<hbm>>
        tpu.wait_indirect_dma semaphore(%arg11 : memref<!tpu.dma_semaphore, #tpu.memory_space<semaphore_mem>>) src(%dma_wait3A_20 : memref<10000x256xf32, #tpu.memory_space<hbm>>) dst(%arg9 : memref<128x256xf32, #tpu.memory_space<vmem>>)
        %dma_wait3A_21 = arith.constant 0 : i32
        %dma_wait3A_22 = arith.constant 0 : i32
        %dma_wait3A_23 = tpu.memref_slice %arg2[%dma_wait3A_21, %dma_wait3A_22] : memref<10000x256xf32, #tpu.memory_space<hbm>> -> memref<10000x256xf32, #tpu.memory_space<hbm>>
        tpu.wait_indirect_dma semaphore(%arg12 : memref<!tpu.dma_semaphore, #tpu.memory_space<semaphore_mem>>) src(%dma_wait3A_23 : memref<10000x256xf32, #tpu.memory_space<hbm>>) dst(%arg10 : memref<128x256xf32, #tpu.memory_space<vmem>>)
        "tpu.region"() ({
          %run_scoped3A = tpu.sem_alloc : memref<!tpu.dma_semaphore, #tpu.memory_space<semaphore_mem>>
          %dma_start3A_24 = arith.constant 0 : i32
          %dma_start3A_25 = tpu.memref_slice %arg5[%mul3A_13, %dma_start3A_24] : memref<320000x256xf32, #tpu.memory_space<hbm>> -> memref<128x256xf32, #tpu.memory_space<hbm>>
          %dma_start3A_26 = arith.constant 0 : i32
          %dma_start3A_27 = tpu.memref_slice %arg5[%mul3A_13, %dma_start3A_26] : memref<320000x256xf32, #tpu.memory_space<hbm>> -> memref<128x256xf32, #tpu.memory_space<hbm>>
          tpu.enqueue_dma source(%arg9 : memref<128x256xf32, #tpu.memory_space<vmem>>) target(%dma_start3A_27 : memref<128x256xf32, #tpu.memory_space<hbm>>) target_semaphore(%run_scoped3A : memref<!tpu.dma_semaphore, #tpu.memory_space<semaphore_mem>>)
          %dma_wait3A_28 = arith.constant 0 : i32
          %dma_wait3A_29 = tpu.memref_slice %arg5[%mul3A_13, %dma_wait3A_28] : memref<320000x256xf32, #tpu.memory_space<hbm>> -> memref<128x256xf32, #tpu.memory_space<hbm>>
          %dma_wait3A_30 = arith.constant 0 : i32
          %dma_wait3A_31 = tpu.memref_slice %arg5[%mul3A_13, %dma_wait3A_30] : memref<320000x256xf32, #tpu.memory_space<hbm>> -> memref<128x256xf32, #tpu.memory_space<hbm>>
          tpu.wait_dma2 semaphore(%run_scoped3A : memref<!tpu.dma_semaphore, #tpu.memory_space<semaphore_mem>>) src(%arg9 : memref<128x256xf32, #tpu.memory_space<vmem>>) dst(%dma_wait3A_31 : memref<128x256xf32, #tpu.memory_space<hbm>>)
          tpu.yield
        }) : () -> ()
        "tpu.region"() ({
          %run_scoped3A = tpu.sem_alloc : memref<!tpu.dma_semaphore, #tpu.memory_space<semaphore_mem>>
          %dma_start3A_24 = arith.constant 0 : i32
          %dma_start3A_25 = tpu.memref_slice %arg6[%mul3A_13, %dma_start3A_24] : memref<320000x256xf32, #tpu.memory_space<hbm>> -> memref<128x256xf32, #tpu.memory_space<hbm>>
          %dma_start3A_26 = arith.constant 0 : i32
          %dma_start3A_27 = tpu.memref_slice %arg6[%mul3A_13, %dma_start3A_26] : memref<320000x256xf32, #tpu.memory_space<hbm>> -> memref<128x256xf32, #tpu.memory_space<hbm>>
          tpu.enqueue_dma source(%arg10 : memref<128x256xf32, #tpu.memory_space<vmem>>) target(%dma_start3A_27 : memref<128x256xf32, #tpu.memory_space<hbm>>) target_semaphore(%run_scoped3A : memref<!tpu.dma_semaphore, #tpu.memory_space<semaphore_mem>>)
          %dma_wait3A_28 = arith.constant 0 : i32
          %dma_wait3A_29 = tpu.memref_slice %arg6[%mul3A_13, %dma_wait3A_28] : memref<320000x256xf32, #tpu.memory_space<hbm>> -> memref<128x256xf32, #tpu.memory_space<hbm>>
          %dma_wait3A_30 = arith.constant 0 : i32
          %dma_wait3A_31 = tpu.memref_slice %arg6[%mul3A_13, %dma_wait3A_30] : memref<320000x256xf32, #tpu.memory_space<hbm>> -> memref<128x256xf32, #tpu.memory_space<hbm>>
          tpu.wait_dma2 semaphore(%run_scoped3A : memref<!tpu.dma_semaphore, #tpu.memory_space<semaphore_mem>>) src(%arg10 : memref<128x256xf32, #tpu.memory_space<vmem>>) dst(%dma_wait3A_31 : memref<128x256xf32, #tpu.memory_space<hbm>>)
          tpu.yield
        }) : () -> ()
      } else {
      }
    }
    %scan3A_5 = arith.constant 79 : i32
    return
  }
}

#map = affine_map<(d0, d1) -> (0, 0)>
#map1 = affine_map<(d0, d1) -> (0)>
module attributes {stable_mosaic.version = 14 : i64} {
  func.func @k(%arg0: i32, %arg1: i32, %arg2: memref<10000x256xf32, #tpu.memory_space<hbm>>, %arg3: memref<320000xi32, #tpu.memory_space<hbm>>, %arg4: memref<320000xi32, #tpu.memory_space<hbm>>, %arg5: memref<320000x256xf32, #tpu.memory_space<hbm>>, %arg6: memref<320000x256xf32, #tpu.memory_space<hbm>>, %arg7: memref<128xi32, #tpu.memory_space<vmem>>, %arg8: memref<128xi32, #tpu.memory_space<vmem>>, %arg9: memref<128x256xf32, #tpu.memory_space<vmem>>, %arg10: memref<128x256xf32, #tpu.memory_space<vmem>>, %arg11: memref<!tpu.dma_semaphore, #tpu.memory_space<semaphore_mem>>, %arg12: memref<!tpu.dma_semaphore, #tpu.memory_space<semaphore_mem>>) attributes {dimension_semantics = [#tpu.dimension_semantics<core_parallel>, #tpu.dimension_semantics<subcore_parallel>], iteration_bounds = array<i64: 2, 16>, scalar_prefetch = 0 : i64, scratch_operands = 6 : i64, tpu.core_type = #tpu.core_type<sc_vector_subcore>, window_params = [{transform_indices = #map}, {transform_indices = #map1}, {transform_indices = #map1}, {transform_indices = #map}, {transform_indices = #map}]} {
    %mul3A = arith.constant 2 : i32
    %mul3A_0 = arith.muli %arg1, %mul3A : i32
    %add3A = arith.addi %mul3A_0, %arg0 : i32
    %scan3A = arith.constant 0 : i32
    %scan3A_1 = arith.constant 0 : i32
    %scan3A_2 = arith.constant 79 : i32
    %scan3A_3 = arith.addi %scan3A_1, %scan3A_2 : i32
    %scan3A_4 = arith.constant 1 : i32
    scf.for %scan3A_6 = %scan3A_1 to %scan3A_3 step %scan3A_4  : i32 {
      %mul3A_7 = arith.constant 32 : i32
      %mul3A_8 = arith.muli %mul3A_7, %scan3A_6 : i32
      %add3A_9 = arith.addi %add3A, %mul3A_8 : i32
      %lt3A = arith.constant 2500 : i32
      %lt3A_10 = arith.cmpi slt, %add3A_9, %lt3A : i32
      %convert_element_type3A = arith.extui %lt3A_10 : i1 to i32
      %cond3A = arith.constant 0 : i32
      %cond3A_11 = arith.cmpi ne, %convert_element_type3A, %cond3A : i32
      scf.if %cond3A_11 {
        %mul3A_12 = arith.constant 128 : i32
        %mul3A_13 = arith.muli %add3A_9, %mul3A_12 : i32
        "tpu.region"() ({
          %run_scoped3A = tpu.sem_alloc : memref<!tpu.dma_semaphore, #tpu.memory_space<semaphore_mem>>
          %dma_start3A_24 = tpu.memref_slice %arg3[%mul3A_13] : memref<320000xi32, #tpu.memory_space<hbm>> -> memref<128xi32, #tpu.memory_space<hbm>>
          %dma_start3A_25 = tpu.memref_slice %arg3[%mul3A_13] : memref<320000xi32, #tpu.memory_space<hbm>> -> memref<128xi32, #tpu.memory_space<hbm>>
          tpu.enqueue_dma source(%dma_start3A_25 : memref<128xi32, #tpu.memory_space<hbm>>) target(%arg7 : memref<128xi32, #tpu.memory_space<vmem>>) target_semaphore(%run_scoped3A : memref<!tpu.dma_semaphore, #tpu.memory_space<semaphore_mem>>)
          %dma_wait3A_26 = tpu.memref_slice %arg3[%mul3A_13] : memref<320000xi32, #tpu.memory_space<hbm>> -> memref<128xi32, #tpu.memory_space<hbm>>
          %dma_wait3A_27 = tpu.memref_slice %arg3[%mul3A_13] : memref<320000xi32, #tpu.memory_space<hbm>> -> memref<128xi32, #tpu.memory_space<hbm>>
          tpu.wait_dma2 semaphore(%run_scoped3A : memref<!tpu.dma_semaphore, #tpu.memory_space<semaphore_mem>>) src(%dma_wait3A_27 : memref<128xi32, #tpu.memory_space<hbm>>) dst(%arg7 : memref<128xi32, #tpu.memory_space<vmem>>)
          tpu.yield
        }) : () -> ()
        "tpu.region"() ({
          %run_scoped3A = tpu.sem_alloc : memref<!tpu.dma_semaphore, #tpu.memory_space<semaphore_mem>>
          %dma_start3A_24 = tpu.memref_slice %arg4[%mul3A_13] : memref<320000xi32, #tpu.memory_space<hbm>> -> memref<128xi32, #tpu.memory_space<hbm>>
          %dma_start3A_25 = tpu.memref_slice %arg4[%mul3A_13] : memref<320000xi32, #tpu.memory_space<hbm>> -> memref<128xi32, #tpu.memory_space<hbm>>
          tpu.enqueue_dma source(%dma_start3A_25 : memref<128xi32, #tpu.memory_space<hbm>>) target(%arg8 : memref<128xi32, #tpu.memory_space<vmem>>) target_semaphore(%run_scoped3A : memref<!tpu.dma_semaphore, #tpu.memory_space<semaphore_mem>>)
          %dma_wait3A_26 = tpu.memref_slice %arg4[%mul3A_13] : memref<320000xi32, #tpu.memory_space<hbm>> -> memref<128xi32, #tpu.memory_space<hbm>>
          %dma_wait3A_27 = tpu.memref_slice %arg4[%mul3A_13] : memref<320000xi32, #tpu.memory_space<hbm>> -> memref<128xi32, #tpu.memory_space<hbm>>
          tpu.wait_dma2 semaphore(%run_scoped3A : memref<!tpu.dma_semaphore, #tpu.memory_space<semaphore_mem>>) src(%dma_wait3A_27 : memref<128xi32, #tpu.memory_space<hbm>>) dst(%arg8 : memref<128xi32, #tpu.memory_space<vmem>>)
          tpu.yield
        }) : () -> ()
        %dma_start3A = arith.constant 0 : i32
        %dma_start3A_14 = arith.constant 0 : i32
        %dma_start3A_15 = tpu.memref_slice %arg2[%dma_start3A, %dma_start3A_14] : memref<10000x256xf32, #tpu.memory_space<hbm>> -> memref<10000x256xf32, #tpu.memory_space<hbm>>
        tpu.enqueue_indirect_dma source(%dma_start3A_15 : memref<10000x256xf32, #tpu.memory_space<hbm>>) target(%arg9 : memref<128x256xf32, #tpu.memory_space<vmem>>) offsets(%arg7 : memref<128xi32, #tpu.memory_space<vmem>>) semaphore(%arg11 : memref<!tpu.dma_semaphore, #tpu.memory_space<semaphore_mem>>)
        %dma_start3A_16 = arith.constant 0 : i32
        %dma_start3A_17 = arith.constant 0 : i32
        %dma_start3A_18 = tpu.memref_slice %arg2[%dma_start3A_16, %dma_start3A_17] : memref<10000x256xf32, #tpu.memory_space<hbm>> -> memref<10000x256xf32, #tpu.memory_space<hbm>>
        tpu.enqueue_indirect_dma source(%dma_start3A_18 : memref<10000x256xf32, #tpu.memory_space<hbm>>) target(%arg10 : memref<128x256xf32, #tpu.memory_space<vmem>>) offsets(%arg8 : memref<128xi32, #tpu.memory_space<vmem>>) semaphore(%arg12 : memref<!tpu.dma_semaphore, #tpu.memory_space<semaphore_mem>>)
        %dma_wait3A = arith.constant 0 : i32
        %dma_wait3A_19 = arith.constant 0 : i32
        %dma_wait3A_20 = tpu.memref_slice %arg2[%dma_wait3A, %dma_wait3A_19] : memref<10000x256xf32, #tpu.memory_space<hbm>> -> memref<10000x256xf32, #tpu.memory_space<hbm>>
        tpu.wait_indirect_dma semaphore(%arg11 : memref<!tpu.dma_semaphore, #tpu.memory_space<semaphore_mem>>) src(%dma_wait3A_20 : memref<10000x256xf32, #tpu.memory_space<hbm>>) dst(%arg9 : memref<128x256xf32, #tpu.memory_space<vmem>>)
        %dma_wait3A_21 = arith.constant 0 : i32
        %dma_wait3A_22 = arith.constant 0 : i32
        %dma_wait3A_23 = tpu.memref_slice %arg2[%dma_wait3A_21, %dma_wait3A_22] : memref<10000x256xf32, #tpu.memory_space<hbm>> -> memref<10000x256xf32, #tpu.memory_space<hbm>>
        tpu.wait_indirect_dma semaphore(%arg12 : memref<!tpu.dma_semaphore, #tpu.memory_space<semaphore_mem>>) src(%dma_wait3A_23 : memref<10000x256xf32, #tpu.memory_space<hbm>>) dst(%arg10 : memref<128x256xf32, #tpu.memory_space<vmem>>)
        "tpu.region"() ({
          %run_scoped3A = tpu.sem_alloc : memref<!tpu.dma_semaphore, #tpu.memory_space<semaphore_mem>>
          %dma_start3A_24 = arith.constant 0 : i32
          %dma_start3A_25 = tpu.memref_slice %arg5[%mul3A_13, %dma_start3A_24] : memref<320000x256xf32, #tpu.memory_space<hbm>> -> memref<128x256xf32, #tpu.memory_space<hbm>>
          %dma_start3A_26 = arith.constant 0 : i32
          %dma_start3A_27 = tpu.memref_slice %arg5[%mul3A_13, %dma_start3A_26] : memref<320000x256xf32, #tpu.memory_space<hbm>> -> memref<128x256xf32, #tpu.memory_space<hbm>>
          tpu.enqueue_dma source(%arg9 : memref<128x256xf32, #tpu.memory_space<vmem>>) target(%dma_start3A_27 : memref<128x256xf32, #tpu.memory_space<hbm>>) target_semaphore(%run_scoped3A : memref<!tpu.dma_semaphore, #tpu.memory_space<semaphore_mem>>)
          %dma_wait3A_28 = arith.constant 0 : i32
          %dma_wait3A_29 = tpu.memref_slice %arg5[%mul3A_13, %dma_wait3A_28] : memref<320000x256xf32, #tpu.memory_space<hbm>> -> memref<128x256xf32, #tpu.memory_space<hbm>>
          %dma_wait3A_30 = arith.constant 0 : i32
          %dma_wait3A_31 = tpu.memref_slice %arg5[%mul3A_13, %dma_wait3A_30] : memref<320000x256xf32, #tpu.memory_space<hbm>> -> memref<128x256xf32, #tpu.memory_space<hbm>>
          tpu.wait_dma2 semaphore(%run_scoped3A : memref<!tpu.dma_semaphore, #tpu.memory_space<semaphore_mem>>) src(%arg9 : memref<128x256xf32, #tpu.memory_space<vmem>>) dst(%dma_wait3A_31 : memref<128x256xf32, #tpu.memory_space<hbm>>)
          tpu.yield
        }) : () -> ()
        "tpu.region"() ({
          %run_scoped3A = tpu.sem_alloc : memref<!tpu.dma_semaphore, #tpu.memory_space<semaphore_mem>>
          %dma_start3A_24 = arith.constant 0 : i32
          %dma_start3A_25 = tpu.memref_slice %arg6[%mul3A_13, %dma_start3A_24] : memref<320000x256xf32, #tpu.memory_space<hbm>> -> memref<128x256xf32, #tpu.memory_space<hbm>>
          %dma_start3A_26 = arith.constant 0 : i32
          %dma_start3A_27 = tpu.memref_slice %arg6[%mul3A_13, %dma_start3A_26] : memref<320000x256xf32, #tpu.memory_space<hbm>> -> memref<128x256xf32, #tpu.memory_space<hbm>>
          tpu.enqueue_dma source(%arg10 : memref<128x256xf32, #tpu.memory_space<vmem>>) target(%dma_start3A_27 : memref<128x256xf32, #tpu.memory_space<hbm>>) target_semaphore(%run_scoped3A : memref<!tpu.dma_semaphore, #tpu.memory_space<semaphore_mem>>)
          %dma_wait3A_28 = arith.constant 0 : i32
          %dma_wait3A_29 = tpu.memref_slice %arg6[%mul3A_13, %dma_wait3A_28] : memref<320000x256xf32, #tpu.memory_space<hbm>> -> memref<128x256xf32, #tpu.memory_space<hbm>>
          %dma_wait3A_30 = arith.constant 0 : i32
          %dma_wait3A_31 = tpu.memref_slice %arg6[%mul3A_13, %dma_wait3A_30] : memref<320000x256xf32, #tpu.memory_space<hbm>> -> memref<128x256xf32, #tpu.memory_space<hbm>>
          tpu.wait_dma2 semaphore(%run_scoped3A : memref<!tpu.dma_semaphore, #tpu.memory_space<semaphore_mem>>) src(%arg10 : memref<128x256xf32, #tpu.memory_space<vmem>>) dst(%dma_wait3A_31 : memref<128x256xf32, #tpu.memory_space<hbm>>)
          tpu.yield
        }) : () -> ()
      } else {
      }
    }
    %scan3A_5 = arith.constant 79 : i32
    return
  }
}

#map = affine_map<(d0, d1) -> (0, 0)>
#map1 = affine_map<(d0, d1) -> (0)>
#map2 = affine_map<(d0, d1) -> (0, 0, 0)>
module attributes {stable_mosaic.version = 14 : i64} {
  func.func @k(%arg0: i32, %arg1: i32, %arg2: memref<320000x128xf32, #tpu.memory_space<hbm>>, %arg3: memref<320000xi32, #tpu.memory_space<hbm>>, %arg4: memref<2x10000x128xf32, #tpu.memory_space<hbm>>, %arg5: memref<128xi32, #tpu.memory_space<vmem>>, %arg6: memref<128x128xf32, #tpu.memory_space<vmem>>, %arg7: memref<64x128xf32, #tpu.memory_space<vmem>>, %arg8: memref<10000x128xf32, #tpu.memory_space<vmem_shared>>, %arg9: memref<!tpu.dma_semaphore, #tpu.memory_space<semaphore_mem>>) attributes {dimension_semantics = [#tpu.dimension_semantics<core_parallel>, #tpu.dimension_semantics<subcore_parallel>], iteration_bounds = array<i64: 2, 16>, scalar_prefetch = 0 : i64, scratch_operands = 5 : i64, tpu.core_type = #tpu.core_type<sc_vector_subcore>, window_params = [{transform_indices = #map}, {transform_indices = #map1}, {transform_indices = #map2}]} {
    %broadcast_in_dim3A = arith.constant 0.000000e+00 : f32
    %broadcast_in_dim3A_0 = vector.broadcast %broadcast_in_dim3A : f32 to vector<16xf32>
    %scan3A = arith.constant 0 : i32
    %scan3A_1 = arith.constant 0 : i32
    %scan3A_2 = arith.constant 512 : i32
    %scan3A_3 = arith.addi %scan3A_1, %scan3A_2 : i32
    %scan3A_4 = arith.constant 1 : i32
    scf.for %scan3A_36 = %scan3A_1 to %scan3A_3 step %scan3A_4  : i32 {
      %jit3A_37 = arith.constant 8 : i32
      %div3A_38 = arith.divsi %scan3A_36, %jit3A_37 : i32
      %sign3A_39 = arith.constant 0 : i32
      %sign3A_40 = arith.cmpi sgt, %scan3A_36, %sign3A_39 : i32
      %sign3A_41 = arith.extui %sign3A_40 : i1 to i32
      %sign3A_42 = arith.constant 0 : i32
      %sign3A_43 = arith.cmpi slt, %scan3A_36, %sign3A_42 : i32
      %sign3A_44 = arith.extui %sign3A_43 : i1 to i32
      %sign3A_45 = arith.subi %sign3A_41, %sign3A_44 : i32
      %sign3A_46 = arith.constant 0 : i32
      %sign3A_47 = arith.cmpi sgt, %jit3A_37, %sign3A_46 : i32
      %sign3A_48 = arith.extui %sign3A_47 : i1 to i32
      %sign3A_49 = arith.constant 0 : i32
      %sign3A_50 = arith.cmpi slt, %jit3A_37, %sign3A_49 : i32
      %sign3A_51 = arith.extui %sign3A_50 : i1 to i32
      %sign3A_52 = arith.subi %sign3A_48, %sign3A_51 : i32
      %ne3A_53 = arith.cmpi ne, %sign3A_45, %sign3A_52 : i32
      %rem3A_54 = arith.remsi %scan3A_36, %jit3A_37 : i32
      %ne3A_55 = arith.constant 0 : i32
      %ne3A_56 = arith.cmpi ne, %rem3A_54, %ne3A_55 : i32
      %and3A_57 = arith.andi %ne3A_53, %ne3A_56 : i1
      %sub3A_58 = arith.constant 1 : i32
      %sub3A_59 = arith.subi %div3A_38, %sub3A_58 : i32
      %select_n3A_60 = arith.select %and3A_57, %sub3A_59, %div3A_38 : i32
      %jit3A_61 = arith.constant 8 : i32
      %eq3A_62 = arith.constant 0 : i32
      %eq3A_63 = arith.cmpi eq, %jit3A_61, %eq3A_62 : i32
      %jit3A_64 = arith.constant 1 : i32
      %select_n3A_65 = arith.select %eq3A_63, %jit3A_64, %jit3A_61 : i32
      %rem3A_66 = arith.remsi %scan3A_36, %select_n3A_65 : i32
      %ne3A_67 = arith.constant 0 : i32
      %ne3A_68 = arith.cmpi ne, %rem3A_66, %ne3A_67 : i32
      %lt3A = arith.constant 0 : i32
      %lt3A_69 = arith.cmpi slt, %rem3A_66, %lt3A : i32
      %lt3A_70 = arith.constant 0 : i32
      %lt3A_71 = arith.cmpi slt, %select_n3A_65, %lt3A_70 : i32
      %ne3A_72 = arith.xori %lt3A_69, %lt3A_71 : i1
      %and3A_73 = arith.andi %ne3A_72, %ne3A_68 : i1
      %add3A_74 = arith.addi %rem3A_66, %select_n3A_65 : i32
      %select_n3A_75 = arith.select %and3A_73, %add3A_74, %rem3A_66 : i32
      %mul3A_76 = arith.constant 16 : i32
      %mul3A_77 = arith.muli %select_n3A_75, %mul3A_76 : i32
      %swap3A = arith.index_cast %select_n3A_60 : i32 to index
      %swap3A_78 = arith.index_cast %mul3A_77 : i32 to index
      %swap3A_79 = tpu.vector_load %arg7[%swap3A, %swap3A_78] {strides = array<i32>} : memref<64x128xf32, #tpu.memory_space<vmem>>, vector<1x16xf32>,
      %swap3A_80 = vector.shape_cast %swap3A_79 : vector<1x16xf32> to vector<16xf32>
      %swap3A_81 = vector.shape_cast %broadcast_in_dim3A_0 : vector<16xf32> to vector<1x16xf32>
      tpu.vector_store %arg7[%swap3A, %swap3A_78], %swap3A_81 {strides = array<i32>} : memref<64x128xf32, #tpu.memory_space<vmem>>, vector<1x16xf32>,
    }
    %scan3A_5 = arith.constant 512 : i32
    %mul3A = arith.constant 625 : i32
    %mul3A_6 = arith.muli %arg1, %mul3A : i32
    %jit3A = arith.constant 8 : i32
    %div3A = arith.divsi %mul3A_6, %jit3A : i32
    %sign3A = arith.constant 0 : i32
    %sign3A_7 = arith.cmpi sgt, %mul3A_6, %sign3A : i32
    %sign3A_8 = arith.extui %sign3A_7 : i1 to i32
    %sign3A_9 = arith.constant 0 : i32
    %sign3A_10 = arith.cmpi slt, %mul3A_6, %sign3A_9 : i32
    %sign3A_11 = arith.extui %sign3A_10 : i1 to i32
    %sign3A_12 = arith.subi %sign3A_8, %sign3A_11 : i32
    %sign3A_13 = arith.constant 0 : i32
    %sign3A_14 = arith.cmpi sgt, %jit3A, %sign3A_13 : i32
    %sign3A_15 = arith.extui %sign3A_14 : i1 to i32
    %sign3A_16 = arith.constant 0 : i32
    %sign3A_17 = arith.cmpi slt, %jit3A, %sign3A_16 : i32
    %sign3A_18 = arith.extui %sign3A_17 : i1 to i32
    %sign3A_19 = arith.subi %sign3A_15, %sign3A_18 : i32
    %ne3A = arith.cmpi ne, %sign3A_12, %sign3A_19 : i32
    %rem3A = arith.remsi %mul3A_6, %jit3A : i32
    %ne3A_20 = arith.constant 0 : i32
    %ne3A_21 = arith.cmpi ne, %rem3A, %ne3A_20 : i32
    %and3A = arith.andi %ne3A, %ne3A_21 : i1
    %sub3A = arith.constant 1 : i32
    %sub3A_22 = arith.subi %div3A, %sub3A : i32
    %select_n3A = arith.select %and3A, %sub3A_22, %div3A : i32
    %mul3A_23 = arith.constant 8 : i32
    %mul3A_24 = arith.muli %select_n3A, %mul3A_23 : i32
    %min3A = arith.constant 9368 : i32
    %min3A_25 = arith.minsi %mul3A_24, %min3A : i32
    %scan3A_26 = arith.constant 0 : i32
    %scan3A_27 = arith.constant 0 : i32
    %scan3A_28 = arith.constant 9 : i32
    %scan3A_29 = arith.addi %scan3A_27, %scan3A_28 : i32
    %scan3A_30 = arith.constant 1 : i32
    scf.for %scan3A_36 = %scan3A_27 to %scan3A_29 step %scan3A_30  : i32 {
      %mul3A_37 = arith.constant 64 : i32
      %mul3A_38 = arith.muli %scan3A_36, %mul3A_37 : i32
      %add3A_39 = arith.addi %min3A_25, %mul3A_38 : i32
      "tpu.region"() ({
        %run_scoped3A = tpu.sem_alloc : memref<!tpu.dma_semaphore, #tpu.memory_space<semaphore_mem>>
        %dma_start3A = arith.constant 0 : i32
        %dma_start3A_40 = tpu.memref_slice %arg8[%add3A_39, %dma_start3A] : memref<10000x128xf32, #tpu.memory_space<vmem_shared>> -> memref<64x128xf32, #tpu.memory_space<vmem_shared>>
        %dma_start3A_41 = arith.constant 0 : i32
        %dma_start3A_42 = tpu.memref_slice %arg8[%add3A_39, %dma_start3A_41] : memref<10000x128xf32, #tpu.memory_space<vmem_shared>> -> memref<64x128xf32, #tpu.memory_space<vmem_shared>>
        tpu.enqueue_dma source(%arg7 : memref<64x128xf32, #tpu.memory_space<vmem>>) target(%dma_start3A_42 : memref<64x128xf32, #tpu.memory_space<vmem_shared>>) target_semaphore(%run_scoped3A : memref<!tpu.dma_semaphore, #tpu.memory_space<semaphore_mem>>)
        %dma_wait3A = arith.constant 0 : i32
        %dma_wait3A_43 = tpu.memref_slice %arg8[%add3A_39, %dma_wait3A] : memref<10000x128xf32, #tpu.memory_space<vmem_shared>> -> memref<64x128xf32, #tpu.memory_space<vmem_shared>>
        %dma_wait3A_44 = arith.constant 0 : i32
        %dma_wait3A_45 = tpu.memref_slice %arg8[%add3A_39, %dma_wait3A_44] : memref<10000x128xf32, #tpu.memory_space<vmem_shared>> -> memref<64x128xf32, #tpu.memory_space<vmem_shared>>
        tpu.wait_dma2 semaphore(%run_scoped3A : memref<!tpu.dma_semaphore, #tpu.memory_space<semaphore_mem>>) src(%arg7 : memref<64x128xf32, #tpu.memory_space<vmem>>) dst(%dma_wait3A_45 : memref<64x128xf32, #tpu.memory_space<vmem_shared>>)
        tpu.yield
      }) : () -> ()
    }
    %scan3A_31 = arith.constant 9 : i32
    %add3A = arith.constant 576 : i32
    %add3A_32 = arith.addi %min3A_25, %add3A : i32
    "tpu.region"() ({
      %run_scoped3A = tpu.sem_alloc : memref<!tpu.dma_semaphore, #tpu.memory_space<semaphore_mem>>
      %dma_start3A = arith.constant 0 : i32
      %dma_start3A_36 = arith.constant 0 : i32
      %dma_start3A_37 = tpu.memref_slice %arg7[%dma_start3A, %dma_start3A_36] : memref<64x128xf32, #tpu.memory_space<vmem>> -> memref<56x128xf32, #tpu.memory_space<vmem>>
      %dma_start3A_38 = arith.constant 0 : i32
      %dma_start3A_39 = tpu.memref_slice %arg8[%add3A_32, %dma_start3A_38] : memref<10000x128xf32, #tpu.memory_space<vmem_shared>> -> memref<56x128xf32, #tpu.memory_space<vmem_shared>>
      %dma_start3A_40 = arith.constant 0 : i32
      %dma_start3A_41 = tpu.memref_slice %arg8[%add3A_32, %dma_start3A_40] : memref<10000x128xf32, #tpu.memory_space<vmem_shared>> -> memref<56x128xf32, #tpu.memory_space<vmem_shared>>
      %dma_start3A_42 = arith.constant 0 : i32
      %dma_start3A_43 = arith.constant 0 : i32
      %dma_start3A_44 = tpu.memref_slice %arg7[%dma_start3A_42, %dma_start3A_43] : memref<64x128xf32, #tpu.memory_space<vmem>> -> memref<56x128xf32, #tpu.memory_space<vmem>>
      tpu.enqueue_dma source(%dma_start3A_44 : memref<56x128xf32, #tpu.memory_space<vmem>>) target(%dma_start3A_41 : memref<56x128xf32, #tpu.memory_space<vmem_shared>>) target_semaphore(%run_scoped3A : memref<!tpu.dma_semaphore, #tpu.memory_space<semaphore_mem>>)
      %dma_wait3A = arith.constant 0 : i32
      %dma_wait3A_45 = arith.constant 0 : i32
      %dma_wait3A_46 = tpu.memref_slice %arg7[%dma_wait3A, %dma_wait3A_45] : memref<64x128xf32, #tpu.memory_space<vmem>> -> memref<56x128xf32, #tpu.memory_space<vmem>>
      %dma_wait3A_47 = arith.constant 0 : i32
      %dma_wait3A_48 = tpu.memref_slice %arg8[%add3A_32, %dma_wait3A_47] : memref<10000x128xf32, #tpu.memory_space<vmem_shared>> -> memref<56x128xf32, #tpu.memory_space<vmem_shared>>
      %dma_wait3A_49 = arith.constant 0 : i32
      %dma_wait3A_50 = tpu.memref_slice %arg8[%add3A_32, %dma_wait3A_49] : memref<10000x128xf32, #tpu.memory_space<vmem_shared>> -> memref<56x128xf32, #tpu.memory_space<vmem_shared>>
      %dma_wait3A_51 = arith.constant 0 : i32
      %dma_wait3A_52 = arith.constant 0 : i32
      %dma_wait3A_53 = tpu.memref_slice %arg7[%dma_wait3A_51, %dma_wait3A_52] : memref<64x128xf32, #tpu.memory_space<vmem>> -> memref<56x128xf32, #tpu.memory_space<vmem>>
      tpu.wait_dma2 semaphore(%run_scoped3A : memref<!tpu.dma_semaphore, #tpu.memory_space<semaphore_mem>>) src(%dma_wait3A_53 : memref<56x128xf32, #tpu.memory_space<vmem>>) dst(%dma_wait3A_50 : memref<56x128xf32, #tpu.memory_space<vmem_shared>>)
      tpu.yield
    }) : () -> ()
    %barrier3A = arith.constant 0 : index
    tpu.barrier barrier_id(%barrier3A)
    %eq3A = arith.constant 0 : i32
    %eq3A_33 = arith.cmpi eq, %arg1, %eq3A : i32
    %convert_element_type3A = arith.extui %eq3A_33 : i1 to i32
    %cond3A = arith.constant 0 : i32
    %cond3A_34 = arith.cmpi ne, %convert_element_type3A, %cond3A : i32
    scf.if %cond3A_34 {
      %scan3A_36 = arith.constant 0 : i32
      %scan3A_37 = arith.constant 0 : i32
      %scan3A_38 = arith.constant 1250 : i32
      %scan3A_39 = arith.addi %scan3A_37, %scan3A_38 : i32
      %scan3A_40 = arith.constant 1 : i32
      scf.for %scan3A_42 = %scan3A_37 to %scan3A_39 step %scan3A_40  : i32 {
        %mul3A_43 = arith.constant 160000 : i32
        %mul3A_44 = arith.muli %arg0, %mul3A_43 : i32
        %mul3A_45 = arith.constant 128 : i32
        %mul3A_46 = arith.muli %scan3A_42, %mul3A_45 : i32
        %add3A_47 = arith.addi %mul3A_44, %mul3A_46 : i32
        "tpu.region"() ({
          %run_scoped3A = tpu.sem_alloc : memref<!tpu.dma_semaphore, #tpu.memory_space<semaphore_mem>>
          %dma_start3A = tpu.memref_slice %arg3[%add3A_47] : memref<320000xi32, #tpu.memory_space<hbm>> -> memref<128xi32, #tpu.memory_space<hbm>>
          %dma_start3A_48 = tpu.memref_slice %arg3[%add3A_47] : memref<320000xi32, #tpu.memory_space<hbm>> -> memref<128xi32, #tpu.memory_space<hbm>>
          tpu.enqueue_dma source(%dma_start3A_48 : memref<128xi32, #tpu.memory_space<hbm>>) target(%arg5 : memref<128xi32, #tpu.memory_space<vmem>>) target_semaphore(%run_scoped3A : memref<!tpu.dma_semaphore, #tpu.memory_space<semaphore_mem>>)
          %dma_wait3A = tpu.memref_slice %arg3[%add3A_47] : memref<320000xi32, #tpu.memory_space<hbm>> -> memref<128xi32, #tpu.memory_space<hbm>>
          %dma_wait3A_49 = tpu.memref_slice %arg3[%add3A_47] : memref<320000xi32, #tpu.memory_space<hbm>> -> memref<128xi32, #tpu.memory_space<hbm>>
          tpu.wait_dma2 semaphore(%run_scoped3A : memref<!tpu.dma_semaphore, #tpu.memory_space<semaphore_mem>>) src(%dma_wait3A_49 : memref<128xi32, #tpu.memory_space<hbm>>) dst(%arg5 : memref<128xi32, #tpu.memory_space<vmem>>)
          tpu.yield
        }) : () -> ()
        "tpu.region"() ({
          %run_scoped3A = tpu.sem_alloc : memref<!tpu.dma_semaphore, #tpu.memory_space<semaphore_mem>>
          %dma_start3A = arith.constant 0 : i32
          %dma_start3A_48 = tpu.memref_slice %arg2[%add3A_47, %dma_start3A] : memref<320000x128xf32, #tpu.memory_space<hbm>> -> memref<128x128xf32, #tpu.memory_space<hbm>>
          %dma_start3A_49 = arith.constant 0 : i32
          %dma_start3A_50 = tpu.memref_slice %arg2[%add3A_47, %dma_start3A_49] : memref<320000x128xf32, #tpu.memory_space<hbm>> -> memref<128x128xf32, #tpu.memory_space<hbm>>
          tpu.enqueue_dma source(%dma_start3A_50 : memref<128x128xf32, #tpu.memory_space<hbm>>) target(%arg6 : memref<128x128xf32, #tpu.memory_space<vmem>>) target_semaphore(%run_scoped3A : memref<!tpu.dma_semaphore, #tpu.memory_space<semaphore_mem>>)
          %dma_wait3A = arith.constant 0 : i32
          %dma_wait3A_51 = tpu.memref_slice %arg2[%add3A_47, %dma_wait3A] : memref<320000x128xf32, #tpu.memory_space<hbm>> -> memref<128x128xf32, #tpu.memory_space<hbm>>
          %dma_wait3A_52 = arith.constant 0 : i32
          %dma_wait3A_53 = tpu.memref_slice %arg2[%add3A_47, %dma_wait3A_52] : memref<320000x128xf32, #tpu.memory_space<hbm>> -> memref<128x128xf32, #tpu.memory_space<hbm>>
          tpu.wait_dma2 semaphore(%run_scoped3A : memref<!tpu.dma_semaphore, #tpu.memory_space<semaphore_mem>>) src(%dma_wait3A_53 : memref<128x128xf32, #tpu.memory_space<hbm>>) dst(%arg6 : memref<128x128xf32, #tpu.memory_space<vmem>>)
          tpu.yield
        }) : () -> ()
        "tpu.region"() ({
          %run_scoped3A = tpu.sem_alloc : memref<!tpu.dma_semaphore, #tpu.memory_space<semaphore_mem>>
          %dma_start3A = arith.constant 0 : i32
          %dma_start3A_48 = arith.constant 0 : i32
          %dma_start3A_49 = tpu.memref_slice %arg8[%dma_start3A, %dma_start3A_48] : memref<10000x128xf32, #tpu.memory_space<vmem_shared>> -> memref<10000x128xf32, #tpu.memory_space<vmem_shared>>
          tpu.enqueue_indirect_dma source(%arg6 : memref<128x128xf32, #tpu.memory_space<vmem>>) target(%dma_start3A_49 : memref<10000x128xf32, #tpu.memory_space<vmem_shared>>) offsets(%arg5 : memref<128xi32, #tpu.memory_space<vmem>>) semaphore(%run_scoped3A : memref<!tpu.dma_semaphore, #tpu.memory_space<semaphore_mem>>) {add = true}
          %dma_wait3A = arith.constant 0 : i32
          %dma_wait3A_50 = arith.constant 0 : i32
          %dma_wait3A_51 = tpu.memref_slice %arg8[%dma_wait3A, %dma_wait3A_50] : memref<10000x128xf32, #tpu.memory_space<vmem_shared>> -> memref<10000x128xf32, #tpu.memory_space<vmem_shared>>
          tpu.wait_indirect_dma semaphore(%run_scoped3A : memref<!tpu.dma_semaphore, #tpu.memory_space<semaphore_mem>>) src(%arg6 : memref<128x128xf32, #tpu.memory_space<vmem>>) dst(%dma_wait3A_51 : memref<10000x128xf32, #tpu.memory_space<vmem_shared>>)
          tpu.yield
        }) : () -> ()
      }
      %scan3A_41 = arith.constant 1250 : i32
    } else {
    }
    %barrier3A_35 = arith.constant 0 : index
    tpu.barrier barrier_id(%barrier3A_35)
    "tpu.region"() ({
      %run_scoped3A = tpu.sem_alloc : memref<!tpu.dma_semaphore, #tpu.memory_space<semaphore_mem>>
      %dma_start3A = arith.constant 0 : i32
      %dma_start3A_36 = tpu.memref_slice %arg4[%arg0, %min3A_25, %dma_start3A] : memref<2x10000x128xf32, #tpu.memory_space<hbm>> -> memref<1x632x128xf32, #tpu.memory_space<hbm>>
      %dma_start3A_37 = tpu.memref_squeeze %dma_start3A_36 : memref<1x632x128xf32, #tpu.memory_space<hbm>> -> memref<632x128xf32, #tpu.memory_space<hbm>>
      %dma_start3A_38 = arith.constant 0 : i32
      %dma_start3A_39 = tpu.memref_slice %arg8[%min3A_25, %dma_start3A_38] : memref<10000x128xf32, #tpu.memory_space<vmem_shared>> -> memref<632x128xf32, #tpu.memory_space<vmem_shared>>
      tpu.enqueue_dma source(%dma_start3A_39 : memref<632x128xf32, #tpu.memory_space<vmem_shared>>) target(%dma_start3A_37 : memref<632x128xf32, #tpu.memory_space<hbm>>) target_semaphore(%run_scoped3A : memref<!tpu.dma_semaphore, #tpu.memory_space<semaphore_mem>>)
      %dma_wait3A = arith.constant 0 : i32
      %dma_wait3A_40 = tpu.memref_slice %arg4[%arg0, %min3A_25, %dma_wait3A] : memref<2x10000x128xf32, #tpu.memory_space<hbm>> -> memref<1x632x128xf32, #tpu.memory_space<hbm>>
      %dma_wait3A_41 = tpu.memref_squeeze %dma_wait3A_40 : memref<1x632x128xf32, #tpu.memory_space<hbm>> -> memref<632x128xf32, #tpu.memory_space<hbm>>
      %dma_wait3A_42 = arith.constant 0 : i32
      %dma_wait3A_43 = tpu.memref_slice %arg8[%min3A_25, %dma_wait3A_42] : memref<10000x128xf32, #tpu.memory_space<vmem_shared>> -> memref<632x128xf32, #tpu.memory_space<vmem_shared>>
      tpu.wait_dma2 semaphore(%run_scoped3A : memref<!tpu.dma_semaphore, #tpu.memory_space<semaphore_mem>>) src(%dma_wait3A_43 : memref<632x128xf32, #tpu.memory_space<vmem_shared>>) dst(%dma_wait3A_41 : memref<632x128xf32, #tpu.memory_space<hbm>>)
      tpu.yield
    }) : () -> ()
    return
  }
}

#map = affine_map<(d0, d1) -> (0)>
#map1 = affine_map<(d0, d1) -> (0, 0, 0)>
module attributes {stable_mosaic.version = 14 : i64} {
  func.func @k(%arg0: i32, %arg1: i32, %arg2: memref<320000xi32, #tpu.memory_space<hbm>>, %arg3: memref<2x10000x128xf32, #tpu.memory_space<hbm>>, %arg4: memref<128xi32, #tpu.memory_space<vmem>>, %arg5: memref<128x128xf32, #tpu.memory_space<vmem>>, %arg6: memref<64x128xf32, #tpu.memory_space<vmem>>, %arg7: memref<10000x128xf32, #tpu.memory_space<vmem_shared>>, %arg8: memref<!tpu.dma_semaphore, #tpu.memory_space<semaphore_mem>>) attributes {dimension_semantics = [#tpu.dimension_semantics<core_parallel>, #tpu.dimension_semantics<subcore_parallel>], iteration_bounds = array<i64: 2, 16>, scalar_prefetch = 0 : i64, scratch_operands = 5 : i64, tpu.core_type = #tpu.core_type<sc_vector_subcore>, window_params = [{transform_indices = #map}, {transform_indices = #map1}]} {
    %iota3A = tpu.iota {dimensions = array<i32: 0>} : vector<16xi32>
    %eq3A = arith.constant 0 : i32
    %eq3A_0 = vector.broadcast %eq3A : i32 to vector<16xi32>
    %eq3A_1 = arith.cmpi eq, %iota3A, %eq3A_0 : vector<16xi32>
    %jit3A = arith.constant 1.000000e+00 : f32
    %jit3A_2 = arith.constant 0.000000e+00 : f32
    %broadcast_in_dim3A = vector.broadcast %jit3A : f32 to vector<16xf32>
    %broadcast_in_dim3A_3 = vector.broadcast %jit3A_2 : f32 to vector<16xf32>
    %select_n3A = arith.select %eq3A_1, %broadcast_in_dim3A, %broadcast_in_dim3A_3 : vector<16xi1>, vector<16xf32>
    %broadcast_in_dim3A_4 = arith.constant 0.000000e+00 : f32
    %broadcast_in_dim3A_5 = vector.broadcast %broadcast_in_dim3A_4 : f32 to vector<16xf32>
    %scan3A = arith.constant 0 : i32
    %scan3A_6 = arith.constant 0 : i32
    %scan3A_7 = arith.constant 1024 : i32
    %scan3A_8 = arith.addi %scan3A_6, %scan3A_7 : i32
    %scan3A_9 = arith.constant 1 : i32
    scf.for %scan3A_50 = %scan3A_6 to %scan3A_8 step %scan3A_9  : i32 {
      %jit3A_51 = arith.constant 8 : i32
      %eq3A_52 = arith.constant 0 : i32
      %eq3A_53 = arith.cmpi eq, %jit3A_51, %eq3A_52 : i32
      %jit3A_54 = arith.constant 1 : i32
      %select_n3A_55 = arith.select %eq3A_53, %jit3A_54, %jit3A_51 : i32
      %rem3A_56 = arith.remsi %scan3A_50, %select_n3A_55 : i32
      %ne3A_57 = arith.constant 0 : i32
      %ne3A_58 = arith.cmpi ne, %rem3A_56, %ne3A_57 : i32
      %lt3A = arith.constant 0 : i32
      %lt3A_59 = arith.cmpi slt, %rem3A_56, %lt3A : i32
      %lt3A_60 = arith.constant 0 : i32
      %lt3A_61 = arith.cmpi slt, %select_n3A_55, %lt3A_60 : i32
      %ne3A_62 = arith.xori %lt3A_59, %lt3A_61 : i1
      %and3A_63 = arith.andi %ne3A_62, %ne3A_58 : i1
      %add3A_64 = arith.addi %rem3A_56, %select_n3A_55 : i32
      %select_n3A_65 = arith.select %and3A_63, %add3A_64, %rem3A_56 : i32
      %eq3A_66 = arith.constant 0 : i32
      %eq3A_67 = arith.cmpi eq, %select_n3A_65, %eq3A_66 : i32
      %select_n3A_68 = arith.select %eq3A_67, %select_n3A, %broadcast_in_dim3A_5 : vector<16xf32>
      %jit3A_69 = arith.constant 8 : i32
      %div3A_70 = arith.divsi %scan3A_50, %jit3A_69 : i32
      %sign3A_71 = arith.constant 0 : i32
      %sign3A_72 = arith.cmpi sgt, %scan3A_50, %sign3A_71 : i32
      %sign3A_73 = arith.extui %sign3A_72 : i1 to i32
      %sign3A_74 = arith.constant 0 : i32
      %sign3A_75 = arith.cmpi slt, %scan3A_50, %sign3A_74 : i32
      %sign3A_76 = arith.extui %sign3A_75 : i1 to i32
      %sign3A_77 = arith.subi %sign3A_73, %sign3A_76 : i32
      %sign3A_78 = arith.constant 0 : i32
      %sign3A_79 = arith.cmpi sgt, %jit3A_69, %sign3A_78 : i32
      %sign3A_80 = arith.extui %sign3A_79 : i1 to i32
      %sign3A_81 = arith.constant 0 : i32
      %sign3A_82 = arith.cmpi slt, %jit3A_69, %sign3A_81 : i32
      %sign3A_83 = arith.extui %sign3A_82 : i1 to i32
      %sign3A_84 = arith.subi %sign3A_80, %sign3A_83 : i32
      %ne3A_85 = arith.cmpi ne, %sign3A_77, %sign3A_84 : i32
      %rem3A_86 = arith.remsi %scan3A_50, %jit3A_69 : i32
      %ne3A_87 = arith.constant 0 : i32
      %ne3A_88 = arith.cmpi ne, %rem3A_86, %ne3A_87 : i32
      %and3A_89 = arith.andi %ne3A_85, %ne3A_88 : i1
      %sub3A_90 = arith.constant 1 : i32
      %sub3A_91 = arith.subi %div3A_70, %sub3A_90 : i32
      %select_n3A_92 = arith.select %and3A_89, %sub3A_91, %div3A_70 : i32
      %mul3A_93 = arith.constant 16 : i32
      %mul3A_94 = arith.muli %select_n3A_65, %mul3A_93 : i32
      %swap3A = arith.index_cast %select_n3A_92 : i32 to index
      %swap3A_95 = arith.index_cast %mul3A_94 : i32 to index
      %swap3A_96 = tpu.vector_load %arg5[%swap3A, %swap3A_95] {strides = array<i32>} : memref<128x128xf32, #tpu.memory_space<vmem>>, vector<1x16xf32>,
      %swap3A_97 = vector.shape_cast %swap3A_96 : vector<1x16xf32> to vector<16xf32>
      %swap3A_98 = vector.shape_cast %select_n3A_68 : vector<16xf32> to vector<1x16xf32>
      tpu.vector_store %arg5[%swap3A, %swap3A_95], %swap3A_98 {strides = array<i32>} : memref<128x128xf32, #tpu.memory_space<vmem>>, vector<1x16xf32>,
    }
    %scan3A_10 = arith.constant 1024 : i32
    %scan3A_11 = arith.constant 0 : i32
    %scan3A_12 = arith.constant 0 : i32
    %scan3A_13 = arith.constant 512 : i32
    %scan3A_14 = arith.addi %scan3A_12, %scan3A_13 : i32
    %scan3A_15 = arith.constant 1 : i32
    scf.for %scan3A_50 = %scan3A_12 to %scan3A_14 step %scan3A_15  : i32 {
      %jit3A_51 = arith.constant 8 : i32
      %div3A_52 = arith.divsi %scan3A_50, %jit3A_51 : i32
      %sign3A_53 = arith.constant 0 : i32
      %sign3A_54 = arith.cmpi sgt, %scan3A_50, %sign3A_53 : i32
      %sign3A_55 = arith.extui %sign3A_54 : i1 to i32
      %sign3A_56 = arith.constant 0 : i32
      %sign3A_57 = arith.cmpi slt, %scan3A_50, %sign3A_56 : i32
      %sign3A_58 = arith.extui %sign3A_57 : i1 to i32
      %sign3A_59 = arith.subi %sign3A_55, %sign3A_58 : i32
      %sign3A_60 = arith.constant 0 : i32
      %sign3A_61 = arith.cmpi sgt, %jit3A_51, %sign3A_60 : i32
      %sign3A_62 = arith.extui %sign3A_61 : i1 to i32
      %sign3A_63 = arith.constant 0 : i32
      %sign3A_64 = arith.cmpi slt, %jit3A_51, %sign3A_63 : i32
      %sign3A_65 = arith.extui %sign3A_64 : i1 to i32
      %sign3A_66 = arith.subi %sign3A_62, %sign3A_65 : i32
      %ne3A_67 = arith.cmpi ne, %sign3A_59, %sign3A_66 : i32
      %rem3A_68 = arith.remsi %scan3A_50, %jit3A_51 : i32
      %ne3A_69 = arith.constant 0 : i32
      %ne3A_70 = arith.cmpi ne, %rem3A_68, %ne3A_69 : i32
      %and3A_71 = arith.andi %ne3A_67, %ne3A_70 : i1
      %sub3A_72 = arith.constant 1 : i32
      %sub3A_73 = arith.subi %div3A_52, %sub3A_72 : i32
      %select_n3A_74 = arith.select %and3A_71, %sub3A_73, %div3A_52 : i32
      %jit3A_75 = arith.constant 8 : i32
      %eq3A_76 = arith.constant 0 : i32
      %eq3A_77 = arith.cmpi eq, %jit3A_75, %eq3A_76 : i32
      %jit3A_78 = arith.constant 1 : i32
      %select_n3A_79 = arith.select %eq3A_77, %jit3A_78, %jit3A_75 : i32
      %rem3A_80 = arith.remsi %scan3A_50, %select_n3A_79 : i32
      %ne3A_81 = arith.constant 0 : i32
      %ne3A_82 = arith.cmpi ne, %rem3A_80, %ne3A_81 : i32
      %lt3A = arith.constant 0 : i32
      %lt3A_83 = arith.cmpi slt, %rem3A_80, %lt3A : i32
      %lt3A_84 = arith.constant 0 : i32
      %lt3A_85 = arith.cmpi slt, %select_n3A_79, %lt3A_84 : i32
      %ne3A_86 = arith.xori %lt3A_83, %lt3A_85 : i1
      %and3A_87 = arith.andi %ne3A_86, %ne3A_82 : i1
      %add3A_88 = arith.addi %rem3A_80, %select_n3A_79 : i32
      %select_n3A_89 = arith.select %and3A_87, %add3A_88, %rem3A_80 : i32
      %mul3A_90 = arith.constant 16 : i32
      %mul3A_91 = arith.muli %select_n3A_89, %mul3A_90 : i32
      %swap3A = arith.index_cast %select_n3A_74 : i32 to index
      %swap3A_92 = arith.index_cast %mul3A_91 : i32 to index
      %swap3A_93 = tpu.vector_load %arg6[%swap3A, %swap3A_92] {strides = array<i32>} : memref<64x128xf32, #tpu.memory_space<vmem>>, vector<1x16xf32>,
      %swap3A_94 = vector.shape_cast %swap3A_93 : vector<1x16xf32> to vector<16xf32>
      %swap3A_95 = vector.shape_cast %broadcast_in_dim3A_5 : vector<16xf32> to vector<1x16xf32>
      tpu.vector_store %arg6[%swap3A, %swap3A_92], %swap3A_95 {strides = array<i32>} : memref<64x128xf32, #tpu.memory_space<vmem>>, vector<1x16xf32>,
    }
    %scan3A_16 = arith.constant 512 : i32
    %mul3A = arith.constant 625 : i32
    %mul3A_17 = arith.muli %arg1, %mul3A : i32
    %jit3A_18 = arith.constant 8 : i32
    %div3A = arith.divsi %mul3A_17, %jit3A_18 : i32
    %sign3A = arith.constant 0 : i32
    %sign3A_19 = arith.cmpi sgt, %mul3A_17, %sign3A : i32
    %sign3A_20 = arith.extui %sign3A_19 : i1 to i32
    %sign3A_21 = arith.constant 0 : i32
    %sign3A_22 = arith.cmpi slt, %mul3A_17, %sign3A_21 : i32
    %sign3A_23 = arith.extui %sign3A_22 : i1 to i32
    %sign3A_24 = arith.subi %sign3A_20, %sign3A_23 : i32
    %sign3A_25 = arith.constant 0 : i32
    %sign3A_26 = arith.cmpi sgt, %jit3A_18, %sign3A_25 : i32
    %sign3A_27 = arith.extui %sign3A_26 : i1 to i32
    %sign3A_28 = arith.constant 0 : i32
    %sign3A_29 = arith.cmpi slt, %jit3A_18, %sign3A_28 : i32
    %sign3A_30 = arith.extui %sign3A_29 : i1 to i32
    %sign3A_31 = arith.subi %sign3A_27, %sign3A_30 : i32
    %ne3A = arith.cmpi ne, %sign3A_24, %sign3A_31 : i32
    %rem3A = arith.remsi %mul3A_17, %jit3A_18 : i32
    %ne3A_32 = arith.constant 0 : i32
    %ne3A_33 = arith.cmpi ne, %rem3A, %ne3A_32 : i32
    %and3A = arith.andi %ne3A, %ne3A_33 : i1
    %sub3A = arith.constant 1 : i32
    %sub3A_34 = arith.subi %div3A, %sub3A : i32
    %select_n3A_35 = arith.select %and3A, %sub3A_34, %div3A : i32
    %mul3A_36 = arith.constant 8 : i32
    %mul3A_37 = arith.muli %select_n3A_35, %mul3A_36 : i32
    %min3A = arith.constant 9368 : i32
    %min3A_38 = arith.minsi %mul3A_37, %min3A : i32
    %scan3A_39 = arith.constant 0 : i32
    %scan3A_40 = arith.constant 0 : i32
    %scan3A_41 = arith.constant 9 : i32
    %scan3A_42 = arith.addi %scan3A_40, %scan3A_41 : i32
    %scan3A_43 = arith.constant 1 : i32
    scf.for %scan3A_50 = %scan3A_40 to %scan3A_42 step %scan3A_43  : i32 {
      %mul3A_51 = arith.constant 64 : i32
      %mul3A_52 = arith.muli %scan3A_50, %mul3A_51 : i32
      %add3A_53 = arith.addi %min3A_38, %mul3A_52 : i32
      "tpu.region"() ({
        %run_scoped3A = tpu.sem_alloc : memref<!tpu.dma_semaphore, #tpu.memory_space<semaphore_mem>>
        %dma_start3A = arith.constant 0 : i32
        %dma_start3A_54 = tpu.memref_slice %arg7[%add3A_53, %dma_start3A] : memref<10000x128xf32, #tpu.memory_space<vmem_shared>> -> memref<64x128xf32, #tpu.memory_space<vmem_shared>>
        %dma_start3A_55 = arith.constant 0 : i32
        %dma_start3A_56 = tpu.memref_slice %arg7[%add3A_53, %dma_start3A_55] : memref<10000x128xf32, #tpu.memory_space<vmem_shared>> -> memref<64x128xf32, #tpu.memory_space<vmem_shared>>
        tpu.enqueue_dma source(%arg6 : memref<64x128xf32, #tpu.memory_space<vmem>>) target(%dma_start3A_56 : memref<64x128xf32, #tpu.memory_space<vmem_shared>>) target_semaphore(%run_scoped3A : memref<!tpu.dma_semaphore, #tpu.memory_space<semaphore_mem>>)
        %dma_wait3A = arith.constant 0 : i32
        %dma_wait3A_57 = tpu.memref_slice %arg7[%add3A_53, %dma_wait3A] : memref<10000x128xf32, #tpu.memory_space<vmem_shared>> -> memref<64x128xf32, #tpu.memory_space<vmem_shared>>
        %dma_wait3A_58 = arith.constant 0 : i32
        %dma_wait3A_59 = tpu.memref_slice %arg7[%add3A_53, %dma_wait3A_58] : memref<10000x128xf32, #tpu.memory_space<vmem_shared>> -> memref<64x128xf32, #tpu.memory_space<vmem_shared>>
        tpu.wait_dma2 semaphore(%run_scoped3A : memref<!tpu.dma_semaphore, #tpu.memory_space<semaphore_mem>>) src(%arg6 : memref<64x128xf32, #tpu.memory_space<vmem>>) dst(%dma_wait3A_59 : memref<64x128xf32, #tpu.memory_space<vmem_shared>>)
        tpu.yield
      }) : () -> ()
    }
    %scan3A_44 = arith.constant 9 : i32
    %add3A = arith.constant 576 : i32
    %add3A_45 = arith.addi %min3A_38, %add3A : i32
    "tpu.region"() ({
      %run_scoped3A = tpu.sem_alloc : memref<!tpu.dma_semaphore, #tpu.memory_space<semaphore_mem>>
      %dma_start3A = arith.constant 0 : i32
      %dma_start3A_50 = arith.constant 0 : i32
      %dma_start3A_51 = tpu.memref_slice %arg6[%dma_start3A, %dma_start3A_50] : memref<64x128xf32, #tpu.memory_space<vmem>> -> memref<56x128xf32, #tpu.memory_space<vmem>>
      %dma_start3A_52 = arith.constant 0 : i32
      %dma_start3A_53 = tpu.memref_slice %arg7[%add3A_45, %dma_start3A_52] : memref<10000x128xf32, #tpu.memory_space<vmem_shared>> -> memref<56x128xf32, #tpu.memory_space<vmem_shared>>
      %dma_start3A_54 = arith.constant 0 : i32
      %dma_start3A_55 = tpu.memref_slice %arg7[%add3A_45, %dma_start3A_54] : memref<10000x128xf32, #tpu.memory_space<vmem_shared>> -> memref<56x128xf32, #tpu.memory_space<vmem_shared>>
      %dma_start3A_56 = arith.constant 0 : i32
      %dma_start3A_57 = arith.constant 0 : i32
      %dma_start3A_58 = tpu.memref_slice %arg6[%dma_start3A_56, %dma_start3A_57] : memref<64x128xf32, #tpu.memory_space<vmem>> -> memref<56x128xf32, #tpu.memory_space<vmem>>
      tpu.enqueue_dma source(%dma_start3A_58 : memref<56x128xf32, #tpu.memory_space<vmem>>) target(%dma_start3A_55 : memref<56x128xf32, #tpu.memory_space<vmem_shared>>) target_semaphore(%run_scoped3A : memref<!tpu.dma_semaphore, #tpu.memory_space<semaphore_mem>>)
      %dma_wait3A = arith.constant 0 : i32
      %dma_wait3A_59 = arith.constant 0 : i32
      %dma_wait3A_60 = tpu.memref_slice %arg6[%dma_wait3A, %dma_wait3A_59] : memref<64x128xf32, #tpu.memory_space<vmem>> -> memref<56x128xf32, #tpu.memory_space<vmem>>
      %dma_wait3A_61 = arith.constant 0 : i32
      %dma_wait3A_62 = tpu.memref_slice %arg7[%add3A_45, %dma_wait3A_61] : memref<10000x128xf32, #tpu.memory_space<vmem_shared>> -> memref<56x128xf32, #tpu.memory_space<vmem_shared>>
      %dma_wait3A_63 = arith.constant 0 : i32
      %dma_wait3A_64 = tpu.memref_slice %arg7[%add3A_45, %dma_wait3A_63] : memref<10000x128xf32, #tpu.memory_space<vmem_shared>> -> memref<56x128xf32, #tpu.memory_space<vmem_shared>>
      %dma_wait3A_65 = arith.constant 0 : i32
      %dma_wait3A_66 = arith.constant 0 : i32
      %dma_wait3A_67 = tpu.memref_slice %arg6[%dma_wait3A_65, %dma_wait3A_66] : memref<64x128xf32, #tpu.memory_space<vmem>> -> memref<56x128xf32, #tpu.memory_space<vmem>>
      tpu.wait_dma2 semaphore(%run_scoped3A : memref<!tpu.dma_semaphore, #tpu.memory_space<semaphore_mem>>) src(%dma_wait3A_67 : memref<56x128xf32, #tpu.memory_space<vmem>>) dst(%dma_wait3A_64 : memref<56x128xf32, #tpu.memory_space<vmem_shared>>)
      tpu.yield
    }) : () -> ()
    %barrier3A = arith.constant 0 : index
    tpu.barrier barrier_id(%barrier3A)
    %eq3A_46 = arith.constant 0 : i32
    %eq3A_47 = arith.cmpi eq, %arg1, %eq3A_46 : i32
    %convert_element_type3A = arith.extui %eq3A_47 : i1 to i32
    %cond3A = arith.constant 0 : i32
    %cond3A_48 = arith.cmpi ne, %convert_element_type3A, %cond3A : i32
    scf.if %cond3A_48 {
      %scan3A_50 = arith.constant 0 : i32
      %scan3A_51 = arith.constant 0 : i32
      %scan3A_52 = arith.constant 1250 : i32
      %scan3A_53 = arith.addi %scan3A_51, %scan3A_52 : i32
      %scan3A_54 = arith.constant 1 : i32
      scf.for %scan3A_56 = %scan3A_51 to %scan3A_53 step %scan3A_54  : i32 {
        %mul3A_57 = arith.constant 160000 : i32
        %mul3A_58 = arith.muli %arg0, %mul3A_57 : i32
        %mul3A_59 = arith.constant 128 : i32
        %mul3A_60 = arith.muli %scan3A_56, %mul3A_59 : i32
        %add3A_61 = arith.addi %mul3A_58, %mul3A_60 : i32
        "tpu.region"() ({
          %run_scoped3A = tpu.sem_alloc : memref<!tpu.dma_semaphore, #tpu.memory_space<semaphore_mem>>
          %dma_start3A = tpu.memref_slice %arg2[%add3A_61] : memref<320000xi32, #tpu.memory_space<hbm>> -> memref<128xi32, #tpu.memory_space<hbm>>
          %dma_start3A_62 = tpu.memref_slice %arg2[%add3A_61] : memref<320000xi32, #tpu.memory_space<hbm>> -> memref<128xi32, #tpu.memory_space<hbm>>
          tpu.enqueue_dma source(%dma_start3A_62 : memref<128xi32, #tpu.memory_space<hbm>>) target(%arg4 : memref<128xi32, #tpu.memory_space<vmem>>) target_semaphore(%run_scoped3A : memref<!tpu.dma_semaphore, #tpu.memory_space<semaphore_mem>>)
          %dma_wait3A = tpu.memref_slice %arg2[%add3A_61] : memref<320000xi32, #tpu.memory_space<hbm>> -> memref<128xi32, #tpu.memory_space<hbm>>
          %dma_wait3A_63 = tpu.memref_slice %arg2[%add3A_61] : memref<320000xi32, #tpu.memory_space<hbm>> -> memref<128xi32, #tpu.memory_space<hbm>>
          tpu.wait_dma2 semaphore(%run_scoped3A : memref<!tpu.dma_semaphore, #tpu.memory_space<semaphore_mem>>) src(%dma_wait3A_63 : memref<128xi32, #tpu.memory_space<hbm>>) dst(%arg4 : memref<128xi32, #tpu.memory_space<vmem>>)
          tpu.yield
        }) : () -> ()
        "tpu.region"() ({
          %run_scoped3A = tpu.sem_alloc : memref<!tpu.dma_semaphore, #tpu.memory_space<semaphore_mem>>
          %dma_start3A = arith.constant 0 : i32
          %dma_start3A_62 = arith.constant 0 : i32
          %dma_start3A_63 = tpu.memref_slice %arg7[%dma_start3A, %dma_start3A_62] : memref<10000x128xf32, #tpu.memory_space<vmem_shared>> -> memref<10000x128xf32, #tpu.memory_space<vmem_shared>>
          tpu.enqueue_indirect_dma source(%arg5 : memref<128x128xf32, #tpu.memory_space<vmem>>) target(%dma_start3A_63 : memref<10000x128xf32, #tpu.memory_space<vmem_shared>>) offsets(%arg4 : memref<128xi32, #tpu.memory_space<vmem>>) semaphore(%run_scoped3A : memref<!tpu.dma_semaphore, #tpu.memory_space<semaphore_mem>>) {add = true}
          %dma_wait3A = arith.constant 0 : i32
          %dma_wait3A_64 = arith.constant 0 : i32
          %dma_wait3A_65 = tpu.memref_slice %arg7[%dma_wait3A, %dma_wait3A_64] : memref<10000x128xf32, #tpu.memory_space<vmem_shared>> -> memref<10000x128xf32, #tpu.memory_space<vmem_shared>>
          tpu.wait_indirect_dma semaphore(%run_scoped3A : memref<!tpu.dma_semaphore, #tpu.memory_space<semaphore_mem>>) src(%arg5 : memref<128x128xf32, #tpu.memory_space<vmem>>) dst(%dma_wait3A_65 : memref<10000x128xf32, #tpu.memory_space<vmem_shared>>)
          tpu.yield
        }) : () -> ()
      }
      %scan3A_55 = arith.constant 1250 : i32
    } else {
    }
    %barrier3A_49 = arith.constant 0 : index
    tpu.barrier barrier_id(%barrier3A_49)
    "tpu.region"() ({
      %run_scoped3A = tpu.sem_alloc : memref<!tpu.dma_semaphore, #tpu.memory_space<semaphore_mem>>
      %dma_start3A = arith.constant 0 : i32
      %dma_start3A_50 = tpu.memref_slice %arg3[%arg0, %min3A_38, %dma_start3A] : memref<2x10000x128xf32, #tpu.memory_space<hbm>> -> memref<1x632x128xf32, #tpu.memory_space<hbm>>
      %dma_start3A_51 = tpu.memref_squeeze %dma_start3A_50 : memref<1x632x128xf32, #tpu.memory_space<hbm>> -> memref<632x128xf32, #tpu.memory_space<hbm>>
      %dma_start3A_52 = arith.constant 0 : i32
      %dma_start3A_53 = tpu.memref_slice %arg7[%min3A_38, %dma_start3A_52] : memref<10000x128xf32, #tpu.memory_space<vmem_shared>> -> memref<632x128xf32, #tpu.memory_space<vmem_shared>>
      tpu.enqueue_dma source(%dma_start3A_53 : memref<632x128xf32, #tpu.memory_space<vmem_shared>>) target(%dma_start3A_51 : memref<632x128xf32, #tpu.memory_space<hbm>>) target_semaphore(%run_scoped3A : memref<!tpu.dma_semaphore, #tpu.memory_space<semaphore_mem>>)
      %dma_wait3A = arith.constant 0 : i32
      %dma_wait3A_54 = tpu.memref_slice %arg3[%arg0, %min3A_38, %dma_wait3A] : memref<2x10000x128xf32, #tpu.memory_space<hbm>> -> memref<1x632x128xf32, #tpu.memory_space<hbm>>
      %dma_wait3A_55 = tpu.memref_squeeze %dma_wait3A_54 : memref<1x632x128xf32, #tpu.memory_space<hbm>> -> memref<632x128xf32, #tpu.memory_space<hbm>>
      %dma_wait3A_56 = arith.constant 0 : i32
      %dma_wait3A_57 = tpu.memref_slice %arg7[%min3A_38, %dma_wait3A_56] : memref<10000x128xf32, #tpu.memory_space<vmem_shared>> -> memref<632x128xf32, #tpu.memory_space<vmem_shared>>
      tpu.wait_dma2 semaphore(%run_scoped3A : memref<!tpu.dma_semaphore, #tpu.memory_space<semaphore_mem>>) src(%dma_wait3A_57 : memref<632x128xf32, #tpu.memory_space<vmem_shared>>) dst(%dma_wait3A_55 : memref<632x128xf32, #tpu.memory_space<hbm>>)
      tpu.yield
    }) : () -> ()
    return
  }
}

#map = affine_map<(d0, d1) -> (0, 0)>
#map1 = affine_map<(d0, d1) -> (0)>
module attributes {stable_mosaic.version = 14 : i64} {
  func.func @k(%arg0: i32, %arg1: i32, %arg2: memref<10000x256xf32, #tpu.memory_space<hbm>>, %arg3: memref<320000xi32, #tpu.memory_space<hbm>>, %arg4: memref<320000xi32, #tpu.memory_space<hbm>>, %arg5: memref<320000x256xf32, #tpu.memory_space<hbm>>, %arg6: memref<320000x256xf32, #tpu.memory_space<hbm>>, %arg7: memref<128xi32, #tpu.memory_space<vmem>>, %arg8: memref<128xi32, #tpu.memory_space<vmem>>, %arg9: memref<128x256xf32, #tpu.memory_space<vmem>>, %arg10: memref<128x256xf32, #tpu.memory_space<vmem>>, %arg11: memref<!tpu.dma_semaphore, #tpu.memory_space<semaphore_mem>>, %arg12: memref<!tpu.dma_semaphore, #tpu.memory_space<semaphore_mem>>) attributes {dimension_semantics = [#tpu.dimension_semantics<core_parallel>, #tpu.dimension_semantics<subcore_parallel>], iteration_bounds = array<i64: 2, 16>, scalar_prefetch = 0 : i64, scratch_operands = 6 : i64, tpu.core_type = #tpu.core_type<sc_vector_subcore>, window_params = [{transform_indices = #map}, {transform_indices = #map1}, {transform_indices = #map1}, {transform_indices = #map}, {transform_indices = #map}]} {
    %mul3A = arith.constant 2 : i32
    %mul3A_0 = arith.muli %arg1, %mul3A : i32
    %add3A = arith.addi %mul3A_0, %arg0 : i32
    %scan3A = arith.constant 0 : i32
    %scan3A_1 = arith.constant 0 : i32
    %scan3A_2 = arith.constant 79 : i32
    %scan3A_3 = arith.addi %scan3A_1, %scan3A_2 : i32
    %scan3A_4 = arith.constant 1 : i32
    scf.for %scan3A_6 = %scan3A_1 to %scan3A_3 step %scan3A_4  : i32 {
      %mul3A_7 = arith.constant 32 : i32
      %mul3A_8 = arith.muli %mul3A_7, %scan3A_6 : i32
      %add3A_9 = arith.addi %add3A, %mul3A_8 : i32
      %lt3A = arith.constant 2500 : i32
      %lt3A_10 = arith.cmpi slt, %add3A_9, %lt3A : i32
      %convert_element_type3A = arith.extui %lt3A_10 : i1 to i32
      %cond3A = arith.constant 0 : i32
      %cond3A_11 = arith.cmpi ne, %convert_element_type3A, %cond3A : i32
      scf.if %cond3A_11 {
        %mul3A_12 = arith.constant 128 : i32
        %mul3A_13 = arith.muli %add3A_9, %mul3A_12 : i32
        "tpu.region"() ({
          %run_scoped3A = tpu.sem_alloc : memref<!tpu.dma_semaphore, #tpu.memory_space<semaphore_mem>>
          %dma_start3A_24 = tpu.memref_slice %arg3[%mul3A_13] : memref<320000xi32, #tpu.memory_space<hbm>> -> memref<128xi32, #tpu.memory_space<hbm>>
          %dma_start3A_25 = tpu.memref_slice %arg3[%mul3A_13] : memref<320000xi32, #tpu.memory_space<hbm>> -> memref<128xi32, #tpu.memory_space<hbm>>
          tpu.enqueue_dma source(%dma_start3A_25 : memref<128xi32, #tpu.memory_space<hbm>>) target(%arg7 : memref<128xi32, #tpu.memory_space<vmem>>) target_semaphore(%run_scoped3A : memref<!tpu.dma_semaphore, #tpu.memory_space<semaphore_mem>>)
          %dma_wait3A_26 = tpu.memref_slice %arg3[%mul3A_13] : memref<320000xi32, #tpu.memory_space<hbm>> -> memref<128xi32, #tpu.memory_space<hbm>>
          %dma_wait3A_27 = tpu.memref_slice %arg3[%mul3A_13] : memref<320000xi32, #tpu.memory_space<hbm>> -> memref<128xi32, #tpu.memory_space<hbm>>
          tpu.wait_dma2 semaphore(%run_scoped3A : memref<!tpu.dma_semaphore, #tpu.memory_space<semaphore_mem>>) src(%dma_wait3A_27 : memref<128xi32, #tpu.memory_space<hbm>>) dst(%arg7 : memref<128xi32, #tpu.memory_space<vmem>>)
          tpu.yield
        }) : () -> ()
        "tpu.region"() ({
          %run_scoped3A = tpu.sem_alloc : memref<!tpu.dma_semaphore, #tpu.memory_space<semaphore_mem>>
          %dma_start3A_24 = tpu.memref_slice %arg4[%mul3A_13] : memref<320000xi32, #tpu.memory_space<hbm>> -> memref<128xi32, #tpu.memory_space<hbm>>
          %dma_start3A_25 = tpu.memref_slice %arg4[%mul3A_13] : memref<320000xi32, #tpu.memory_space<hbm>> -> memref<128xi32, #tpu.memory_space<hbm>>
          tpu.enqueue_dma source(%dma_start3A_25 : memref<128xi32, #tpu.memory_space<hbm>>) target(%arg8 : memref<128xi32, #tpu.memory_space<vmem>>) target_semaphore(%run_scoped3A : memref<!tpu.dma_semaphore, #tpu.memory_space<semaphore_mem>>)
          %dma_wait3A_26 = tpu.memref_slice %arg4[%mul3A_13] : memref<320000xi32, #tpu.memory_space<hbm>> -> memref<128xi32, #tpu.memory_space<hbm>>
          %dma_wait3A_27 = tpu.memref_slice %arg4[%mul3A_13] : memref<320000xi32, #tpu.memory_space<hbm>> -> memref<128xi32, #tpu.memory_space<hbm>>
          tpu.wait_dma2 semaphore(%run_scoped3A : memref<!tpu.dma_semaphore, #tpu.memory_space<semaphore_mem>>) src(%dma_wait3A_27 : memref<128xi32, #tpu.memory_space<hbm>>) dst(%arg8 : memref<128xi32, #tpu.memory_space<vmem>>)
          tpu.yield
        }) : () -> ()
        %dma_start3A = arith.constant 0 : i32
        %dma_start3A_14 = arith.constant 0 : i32
        %dma_start3A_15 = tpu.memref_slice %arg2[%dma_start3A, %dma_start3A_14] : memref<10000x256xf32, #tpu.memory_space<hbm>> -> memref<10000x256xf32, #tpu.memory_space<hbm>>
        tpu.enqueue_indirect_dma source(%dma_start3A_15 : memref<10000x256xf32, #tpu.memory_space<hbm>>) target(%arg9 : memref<128x256xf32, #tpu.memory_space<vmem>>) offsets(%arg7 : memref<128xi32, #tpu.memory_space<vmem>>) semaphore(%arg11 : memref<!tpu.dma_semaphore, #tpu.memory_space<semaphore_mem>>)
        %dma_start3A_16 = arith.constant 0 : i32
        %dma_start3A_17 = arith.constant 0 : i32
        %dma_start3A_18 = tpu.memref_slice %arg2[%dma_start3A_16, %dma_start3A_17] : memref<10000x256xf32, #tpu.memory_space<hbm>> -> memref<10000x256xf32, #tpu.memory_space<hbm>>
        tpu.enqueue_indirect_dma source(%dma_start3A_18 : memref<10000x256xf32, #tpu.memory_space<hbm>>) target(%arg10 : memref<128x256xf32, #tpu.memory_space<vmem>>) offsets(%arg8 : memref<128xi32, #tpu.memory_space<vmem>>) semaphore(%arg12 : memref<!tpu.dma_semaphore, #tpu.memory_space<semaphore_mem>>)
        %dma_wait3A = arith.constant 0 : i32
        %dma_wait3A_19 = arith.constant 0 : i32
        %dma_wait3A_20 = tpu.memref_slice %arg2[%dma_wait3A, %dma_wait3A_19] : memref<10000x256xf32, #tpu.memory_space<hbm>> -> memref<10000x256xf32, #tpu.memory_space<hbm>>
        tpu.wait_indirect_dma semaphore(%arg11 : memref<!tpu.dma_semaphore, #tpu.memory_space<semaphore_mem>>) src(%dma_wait3A_20 : memref<10000x256xf32, #tpu.memory_space<hbm>>) dst(%arg9 : memref<128x256xf32, #tpu.memory_space<vmem>>)
        %dma_wait3A_21 = arith.constant 0 : i32
        %dma_wait3A_22 = arith.constant 0 : i32
        %dma_wait3A_23 = tpu.memref_slice %arg2[%dma_wait3A_21, %dma_wait3A_22] : memref<10000x256xf32, #tpu.memory_space<hbm>> -> memref<10000x256xf32, #tpu.memory_space<hbm>>
        tpu.wait_indirect_dma semaphore(%arg12 : memref<!tpu.dma_semaphore, #tpu.memory_space<semaphore_mem>>) src(%dma_wait3A_23 : memref<10000x256xf32, #tpu.memory_space<hbm>>) dst(%arg10 : memref<128x256xf32, #tpu.memory_space<vmem>>)
        "tpu.region"() ({
          %run_scoped3A = tpu.sem_alloc : memref<!tpu.dma_semaphore, #tpu.memory_space<semaphore_mem>>
          %dma_start3A_24 = arith.constant 0 : i32
          %dma_start3A_25 = tpu.memref_slice %arg5[%mul3A_13, %dma_start3A_24] : memref<320000x256xf32, #tpu.memory_space<hbm>> -> memref<128x256xf32, #tpu.memory_space<hbm>>
          %dma_start3A_26 = arith.constant 0 : i32
          %dma_start3A_27 = tpu.memref_slice %arg5[%mul3A_13, %dma_start3A_26] : memref<320000x256xf32, #tpu.memory_space<hbm>> -> memref<128x256xf32, #tpu.memory_space<hbm>>
          tpu.enqueue_dma source(%arg9 : memref<128x256xf32, #tpu.memory_space<vmem>>) target(%dma_start3A_27 : memref<128x256xf32, #tpu.memory_space<hbm>>) target_semaphore(%run_scoped3A : memref<!tpu.dma_semaphore, #tpu.memory_space<semaphore_mem>>)
          %dma_wait3A_28 = arith.constant 0 : i32
          %dma_wait3A_29 = tpu.memref_slice %arg5[%mul3A_13, %dma_wait3A_28] : memref<320000x256xf32, #tpu.memory_space<hbm>> -> memref<128x256xf32, #tpu.memory_space<hbm>>
          %dma_wait3A_30 = arith.constant 0 : i32
          %dma_wait3A_31 = tpu.memref_slice %arg5[%mul3A_13, %dma_wait3A_30] : memref<320000x256xf32, #tpu.memory_space<hbm>> -> memref<128x256xf32, #tpu.memory_space<hbm>>
          tpu.wait_dma2 semaphore(%run_scoped3A : memref<!tpu.dma_semaphore, #tpu.memory_space<semaphore_mem>>) src(%arg9 : memref<128x256xf32, #tpu.memory_space<vmem>>) dst(%dma_wait3A_31 : memref<128x256xf32, #tpu.memory_space<hbm>>)
          tpu.yield
        }) : () -> ()
        "tpu.region"() ({
          %run_scoped3A = tpu.sem_alloc : memref<!tpu.dma_semaphore, #tpu.memory_space<semaphore_mem>>
          %dma_start3A_24 = arith.constant 0 : i32
          %dma_start3A_25 = tpu.memref_slice %arg6[%mul3A_13, %dma_start3A_24] : memref<320000x256xf32, #tpu.memory_space<hbm>> -> memref<128x256xf32, #tpu.memory_space<hbm>>
          %dma_start3A_26 = arith.constant 0 : i32
          %dma_start3A_27 = tpu.memref_slice %arg6[%mul3A_13, %dma_start3A_26] : memref<320000x256xf32, #tpu.memory_space<hbm>> -> memref<128x256xf32, #tpu.memory_space<hbm>>
          tpu.enqueue_dma source(%arg10 : memref<128x256xf32, #tpu.memory_space<vmem>>) target(%dma_start3A_27 : memref<128x256xf32, #tpu.memory_space<hbm>>) target_semaphore(%run_scoped3A : memref<!tpu.dma_semaphore, #tpu.memory_space<semaphore_mem>>)
          %dma_wait3A_28 = arith.constant 0 : i32
          %dma_wait3A_29 = tpu.memref_slice %arg6[%mul3A_13, %dma_wait3A_28] : memref<320000x256xf32, #tpu.memory_space<hbm>> -> memref<128x256xf32, #tpu.memory_space<hbm>>
          %dma_wait3A_30 = arith.constant 0 : i32
          %dma_wait3A_31 = tpu.memref_slice %arg6[%mul3A_13, %dma_wait3A_30] : memref<320000x256xf32, #tpu.memory_space<hbm>> -> memref<128x256xf32, #tpu.memory_space<hbm>>
          tpu.wait_dma2 semaphore(%run_scoped3A : memref<!tpu.dma_semaphore, #tpu.memory_space<semaphore_mem>>) src(%arg10 : memref<128x256xf32, #tpu.memory_space<vmem>>) dst(%dma_wait3A_31 : memref<128x256xf32, #tpu.memory_space<hbm>>)
          tpu.yield
        }) : () -> ()
      } else {
      }
    }
    %scan3A_5 = arith.constant 79 : i32
    return
  }
}

#map = affine_map<(d0, d1) -> (0, 0)>
#map1 = affine_map<(d0, d1) -> (0)>
#map2 = affine_map<(d0, d1) -> (0, 0, 0)>
module attributes {stable_mosaic.version = 14 : i64} {
  func.func @k(%arg0: i32, %arg1: i32, %arg2: memref<320000x128xf32, #tpu.memory_space<hbm>>, %arg3: memref<320000xi32, #tpu.memory_space<hbm>>, %arg4: memref<2x10000x128xf32, #tpu.memory_space<hbm>>, %arg5: memref<128xi32, #tpu.memory_space<vmem>>, %arg6: memref<128x128xf32, #tpu.memory_space<vmem>>, %arg7: memref<64x128xf32, #tpu.memory_space<vmem>>, %arg8: memref<10000x128xf32, #tpu.memory_space<vmem_shared>>, %arg9: memref<!tpu.dma_semaphore, #tpu.memory_space<semaphore_mem>>) attributes {dimension_semantics = [#tpu.dimension_semantics<core_parallel>, #tpu.dimension_semantics<subcore_parallel>], iteration_bounds = array<i64: 2, 16>, scalar_prefetch = 0 : i64, scratch_operands = 5 : i64, tpu.core_type = #tpu.core_type<sc_vector_subcore>, window_params = [{transform_indices = #map}, {transform_indices = #map1}, {transform_indices = #map2}]} {
    %broadcast_in_dim3A = arith.constant 0.000000e+00 : f32
    %broadcast_in_dim3A_0 = vector.broadcast %broadcast_in_dim3A : f32 to vector<16xf32>
    %scan3A = arith.constant 0 : i32
    %scan3A_1 = arith.constant 0 : i32
    %scan3A_2 = arith.constant 512 : i32
    %scan3A_3 = arith.addi %scan3A_1, %scan3A_2 : i32
    %scan3A_4 = arith.constant 1 : i32
    scf.for %scan3A_36 = %scan3A_1 to %scan3A_3 step %scan3A_4  : i32 {
      %jit3A_37 = arith.constant 8 : i32
      %div3A_38 = arith.divsi %scan3A_36, %jit3A_37 : i32
      %sign3A_39 = arith.constant 0 : i32
      %sign3A_40 = arith.cmpi sgt, %scan3A_36, %sign3A_39 : i32
      %sign3A_41 = arith.extui %sign3A_40 : i1 to i32
      %sign3A_42 = arith.constant 0 : i32
      %sign3A_43 = arith.cmpi slt, %scan3A_36, %sign3A_42 : i32
      %sign3A_44 = arith.extui %sign3A_43 : i1 to i32
      %sign3A_45 = arith.subi %sign3A_41, %sign3A_44 : i32
      %sign3A_46 = arith.constant 0 : i32
      %sign3A_47 = arith.cmpi sgt, %jit3A_37, %sign3A_46 : i32
      %sign3A_48 = arith.extui %sign3A_47 : i1 to i32
      %sign3A_49 = arith.constant 0 : i32
      %sign3A_50 = arith.cmpi slt, %jit3A_37, %sign3A_49 : i32
      %sign3A_51 = arith.extui %sign3A_50 : i1 to i32
      %sign3A_52 = arith.subi %sign3A_48, %sign3A_51 : i32
      %ne3A_53 = arith.cmpi ne, %sign3A_45, %sign3A_52 : i32
      %rem3A_54 = arith.remsi %scan3A_36, %jit3A_37 : i32
      %ne3A_55 = arith.constant 0 : i32
      %ne3A_56 = arith.cmpi ne, %rem3A_54, %ne3A_55 : i32
      %and3A_57 = arith.andi %ne3A_53, %ne3A_56 : i1
      %sub3A_58 = arith.constant 1 : i32
      %sub3A_59 = arith.subi %div3A_38, %sub3A_58 : i32
      %select_n3A_60 = arith.select %and3A_57, %sub3A_59, %div3A_38 : i32
      %jit3A_61 = arith.constant 8 : i32
      %eq3A_62 = arith.constant 0 : i32
      %eq3A_63 = arith.cmpi eq, %jit3A_61, %eq3A_62 : i32
      %jit3A_64 = arith.constant 1 : i32
      %select_n3A_65 = arith.select %eq3A_63, %jit3A_64, %jit3A_61 : i32
      %rem3A_66 = arith.remsi %scan3A_36, %select_n3A_65 : i32
      %ne3A_67 = arith.constant 0 : i32
      %ne3A_68 = arith.cmpi ne, %rem3A_66, %ne3A_67 : i32
      %lt3A = arith.constant 0 : i32
      %lt3A_69 = arith.cmpi slt, %rem3A_66, %lt3A : i32
      %lt3A_70 = arith.constant 0 : i32
      %lt3A_71 = arith.cmpi slt, %select_n3A_65, %lt3A_70 : i32
      %ne3A_72 = arith.xori %lt3A_69, %lt3A_71 : i1
      %and3A_73 = arith.andi %ne3A_72, %ne3A_68 : i1
      %add3A_74 = arith.addi %rem3A_66, %select_n3A_65 : i32
      %select_n3A_75 = arith.select %and3A_73, %add3A_74, %rem3A_66 : i32
      %mul3A_76 = arith.constant 16 : i32
      %mul3A_77 = arith.muli %select_n3A_75, %mul3A_76 : i32
      %swap3A = arith.index_cast %select_n3A_60 : i32 to index
      %swap3A_78 = arith.index_cast %mul3A_77 : i32 to index
      %swap3A_79 = tpu.vector_load %arg7[%swap3A, %swap3A_78] {strides = array<i32>} : memref<64x128xf32, #tpu.memory_space<vmem>>, vector<1x16xf32>,
      %swap3A_80 = vector.shape_cast %swap3A_79 : vector<1x16xf32> to vector<16xf32>
      %swap3A_81 = vector.shape_cast %broadcast_in_dim3A_0 : vector<16xf32> to vector<1x16xf32>
      tpu.vector_store %arg7[%swap3A, %swap3A_78], %swap3A_81 {strides = array<i32>} : memref<64x128xf32, #tpu.memory_space<vmem>>, vector<1x16xf32>,
    }
    %scan3A_5 = arith.constant 512 : i32
    %mul3A = arith.constant 625 : i32
    %mul3A_6 = arith.muli %arg1, %mul3A : i32
    %jit3A = arith.constant 8 : i32
    %div3A = arith.divsi %mul3A_6, %jit3A : i32
    %sign3A = arith.constant 0 : i32
    %sign3A_7 = arith.cmpi sgt, %mul3A_6, %sign3A : i32
    %sign3A_8 = arith.extui %sign3A_7 : i1 to i32
    %sign3A_9 = arith.constant 0 : i32
    %sign3A_10 = arith.cmpi slt, %mul3A_6, %sign3A_9 : i32
    %sign3A_11 = arith.extui %sign3A_10 : i1 to i32
    %sign3A_12 = arith.subi %sign3A_8, %sign3A_11 : i32
    %sign3A_13 = arith.constant 0 : i32
    %sign3A_14 = arith.cmpi sgt, %jit3A, %sign3A_13 : i32
    %sign3A_15 = arith.extui %sign3A_14 : i1 to i32
    %sign3A_16 = arith.constant 0 : i32
    %sign3A_17 = arith.cmpi slt, %jit3A, %sign3A_16 : i32
    %sign3A_18 = arith.extui %sign3A_17 : i1 to i32
    %sign3A_19 = arith.subi %sign3A_15, %sign3A_18 : i32
    %ne3A = arith.cmpi ne, %sign3A_12, %sign3A_19 : i32
    %rem3A = arith.remsi %mul3A_6, %jit3A : i32
    %ne3A_20 = arith.constant 0 : i32
    %ne3A_21 = arith.cmpi ne, %rem3A, %ne3A_20 : i32
    %and3A = arith.andi %ne3A, %ne3A_21 : i1
    %sub3A = arith.constant 1 : i32
    %sub3A_22 = arith.subi %div3A, %sub3A : i32
    %select_n3A = arith.select %and3A, %sub3A_22, %div3A : i32
    %mul3A_23 = arith.constant 8 : i32
    %mul3A_24 = arith.muli %select_n3A, %mul3A_23 : i32
    %min3A = arith.constant 9368 : i32
    %min3A_25 = arith.minsi %mul3A_24, %min3A : i32
    %scan3A_26 = arith.constant 0 : i32
    %scan3A_27 = arith.constant 0 : i32
    %scan3A_28 = arith.constant 9 : i32
    %scan3A_29 = arith.addi %scan3A_27, %scan3A_28 : i32
    %scan3A_30 = arith.constant 1 : i32
    scf.for %scan3A_36 = %scan3A_27 to %scan3A_29 step %scan3A_30  : i32 {
      %mul3A_37 = arith.constant 64 : i32
      %mul3A_38 = arith.muli %scan3A_36, %mul3A_37 : i32
      %add3A_39 = arith.addi %min3A_25, %mul3A_38 : i32
      "tpu.region"() ({
        %run_scoped3A = tpu.sem_alloc : memref<!tpu.dma_semaphore, #tpu.memory_space<semaphore_mem>>
        %dma_start3A = arith.constant 0 : i32
        %dma_start3A_40 = tpu.memref_slice %arg8[%add3A_39, %dma_start3A] : memref<10000x128xf32, #tpu.memory_space<vmem_shared>> -> memref<64x128xf32, #tpu.memory_space<vmem_shared>>
        %dma_start3A_41 = arith.constant 0 : i32
        %dma_start3A_42 = tpu.memref_slice %arg8[%add3A_39, %dma_start3A_41] : memref<10000x128xf32, #tpu.memory_space<vmem_shared>> -> memref<64x128xf32, #tpu.memory_space<vmem_shared>>
        tpu.enqueue_dma source(%arg7 : memref<64x128xf32, #tpu.memory_space<vmem>>) target(%dma_start3A_42 : memref<64x128xf32, #tpu.memory_space<vmem_shared>>) target_semaphore(%run_scoped3A : memref<!tpu.dma_semaphore, #tpu.memory_space<semaphore_mem>>)
        %dma_wait3A = arith.constant 0 : i32
        %dma_wait3A_43 = tpu.memref_slice %arg8[%add3A_39, %dma_wait3A] : memref<10000x128xf32, #tpu.memory_space<vmem_shared>> -> memref<64x128xf32, #tpu.memory_space<vmem_shared>>
        %dma_wait3A_44 = arith.constant 0 : i32
        %dma_wait3A_45 = tpu.memref_slice %arg8[%add3A_39, %dma_wait3A_44] : memref<10000x128xf32, #tpu.memory_space<vmem_shared>> -> memref<64x128xf32, #tpu.memory_space<vmem_shared>>
        tpu.wait_dma2 semaphore(%run_scoped3A : memref<!tpu.dma_semaphore, #tpu.memory_space<semaphore_mem>>) src(%arg7 : memref<64x128xf32, #tpu.memory_space<vmem>>) dst(%dma_wait3A_45 : memref<64x128xf32, #tpu.memory_space<vmem_shared>>)
        tpu.yield
      }) : () -> ()
    }
    %scan3A_31 = arith.constant 9 : i32
    %add3A = arith.constant 576 : i32
    %add3A_32 = arith.addi %min3A_25, %add3A : i32
    "tpu.region"() ({
      %run_scoped3A = tpu.sem_alloc : memref<!tpu.dma_semaphore, #tpu.memory_space<semaphore_mem>>
      %dma_start3A = arith.constant 0 : i32
      %dma_start3A_36 = arith.constant 0 : i32
      %dma_start3A_37 = tpu.memref_slice %arg7[%dma_start3A, %dma_start3A_36] : memref<64x128xf32, #tpu.memory_space<vmem>> -> memref<56x128xf32, #tpu.memory_space<vmem>>
      %dma_start3A_38 = arith.constant 0 : i32
      %dma_start3A_39 = tpu.memref_slice %arg8[%add3A_32, %dma_start3A_38] : memref<10000x128xf32, #tpu.memory_space<vmem_shared>> -> memref<56x128xf32, #tpu.memory_space<vmem_shared>>
      %dma_start3A_40 = arith.constant 0 : i32
      %dma_start3A_41 = tpu.memref_slice %arg8[%add3A_32, %dma_start3A_40] : memref<10000x128xf32, #tpu.memory_space<vmem_shared>> -> memref<56x128xf32, #tpu.memory_space<vmem_shared>>
      %dma_start3A_42 = arith.constant 0 : i32
      %dma_start3A_43 = arith.constant 0 : i32
      %dma_start3A_44 = tpu.memref_slice %arg7[%dma_start3A_42, %dma_start3A_43] : memref<64x128xf32, #tpu.memory_space<vmem>> -> memref<56x128xf32, #tpu.memory_space<vmem>>
      tpu.enqueue_dma source(%dma_start3A_44 : memref<56x128xf32, #tpu.memory_space<vmem>>) target(%dma_start3A_41 : memref<56x128xf32, #tpu.memory_space<vmem_shared>>) target_semaphore(%run_scoped3A : memref<!tpu.dma_semaphore, #tpu.memory_space<semaphore_mem>>)
      %dma_wait3A = arith.constant 0 : i32
      %dma_wait3A_45 = arith.constant 0 : i32
      %dma_wait3A_46 = tpu.memref_slice %arg7[%dma_wait3A, %dma_wait3A_45] : memref<64x128xf32, #tpu.memory_space<vmem>> -> memref<56x128xf32, #tpu.memory_space<vmem>>
      %dma_wait3A_47 = arith.constant 0 : i32
      %dma_wait3A_48 = tpu.memref_slice %arg8[%add3A_32, %dma_wait3A_47] : memref<10000x128xf32, #tpu.memory_space<vmem_shared>> -> memref<56x128xf32, #tpu.memory_space<vmem_shared>>
      %dma_wait3A_49 = arith.constant 0 : i32
      %dma_wait3A_50 = tpu.memref_slice %arg8[%add3A_32, %dma_wait3A_49] : memref<10000x128xf32, #tpu.memory_space<vmem_shared>> -> memref<56x128xf32, #tpu.memory_space<vmem_shared>>
      %dma_wait3A_51 = arith.constant 0 : i32
      %dma_wait3A_52 = arith.constant 0 : i32
      %dma_wait3A_53 = tpu.memref_slice %arg7[%dma_wait3A_51, %dma_wait3A_52] : memref<64x128xf32, #tpu.memory_space<vmem>> -> memref<56x128xf32, #tpu.memory_space<vmem>>
      tpu.wait_dma2 semaphore(%run_scoped3A : memref<!tpu.dma_semaphore, #tpu.memory_space<semaphore_mem>>) src(%dma_wait3A_53 : memref<56x128xf32, #tpu.memory_space<vmem>>) dst(%dma_wait3A_50 : memref<56x128xf32, #tpu.memory_space<vmem_shared>>)
      tpu.yield
    }) : () -> ()
    %barrier3A = arith.constant 0 : index
    tpu.barrier barrier_id(%barrier3A)
    %eq3A = arith.constant 0 : i32
    %eq3A_33 = arith.cmpi eq, %arg1, %eq3A : i32
    %convert_element_type3A = arith.extui %eq3A_33 : i1 to i32
    %cond3A = arith.constant 0 : i32
    %cond3A_34 = arith.cmpi ne, %convert_element_type3A, %cond3A : i32
    scf.if %cond3A_34 {
      %scan3A_36 = arith.constant 0 : i32
      %scan3A_37 = arith.constant 0 : i32
      %scan3A_38 = arith.constant 1250 : i32
      %scan3A_39 = arith.addi %scan3A_37, %scan3A_38 : i32
      %scan3A_40 = arith.constant 1 : i32
      scf.for %scan3A_42 = %scan3A_37 to %scan3A_39 step %scan3A_40  : i32 {
        %mul3A_43 = arith.constant 160000 : i32
        %mul3A_44 = arith.muli %arg0, %mul3A_43 : i32
        %mul3A_45 = arith.constant 128 : i32
        %mul3A_46 = arith.muli %scan3A_42, %mul3A_45 : i32
        %add3A_47 = arith.addi %mul3A_44, %mul3A_46 : i32
        "tpu.region"() ({
          %run_scoped3A = tpu.sem_alloc : memref<!tpu.dma_semaphore, #tpu.memory_space<semaphore_mem>>
          %dma_start3A = tpu.memref_slice %arg3[%add3A_47] : memref<320000xi32, #tpu.memory_space<hbm>> -> memref<128xi32, #tpu.memory_space<hbm>>
          %dma_start3A_48 = tpu.memref_slice %arg3[%add3A_47] : memref<320000xi32, #tpu.memory_space<hbm>> -> memref<128xi32, #tpu.memory_space<hbm>>
          tpu.enqueue_dma source(%dma_start3A_48 : memref<128xi32, #tpu.memory_space<hbm>>) target(%arg5 : memref<128xi32, #tpu.memory_space<vmem>>) target_semaphore(%run_scoped3A : memref<!tpu.dma_semaphore, #tpu.memory_space<semaphore_mem>>)
          %dma_wait3A = tpu.memref_slice %arg3[%add3A_47] : memref<320000xi32, #tpu.memory_space<hbm>> -> memref<128xi32, #tpu.memory_space<hbm>>
          %dma_wait3A_49 = tpu.memref_slice %arg3[%add3A_47] : memref<320000xi32, #tpu.memory_space<hbm>> -> memref<128xi32, #tpu.memory_space<hbm>>
          tpu.wait_dma2 semaphore(%run_scoped3A : memref<!tpu.dma_semaphore, #tpu.memory_space<semaphore_mem>>) src(%dma_wait3A_49 : memref<128xi32, #tpu.memory_space<hbm>>) dst(%arg5 : memref<128xi32, #tpu.memory_space<vmem>>)
          tpu.yield
        }) : () -> ()
        "tpu.region"() ({
          %run_scoped3A = tpu.sem_alloc : memref<!tpu.dma_semaphore, #tpu.memory_space<semaphore_mem>>
          %dma_start3A = arith.constant 0 : i32
          %dma_start3A_48 = tpu.memref_slice %arg2[%add3A_47, %dma_start3A] : memref<320000x128xf32, #tpu.memory_space<hbm>> -> memref<128x128xf32, #tpu.memory_space<hbm>>
          %dma_start3A_49 = arith.constant 0 : i32
          %dma_start3A_50 = tpu.memref_slice %arg2[%add3A_47, %dma_start3A_49] : memref<320000x128xf32, #tpu.memory_space<hbm>> -> memref<128x128xf32, #tpu.memory_space<hbm>>
          tpu.enqueue_dma source(%dma_start3A_50 : memref<128x128xf32, #tpu.memory_space<hbm>>) target(%arg6 : memref<128x128xf32, #tpu.memory_space<vmem>>) target_semaphore(%run_scoped3A : memref<!tpu.dma_semaphore, #tpu.memory_space<semaphore_mem>>)
          %dma_wait3A = arith.constant 0 : i32
          %dma_wait3A_51 = tpu.memref_slice %arg2[%add3A_47, %dma_wait3A] : memref<320000x128xf32, #tpu.memory_space<hbm>> -> memref<128x128xf32, #tpu.memory_space<hbm>>
          %dma_wait3A_52 = arith.constant 0 : i32
          %dma_wait3A_53 = tpu.memref_slice %arg2[%add3A_47, %dma_wait3A_52] : memref<320000x128xf32, #tpu.memory_space<hbm>> -> memref<128x128xf32, #tpu.memory_space<hbm>>
          tpu.wait_dma2 semaphore(%run_scoped3A : memref<!tpu.dma_semaphore, #tpu.memory_space<semaphore_mem>>) src(%dma_wait3A_53 : memref<128x128xf32, #tpu.memory_space<hbm>>) dst(%arg6 : memref<128x128xf32, #tpu.memory_space<vmem>>)
          tpu.yield
        }) : () -> ()
        "tpu.region"() ({
          %run_scoped3A = tpu.sem_alloc : memref<!tpu.dma_semaphore, #tpu.memory_space<semaphore_mem>>
          %dma_start3A = arith.constant 0 : i32
          %dma_start3A_48 = arith.constant 0 : i32
          %dma_start3A_49 = tpu.memref_slice %arg8[%dma_start3A, %dma_start3A_48] : memref<10000x128xf32, #tpu.memory_space<vmem_shared>> -> memref<10000x128xf32, #tpu.memory_space<vmem_shared>>
          tpu.enqueue_indirect_dma source(%arg6 : memref<128x128xf32, #tpu.memory_space<vmem>>) target(%dma_start3A_49 : memref<10000x128xf32, #tpu.memory_space<vmem_shared>>) offsets(%arg5 : memref<128xi32, #tpu.memory_space<vmem>>) semaphore(%run_scoped3A : memref<!tpu.dma_semaphore, #tpu.memory_space<semaphore_mem>>) {add = true}
          %dma_wait3A = arith.constant 0 : i32
          %dma_wait3A_50 = arith.constant 0 : i32
          %dma_wait3A_51 = tpu.memref_slice %arg8[%dma_wait3A, %dma_wait3A_50] : memref<10000x128xf32, #tpu.memory_space<vmem_shared>> -> memref<10000x128xf32, #tpu.memory_space<vmem_shared>>
          tpu.wait_indirect_dma semaphore(%run_scoped3A : memref<!tpu.dma_semaphore, #tpu.memory_space<semaphore_mem>>) src(%arg6 : memref<128x128xf32, #tpu.memory_space<vmem>>) dst(%dma_wait3A_51 : memref<10000x128xf32, #tpu.memory_space<vmem_shared>>)
          tpu.yield
        }) : () -> ()
      }
      %scan3A_41 = arith.constant 1250 : i32
    } else {
    }
    %barrier3A_35 = arith.constant 0 : index
    tpu.barrier barrier_id(%barrier3A_35)
    "tpu.region"() ({
      %run_scoped3A = tpu.sem_alloc : memref<!tpu.dma_semaphore, #tpu.memory_space<semaphore_mem>>
      %dma_start3A = arith.constant 0 : i32
      %dma_start3A_36 = tpu.memref_slice %arg4[%arg0, %min3A_25, %dma_start3A] : memref<2x10000x128xf32, #tpu.memory_space<hbm>> -> memref<1x632x128xf32, #tpu.memory_space<hbm>>
      %dma_start3A_37 = tpu.memref_squeeze %dma_start3A_36 : memref<1x632x128xf32, #tpu.memory_space<hbm>> -> memref<632x128xf32, #tpu.memory_space<hbm>>
      %dma_start3A_38 = arith.constant 0 : i32
      %dma_start3A_39 = tpu.memref_slice %arg8[%min3A_25, %dma_start3A_38] : memref<10000x128xf32, #tpu.memory_space<vmem_shared>> -> memref<632x128xf32, #tpu.memory_space<vmem_shared>>
      tpu.enqueue_dma source(%dma_start3A_39 : memref<632x128xf32, #tpu.memory_space<vmem_shared>>) target(%dma_start3A_37 : memref<632x128xf32, #tpu.memory_space<hbm>>) target_semaphore(%run_scoped3A : memref<!tpu.dma_semaphore, #tpu.memory_space<semaphore_mem>>)
      %dma_wait3A = arith.constant 0 : i32
      %dma_wait3A_40 = tpu.memref_slice %arg4[%arg0, %min3A_25, %dma_wait3A] : memref<2x10000x128xf32, #tpu.memory_space<hbm>> -> memref<1x632x128xf32, #tpu.memory_space<hbm>>
      %dma_wait3A_41 = tpu.memref_squeeze %dma_wait3A_40 : memref<1x632x128xf32, #tpu.memory_space<hbm>> -> memref<632x128xf32, #tpu.memory_space<hbm>>
      %dma_wait3A_42 = arith.constant 0 : i32
      %dma_wait3A_43 = tpu.memref_slice %arg8[%min3A_25, %dma_wait3A_42] : memref<10000x128xf32, #tpu.memory_space<vmem_shared>> -> memref<632x128xf32, #tpu.memory_space<vmem_shared>>
      tpu.wait_dma2 semaphore(%run_scoped3A : memref<!tpu.dma_semaphore, #tpu.memory_space<semaphore_mem>>) src(%dma_wait3A_43 : memref<632x128xf32, #tpu.memory_space<vmem_shared>>) dst(%dma_wait3A_41 : memref<632x128xf32, #tpu.memory_space<hbm>>)
      tpu.yield
    }) : () -> ()
    return
  }
}

#map = affine_map<(d0, d1) -> (0, 0)>
#map1 = affine_map<(d0, d1) -> (0)>
#map2 = affine_map<(d0, d1) -> (0, 0, 0)>
module attributes {stable_mosaic.version = 14 : i64} {
  func.func @k(%arg0: i32, %arg1: i32, %arg2: memref<320000x128xf32, #tpu.memory_space<hbm>>, %arg3: memref<320000xi32, #tpu.memory_space<hbm>>, %arg4: memref<2x10000x128xf32, #tpu.memory_space<hbm>>, %arg5: memref<128xi32, #tpu.memory_space<vmem>>, %arg6: memref<128x128xf32, #tpu.memory_space<vmem>>, %arg7: memref<64x128xf32, #tpu.memory_space<vmem>>, %arg8: memref<10000x128xf32, #tpu.memory_space<vmem_shared>>, %arg9: memref<!tpu.dma_semaphore, #tpu.memory_space<semaphore_mem>>) attributes {dimension_semantics = [#tpu.dimension_semantics<core_parallel>, #tpu.dimension_semantics<subcore_parallel>], iteration_bounds = array<i64: 2, 16>, scalar_prefetch = 0 : i64, scratch_operands = 5 : i64, tpu.core_type = #tpu.core_type<sc_vector_subcore>, window_params = [{transform_indices = #map}, {transform_indices = #map1}, {transform_indices = #map2}]} {
    %broadcast_in_dim3A = arith.constant 0.000000e+00 : f32
    %broadcast_in_dim3A_0 = vector.broadcast %broadcast_in_dim3A : f32 to vector<16xf32>
    %scan3A = arith.constant 0 : i32
    %scan3A_1 = arith.constant 0 : i32
    %scan3A_2 = arith.constant 512 : i32
    %scan3A_3 = arith.addi %scan3A_1, %scan3A_2 : i32
    %scan3A_4 = arith.constant 1 : i32
    scf.for %scan3A_36 = %scan3A_1 to %scan3A_3 step %scan3A_4  : i32 {
      %jit3A_37 = arith.constant 8 : i32
      %div3A_38 = arith.divsi %scan3A_36, %jit3A_37 : i32
      %sign3A_39 = arith.constant 0 : i32
      %sign3A_40 = arith.cmpi sgt, %scan3A_36, %sign3A_39 : i32
      %sign3A_41 = arith.extui %sign3A_40 : i1 to i32
      %sign3A_42 = arith.constant 0 : i32
      %sign3A_43 = arith.cmpi slt, %scan3A_36, %sign3A_42 : i32
      %sign3A_44 = arith.extui %sign3A_43 : i1 to i32
      %sign3A_45 = arith.subi %sign3A_41, %sign3A_44 : i32
      %sign3A_46 = arith.constant 0 : i32
      %sign3A_47 = arith.cmpi sgt, %jit3A_37, %sign3A_46 : i32
      %sign3A_48 = arith.extui %sign3A_47 : i1 to i32
      %sign3A_49 = arith.constant 0 : i32
      %sign3A_50 = arith.cmpi slt, %jit3A_37, %sign3A_49 : i32
      %sign3A_51 = arith.extui %sign3A_50 : i1 to i32
      %sign3A_52 = arith.subi %sign3A_48, %sign3A_51 : i32
      %ne3A_53 = arith.cmpi ne, %sign3A_45, %sign3A_52 : i32
      %rem3A_54 = arith.remsi %scan3A_36, %jit3A_37 : i32
      %ne3A_55 = arith.constant 0 : i32
      %ne3A_56 = arith.cmpi ne, %rem3A_54, %ne3A_55 : i32
      %and3A_57 = arith.andi %ne3A_53, %ne3A_56 : i1
      %sub3A_58 = arith.constant 1 : i32
      %sub3A_59 = arith.subi %div3A_38, %sub3A_58 : i32
      %select_n3A_60 = arith.select %and3A_57, %sub3A_59, %div3A_38 : i32
      %jit3A_61 = arith.constant 8 : i32
      %eq3A_62 = arith.constant 0 : i32
      %eq3A_63 = arith.cmpi eq, %jit3A_61, %eq3A_62 : i32
      %jit3A_64 = arith.constant 1 : i32
      %select_n3A_65 = arith.select %eq3A_63, %jit3A_64, %jit3A_61 : i32
      %rem3A_66 = arith.remsi %scan3A_36, %select_n3A_65 : i32
      %ne3A_67 = arith.constant 0 : i32
      %ne3A_68 = arith.cmpi ne, %rem3A_66, %ne3A_67 : i32
      %lt3A = arith.constant 0 : i32
      %lt3A_69 = arith.cmpi slt, %rem3A_66, %lt3A : i32
      %lt3A_70 = arith.constant 0 : i32
      %lt3A_71 = arith.cmpi slt, %select_n3A_65, %lt3A_70 : i32
      %ne3A_72 = arith.xori %lt3A_69, %lt3A_71 : i1
      %and3A_73 = arith.andi %ne3A_72, %ne3A_68 : i1
      %add3A_74 = arith.addi %rem3A_66, %select_n3A_65 : i32
      %select_n3A_75 = arith.select %and3A_73, %add3A_74, %rem3A_66 : i32
      %mul3A_76 = arith.constant 16 : i32
      %mul3A_77 = arith.muli %select_n3A_75, %mul3A_76 : i32
      %swap3A = arith.index_cast %select_n3A_60 : i32 to index
      %swap3A_78 = arith.index_cast %mul3A_77 : i32 to index
      %swap3A_79 = tpu.vector_load %arg7[%swap3A, %swap3A_78] {strides = array<i32>} : memref<64x128xf32, #tpu.memory_space<vmem>>, vector<1x16xf32>,
      %swap3A_80 = vector.shape_cast %swap3A_79 : vector<1x16xf32> to vector<16xf32>
      %swap3A_81 = vector.shape_cast %broadcast_in_dim3A_0 : vector<16xf32> to vector<1x16xf32>
      tpu.vector_store %arg7[%swap3A, %swap3A_78], %swap3A_81 {strides = array<i32>} : memref<64x128xf32, #tpu.memory_space<vmem>>, vector<1x16xf32>,
    }
    %scan3A_5 = arith.constant 512 : i32
    %mul3A = arith.constant 625 : i32
    %mul3A_6 = arith.muli %arg1, %mul3A : i32
    %jit3A = arith.constant 8 : i32
    %div3A = arith.divsi %mul3A_6, %jit3A : i32
    %sign3A = arith.constant 0 : i32
    %sign3A_7 = arith.cmpi sgt, %mul3A_6, %sign3A : i32
    %sign3A_8 = arith.extui %sign3A_7 : i1 to i32
    %sign3A_9 = arith.constant 0 : i32
    %sign3A_10 = arith.cmpi slt, %mul3A_6, %sign3A_9 : i32
    %sign3A_11 = arith.extui %sign3A_10 : i1 to i32
    %sign3A_12 = arith.subi %sign3A_8, %sign3A_11 : i32
    %sign3A_13 = arith.constant 0 : i32
    %sign3A_14 = arith.cmpi sgt, %jit3A, %sign3A_13 : i32
    %sign3A_15 = arith.extui %sign3A_14 : i1 to i32
    %sign3A_16 = arith.constant 0 : i32
    %sign3A_17 = arith.cmpi slt, %jit3A, %sign3A_16 : i32
    %sign3A_18 = arith.extui %sign3A_17 : i1 to i32
    %sign3A_19 = arith.subi %sign3A_15, %sign3A_18 : i32
    %ne3A = arith.cmpi ne, %sign3A_12, %sign3A_19 : i32
    %rem3A = arith.remsi %mul3A_6, %jit3A : i32
    %ne3A_20 = arith.constant 0 : i32
    %ne3A_21 = arith.cmpi ne, %rem3A, %ne3A_20 : i32
    %and3A = arith.andi %ne3A, %ne3A_21 : i1
    %sub3A = arith.constant 1 : i32
    %sub3A_22 = arith.subi %div3A, %sub3A : i32
    %select_n3A = arith.select %and3A, %sub3A_22, %div3A : i32
    %mul3A_23 = arith.constant 8 : i32
    %mul3A_24 = arith.muli %select_n3A, %mul3A_23 : i32
    %min3A = arith.constant 9368 : i32
    %min3A_25 = arith.minsi %mul3A_24, %min3A : i32
    %scan3A_26 = arith.constant 0 : i32
    %scan3A_27 = arith.constant 0 : i32
    %scan3A_28 = arith.constant 9 : i32
    %scan3A_29 = arith.addi %scan3A_27, %scan3A_28 : i32
    %scan3A_30 = arith.constant 1 : i32
    scf.for %scan3A_36 = %scan3A_27 to %scan3A_29 step %scan3A_30  : i32 {
      %mul3A_37 = arith.constant 64 : i32
      %mul3A_38 = arith.muli %scan3A_36, %mul3A_37 : i32
      %add3A_39 = arith.addi %min3A_25, %mul3A_38 : i32
      "tpu.region"() ({
        %run_scoped3A = tpu.sem_alloc : memref<!tpu.dma_semaphore, #tpu.memory_space<semaphore_mem>>
        %dma_start3A = arith.constant 0 : i32
        %dma_start3A_40 = tpu.memref_slice %arg8[%add3A_39, %dma_start3A] : memref<10000x128xf32, #tpu.memory_space<vmem_shared>> -> memref<64x128xf32, #tpu.memory_space<vmem_shared>>
        %dma_start3A_41 = arith.constant 0 : i32
        %dma_start3A_42 = tpu.memref_slice %arg8[%add3A_39, %dma_start3A_41] : memref<10000x128xf32, #tpu.memory_space<vmem_shared>> -> memref<64x128xf32, #tpu.memory_space<vmem_shared>>
        tpu.enqueue_dma source(%arg7 : memref<64x128xf32, #tpu.memory_space<vmem>>) target(%dma_start3A_42 : memref<64x128xf32, #tpu.memory_space<vmem_shared>>) target_semaphore(%run_scoped3A : memref<!tpu.dma_semaphore, #tpu.memory_space<semaphore_mem>>)
        %dma_wait3A = arith.constant 0 : i32
        %dma_wait3A_43 = tpu.memref_slice %arg8[%add3A_39, %dma_wait3A] : memref<10000x128xf32, #tpu.memory_space<vmem_shared>> -> memref<64x128xf32, #tpu.memory_space<vmem_shared>>
        %dma_wait3A_44 = arith.constant 0 : i32
        %dma_wait3A_45 = tpu.memref_slice %arg8[%add3A_39, %dma_wait3A_44] : memref<10000x128xf32, #tpu.memory_space<vmem_shared>> -> memref<64x128xf32, #tpu.memory_space<vmem_shared>>
        tpu.wait_dma2 semaphore(%run_scoped3A : memref<!tpu.dma_semaphore, #tpu.memory_space<semaphore_mem>>) src(%arg7 : memref<64x128xf32, #tpu.memory_space<vmem>>) dst(%dma_wait3A_45 : memref<64x128xf32, #tpu.memory_space<vmem_shared>>)
        tpu.yield
      }) : () -> ()
    }
    %scan3A_31 = arith.constant 9 : i32
    %add3A = arith.constant 576 : i32
    %add3A_32 = arith.addi %min3A_25, %add3A : i32
    "tpu.region"() ({
      %run_scoped3A = tpu.sem_alloc : memref<!tpu.dma_semaphore, #tpu.memory_space<semaphore_mem>>
      %dma_start3A = arith.constant 0 : i32
      %dma_start3A_36 = arith.constant 0 : i32
      %dma_start3A_37 = tpu.memref_slice %arg7[%dma_start3A, %dma_start3A_36] : memref<64x128xf32, #tpu.memory_space<vmem>> -> memref<56x128xf32, #tpu.memory_space<vmem>>
      %dma_start3A_38 = arith.constant 0 : i32
      %dma_start3A_39 = tpu.memref_slice %arg8[%add3A_32, %dma_start3A_38] : memref<10000x128xf32, #tpu.memory_space<vmem_shared>> -> memref<56x128xf32, #tpu.memory_space<vmem_shared>>
      %dma_start3A_40 = arith.constant 0 : i32
      %dma_start3A_41 = tpu.memref_slice %arg8[%add3A_32, %dma_start3A_40] : memref<10000x128xf32, #tpu.memory_space<vmem_shared>> -> memref<56x128xf32, #tpu.memory_space<vmem_shared>>
      %dma_start3A_42 = arith.constant 0 : i32
      %dma_start3A_43 = arith.constant 0 : i32
      %dma_start3A_44 = tpu.memref_slice %arg7[%dma_start3A_42, %dma_start3A_43] : memref<64x128xf32, #tpu.memory_space<vmem>> -> memref<56x128xf32, #tpu.memory_space<vmem>>
      tpu.enqueue_dma source(%dma_start3A_44 : memref<56x128xf32, #tpu.memory_space<vmem>>) target(%dma_start3A_41 : memref<56x128xf32, #tpu.memory_space<vmem_shared>>) target_semaphore(%run_scoped3A : memref<!tpu.dma_semaphore, #tpu.memory_space<semaphore_mem>>)
      %dma_wait3A = arith.constant 0 : i32
      %dma_wait3A_45 = arith.constant 0 : i32
      %dma_wait3A_46 = tpu.memref_slice %arg7[%dma_wait3A, %dma_wait3A_45] : memref<64x128xf32, #tpu.memory_space<vmem>> -> memref<56x128xf32, #tpu.memory_space<vmem>>
      %dma_wait3A_47 = arith.constant 0 : i32
      %dma_wait3A_48 = tpu.memref_slice %arg8[%add3A_32, %dma_wait3A_47] : memref<10000x128xf32, #tpu.memory_space<vmem_shared>> -> memref<56x128xf32, #tpu.memory_space<vmem_shared>>
      %dma_wait3A_49 = arith.constant 0 : i32
      %dma_wait3A_50 = tpu.memref_slice %arg8[%add3A_32, %dma_wait3A_49] : memref<10000x128xf32, #tpu.memory_space<vmem_shared>> -> memref<56x128xf32, #tpu.memory_space<vmem_shared>>
      %dma_wait3A_51 = arith.constant 0 : i32
      %dma_wait3A_52 = arith.constant 0 : i32
      %dma_wait3A_53 = tpu.memref_slice %arg7[%dma_wait3A_51, %dma_wait3A_52] : memref<64x128xf32, #tpu.memory_space<vmem>> -> memref<56x128xf32, #tpu.memory_space<vmem>>
      tpu.wait_dma2 semaphore(%run_scoped3A : memref<!tpu.dma_semaphore, #tpu.memory_space<semaphore_mem>>) src(%dma_wait3A_53 : memref<56x128xf32, #tpu.memory_space<vmem>>) dst(%dma_wait3A_50 : memref<56x128xf32, #tpu.memory_space<vmem_shared>>)
      tpu.yield
    }) : () -> ()
    %barrier3A = arith.constant 0 : index
    tpu.barrier barrier_id(%barrier3A)
    %eq3A = arith.constant 0 : i32
    %eq3A_33 = arith.cmpi eq, %arg1, %eq3A : i32
    %convert_element_type3A = arith.extui %eq3A_33 : i1 to i32
    %cond3A = arith.constant 0 : i32
    %cond3A_34 = arith.cmpi ne, %convert_element_type3A, %cond3A : i32
    scf.if %cond3A_34 {
      %scan3A_36 = arith.constant 0 : i32
      %scan3A_37 = arith.constant 0 : i32
      %scan3A_38 = arith.constant 1250 : i32
      %scan3A_39 = arith.addi %scan3A_37, %scan3A_38 : i32
      %scan3A_40 = arith.constant 1 : i32
      scf.for %scan3A_42 = %scan3A_37 to %scan3A_39 step %scan3A_40  : i32 {
        %mul3A_43 = arith.constant 160000 : i32
        %mul3A_44 = arith.muli %arg0, %mul3A_43 : i32
        %mul3A_45 = arith.constant 128 : i32
        %mul3A_46 = arith.muli %scan3A_42, %mul3A_45 : i32
        %add3A_47 = arith.addi %mul3A_44, %mul3A_46 : i32
        "tpu.region"() ({
          %run_scoped3A = tpu.sem_alloc : memref<!tpu.dma_semaphore, #tpu.memory_space<semaphore_mem>>
          %dma_start3A = tpu.memref_slice %arg3[%add3A_47] : memref<320000xi32, #tpu.memory_space<hbm>> -> memref<128xi32, #tpu.memory_space<hbm>>
          %dma_start3A_48 = tpu.memref_slice %arg3[%add3A_47] : memref<320000xi32, #tpu.memory_space<hbm>> -> memref<128xi32, #tpu.memory_space<hbm>>
          tpu.enqueue_dma source(%dma_start3A_48 : memref<128xi32, #tpu.memory_space<hbm>>) target(%arg5 : memref<128xi32, #tpu.memory_space<vmem>>) target_semaphore(%run_scoped3A : memref<!tpu.dma_semaphore, #tpu.memory_space<semaphore_mem>>)
          %dma_wait3A = tpu.memref_slice %arg3[%add3A_47] : memref<320000xi32, #tpu.memory_space<hbm>> -> memref<128xi32, #tpu.memory_space<hbm>>
          %dma_wait3A_49 = tpu.memref_slice %arg3[%add3A_47] : memref<320000xi32, #tpu.memory_space<hbm>> -> memref<128xi32, #tpu.memory_space<hbm>>
          tpu.wait_dma2 semaphore(%run_scoped3A : memref<!tpu.dma_semaphore, #tpu.memory_space<semaphore_mem>>) src(%dma_wait3A_49 : memref<128xi32, #tpu.memory_space<hbm>>) dst(%arg5 : memref<128xi32, #tpu.memory_space<vmem>>)
          tpu.yield
        }) : () -> ()
        "tpu.region"() ({
          %run_scoped3A = tpu.sem_alloc : memref<!tpu.dma_semaphore, #tpu.memory_space<semaphore_mem>>
          %dma_start3A = arith.constant 0 : i32
          %dma_start3A_48 = tpu.memref_slice %arg2[%add3A_47, %dma_start3A] : memref<320000x128xf32, #tpu.memory_space<hbm>> -> memref<128x128xf32, #tpu.memory_space<hbm>>
          %dma_start3A_49 = arith.constant 0 : i32
          %dma_start3A_50 = tpu.memref_slice %arg2[%add3A_47, %dma_start3A_49] : memref<320000x128xf32, #tpu.memory_space<hbm>> -> memref<128x128xf32, #tpu.memory_space<hbm>>
          tpu.enqueue_dma source(%dma_start3A_50 : memref<128x128xf32, #tpu.memory_space<hbm>>) target(%arg6 : memref<128x128xf32, #tpu.memory_space<vmem>>) target_semaphore(%run_scoped3A : memref<!tpu.dma_semaphore, #tpu.memory_space<semaphore_mem>>)
          %dma_wait3A = arith.constant 0 : i32
          %dma_wait3A_51 = tpu.memref_slice %arg2[%add3A_47, %dma_wait3A] : memref<320000x128xf32, #tpu.memory_space<hbm>> -> memref<128x128xf32, #tpu.memory_space<hbm>>
          %dma_wait3A_52 = arith.constant 0 : i32
          %dma_wait3A_53 = tpu.memref_slice %arg2[%add3A_47, %dma_wait3A_52] : memref<320000x128xf32, #tpu.memory_space<hbm>> -> memref<128x128xf32, #tpu.memory_space<hbm>>
          tpu.wait_dma2 semaphore(%run_scoped3A : memref<!tpu.dma_semaphore, #tpu.memory_space<semaphore_mem>>) src(%dma_wait3A_53 : memref<128x128xf32, #tpu.memory_space<hbm>>) dst(%arg6 : memref<128x128xf32, #tpu.memory_space<vmem>>)
          tpu.yield
        }) : () -> ()
        "tpu.region"() ({
          %run_scoped3A = tpu.sem_alloc : memref<!tpu.dma_semaphore, #tpu.memory_space<semaphore_mem>>
          %dma_start3A = arith.constant 0 : i32
          %dma_start3A_48 = arith.constant 0 : i32
          %dma_start3A_49 = tpu.memref_slice %arg8[%dma_start3A, %dma_start3A_48] : memref<10000x128xf32, #tpu.memory_space<vmem_shared>> -> memref<10000x128xf32, #tpu.memory_space<vmem_shared>>
          tpu.enqueue_indirect_dma source(%arg6 : memref<128x128xf32, #tpu.memory_space<vmem>>) target(%dma_start3A_49 : memref<10000x128xf32, #tpu.memory_space<vmem_shared>>) offsets(%arg5 : memref<128xi32, #tpu.memory_space<vmem>>) semaphore(%run_scoped3A : memref<!tpu.dma_semaphore, #tpu.memory_space<semaphore_mem>>) {add = true}
          %dma_wait3A = arith.constant 0 : i32
          %dma_wait3A_50 = arith.constant 0 : i32
          %dma_wait3A_51 = tpu.memref_slice %arg8[%dma_wait3A, %dma_wait3A_50] : memref<10000x128xf32, #tpu.memory_space<vmem_shared>> -> memref<10000x128xf32, #tpu.memory_space<vmem_shared>>
          tpu.wait_indirect_dma semaphore(%run_scoped3A : memref<!tpu.dma_semaphore, #tpu.memory_space<semaphore_mem>>) src(%arg6 : memref<128x128xf32, #tpu.memory_space<vmem>>) dst(%dma_wait3A_51 : memref<10000x128xf32, #tpu.memory_space<vmem_shared>>)
          tpu.yield
        }) : () -> ()
      }
      %scan3A_41 = arith.constant 1250 : i32
    } else {
    }
    %barrier3A_35 = arith.constant 0 : index
    tpu.barrier barrier_id(%barrier3A_35)
    "tpu.region"() ({
      %run_scoped3A = tpu.sem_alloc : memref<!tpu.dma_semaphore, #tpu.memory_space<semaphore_mem>>
      %dma_start3A = arith.constant 0 : i32
      %dma_start3A_36 = tpu.memref_slice %arg4[%arg0, %min3A_25, %dma_start3A] : memref<2x10000x128xf32, #tpu.memory_space<hbm>> -> memref<1x632x128xf32, #tpu.memory_space<hbm>>
      %dma_start3A_37 = tpu.memref_squeeze %dma_start3A_36 : memref<1x632x128xf32, #tpu.memory_space<hbm>> -> memref<632x128xf32, #tpu.memory_space<hbm>>
      %dma_start3A_38 = arith.constant 0 : i32
      %dma_start3A_39 = tpu.memref_slice %arg8[%min3A_25, %dma_start3A_38] : memref<10000x128xf32, #tpu.memory_space<vmem_shared>> -> memref<632x128xf32, #tpu.memory_space<vmem_shared>>
      tpu.enqueue_dma source(%dma_start3A_39 : memref<632x128xf32, #tpu.memory_space<vmem_shared>>) target(%dma_start3A_37 : memref<632x128xf32, #tpu.memory_space<hbm>>) target_semaphore(%run_scoped3A : memref<!tpu.dma_semaphore, #tpu.memory_space<semaphore_mem>>)
      %dma_wait3A = arith.constant 0 : i32
      %dma_wait3A_40 = tpu.memref_slice %arg4[%arg0, %min3A_25, %dma_wait3A] : memref<2x10000x128xf32, #tpu.memory_space<hbm>> -> memref<1x632x128xf32, #tpu.memory_space<hbm>>
      %dma_wait3A_41 = tpu.memref_squeeze %dma_wait3A_40 : memref<1x632x128xf32, #tpu.memory_space<hbm>> -> memref<632x128xf32, #tpu.memory_space<hbm>>
      %dma_wait3A_42 = arith.constant 0 : i32
      %dma_wait3A_43 = tpu.memref_slice %arg8[%min3A_25, %dma_wait3A_42] : memref<10000x128xf32, #tpu.memory_space<vmem_shared>> -> memref<632x128xf32, #tpu.memory_space<vmem_shared>>
      tpu.wait_dma2 semaphore(%run_scoped3A : memref<!tpu.dma_semaphore, #tpu.memory_space<semaphore_mem>>) src(%dma_wait3A_43 : memref<632x128xf32, #tpu.memory_space<vmem_shared>>) dst(%dma_wait3A_41 : memref<632x128xf32, #tpu.memory_space<hbm>>)
      tpu.yield
    }) : () -> ()
    return
  }
}

#map = affine_map<(d0, d1) -> (0, 0)>
#map1 = affine_map<(d0, d1) -> (0)>
module attributes {stable_mosaic.version = 14 : i64} {
  func.func @k(%arg0: i32, %arg1: i32, %arg2: memref<10000x256xf32, #tpu.memory_space<hbm>>, %arg3: memref<320000xi32, #tpu.memory_space<hbm>>, %arg4: memref<320000xi32, #tpu.memory_space<hbm>>, %arg5: memref<320000x256xf32, #tpu.memory_space<hbm>>, %arg6: memref<320000x256xf32, #tpu.memory_space<hbm>>, %arg7: memref<128xi32, #tpu.memory_space<vmem>>, %arg8: memref<128xi32, #tpu.memory_space<vmem>>, %arg9: memref<128x256xf32, #tpu.memory_space<vmem>>, %arg10: memref<128x256xf32, #tpu.memory_space<vmem>>, %arg11: memref<!tpu.dma_semaphore, #tpu.memory_space<semaphore_mem>>, %arg12: memref<!tpu.dma_semaphore, #tpu.memory_space<semaphore_mem>>) attributes {dimension_semantics = [#tpu.dimension_semantics<core_parallel>, #tpu.dimension_semantics<subcore_parallel>], iteration_bounds = array<i64: 2, 16>, scalar_prefetch = 0 : i64, scratch_operands = 6 : i64, tpu.core_type = #tpu.core_type<sc_vector_subcore>, window_params = [{transform_indices = #map}, {transform_indices = #map1}, {transform_indices = #map1}, {transform_indices = #map}, {transform_indices = #map}]} {
    %mul3A = arith.constant 2 : i32
    %mul3A_0 = arith.muli %arg1, %mul3A : i32
    %add3A = arith.addi %mul3A_0, %arg0 : i32
    %scan3A = arith.constant 0 : i32
    %scan3A_1 = arith.constant 0 : i32
    %scan3A_2 = arith.constant 79 : i32
    %scan3A_3 = arith.addi %scan3A_1, %scan3A_2 : i32
    %scan3A_4 = arith.constant 1 : i32
    scf.for %scan3A_6 = %scan3A_1 to %scan3A_3 step %scan3A_4  : i32 {
      %mul3A_7 = arith.constant 32 : i32
      %mul3A_8 = arith.muli %mul3A_7, %scan3A_6 : i32
      %add3A_9 = arith.addi %add3A, %mul3A_8 : i32
      %lt3A = arith.constant 2500 : i32
      %lt3A_10 = arith.cmpi slt, %add3A_9, %lt3A : i32
      %convert_element_type3A = arith.extui %lt3A_10 : i1 to i32
      %cond3A = arith.constant 0 : i32
      %cond3A_11 = arith.cmpi ne, %convert_element_type3A, %cond3A : i32
      scf.if %cond3A_11 {
        %mul3A_12 = arith.constant 128 : i32
        %mul3A_13 = arith.muli %add3A_9, %mul3A_12 : i32
        "tpu.region"() ({
          %run_scoped3A = tpu.sem_alloc : memref<!tpu.dma_semaphore, #tpu.memory_space<semaphore_mem>>
          %dma_start3A_24 = tpu.memref_slice %arg3[%mul3A_13] : memref<320000xi32, #tpu.memory_space<hbm>> -> memref<128xi32, #tpu.memory_space<hbm>>
          %dma_start3A_25 = tpu.memref_slice %arg3[%mul3A_13] : memref<320000xi32, #tpu.memory_space<hbm>> -> memref<128xi32, #tpu.memory_space<hbm>>
          tpu.enqueue_dma source(%dma_start3A_25 : memref<128xi32, #tpu.memory_space<hbm>>) target(%arg7 : memref<128xi32, #tpu.memory_space<vmem>>) target_semaphore(%run_scoped3A : memref<!tpu.dma_semaphore, #tpu.memory_space<semaphore_mem>>)
          %dma_wait3A_26 = tpu.memref_slice %arg3[%mul3A_13] : memref<320000xi32, #tpu.memory_space<hbm>> -> memref<128xi32, #tpu.memory_space<hbm>>
          %dma_wait3A_27 = tpu.memref_slice %arg3[%mul3A_13] : memref<320000xi32, #tpu.memory_space<hbm>> -> memref<128xi32, #tpu.memory_space<hbm>>
          tpu.wait_dma2 semaphore(%run_scoped3A : memref<!tpu.dma_semaphore, #tpu.memory_space<semaphore_mem>>) src(%dma_wait3A_27 : memref<128xi32, #tpu.memory_space<hbm>>) dst(%arg7 : memref<128xi32, #tpu.memory_space<vmem>>)
          tpu.yield
        }) : () -> ()
        "tpu.region"() ({
          %run_scoped3A = tpu.sem_alloc : memref<!tpu.dma_semaphore, #tpu.memory_space<semaphore_mem>>
          %dma_start3A_24 = tpu.memref_slice %arg4[%mul3A_13] : memref<320000xi32, #tpu.memory_space<hbm>> -> memref<128xi32, #tpu.memory_space<hbm>>
          %dma_start3A_25 = tpu.memref_slice %arg4[%mul3A_13] : memref<320000xi32, #tpu.memory_space<hbm>> -> memref<128xi32, #tpu.memory_space<hbm>>
          tpu.enqueue_dma source(%dma_start3A_25 : memref<128xi32, #tpu.memory_space<hbm>>) target(%arg8 : memref<128xi32, #tpu.memory_space<vmem>>) target_semaphore(%run_scoped3A : memref<!tpu.dma_semaphore, #tpu.memory_space<semaphore_mem>>)
          %dma_wait3A_26 = tpu.memref_slice %arg4[%mul3A_13] : memref<320000xi32, #tpu.memory_space<hbm>> -> memref<128xi32, #tpu.memory_space<hbm>>
          %dma_wait3A_27 = tpu.memref_slice %arg4[%mul3A_13] : memref<320000xi32, #tpu.memory_space<hbm>> -> memref<128xi32, #tpu.memory_space<hbm>>
          tpu.wait_dma2 semaphore(%run_scoped3A : memref<!tpu.dma_semaphore, #tpu.memory_space<semaphore_mem>>) src(%dma_wait3A_27 : memref<128xi32, #tpu.memory_space<hbm>>) dst(%arg8 : memref<128xi32, #tpu.memory_space<vmem>>)
          tpu.yield
        }) : () -> ()
        %dma_start3A = arith.constant 0 : i32
        %dma_start3A_14 = arith.constant 0 : i32
        %dma_start3A_15 = tpu.memref_slice %arg2[%dma_start3A, %dma_start3A_14] : memref<10000x256xf32, #tpu.memory_space<hbm>> -> memref<10000x256xf32, #tpu.memory_space<hbm>>
        tpu.enqueue_indirect_dma source(%dma_start3A_15 : memref<10000x256xf32, #tpu.memory_space<hbm>>) target(%arg9 : memref<128x256xf32, #tpu.memory_space<vmem>>) offsets(%arg7 : memref<128xi32, #tpu.memory_space<vmem>>) semaphore(%arg11 : memref<!tpu.dma_semaphore, #tpu.memory_space<semaphore_mem>>)
        %dma_start3A_16 = arith.constant 0 : i32
        %dma_start3A_17 = arith.constant 0 : i32
        %dma_start3A_18 = tpu.memref_slice %arg2[%dma_start3A_16, %dma_start3A_17] : memref<10000x256xf32, #tpu.memory_space<hbm>> -> memref<10000x256xf32, #tpu.memory_space<hbm>>
        tpu.enqueue_indirect_dma source(%dma_start3A_18 : memref<10000x256xf32, #tpu.memory_space<hbm>>) target(%arg10 : memref<128x256xf32, #tpu.memory_space<vmem>>) offsets(%arg8 : memref<128xi32, #tpu.memory_space<vmem>>) semaphore(%arg12 : memref<!tpu.dma_semaphore, #tpu.memory_space<semaphore_mem>>)
        %dma_wait3A = arith.constant 0 : i32
        %dma_wait3A_19 = arith.constant 0 : i32
        %dma_wait3A_20 = tpu.memref_slice %arg2[%dma_wait3A, %dma_wait3A_19] : memref<10000x256xf32, #tpu.memory_space<hbm>> -> memref<10000x256xf32, #tpu.memory_space<hbm>>
        tpu.wait_indirect_dma semaphore(%arg11 : memref<!tpu.dma_semaphore, #tpu.memory_space<semaphore_mem>>) src(%dma_wait3A_20 : memref<10000x256xf32, #tpu.memory_space<hbm>>) dst(%arg9 : memref<128x256xf32, #tpu.memory_space<vmem>>)
        %dma_wait3A_21 = arith.constant 0 : i32
        %dma_wait3A_22 = arith.constant 0 : i32
        %dma_wait3A_23 = tpu.memref_slice %arg2[%dma_wait3A_21, %dma_wait3A_22] : memref<10000x256xf32, #tpu.memory_space<hbm>> -> memref<10000x256xf32, #tpu.memory_space<hbm>>
        tpu.wait_indirect_dma semaphore(%arg12 : memref<!tpu.dma_semaphore, #tpu.memory_space<semaphore_mem>>) src(%dma_wait3A_23 : memref<10000x256xf32, #tpu.memory_space<hbm>>) dst(%arg10 : memref<128x256xf32, #tpu.memory_space<vmem>>)
        "tpu.region"() ({
          %run_scoped3A = tpu.sem_alloc : memref<!tpu.dma_semaphore, #tpu.memory_space<semaphore_mem>>
          %dma_start3A_24 = arith.constant 0 : i32
          %dma_start3A_25 = tpu.memref_slice %arg5[%mul3A_13, %dma_start3A_24] : memref<320000x256xf32, #tpu.memory_space<hbm>> -> memref<128x256xf32, #tpu.memory_space<hbm>>
          %dma_start3A_26 = arith.constant 0 : i32
          %dma_start3A_27 = tpu.memref_slice %arg5[%mul3A_13, %dma_start3A_26] : memref<320000x256xf32, #tpu.memory_space<hbm>> -> memref<128x256xf32, #tpu.memory_space<hbm>>
          tpu.enqueue_dma source(%arg9 : memref<128x256xf32, #tpu.memory_space<vmem>>) target(%dma_start3A_27 : memref<128x256xf32, #tpu.memory_space<hbm>>) target_semaphore(%run_scoped3A : memref<!tpu.dma_semaphore, #tpu.memory_space<semaphore_mem>>)
          %dma_wait3A_28 = arith.constant 0 : i32
          %dma_wait3A_29 = tpu.memref_slice %arg5[%mul3A_13, %dma_wait3A_28] : memref<320000x256xf32, #tpu.memory_space<hbm>> -> memref<128x256xf32, #tpu.memory_space<hbm>>
          %dma_wait3A_30 = arith.constant 0 : i32
          %dma_wait3A_31 = tpu.memref_slice %arg5[%mul3A_13, %dma_wait3A_30] : memref<320000x256xf32, #tpu.memory_space<hbm>> -> memref<128x256xf32, #tpu.memory_space<hbm>>
          tpu.wait_dma2 semaphore(%run_scoped3A : memref<!tpu.dma_semaphore, #tpu.memory_space<semaphore_mem>>) src(%arg9 : memref<128x256xf32, #tpu.memory_space<vmem>>) dst(%dma_wait3A_31 : memref<128x256xf32, #tpu.memory_space<hbm>>)
          tpu.yield
        }) : () -> ()
        "tpu.region"() ({
          %run_scoped3A = tpu.sem_alloc : memref<!tpu.dma_semaphore, #tpu.memory_space<semaphore_mem>>
          %dma_start3A_24 = arith.constant 0 : i32
          %dma_start3A_25 = tpu.memref_slice %arg6[%mul3A_13, %dma_start3A_24] : memref<320000x256xf32, #tpu.memory_space<hbm>> -> memref<128x256xf32, #tpu.memory_space<hbm>>
          %dma_start3A_26 = arith.constant 0 : i32
          %dma_start3A_27 = tpu.memref_slice %arg6[%mul3A_13, %dma_start3A_26] : memref<320000x256xf32, #tpu.memory_space<hbm>> -> memref<128x256xf32, #tpu.memory_space<hbm>>
          tpu.enqueue_dma source(%arg10 : memref<128x256xf32, #tpu.memory_space<vmem>>) target(%dma_start3A_27 : memref<128x256xf32, #tpu.memory_space<hbm>>) target_semaphore(%run_scoped3A : memref<!tpu.dma_semaphore, #tpu.memory_space<semaphore_mem>>)
          %dma_wait3A_28 = arith.constant 0 : i32
          %dma_wait3A_29 = tpu.memref_slice %arg6[%mul3A_13, %dma_wait3A_28] : memref<320000x256xf32, #tpu.memory_space<hbm>> -> memref<128x256xf32, #tpu.memory_space<hbm>>
          %dma_wait3A_30 = arith.constant 0 : i32
          %dma_wait3A_31 = tpu.memref_slice %arg6[%mul3A_13, %dma_wait3A_30] : memref<320000x256xf32, #tpu.memory_space<hbm>> -> memref<128x256xf32, #tpu.memory_space<hbm>>
          tpu.wait_dma2 semaphore(%run_scoped3A : memref<!tpu.dma_semaphore, #tpu.memory_space<semaphore_mem>>) src(%arg10 : memref<128x256xf32, #tpu.memory_space<vmem>>) dst(%dma_wait3A_31 : memref<128x256xf32, #tpu.memory_space<hbm>>)
          tpu.yield
        }) : () -> ()
      } else {
      }
    }
    %scan3A_5 = arith.constant 79 : i32
    return
  }
}

#map = affine_map<(d0, d1) -> (0, 0)>
#map1 = affine_map<(d0, d1) -> (0)>
#map2 = affine_map<(d0, d1) -> (0, 0, 0)>
module attributes {stable_mosaic.version = 14 : i64} {
  func.func @k(%arg0: i32, %arg1: i32, %arg2: memref<320000x128xf32, #tpu.memory_space<hbm>>, %arg3: memref<320000xi32, #tpu.memory_space<hbm>>, %arg4: memref<2x10000x128xf32, #tpu.memory_space<hbm>>, %arg5: memref<128xi32, #tpu.memory_space<vmem>>, %arg6: memref<128x128xf32, #tpu.memory_space<vmem>>, %arg7: memref<64x128xf32, #tpu.memory_space<vmem>>, %arg8: memref<10000x128xf32, #tpu.memory_space<vmem_shared>>, %arg9: memref<!tpu.dma_semaphore, #tpu.memory_space<semaphore_mem>>) attributes {dimension_semantics = [#tpu.dimension_semantics<core_parallel>, #tpu.dimension_semantics<subcore_parallel>], iteration_bounds = array<i64: 2, 16>, scalar_prefetch = 0 : i64, scratch_operands = 5 : i64, tpu.core_type = #tpu.core_type<sc_vector_subcore>, window_params = [{transform_indices = #map}, {transform_indices = #map1}, {transform_indices = #map2}]} {
    %broadcast_in_dim3A = arith.constant 0.000000e+00 : f32
    %broadcast_in_dim3A_0 = vector.broadcast %broadcast_in_dim3A : f32 to vector<16xf32>
    %scan3A = arith.constant 0 : i32
    %scan3A_1 = arith.constant 0 : i32
    %scan3A_2 = arith.constant 512 : i32
    %scan3A_3 = arith.addi %scan3A_1, %scan3A_2 : i32
    %scan3A_4 = arith.constant 1 : i32
    scf.for %scan3A_36 = %scan3A_1 to %scan3A_3 step %scan3A_4  : i32 {
      %jit3A_37 = arith.constant 8 : i32
      %div3A_38 = arith.divsi %scan3A_36, %jit3A_37 : i32
      %sign3A_39 = arith.constant 0 : i32
      %sign3A_40 = arith.cmpi sgt, %scan3A_36, %sign3A_39 : i32
      %sign3A_41 = arith.extui %sign3A_40 : i1 to i32
      %sign3A_42 = arith.constant 0 : i32
      %sign3A_43 = arith.cmpi slt, %scan3A_36, %sign3A_42 : i32
      %sign3A_44 = arith.extui %sign3A_43 : i1 to i32
      %sign3A_45 = arith.subi %sign3A_41, %sign3A_44 : i32
      %sign3A_46 = arith.constant 0 : i32
      %sign3A_47 = arith.cmpi sgt, %jit3A_37, %sign3A_46 : i32
      %sign3A_48 = arith.extui %sign3A_47 : i1 to i32
      %sign3A_49 = arith.constant 0 : i32
      %sign3A_50 = arith.cmpi slt, %jit3A_37, %sign3A_49 : i32
      %sign3A_51 = arith.extui %sign3A_50 : i1 to i32
      %sign3A_52 = arith.subi %sign3A_48, %sign3A_51 : i32
      %ne3A_53 = arith.cmpi ne, %sign3A_45, %sign3A_52 : i32
      %rem3A_54 = arith.remsi %scan3A_36, %jit3A_37 : i32
      %ne3A_55 = arith.constant 0 : i32
      %ne3A_56 = arith.cmpi ne, %rem3A_54, %ne3A_55 : i32
      %and3A_57 = arith.andi %ne3A_53, %ne3A_56 : i1
      %sub3A_58 = arith.constant 1 : i32
      %sub3A_59 = arith.subi %div3A_38, %sub3A_58 : i32
      %select_n3A_60 = arith.select %and3A_57, %sub3A_59, %div3A_38 : i32
      %jit3A_61 = arith.constant 8 : i32
      %eq3A_62 = arith.constant 0 : i32
      %eq3A_63 = arith.cmpi eq, %jit3A_61, %eq3A_62 : i32
      %jit3A_64 = arith.constant 1 : i32
      %select_n3A_65 = arith.select %eq3A_63, %jit3A_64, %jit3A_61 : i32
      %rem3A_66 = arith.remsi %scan3A_36, %select_n3A_65 : i32
      %ne3A_67 = arith.constant 0 : i32
      %ne3A_68 = arith.cmpi ne, %rem3A_66, %ne3A_67 : i32
      %lt3A = arith.constant 0 : i32
      %lt3A_69 = arith.cmpi slt, %rem3A_66, %lt3A : i32
      %lt3A_70 = arith.constant 0 : i32
      %lt3A_71 = arith.cmpi slt, %select_n3A_65, %lt3A_70 : i32
      %ne3A_72 = arith.xori %lt3A_69, %lt3A_71 : i1
      %and3A_73 = arith.andi %ne3A_72, %ne3A_68 : i1
      %add3A_74 = arith.addi %rem3A_66, %select_n3A_65 : i32
      %select_n3A_75 = arith.select %and3A_73, %add3A_74, %rem3A_66 : i32
      %mul3A_76 = arith.constant 16 : i32
      %mul3A_77 = arith.muli %select_n3A_75, %mul3A_76 : i32
      %swap3A = arith.index_cast %select_n3A_60 : i32 to index
      %swap3A_78 = arith.index_cast %mul3A_77 : i32 to index
      %swap3A_79 = tpu.vector_load %arg7[%swap3A, %swap3A_78] {strides = array<i32>} : memref<64x128xf32, #tpu.memory_space<vmem>>, vector<1x16xf32>,
      %swap3A_80 = vector.shape_cast %swap3A_79 : vector<1x16xf32> to vector<16xf32>
      %swap3A_81 = vector.shape_cast %broadcast_in_dim3A_0 : vector<16xf32> to vector<1x16xf32>
      tpu.vector_store %arg7[%swap3A, %swap3A_78], %swap3A_81 {strides = array<i32>} : memref<64x128xf32, #tpu.memory_space<vmem>>, vector<1x16xf32>,
    }
    %scan3A_5 = arith.constant 512 : i32
    %mul3A = arith.constant 625 : i32
    %mul3A_6 = arith.muli %arg1, %mul3A : i32
    %jit3A = arith.constant 8 : i32
    %div3A = arith.divsi %mul3A_6, %jit3A : i32
    %sign3A = arith.constant 0 : i32
    %sign3A_7 = arith.cmpi sgt, %mul3A_6, %sign3A : i32
    %sign3A_8 = arith.extui %sign3A_7 : i1 to i32
    %sign3A_9 = arith.constant 0 : i32
    %sign3A_10 = arith.cmpi slt, %mul3A_6, %sign3A_9 : i32
    %sign3A_11 = arith.extui %sign3A_10 : i1 to i32
    %sign3A_12 = arith.subi %sign3A_8, %sign3A_11 : i32
    %sign3A_13 = arith.constant 0 : i32
    %sign3A_14 = arith.cmpi sgt, %jit3A, %sign3A_13 : i32
    %sign3A_15 = arith.extui %sign3A_14 : i1 to i32
    %sign3A_16 = arith.constant 0 : i32
    %sign3A_17 = arith.cmpi slt, %jit3A, %sign3A_16 : i32
    %sign3A_18 = arith.extui %sign3A_17 : i1 to i32
    %sign3A_19 = arith.subi %sign3A_15, %sign3A_18 : i32
    %ne3A = arith.cmpi ne, %sign3A_12, %sign3A_19 : i32
    %rem3A = arith.remsi %mul3A_6, %jit3A : i32
    %ne3A_20 = arith.constant 0 : i32
    %ne3A_21 = arith.cmpi ne, %rem3A, %ne3A_20 : i32
    %and3A = arith.andi %ne3A, %ne3A_21 : i1
    %sub3A = arith.constant 1 : i32
    %sub3A_22 = arith.subi %div3A, %sub3A : i32
    %select_n3A = arith.select %and3A, %sub3A_22, %div3A : i32
    %mul3A_23 = arith.constant 8 : i32
    %mul3A_24 = arith.muli %select_n3A, %mul3A_23 : i32
    %min3A = arith.constant 9368 : i32
    %min3A_25 = arith.minsi %mul3A_24, %min3A : i32
    %scan3A_26 = arith.constant 0 : i32
    %scan3A_27 = arith.constant 0 : i32
    %scan3A_28 = arith.constant 9 : i32
    %scan3A_29 = arith.addi %scan3A_27, %scan3A_28 : i32
    %scan3A_30 = arith.constant 1 : i32
    scf.for %scan3A_36 = %scan3A_27 to %scan3A_29 step %scan3A_30  : i32 {
      %mul3A_37 = arith.constant 64 : i32
      %mul3A_38 = arith.muli %scan3A_36, %mul3A_37 : i32
      %add3A_39 = arith.addi %min3A_25, %mul3A_38 : i32
      "tpu.region"() ({
        %run_scoped3A = tpu.sem_alloc : memref<!tpu.dma_semaphore, #tpu.memory_space<semaphore_mem>>
        %dma_start3A = arith.constant 0 : i32
        %dma_start3A_40 = tpu.memref_slice %arg8[%add3A_39, %dma_start3A] : memref<10000x128xf32, #tpu.memory_space<vmem_shared>> -> memref<64x128xf32, #tpu.memory_space<vmem_shared>>
        %dma_start3A_41 = arith.constant 0 : i32
        %dma_start3A_42 = tpu.memref_slice %arg8[%add3A_39, %dma_start3A_41] : memref<10000x128xf32, #tpu.memory_space<vmem_shared>> -> memref<64x128xf32, #tpu.memory_space<vmem_shared>>
        tpu.enqueue_dma source(%arg7 : memref<64x128xf32, #tpu.memory_space<vmem>>) target(%dma_start3A_42 : memref<64x128xf32, #tpu.memory_space<vmem_shared>>) target_semaphore(%run_scoped3A : memref<!tpu.dma_semaphore, #tpu.memory_space<semaphore_mem>>)
        %dma_wait3A = arith.constant 0 : i32
        %dma_wait3A_43 = tpu.memref_slice %arg8[%add3A_39, %dma_wait3A] : memref<10000x128xf32, #tpu.memory_space<vmem_shared>> -> memref<64x128xf32, #tpu.memory_space<vmem_shared>>
        %dma_wait3A_44 = arith.constant 0 : i32
        %dma_wait3A_45 = tpu.memref_slice %arg8[%add3A_39, %dma_wait3A_44] : memref<10000x128xf32, #tpu.memory_space<vmem_shared>> -> memref<64x128xf32, #tpu.memory_space<vmem_shared>>
        tpu.wait_dma2 semaphore(%run_scoped3A : memref<!tpu.dma_semaphore, #tpu.memory_space<semaphore_mem>>) src(%arg7 : memref<64x128xf32, #tpu.memory_space<vmem>>) dst(%dma_wait3A_45 : memref<64x128xf32, #tpu.memory_space<vmem_shared>>)
        tpu.yield
      }) : () -> ()
    }
    %scan3A_31 = arith.constant 9 : i32
    %add3A = arith.constant 576 : i32
    %add3A_32 = arith.addi %min3A_25, %add3A : i32
    "tpu.region"() ({
      %run_scoped3A = tpu.sem_alloc : memref<!tpu.dma_semaphore, #tpu.memory_space<semaphore_mem>>
      %dma_start3A = arith.constant 0 : i32
      %dma_start3A_36 = arith.constant 0 : i32
      %dma_start3A_37 = tpu.memref_slice %arg7[%dma_start3A, %dma_start3A_36] : memref<64x128xf32, #tpu.memory_space<vmem>> -> memref<56x128xf32, #tpu.memory_space<vmem>>
      %dma_start3A_38 = arith.constant 0 : i32
      %dma_start3A_39 = tpu.memref_slice %arg8[%add3A_32, %dma_start3A_38] : memref<10000x128xf32, #tpu.memory_space<vmem_shared>> -> memref<56x128xf32, #tpu.memory_space<vmem_shared>>
      %dma_start3A_40 = arith.constant 0 : i32
      %dma_start3A_41 = tpu.memref_slice %arg8[%add3A_32, %dma_start3A_40] : memref<10000x128xf32, #tpu.memory_space<vmem_shared>> -> memref<56x128xf32, #tpu.memory_space<vmem_shared>>
      %dma_start3A_42 = arith.constant 0 : i32
      %dma_start3A_43 = arith.constant 0 : i32
      %dma_start3A_44 = tpu.memref_slice %arg7[%dma_start3A_42, %dma_start3A_43] : memref<64x128xf32, #tpu.memory_space<vmem>> -> memref<56x128xf32, #tpu.memory_space<vmem>>
      tpu.enqueue_dma source(%dma_start3A_44 : memref<56x128xf32, #tpu.memory_space<vmem>>) target(%dma_start3A_41 : memref<56x128xf32, #tpu.memory_space<vmem_shared>>) target_semaphore(%run_scoped3A : memref<!tpu.dma_semaphore, #tpu.memory_space<semaphore_mem>>)
      %dma_wait3A = arith.constant 0 : i32
      %dma_wait3A_45 = arith.constant 0 : i32
      %dma_wait3A_46 = tpu.memref_slice %arg7[%dma_wait3A, %dma_wait3A_45] : memref<64x128xf32, #tpu.memory_space<vmem>> -> memref<56x128xf32, #tpu.memory_space<vmem>>
      %dma_wait3A_47 = arith.constant 0 : i32
      %dma_wait3A_48 = tpu.memref_slice %arg8[%add3A_32, %dma_wait3A_47] : memref<10000x128xf32, #tpu.memory_space<vmem_shared>> -> memref<56x128xf32, #tpu.memory_space<vmem_shared>>
      %dma_wait3A_49 = arith.constant 0 : i32
      %dma_wait3A_50 = tpu.memref_slice %arg8[%add3A_32, %dma_wait3A_49] : memref<10000x128xf32, #tpu.memory_space<vmem_shared>> -> memref<56x128xf32, #tpu.memory_space<vmem_shared>>
      %dma_wait3A_51 = arith.constant 0 : i32
      %dma_wait3A_52 = arith.constant 0 : i32
      %dma_wait3A_53 = tpu.memref_slice %arg7[%dma_wait3A_51, %dma_wait3A_52] : memref<64x128xf32, #tpu.memory_space<vmem>> -> memref<56x128xf32, #tpu.memory_space<vmem>>
      tpu.wait_dma2 semaphore(%run_scoped3A : memref<!tpu.dma_semaphore, #tpu.memory_space<semaphore_mem>>) src(%dma_wait3A_53 : memref<56x128xf32, #tpu.memory_space<vmem>>) dst(%dma_wait3A_50 : memref<56x128xf32, #tpu.memory_space<vmem_shared>>)
      tpu.yield
    }) : () -> ()
    %barrier3A = arith.constant 0 : index
    tpu.barrier barrier_id(%barrier3A)
    %eq3A = arith.constant 0 : i32
    %eq3A_33 = arith.cmpi eq, %arg1, %eq3A : i32
    %convert_element_type3A = arith.extui %eq3A_33 : i1 to i32
    %cond3A = arith.constant 0 : i32
    %cond3A_34 = arith.cmpi ne, %convert_element_type3A, %cond3A : i32
    scf.if %cond3A_34 {
      %scan3A_36 = arith.constant 0 : i32
      %scan3A_37 = arith.constant 0 : i32
      %scan3A_38 = arith.constant 1250 : i32
      %scan3A_39 = arith.addi %scan3A_37, %scan3A_38 : i32
      %scan3A_40 = arith.constant 1 : i32
      scf.for %scan3A_42 = %scan3A_37 to %scan3A_39 step %scan3A_40  : i32 {
        %mul3A_43 = arith.constant 160000 : i32
        %mul3A_44 = arith.muli %arg0, %mul3A_43 : i32
        %mul3A_45 = arith.constant 128 : i32
        %mul3A_46 = arith.muli %scan3A_42, %mul3A_45 : i32
        %add3A_47 = arith.addi %mul3A_44, %mul3A_46 : i32
        "tpu.region"() ({
          %run_scoped3A = tpu.sem_alloc : memref<!tpu.dma_semaphore, #tpu.memory_space<semaphore_mem>>
          %dma_start3A = tpu.memref_slice %arg3[%add3A_47] : memref<320000xi32, #tpu.memory_space<hbm>> -> memref<128xi32, #tpu.memory_space<hbm>>
          %dma_start3A_48 = tpu.memref_slice %arg3[%add3A_47] : memref<320000xi32, #tpu.memory_space<hbm>> -> memref<128xi32, #tpu.memory_space<hbm>>
          tpu.enqueue_dma source(%dma_start3A_48 : memref<128xi32, #tpu.memory_space<hbm>>) target(%arg5 : memref<128xi32, #tpu.memory_space<vmem>>) target_semaphore(%run_scoped3A : memref<!tpu.dma_semaphore, #tpu.memory_space<semaphore_mem>>)
          %dma_wait3A = tpu.memref_slice %arg3[%add3A_47] : memref<320000xi32, #tpu.memory_space<hbm>> -> memref<128xi32, #tpu.memory_space<hbm>>
          %dma_wait3A_49 = tpu.memref_slice %arg3[%add3A_47] : memref<320000xi32, #tpu.memory_space<hbm>> -> memref<128xi32, #tpu.memory_space<hbm>>
          tpu.wait_dma2 semaphore(%run_scoped3A : memref<!tpu.dma_semaphore, #tpu.memory_space<semaphore_mem>>) src(%dma_wait3A_49 : memref<128xi32, #tpu.memory_space<hbm>>) dst(%arg5 : memref<128xi32, #tpu.memory_space<vmem>>)
          tpu.yield
        }) : () -> ()
        "tpu.region"() ({
          %run_scoped3A = tpu.sem_alloc : memref<!tpu.dma_semaphore, #tpu.memory_space<semaphore_mem>>
          %dma_start3A = arith.constant 0 : i32
          %dma_start3A_48 = tpu.memref_slice %arg2[%add3A_47, %dma_start3A] : memref<320000x128xf32, #tpu.memory_space<hbm>> -> memref<128x128xf32, #tpu.memory_space<hbm>>
          %dma_start3A_49 = arith.constant 0 : i32
          %dma_start3A_50 = tpu.memref_slice %arg2[%add3A_47, %dma_start3A_49] : memref<320000x128xf32, #tpu.memory_space<hbm>> -> memref<128x128xf32, #tpu.memory_space<hbm>>
          tpu.enqueue_dma source(%dma_start3A_50 : memref<128x128xf32, #tpu.memory_space<hbm>>) target(%arg6 : memref<128x128xf32, #tpu.memory_space<vmem>>) target_semaphore(%run_scoped3A : memref<!tpu.dma_semaphore, #tpu.memory_space<semaphore_mem>>)
          %dma_wait3A = arith.constant 0 : i32
          %dma_wait3A_51 = tpu.memref_slice %arg2[%add3A_47, %dma_wait3A] : memref<320000x128xf32, #tpu.memory_space<hbm>> -> memref<128x128xf32, #tpu.memory_space<hbm>>
          %dma_wait3A_52 = arith.constant 0 : i32
          %dma_wait3A_53 = tpu.memref_slice %arg2[%add3A_47, %dma_wait3A_52] : memref<320000x128xf32, #tpu.memory_space<hbm>> -> memref<128x128xf32, #tpu.memory_space<hbm>>
          tpu.wait_dma2 semaphore(%run_scoped3A : memref<!tpu.dma_semaphore, #tpu.memory_space<semaphore_mem>>) src(%dma_wait3A_53 : memref<128x128xf32, #tpu.memory_space<hbm>>) dst(%arg6 : memref<128x128xf32, #tpu.memory_space<vmem>>)
          tpu.yield
        }) : () -> ()
        "tpu.region"() ({
          %run_scoped3A = tpu.sem_alloc : memref<!tpu.dma_semaphore, #tpu.memory_space<semaphore_mem>>
          %dma_start3A = arith.constant 0 : i32
          %dma_start3A_48 = arith.constant 0 : i32
          %dma_start3A_49 = tpu.memref_slice %arg8[%dma_start3A, %dma_start3A_48] : memref<10000x128xf32, #tpu.memory_space<vmem_shared>> -> memref<10000x128xf32, #tpu.memory_space<vmem_shared>>
          tpu.enqueue_indirect_dma source(%arg6 : memref<128x128xf32, #tpu.memory_space<vmem>>) target(%dma_start3A_49 : memref<10000x128xf32, #tpu.memory_space<vmem_shared>>) offsets(%arg5 : memref<128xi32, #tpu.memory_space<vmem>>) semaphore(%run_scoped3A : memref<!tpu.dma_semaphore, #tpu.memory_space<semaphore_mem>>) {add = true}
          %dma_wait3A = arith.constant 0 : i32
          %dma_wait3A_50 = arith.constant 0 : i32
          %dma_wait3A_51 = tpu.memref_slice %arg8[%dma_wait3A, %dma_wait3A_50] : memref<10000x128xf32, #tpu.memory_space<vmem_shared>> -> memref<10000x128xf32, #tpu.memory_space<vmem_shared>>
          tpu.wait_indirect_dma semaphore(%run_scoped3A : memref<!tpu.dma_semaphore, #tpu.memory_space<semaphore_mem>>) src(%arg6 : memref<128x128xf32, #tpu.memory_space<vmem>>) dst(%dma_wait3A_51 : memref<10000x128xf32, #tpu.memory_space<vmem_shared>>)
          tpu.yield
        }) : () -> ()
      }
      %scan3A_41 = arith.constant 1250 : i32
    } else {
    }
    %barrier3A_35 = arith.constant 0 : index
    tpu.barrier barrier_id(%barrier3A_35)
    "tpu.region"() ({
      %run_scoped3A = tpu.sem_alloc : memref<!tpu.dma_semaphore, #tpu.memory_space<semaphore_mem>>
      %dma_start3A = arith.constant 0 : i32
      %dma_start3A_36 = tpu.memref_slice %arg4[%arg0, %min3A_25, %dma_start3A] : memref<2x10000x128xf32, #tpu.memory_space<hbm>> -> memref<1x632x128xf32, #tpu.memory_space<hbm>>
      %dma_start3A_37 = tpu.memref_squeeze %dma_start3A_36 : memref<1x632x128xf32, #tpu.memory_space<hbm>> -> memref<632x128xf32, #tpu.memory_space<hbm>>
      %dma_start3A_38 = arith.constant 0 : i32
      %dma_start3A_39 = tpu.memref_slice %arg8[%min3A_25, %dma_start3A_38] : memref<10000x128xf32, #tpu.memory_space<vmem_shared>> -> memref<632x128xf32, #tpu.memory_space<vmem_shared>>
      tpu.enqueue_dma source(%dma_start3A_39 : memref<632x128xf32, #tpu.memory_space<vmem_shared>>) target(%dma_start3A_37 : memref<632x128xf32, #tpu.memory_space<hbm>>) target_semaphore(%run_scoped3A : memref<!tpu.dma_semaphore, #tpu.memory_space<semaphore_mem>>)
      %dma_wait3A = arith.constant 0 : i32
      %dma_wait3A_40 = tpu.memref_slice %arg4[%arg0, %min3A_25, %dma_wait3A] : memref<2x10000x128xf32, #tpu.memory_space<hbm>> -> memref<1x632x128xf32, #tpu.memory_space<hbm>>
      %dma_wait3A_41 = tpu.memref_squeeze %dma_wait3A_40 : memref<1x632x128xf32, #tpu.memory_space<hbm>> -> memref<632x128xf32, #tpu.memory_space<hbm>>
      %dma_wait3A_42 = arith.constant 0 : i32
      %dma_wait3A_43 = tpu.memref_slice %arg8[%min3A_25, %dma_wait3A_42] : memref<10000x128xf32, #tpu.memory_space<vmem_shared>> -> memref<632x128xf32, #tpu.memory_space<vmem_shared>>
      tpu.wait_dma2 semaphore(%run_scoped3A : memref<!tpu.dma_semaphore, #tpu.memory_space<semaphore_mem>>) src(%dma_wait3A_43 : memref<632x128xf32, #tpu.memory_space<vmem_shared>>) dst(%dma_wait3A_41 : memref<632x128xf32, #tpu.memory_space<hbm>>)
      tpu.yield
    }) : () -> ()
    return
  }
}

module attributes {stable_mosaic.version = 14 : i64} {
  func.func @body(%arg0: i32, %arg1: memref<2000x128xf32, #tpu.memory_space<vmem>>, %arg2: memref<128x128xf32, #tpu.memory_space<vmem>>, %arg3: memref<1x128xf32, #tpu.memory_space<vmem>>, %arg4: memref<2000x128xf32, #tpu.memory_space<vmem>>) attributes {dimension_semantics = [#tpu.dimension_semantics<arbitrary>], iteration_bounds = array<i64: 5>, scalar_prefetch = 0 : i64, scratch_operands = 0 : i64, tpu.core_type = #tpu.core_type<tc>, window_params = [{transform_indices = @transform_0, window_bounds = array<i64: 2000, 128>}, {pipeline_mode = #tpu.pipeline_mode<synchronous>, transform_indices = @transform_1, window_bounds = array<i64: 128, 128>}, {pipeline_mode = #tpu.pipeline_mode<synchronous>, transform_indices = @transform_2, window_bounds = array<i64: 1, 128>}, {transform_indices = @transform_3, window_bounds = array<i64: 2000, 128>}]} {
    %get3A = arith.constant 0 : index
    %get3A_0 = arith.constant 0 : index
    %get3A_1 = vector.load %arg1[%get3A, %get3A_0] : memref<2000x128xf32, #tpu.memory_space<vmem>>, vector<2000x128xf32>
    %get3A_2 = arith.constant 0 : index
    %get3A_3 = arith.constant 0 : index
    %get3A_4 = vector.load %arg2[%get3A_2, %get3A_3] : memref<128x128xf32, #tpu.memory_space<vmem>>, vector<128x128xf32>
    %dot_general3A = arith.constant dense<0.000000e+00> : vector<2000x128xf32>
    %dot_general3A_5 = tpu.matmul %get3A_1, %get3A_4, %dot_general3A {dimension_numbers = #tpu.dot_dimension_numbers<[1], [0], [0], [1], [0, 0, 1, 1], [], []>, transpose_lhs_hint = false} : vector<2000x128xf32>, vector<128x128xf32>, vector<2000x128xf32> -> vector<2000x128xf32>
    %get3A_6 = arith.constant 0 : index
    %get3A_7 = arith.constant 0 : index
    %get3A_8 = vector.load %arg3[%get3A_6, %get3A_7] : memref<1x128xf32, #tpu.memory_space<vmem>>, vector<1x128xf32>
    %add3A = vector.broadcast %get3A_8 : vector<1x128xf32> to vector<2000x128xf32>
    %add3A_9 = arith.addf %dot_general3A_5, %add3A : vector<2000x128xf32>
    %swap3A = arith.constant 0 : index
    %swap3A_10 = arith.constant 0 : index
    %swap3A_11 = vector.load %arg4[%swap3A, %swap3A_10] : memref<2000x128xf32, #tpu.memory_space<vmem>>, vector<2000x128xf32>
    tpu.vector_store %arg4[%swap3A, %swap3A_10], %add3A_9 {strides = array<i32>} : memref<2000x128xf32, #tpu.memory_space<vmem>>, vector<2000x128xf32>,
    return
  }
  func.func @transform_0(%arg0: i32) -> (i32, i32) {
    %c0_i32 = arith.constant 0 : i32
    %c0_i32_0 = arith.constant 0 : i32
    return %arg0, %c0_i32 : i32, i32
  }
  func.func @transform_1(%arg0: i32) -> (i32, i32) {
    %c0_i32 = arith.constant 0 : i32
    %c0_i32_0 = arith.constant 0 : i32
    %c0_i32_1 = arith.constant 0 : i32
    return %c0_i32, %c0_i32_0 : i32, i32
  }
  func.func @transform_2(%arg0: i32) -> (i32, i32) {
    %c0_i32 = arith.constant 0 : i32
    %c0_i32_0 = arith.constant 0 : i32
    %c0_i32_1 = arith.constant 0 : i32
    return %c0_i32, %c0_i32_0 : i32, i32
  }
  func.func @transform_3(%arg0: i32) -> (i32, i32) {
    %c0_i32 = arith.constant 0 : i32
    %c0_i32_0 = arith.constant 0 : i32
    return %arg0, %c0_i32 : i32, i32
  }
}

module attributes {stable_mosaic.version = 14 : i64} {
  func.func @body(%arg0: i32, %arg1: memref<2000x256xf32, #tpu.memory_space<vmem>>, %arg2: memref<2000x256xf32, #tpu.memory_space<vmem>>, %arg3: memref<2000x4xf32, #tpu.memory_space<vmem>>, %arg4: memref<128x256xf32, #tpu.memory_space<vmem>>, %arg5: memref<128x256xf32, #tpu.memory_space<vmem>>, %arg6: memref<4x256xf32, #tpu.memory_space<vmem>>, %arg7: memref<1x256xf32, #tpu.memory_space<vmem>>, %arg8: memref<1x256xf32, #tpu.memory_space<vmem>>, %arg9: memref<256x128xf32, #tpu.memory_space<vmem>>, %arg10: memref<1x128xf32, #tpu.memory_space<vmem>>, %arg11: memref<2000x128xf32, #tpu.memory_space<vmem>>) attributes {dimension_semantics = [#tpu.dimension_semantics<arbitrary>], iteration_bounds = array<i64: 160>, scalar_prefetch = 0 : i64, scratch_operands = 0 : i64, tpu.core_type = #tpu.core_type<tc>, window_params = [{transform_indices = @transform_0, window_bounds = array<i64: 2000, 256>}, {transform_indices = @transform_1, window_bounds = array<i64: 2000, 256>}, {transform_indices = @transform_2, window_bounds = array<i64: 2000, 4>}, {pipeline_mode = #tpu.pipeline_mode<synchronous>, transform_indices = @transform_3, window_bounds = array<i64: 128, 256>}, {pipeline_mode = #tpu.pipeline_mode<synchronous>, transform_indices = @transform_4, window_bounds = array<i64: 128, 256>}, {pipeline_mode = #tpu.pipeline_mode<synchronous>, transform_indices = @transform_5, window_bounds = array<i64: 4, 256>}, {pipeline_mode = #tpu.pipeline_mode<synchronous>, transform_indices = @transform_6, window_bounds = array<i64: 1, 256>}, {pipeline_mode = #tpu.pipeline_mode<synchronous>, transform_indices = @transform_7, window_bounds = array<i64: 1, 256>}, {pipeline_mode = #tpu.pipeline_mode<synchronous>, transform_indices = @transform_8, window_bounds = array<i64: 256, 128>}, {pipeline_mode = #tpu.pipeline_mode<synchronous>, transform_indices = @transform_9, window_bounds = array<i64: 1, 128>}, {transform_indices = @transform_10, window_bounds = array<i64: 2000, 128>}]} {
    %get3A = arith.constant 0 : index
    %get3A_0 = arith.constant 128 : index
    %get3A_1 = vector.load %arg1[%get3A, %get3A_0] : memref<2000x256xf32, #tpu.memory_space<vmem>>, vector<2000x16xf32>
    %get3A_2 = arith.constant 0 : index
    %get3A_3 = arith.constant 128 : index
    %get3A_4 = vector.load %arg2[%get3A_2, %get3A_3] : memref<2000x256xf32, #tpu.memory_space<vmem>>, vector<2000x16xf32>
    %sub3A = arith.subf %get3A_1, %get3A_4 : vector<2000x16xf32>
    %mul3A = arith.mulf %sub3A, %sub3A : vector<2000x16xf32>
    %reduce_sum3A = arith.constant dense<0.000000e+00> : vector<2000xf32>
    %reduce_sum3A_5 = vector.multi_reduction <add>, %mul3A, %reduce_sum3A [1] : vector<2000x16xf32> to vector<2000xf32>
    %broadcast_in_dim3A = vector.shape_cast %reduce_sum3A_5 : vector<2000xf32> to vector<2000x1xf32>
    %sqrt3A = math.sqrt %broadcast_in_dim3A : vector<2000x1xf32>
    %get3A_6 = arith.constant 0 : index
    %get3A_7 = arith.constant 0 : index
    %get3A_8 = vector.load %arg2[%get3A_6, %get3A_7] : memref<2000x256xf32, #tpu.memory_space<vmem>>, vector<2000x128xf32>
    %get3A_9 = arith.constant 0 : index
    %get3A_10 = arith.constant 0 : index
    %get3A_11 = vector.load %arg4[%get3A_9, %get3A_10] : memref<128x256xf32, #tpu.memory_space<vmem>>, vector<128x256xf32>
    %dot_general3A = arith.constant dense<0.000000e+00> : vector<2000x256xf32>
    %dot_general3A_12 = tpu.matmul %get3A_8, %get3A_11, %dot_general3A {dimension_numbers = #tpu.dot_dimension_numbers<[1], [0], [0], [1], [0, 0, 1, 1], [], []>, transpose_lhs_hint = false} : vector<2000x128xf32>, vector<128x256xf32>, vector<2000x256xf32> -> vector<2000x256xf32>
    %get3A_13 = arith.constant 0 : index
    %get3A_14 = arith.constant 0 : index
    %get3A_15 = vector.load %arg1[%get3A_13, %get3A_14] : memref<2000x256xf32, #tpu.memory_space<vmem>>, vector<2000x128xf32>
    %get3A_16 = arith.constant 0 : index
    %get3A_17 = arith.constant 0 : index
    %get3A_18 = vector.load %arg5[%get3A_16, %get3A_17] : memref<128x256xf32, #tpu.memory_space<vmem>>, vector<128x256xf32>
    %dot_general3A_19 = arith.constant dense<0.000000e+00> : vector<2000x256xf32>
    %dot_general3A_20 = tpu.matmul %get3A_15, %get3A_18, %dot_general3A_19 {dimension_numbers = #tpu.dot_dimension_numbers<[1], [0], [0], [1], [0, 0, 1, 1], [], []>, transpose_lhs_hint = false} : vector<2000x128xf32>, vector<128x256xf32>, vector<2000x256xf32> -> vector<2000x256xf32>
    %add3A = arith.addf %dot_general3A_12, %dot_general3A_20 : vector<2000x256xf32>
    %get3A_21 = arith.constant 0 : index
    %get3A_22 = arith.constant 0 : index
    %get3A_23 = vector.load %arg3[%get3A_21, %get3A_22] : memref<2000x4xf32, #tpu.memory_space<vmem>>, vector<2000x4xf32>
    %get3A_24 = arith.constant 0 : index
    %get3A_25 = arith.constant 0 : index
    %get3A_26 = vector.load %arg6[%get3A_24, %get3A_25] : memref<4x256xf32, #tpu.memory_space<vmem>>, vector<4x256xf32>
    %dot_general3A_27 = arith.constant dense<0.000000e+00> : vector<2000x256xf32>
    %dot_general3A_28 = tpu.matmul %get3A_23, %get3A_26, %dot_general3A_27 {dimension_numbers = #tpu.dot_dimension_numbers<[1], [0], [0], [1], [0, 0, 1, 1], [], []>, transpose_lhs_hint = false} : vector<2000x4xf32>, vector<4x256xf32>, vector<2000x256xf32> -> vector<2000x256xf32>
    %add3A_29 = arith.addf %add3A, %dot_general3A_28 : vector<2000x256xf32>
    %get3A_30 = arith.constant 0 : index
    %get3A_31 = arith.constant 0 : index
    %get3A_32 = vector.load %arg7[%get3A_30, %get3A_31] : memref<1x256xf32, #tpu.memory_space<vmem>>, vector<1x256xf32>
    %mul3A_33 = vector.broadcast %sqrt3A : vector<2000x1xf32> to vector<2000x256xf32>
    %mul3A_34 = vector.broadcast %get3A_32 : vector<1x256xf32> to vector<2000x256xf32>
    %mul3A_35 = arith.mulf %mul3A_33, %mul3A_34 : vector<2000x256xf32>
    %get3A_36 = arith.constant 0 : index
    %get3A_37 = arith.constant 0 : index
    %get3A_38 = vector.load %arg8[%get3A_36, %get3A_37] : memref<1x256xf32, #tpu.memory_space<vmem>>, vector<1x256xf32>
    %add3A_39 = vector.broadcast %get3A_38 : vector<1x256xf32> to vector<2000x256xf32>
    %add3A_40 = arith.addf %mul3A_35, %add3A_39 : vector<2000x256xf32>
    %add3A_41 = arith.addf %add3A_29, %add3A_40 : vector<2000x256xf32>
    %logistic3A = arith.negf %add3A_41 : vector<2000x256xf32>
    %logistic3A_42 = math.exp %logistic3A : vector<2000x256xf32>
    %logistic3A_43 = arith.constant 1.000000e+00 : f32
    %logistic3A_44 = vector.broadcast %logistic3A_43 : f32 to vector<2000x256xf32>
    %logistic3A_45 = arith.addf %logistic3A_44, %logistic3A_42 : vector<2000x256xf32>
    %logistic3A_46 = arith.divf %logistic3A_44, %logistic3A_45 : vector<2000x256xf32>
    %mul3A_47 = arith.mulf %add3A_41, %logistic3A_46 : vector<2000x256xf32>
    %get3A_48 = arith.constant 0 : index
    %get3A_49 = arith.constant 0 : index
    %get3A_50 = vector.load %arg9[%get3A_48, %get3A_49] : memref<256x128xf32, #tpu.memory_space<vmem>>, vector<256x128xf32>
    %dot_general3A_51 = arith.constant dense<0.000000e+00> : vector<2000x128xf32>
    %dot_general3A_52 = tpu.matmul %mul3A_47, %get3A_50, %dot_general3A_51 {dimension_numbers = #tpu.dot_dimension_numbers<[1], [0], [0], [1], [0, 0, 1, 1], [], []>, transpose_lhs_hint = false} : vector<2000x256xf32>, vector<256x128xf32>, vector<2000x128xf32> -> vector<2000x128xf32>
    %get3A_53 = arith.constant 0 : index
    %get3A_54 = arith.constant 0 : index
    %get3A_55 = vector.load %arg10[%get3A_53, %get3A_54] : memref<1x128xf32, #tpu.memory_space<vmem>>, vector<1x128xf32>
    %add3A_56 = vector.broadcast %get3A_55 : vector<1x128xf32> to vector<2000x128xf32>
    %add3A_57 = arith.addf %dot_general3A_52, %add3A_56 : vector<2000x128xf32>
    %swap3A = arith.constant 0 : index
    %swap3A_58 = arith.constant 0 : index
    %swap3A_59 = vector.load %arg11[%swap3A, %swap3A_58] : memref<2000x128xf32, #tpu.memory_space<vmem>>, vector<2000x128xf32>
    tpu.vector_store %arg11[%swap3A, %swap3A_58], %add3A_57 {strides = array<i32>} : memref<2000x128xf32, #tpu.memory_space<vmem>>, vector<2000x128xf32>,
    return
  }
  func.func @transform_0(%arg0: i32) -> (i32, i32) {
    %c0_i32 = arith.constant 0 : i32
    %c0_i32_0 = arith.constant 0 : i32
    return %arg0, %c0_i32 : i32, i32
  }
  func.func @transform_1(%arg0: i32) -> (i32, i32) {
    %c0_i32 = arith.constant 0 : i32
    %c0_i32_0 = arith.constant 0 : i32
    return %arg0, %c0_i32 : i32, i32
  }
  func.func @transform_2(%arg0: i32) -> (i32, i32) {
    %c0_i32 = arith.constant 0 : i32
    %c0_i32_0 = arith.constant 0 : i32
    return %arg0, %c0_i32 : i32, i32
  }
  func.func @transform_3(%arg0: i32) -> (i32, i32) {
    %c0_i32 = arith.constant 0 : i32
    %c0_i32_0 = arith.constant 0 : i32
    %c0_i32_1 = arith.constant 0 : i32
    return %c0_i32, %c0_i32_0 : i32, i32
  }
  func.func @transform_4(%arg0: i32) -> (i32, i32) {
    %c0_i32 = arith.constant 0 : i32
    %c0_i32_0 = arith.constant 0 : i32
    %c0_i32_1 = arith.constant 0 : i32
    return %c0_i32, %c0_i32_0 : i32, i32
  }
  func.func @transform_5(%arg0: i32) -> (i32, i32) {
    %c0_i32 = arith.constant 0 : i32
    %c0_i32_0 = arith.constant 0 : i32
    %c0_i32_1 = arith.constant 0 : i32
    return %c0_i32, %c0_i32_0 : i32, i32
  }
  func.func @transform_6(%arg0: i32) -> (i32, i32) {
    %c0_i32 = arith.constant 0 : i32
    %c0_i32_0 = arith.constant 0 : i32
    %c0_i32_1 = arith.constant 0 : i32
    return %c0_i32, %c0_i32_0 : i32, i32
  }
  func.func @transform_7(%arg0: i32) -> (i32, i32) {
    %c0_i32 = arith.constant 0 : i32
    %c0_i32_0 = arith.constant 0 : i32
    %c0_i32_1 = arith.constant 0 : i32
    return %c0_i32, %c0_i32_0 : i32, i32
  }
  func.func @transform_8(%arg0: i32) -> (i32, i32) {
    %c0_i32 = arith.constant 0 : i32
    %c0_i32_0 = arith.constant 0 : i32
    %c0_i32_1 = arith.constant 0 : i32
    return %c0_i32, %c0_i32_0 : i32, i32
  }
  func.func @transform_9(%arg0: i32) -> (i32, i32) {
    %c0_i32 = arith.constant 0 : i32
    %c0_i32_0 = arith.constant 0 : i32
    %c0_i32_1 = arith.constant 0 : i32
    return %c0_i32, %c0_i32_0 : i32, i32
  }
  func.func @transform_10(%arg0: i32) -> (i32, i32) {
    %c0_i32 = arith.constant 0 : i32
    %c0_i32_0 = arith.constant 0 : i32
    return %arg0, %c0_i32 : i32, i32
  }
}

module attributes {stable_mosaic.version = 14 : i64} {
  func.func @body(%arg0: i32, %arg1: memref<2x2000x1xf32, #tpu.memory_space<vmem>>, %arg2: memref<2000x1xf32, #tpu.memory_space<vmem>>) attributes {dimension_semantics = [#tpu.dimension_semantics<arbitrary>], iteration_bounds = array<i64: 5>, scalar_prefetch = 0 : i64, scratch_operands = 0 : i64, tpu.core_type = #tpu.core_type<tc>, window_params = [{transform_indices = @transform_0, window_bounds = array<i64: 2, 2000, 1>}, {transform_indices = @transform_1, window_bounds = array<i64: 2000, 1>}]} {
    %get3A = arith.constant 0 : index
    %get3A_0 = arith.constant 0 : index
    %get3A_1 = arith.constant 0 : index
    %get3A_2 = vector.load %arg1[%get3A, %get3A_0, %get3A_1] : memref<2x2000x1xf32, #tpu.memory_space<vmem>>, vector<2x2000x1xf32>
    %reduce_sum3A = arith.constant dense<0.000000e+00> : vector<2000x1xf32>
    %reduce_sum3A_3 = vector.multi_reduction <add>, %get3A_2, %reduce_sum3A [0] : vector<2x2000x1xf32> to vector<2000x1xf32>
    %swap3A = arith.constant 0 : index
    %swap3A_4 = arith.constant 0 : index
    %swap3A_5 = vector.load %arg2[%swap3A, %swap3A_4] : memref<2000x1xf32, #tpu.memory_space<vmem>>, vector<2000x1xf32>
    tpu.vector_store %arg2[%swap3A, %swap3A_4], %reduce_sum3A_3 {strides = array<i32>} : memref<2000x1xf32, #tpu.memory_space<vmem>>, vector<2000x1xf32>,
    return
  }
  func.func @transform_0(%arg0: i32) -> (i32, i32, i32) {
    %c0_i32 = arith.constant 0 : i32
    %c0_i32_0 = arith.constant 0 : i32
    %c0_i32_1 = arith.constant 0 : i32
    return %c0_i32, %arg0, %c0_i32_0 : i32, i32, i32
  }
  func.func @transform_1(%arg0: i32) -> (i32, i32) {
    %c0_i32 = arith.constant 0 : i32
    %c0_i32_0 = arith.constant 0 : i32
    return %arg0, %c0_i32 : i32, i32
  }
}

module attributes {stable_mosaic.version = 14 : i64} {
  func.func @body(%arg0: i32, %arg1: memref<2x400x128xf32, #tpu.memory_space<vmem>>, %arg2: memref<400x1xf32, #tpu.memory_space<vmem>>, %arg3: memref<400x128xf32, #tpu.memory_space<vmem>>, %arg4: memref<400x128xf32, #tpu.memory_space<vmem>>, %arg5: memref<400x128xf32, #tpu.memory_space<vmem>>, %arg6: memref<128x128xf32, #tpu.memory_space<vmem>>, %arg7: memref<1x128xf32, #tpu.memory_space<vmem>>, %arg8: memref<128x1xf32, #tpu.memory_space<vmem>>, %arg9: memref<1x1xf32, #tpu.memory_space<vmem>>, %arg10: memref<400x128xf32, #tpu.memory_space<vmem>>, %arg11: memref<400x128xf32, #tpu.memory_space<vmem>>) attributes {dimension_semantics = [#tpu.dimension_semantics<arbitrary>], iteration_bounds = array<i64: 25>, scalar_prefetch = 0 : i64, scratch_operands = 0 : i64, tpu.core_type = #tpu.core_type<tc>, window_params = [{transform_indices = @transform_0, window_bounds = array<i64: 2, 400, 128>}, {transform_indices = @transform_1, window_bounds = array<i64: 400, 1>}, {transform_indices = @transform_2, window_bounds = array<i64: 400, 128>}, {transform_indices = @transform_3, window_bounds = array<i64: 400, 128>}, {transform_indices = @transform_4, window_bounds = array<i64: 400, 128>}, {pipeline_mode = #tpu.pipeline_mode<synchronous>, transform_indices = @transform_5, window_bounds = array<i64: 128, 128>}, {pipeline_mode = #tpu.pipeline_mode<synchronous>, transform_indices = @transform_6, window_bounds = array<i64: 1, 128>}, {pipeline_mode = #tpu.pipeline_mode<synchronous>, transform_indices = @transform_7, window_bounds = array<i64: 128, 1>}, {pipeline_mode = #tpu.pipeline_mode<synchronous>, transform_indices = @transform_8, window_bounds = array<i64: 1, 1>}, {transform_indices = @transform_9, window_bounds = array<i64: 400, 128>}, {transform_indices = @transform_10, window_bounds = array<i64: 400, 128>}]} {
    %get3A = arith.constant 0 : index
    %get3A_0 = arith.constant 0 : index
    %get3A_1 = vector.load %arg2[%get3A, %get3A_0] : memref<400x1xf32, #tpu.memory_space<vmem>>, vector<400x1xf32>
    %get3A_2 = arith.constant 0 : index
    %get3A_3 = arith.constant 0 : index
    %get3A_4 = arith.constant 0 : index
    %get3A_5 = vector.load %arg1[%get3A_2, %get3A_3, %get3A_4] : memref<2x400x128xf32, #tpu.memory_space<vmem>>, vector<2x400x128xf32>
    %reduce_sum3A = arith.constant dense<0.000000e+00> : vector<400x128xf32>
    %reduce_sum3A_6 = vector.multi_reduction <add>, %get3A_5, %reduce_sum3A [0] : vector<2x400x128xf32> to vector<400x128xf32>
    %max3A = arith.constant 1.000000e+00 : f32
    %max3A_7 = vector.broadcast %max3A : f32 to vector<400x1xf32>
    %max3A_8 = arith.maximumf %get3A_1, %max3A_7 : vector<400x1xf32>
    %div3A = vector.broadcast %max3A_8 : vector<400x1xf32> to vector<400x128xf32>
    %div3A_9 = arith.divf %reduce_sum3A_6, %div3A : vector<400x128xf32>
    %get3A_10 = arith.constant 0 : index
    %get3A_11 = arith.constant 0 : index
    %get3A_12 = vector.load %arg3[%get3A_10, %get3A_11] : memref<400x128xf32, #tpu.memory_space<vmem>>, vector<400x128xf32>
    %add3A = arith.addf %get3A_12, %div3A_9 : vector<400x128xf32>
    %swap3A = arith.constant 0 : index
    %swap3A_13 = arith.constant 0 : index
    %swap3A_14 = vector.load %arg10[%swap3A, %swap3A_13] : memref<400x128xf32, #tpu.memory_space<vmem>>, vector<400x128xf32>
    tpu.vector_store %arg10[%swap3A, %swap3A_13], %add3A {strides = array<i32>} : memref<400x128xf32, #tpu.memory_space<vmem>>, vector<400x128xf32>,
    %get3A_15 = arith.constant 0 : index
    %get3A_16 = arith.constant 0 : index
    %get3A_17 = vector.load %arg6[%get3A_15, %get3A_16] : memref<128x128xf32, #tpu.memory_space<vmem>>, vector<128x128xf32>
    %dot_general3A = arith.constant dense<0.000000e+00> : vector<400x128xf32>
    %dot_general3A_18 = tpu.matmul %div3A_9, %get3A_17, %dot_general3A {dimension_numbers = #tpu.dot_dimension_numbers<[1], [0], [0], [1], [0, 0, 1, 1], [], []>, transpose_lhs_hint = false} : vector<400x128xf32>, vector<128x128xf32>, vector<400x128xf32> -> vector<400x128xf32>
    %get3A_19 = arith.constant 0 : index
    %get3A_20 = arith.constant 0 : index
    %get3A_21 = vector.load %arg7[%get3A_19, %get3A_20] : memref<1x128xf32, #tpu.memory_space<vmem>>, vector<1x128xf32>
    %add3A_22 = vector.broadcast %get3A_21 : vector<1x128xf32> to vector<400x128xf32>
    %add3A_23 = arith.addf %dot_general3A_18, %add3A_22 : vector<400x128xf32>
    %logistic3A = arith.negf %add3A_23 : vector<400x128xf32>
    %logistic3A_24 = math.exp %logistic3A : vector<400x128xf32>
    %logistic3A_25 = arith.constant 1.000000e+00 : f32
    %logistic3A_26 = vector.broadcast %logistic3A_25 : f32 to vector<400x128xf32>
    %logistic3A_27 = arith.addf %logistic3A_26, %logistic3A_24 : vector<400x128xf32>
    %logistic3A_28 = arith.divf %logistic3A_26, %logistic3A_27 : vector<400x128xf32>
    %mul3A = arith.mulf %add3A_23, %logistic3A_28 : vector<400x128xf32>
    %get3A_29 = arith.constant 0 : index
    %get3A_30 = arith.constant 0 : index
    %get3A_31 = vector.load %arg8[%get3A_29, %get3A_30] : memref<128x1xf32, #tpu.memory_space<vmem>>, vector<128x1xf32>
    %dot_general3A_32 = arith.constant dense<0.000000e+00> : vector<400x1xf32>
    %dot_general3A_33 = tpu.matmul %mul3A, %get3A_31, %dot_general3A_32 {dimension_numbers = #tpu.dot_dimension_numbers<[1], [0], [0], [1], [0, 0, 1, 1], [], []>, transpose_lhs_hint = false} : vector<400x128xf32>, vector<128x1xf32>, vector<400x1xf32> -> vector<400x1xf32>
    %get3A_34 = arith.constant 0 : index
    %get3A_35 = arith.constant 0 : index
    %get3A_36 = vector.load %arg9[%get3A_34, %get3A_35] : memref<1x1xf32, #tpu.memory_space<vmem>>, vector<1x1xf32>
    %add3A_37 = vector.broadcast %get3A_36 : vector<1x1xf32> to vector<400x1xf32>
    %add3A_38 = arith.addf %dot_general3A_33, %add3A_37 : vector<400x1xf32>
    %get3A_39 = arith.constant 0 : index
    %get3A_40 = arith.constant 0 : index
    %get3A_41 = vector.load %arg4[%get3A_39, %get3A_40] : memref<400x128xf32, #tpu.memory_space<vmem>>, vector<400x128xf32>
    %get3A_42 = arith.constant 0 : index
    %get3A_43 = arith.constant 0 : index
    %get3A_44 = vector.load %arg5[%get3A_42, %get3A_43] : memref<400x128xf32, #tpu.memory_space<vmem>>, vector<400x128xf32>
    %mul3A_45 = vector.broadcast %add3A_38 : vector<400x1xf32> to vector<400x128xf32>
    %mul3A_46 = arith.mulf %mul3A_45, %get3A_44 : vector<400x128xf32>
    %add3A_47 = arith.addf %get3A_41, %mul3A_46 : vector<400x128xf32>
    %swap3A_48 = arith.constant 0 : index
    %swap3A_49 = arith.constant 0 : index
    %swap3A_50 = vector.load %arg11[%swap3A_48, %swap3A_49] : memref<400x128xf32, #tpu.memory_space<vmem>>, vector<400x128xf32>
    tpu.vector_store %arg11[%swap3A_48, %swap3A_49], %add3A_47 {strides = array<i32>} : memref<400x128xf32, #tpu.memory_space<vmem>>, vector<400x128xf32>,
    return
  }
  func.func @transform_0(%arg0: i32) -> (i32, i32, i32) {
    %c0_i32 = arith.constant 0 : i32
    %c0_i32_0 = arith.constant 0 : i32
    %c0_i32_1 = arith.constant 0 : i32
    return %c0_i32, %arg0, %c0_i32_0 : i32, i32, i32
  }
  func.func @transform_1(%arg0: i32) -> (i32, i32) {
    %c0_i32 = arith.constant 0 : i32
    %c0_i32_0 = arith.constant 0 : i32
    return %arg0, %c0_i32 : i32, i32
  }
  func.func @transform_2(%arg0: i32) -> (i32, i32) {
    %c0_i32 = arith.constant 0 : i32
    %c0_i32_0 = arith.constant 0 : i32
    return %arg0, %c0_i32 : i32, i32
  }
  func.func @transform_3(%arg0: i32) -> (i32, i32) {
    %c0_i32 = arith.constant 0 : i32
    %c0_i32_0 = arith.constant 0 : i32
    return %arg0, %c0_i32 : i32, i32
  }
  func.func @transform_4(%arg0: i32) -> (i32, i32) {
    %c0_i32 = arith.constant 0 : i32
    %c0_i32_0 = arith.constant 0 : i32
    return %arg0, %c0_i32 : i32, i32
  }
  func.func @transform_5(%arg0: i32) -> (i32, i32) {
    %c0_i32 = arith.constant 0 : i32
    %c0_i32_0 = arith.constant 0 : i32
    %c0_i32_1 = arith.constant 0 : i32
    return %c0_i32, %c0_i32_0 : i32, i32
  }
  func.func @transform_6(%arg0: i32) -> (i32, i32) {
    %c0_i32 = arith.constant 0 : i32
    %c0_i32_0 = arith.constant 0 : i32
    %c0_i32_1 = arith.constant 0 : i32
    return %c0_i32, %c0_i32_0 : i32, i32
  }
  func.func @transform_7(%arg0: i32) -> (i32, i32) {
    %c0_i32 = arith.constant 0 : i32
    %c0_i32_0 = arith.constant 0 : i32
    %c0_i32_1 = arith.constant 0 : i32
    return %c0_i32, %c0_i32_0 : i32, i32
  }
  func.func @transform_8(%arg0: i32) -> (i32, i32) {
    %c0_i32 = arith.constant 0 : i32
    %c0_i32_0 = arith.constant 0 : i32
    %c0_i32_1 = arith.constant 0 : i32
    return %c0_i32, %c0_i32_0 : i32, i32
  }
  func.func @transform_9(%arg0: i32) -> (i32, i32) {
    %c0_i32 = arith.constant 0 : i32
    %c0_i32_0 = arith.constant 0 : i32
    return %arg0, %c0_i32 : i32, i32
  }
  func.func @transform_10(%arg0: i32) -> (i32, i32) {
    %c0_i32 = arith.constant 0 : i32
    %c0_i32_0 = arith.constant 0 : i32
    return %arg0, %c0_i32 : i32, i32
  }
}

module attributes {stable_mosaic.version = 14 : i64} {
  func.func @body(%arg0: i32, %arg1: memref<2x400x128xf32, #tpu.memory_space<vmem>>, %arg2: memref<400x1xf32, #tpu.memory_space<vmem>>, %arg3: memref<400x128xf32, #tpu.memory_space<vmem>>, %arg4: memref<400x128xf32, #tpu.memory_space<vmem>>, %arg5: memref<400x128xf32, #tpu.memory_space<vmem>>, %arg6: memref<128x128xf32, #tpu.memory_space<vmem>>, %arg7: memref<1x128xf32, #tpu.memory_space<vmem>>, %arg8: memref<128x1xf32, #tpu.memory_space<vmem>>, %arg9: memref<1x1xf32, #tpu.memory_space<vmem>>, %arg10: memref<400x128xf32, #tpu.memory_space<vmem>>, %arg11: memref<400x128xf32, #tpu.memory_space<vmem>>) attributes {dimension_semantics = [#tpu.dimension_semantics<arbitrary>], iteration_bounds = array<i64: 25>, scalar_prefetch = 0 : i64, scratch_operands = 0 : i64, tpu.core_type = #tpu.core_type<tc>, window_params = [{transform_indices = @transform_0, window_bounds = array<i64: 2, 400, 128>}, {transform_indices = @transform_1, window_bounds = array<i64: 400, 1>}, {transform_indices = @transform_2, window_bounds = array<i64: 400, 128>}, {transform_indices = @transform_3, window_bounds = array<i64: 400, 128>}, {transform_indices = @transform_4, window_bounds = array<i64: 400, 128>}, {pipeline_mode = #tpu.pipeline_mode<synchronous>, transform_indices = @transform_5, window_bounds = array<i64: 128, 128>}, {pipeline_mode = #tpu.pipeline_mode<synchronous>, transform_indices = @transform_6, window_bounds = array<i64: 1, 128>}, {pipeline_mode = #tpu.pipeline_mode<synchronous>, transform_indices = @transform_7, window_bounds = array<i64: 128, 1>}, {pipeline_mode = #tpu.pipeline_mode<synchronous>, transform_indices = @transform_8, window_bounds = array<i64: 1, 1>}, {transform_indices = @transform_9, window_bounds = array<i64: 400, 128>}, {transform_indices = @transform_10, window_bounds = array<i64: 400, 128>}]} {
    %get3A = arith.constant 0 : index
    %get3A_0 = arith.constant 0 : index
    %get3A_1 = vector.load %arg2[%get3A, %get3A_0] : memref<400x1xf32, #tpu.memory_space<vmem>>, vector<400x1xf32>
    %get3A_2 = arith.constant 0 : index
    %get3A_3 = arith.constant 0 : index
    %get3A_4 = arith.constant 0 : index
    %get3A_5 = vector.load %arg1[%get3A_2, %get3A_3, %get3A_4] : memref<2x400x128xf32, #tpu.memory_space<vmem>>, vector<2x400x128xf32>
    %reduce_sum3A = arith.constant dense<0.000000e+00> : vector<400x128xf32>
    %reduce_sum3A_6 = vector.multi_reduction <add>, %get3A_5, %reduce_sum3A [0] : vector<2x400x128xf32> to vector<400x128xf32>
    %max3A = arith.constant 1.000000e+00 : f32
    %max3A_7 = vector.broadcast %max3A : f32 to vector<400x1xf32>
    %max3A_8 = arith.maximumf %get3A_1, %max3A_7 : vector<400x1xf32>
    %div3A = vector.broadcast %max3A_8 : vector<400x1xf32> to vector<400x128xf32>
    %div3A_9 = arith.divf %reduce_sum3A_6, %div3A : vector<400x128xf32>
    %get3A_10 = arith.constant 0 : index
    %get3A_11 = arith.constant 0 : index
    %get3A_12 = vector.load %arg3[%get3A_10, %get3A_11] : memref<400x128xf32, #tpu.memory_space<vmem>>, vector<400x128xf32>
    %add3A = arith.addf %get3A_12, %div3A_9 : vector<400x128xf32>
    %swap3A = arith.constant 0 : index
    %swap3A_13 = arith.constant 0 : index
    %swap3A_14 = vector.load %arg10[%swap3A, %swap3A_13] : memref<400x128xf32, #tpu.memory_space<vmem>>, vector<400x128xf32>
    tpu.vector_store %arg10[%swap3A, %swap3A_13], %add3A {strides = array<i32>} : memref<400x128xf32, #tpu.memory_space<vmem>>, vector<400x128xf32>,
    %get3A_15 = arith.constant 0 : index
    %get3A_16 = arith.constant 0 : index
    %get3A_17 = vector.load %arg6[%get3A_15, %get3A_16] : memref<128x128xf32, #tpu.memory_space<vmem>>, vector<128x128xf32>
    %dot_general3A = arith.constant dense<0.000000e+00> : vector<400x128xf32>
    %dot_general3A_18 = tpu.matmul %div3A_9, %get3A_17, %dot_general3A {dimension_numbers = #tpu.dot_dimension_numbers<[1], [0], [0], [1], [0, 0, 1, 1], [], []>, transpose_lhs_hint = false} : vector<400x128xf32>, vector<128x128xf32>, vector<400x128xf32> -> vector<400x128xf32>
    %get3A_19 = arith.constant 0 : index
    %get3A_20 = arith.constant 0 : index
    %get3A_21 = vector.load %arg7[%get3A_19, %get3A_20] : memref<1x128xf32, #tpu.memory_space<vmem>>, vector<1x128xf32>
    %add3A_22 = vector.broadcast %get3A_21 : vector<1x128xf32> to vector<400x128xf32>
    %add3A_23 = arith.addf %dot_general3A_18, %add3A_22 : vector<400x128xf32>
    %logistic3A = arith.negf %add3A_23 : vector<400x128xf32>
    %logistic3A_24 = math.exp %logistic3A : vector<400x128xf32>
    %logistic3A_25 = arith.constant 1.000000e+00 : f32
    %logistic3A_26 = vector.broadcast %logistic3A_25 : f32 to vector<400x128xf32>
    %logistic3A_27 = arith.addf %logistic3A_26, %logistic3A_24 : vector<400x128xf32>
    %logistic3A_28 = arith.divf %logistic3A_26, %logistic3A_27 : vector<400x128xf32>
    %mul3A = arith.mulf %add3A_23, %logistic3A_28 : vector<400x128xf32>
    %get3A_29 = arith.constant 0 : index
    %get3A_30 = arith.constant 0 : index
    %get3A_31 = vector.load %arg8[%get3A_29, %get3A_30] : memref<128x1xf32, #tpu.memory_space<vmem>>, vector<128x1xf32>
    %dot_general3A_32 = arith.constant dense<0.000000e+00> : vector<400x1xf32>
    %dot_general3A_33 = tpu.matmul %mul3A, %get3A_31, %dot_general3A_32 {dimension_numbers = #tpu.dot_dimension_numbers<[1], [0], [0], [1], [0, 0, 1, 1], [], []>, transpose_lhs_hint = false} : vector<400x128xf32>, vector<128x1xf32>, vector<400x1xf32> -> vector<400x1xf32>
    %get3A_34 = arith.constant 0 : index
    %get3A_35 = arith.constant 0 : index
    %get3A_36 = vector.load %arg9[%get3A_34, %get3A_35] : memref<1x1xf32, #tpu.memory_space<vmem>>, vector<1x1xf32>
    %add3A_37 = vector.broadcast %get3A_36 : vector<1x1xf32> to vector<400x1xf32>
    %add3A_38 = arith.addf %dot_general3A_33, %add3A_37 : vector<400x1xf32>
    %get3A_39 = arith.constant 0 : index
    %get3A_40 = arith.constant 0 : index
    %get3A_41 = vector.load %arg4[%get3A_39, %get3A_40] : memref<400x128xf32, #tpu.memory_space<vmem>>, vector<400x128xf32>
    %get3A_42 = arith.constant 0 : index
    %get3A_43 = arith.constant 0 : index
    %get3A_44 = vector.load %arg5[%get3A_42, %get3A_43] : memref<400x128xf32, #tpu.memory_space<vmem>>, vector<400x128xf32>
    %mul3A_45 = vector.broadcast %add3A_38 : vector<400x1xf32> to vector<400x128xf32>
    %mul3A_46 = arith.mulf %mul3A_45, %get3A_44 : vector<400x128xf32>
    %add3A_47 = arith.addf %get3A_41, %mul3A_46 : vector<400x128xf32>
    %swap3A_48 = arith.constant 0 : index
    %swap3A_49 = arith.constant 0 : index
    %swap3A_50 = vector.load %arg11[%swap3A_48, %swap3A_49] : memref<400x128xf32, #tpu.memory_space<vmem>>, vector<400x128xf32>
    tpu.vector_store %arg11[%swap3A_48, %swap3A_49], %add3A_47 {strides = array<i32>} : memref<400x128xf32, #tpu.memory_space<vmem>>, vector<400x128xf32>,
    return
  }
  func.func @transform_0(%arg0: i32) -> (i32, i32, i32) {
    %c0_i32 = arith.constant 0 : i32
    %c0_i32_0 = arith.constant 0 : i32
    %c0_i32_1 = arith.constant 0 : i32
    return %c0_i32, %arg0, %c0_i32_0 : i32, i32, i32
  }
  func.func @transform_1(%arg0: i32) -> (i32, i32) {
    %c0_i32 = arith.constant 0 : i32
    %c0_i32_0 = arith.constant 0 : i32
    return %arg0, %c0_i32 : i32, i32
  }
  func.func @transform_2(%arg0: i32) -> (i32, i32) {
    %c0_i32 = arith.constant 0 : i32
    %c0_i32_0 = arith.constant 0 : i32
    return %arg0, %c0_i32 : i32, i32
  }
  func.func @transform_3(%arg0: i32) -> (i32, i32) {
    %c0_i32 = arith.constant 0 : i32
    %c0_i32_0 = arith.constant 0 : i32
    return %arg0, %c0_i32 : i32, i32
  }
  func.func @transform_4(%arg0: i32) -> (i32, i32) {
    %c0_i32 = arith.constant 0 : i32
    %c0_i32_0 = arith.constant 0 : i32
    return %arg0, %c0_i32 : i32, i32
  }
  func.func @transform_5(%arg0: i32) -> (i32, i32) {
    %c0_i32 = arith.constant 0 : i32
    %c0_i32_0 = arith.constant 0 : i32
    %c0_i32_1 = arith.constant 0 : i32
    return %c0_i32, %c0_i32_0 : i32, i32
  }
  func.func @transform_6(%arg0: i32) -> (i32, i32) {
    %c0_i32 = arith.constant 0 : i32
    %c0_i32_0 = arith.constant 0 : i32
    %c0_i32_1 = arith.constant 0 : i32
    return %c0_i32, %c0_i32_0 : i32, i32
  }
  func.func @transform_7(%arg0: i32) -> (i32, i32) {
    %c0_i32 = arith.constant 0 : i32
    %c0_i32_0 = arith.constant 0 : i32
    %c0_i32_1 = arith.constant 0 : i32
    return %c0_i32, %c0_i32_0 : i32, i32
  }
  func.func @transform_8(%arg0: i32) -> (i32, i32) {
    %c0_i32 = arith.constant 0 : i32
    %c0_i32_0 = arith.constant 0 : i32
    %c0_i32_1 = arith.constant 0 : i32
    return %c0_i32, %c0_i32_0 : i32, i32
  }
  func.func @transform_9(%arg0: i32) -> (i32, i32) {
    %c0_i32 = arith.constant 0 : i32
    %c0_i32_0 = arith.constant 0 : i32
    return %arg0, %c0_i32 : i32, i32
  }
  func.func @transform_10(%arg0: i32) -> (i32, i32) {
    %c0_i32 = arith.constant 0 : i32
    %c0_i32_0 = arith.constant 0 : i32
    return %arg0, %c0_i32 : i32, i32
  }
}

module attributes {stable_mosaic.version = 14 : i64} {
  func.func @body(%arg0: memref<10000x128xf32, #tpu.memory_space<vmem>>, %arg1: memref<128x64xf32, #tpu.memory_space<vmem>>, %arg2: memref<1x64xf32, #tpu.memory_space<vmem>>, %arg3: memref<64x1xf32, #tpu.memory_space<vmem>>, %arg4: memref<1x1xf32, #tpu.memory_space<vmem>>, %arg5: memref<1x1xf32, #tpu.memory_space<vmem>>) attributes {dimension_semantics = [], scalar_prefetch = 0 : i64, scratch_operands = 0 : i64, tpu.core_type = #tpu.core_type<tc>} {
    %get3A = arith.constant 0 : index
    %get3A_0 = arith.constant 0 : index
    %get3A_1 = vector.load %arg0[%get3A, %get3A_0] : memref<10000x128xf32, #tpu.memory_space<vmem>>, vector<10000x128xf32>
    %reduce_sum3A = arith.constant dense<0.000000e+00> : vector<128xf32>
    %reduce_sum3A_2 = vector.multi_reduction <add>, %get3A_1, %reduce_sum3A [0] : vector<10000x128xf32> to vector<128xf32>
    %broadcast_in_dim3A = vector.shape_cast %reduce_sum3A_2 : vector<128xf32> to vector<1x128xf32>
    %div3A = arith.constant 1.000000e+04 : f32
    %div3A_3 = vector.broadcast %div3A : f32 to vector<1x128xf32>
    %div3A_4 = arith.divf %broadcast_in_dim3A, %div3A_3 : vector<1x128xf32>
    %get3A_5 = arith.constant 0 : index
    %get3A_6 = arith.constant 0 : index
    %get3A_7 = vector.load %arg1[%get3A_5, %get3A_6] : memref<128x64xf32, #tpu.memory_space<vmem>>, vector<128x64xf32>
    %dot_general3A = arith.constant dense<0.000000e+00> : vector<1x64xf32>
    %dot_general3A_8 = tpu.matmul %div3A_4, %get3A_7, %dot_general3A {dimension_numbers = #tpu.dot_dimension_numbers<[1], [0], [0], [1], [0, 0, 1, 1], [], []>, transpose_lhs_hint = false} : vector<1x128xf32>, vector<128x64xf32>, vector<1x64xf32> -> vector<1x64xf32>
    %get3A_9 = arith.constant 0 : index
    %get3A_10 = arith.constant 0 : index
    %get3A_11 = vector.load %arg2[%get3A_9, %get3A_10] : memref<1x64xf32, #tpu.memory_space<vmem>>, vector<1x64xf32>
    %add3A = arith.addf %dot_general3A_8, %get3A_11 : vector<1x64xf32>
    %logistic3A = arith.negf %add3A : vector<1x64xf32>
    %logistic3A_12 = math.exp %logistic3A : vector<1x64xf32>
    %logistic3A_13 = arith.constant 1.000000e+00 : f32
    %logistic3A_14 = vector.broadcast %logistic3A_13 : f32 to vector<1x64xf32>
    %logistic3A_15 = arith.addf %logistic3A_14, %logistic3A_12 : vector<1x64xf32>
    %logistic3A_16 = arith.divf %logistic3A_14, %logistic3A_15 : vector<1x64xf32>
    %mul3A = arith.mulf %add3A, %logistic3A_16 : vector<1x64xf32>
    %get3A_17 = arith.constant 0 : index
    %get3A_18 = arith.constant 0 : index
    %get3A_19 = vector.load %arg3[%get3A_17, %get3A_18] : memref<64x1xf32, #tpu.memory_space<vmem>>, vector<64x1xf32>
    %dot_general3A_20 = arith.constant dense<0.000000e+00> : vector<1x1xf32>
    %dot_general3A_21 = tpu.matmul %mul3A, %get3A_19, %dot_general3A_20 {dimension_numbers = #tpu.dot_dimension_numbers<[1], [0], [0], [1], [0, 0, 1, 1], [], []>, transpose_lhs_hint = false} : vector<1x64xf32>, vector<64x1xf32>, vector<1x1xf32> -> vector<1x1xf32>
    %get3A_22 = arith.constant 0 : index
    %get3A_23 = arith.constant 0 : index
    %get3A_24 = vector.load %arg4[%get3A_22, %get3A_23] : memref<1x1xf32, #tpu.memory_space<vmem>>, vector<1x1xf32>
    %add3A_25 = arith.addf %dot_general3A_21, %get3A_24 : vector<1x1xf32>
    %swap3A = arith.constant 0 : index
    %swap3A_26 = arith.constant 0 : index
    %swap3A_27 = vector.load %arg5[%swap3A, %swap3A_26] : memref<1x1xf32, #tpu.memory_space<vmem>>, vector<1x1xf32>
    tpu.vector_store %arg5[%swap3A, %swap3A_26], %add3A_25 {strides = array<i32>} : memref<1x1xf32, #tpu.memory_space<vmem>>, vector<1x1xf32>,
    return
  }
}

</mosaic_0001>

<sc_bundles>
// kernel: kernel.22.cloned.1.call-start
scs
__scs_entry_jumppad:
0x0: {  	(pc) =	sbr.rel $0x88, $3  }
0x1: {  	(tag) =	ssettag $0x0;
	lr =	simm.s32 $0x1  }
0x2: {  	[smem:$0x3F76] =	sst lr;
	_ =	strace $0xD0000000  }
0x3: {  	_ = 	snop  }
0x4: {  	_ = 	snop  }
0x5: {  	_ = 	snop  }
0x6: {  	_ = 	snop  }
0x7: {  	_ = 	snop  }
__scs_overlays_trampoline_lowered:
0x8: {  	[smem:$0x3F85] =	sst s0  }
0x9: {  	[smem:$0x3F86] =	sst s1  }
0xa: {  	[smem:$0x3F87] =	sst s2  }
0xb: {  	[smem:$0x3F88] =	sst s3  }
0xc: {  	[smem:$0x3F89] =	sst s4  }
0xd: {  	[smem:$0x3F8A] =	sst s5  }
0xe: {  	[smem:$0x3F8B] =	sst s6  }
0xf: {  	[smem:$0x3F8C] =	sst s7  }
0x10: {  	[smem:$0x3F8D] =	sst s8  }
0x11: {  	[smem:$0x3F8E] =	sst s9;
	s0 =	simm.s32 @!p0 $0x0  }
0x12: {  	s1 =	sld [smem:$0x3F74];
	s0 =	simm.s32 @p0 $0x1  }
0x13: {  	[smem:$0x3F8F] =	sst s0;
	s0 =	simm.s32 @!p1 $0x0  }
0x14: {  	s2 =	sld [smem:$0x3F73];
	s0 =	simm.s32 @p1 $0x1  }
0x15: {  	[smem:$0x3F90] =	sst s0;
	s0 =	simm.s32 @!p2 $0x0  }
0x16: {  	s3 =	sld [smem:$0x3FDB];
	s0 =	simm.s32 @p2 $0x1  }
0x17: {  	s4 =	simm.s32 $0x1BF5;
	[smem:$0x3F92] =	sst s0  }
0x18: {  	s0 =	sld [smem:$0x3F75];
	_ =	swait.ge [sflag:s4], $0x0  }
0x19: {  	s7 =	sld [smem:$0x3F76]  }
0x1a: {  	s8 =	sadd.s32 $0xFFFFE003, lr  }
0x1b: {  	s9 =	sadd.s32 $0xFFFFFEF7, lr;
	s5 =	simm.s32 $0xFFFFFFFF;
	p2 =	slt.u32 s8, $0xFFFFF086  }
0x1c: {  	p1 =	slt.u32 s9, $0xF7A;
	s5 =	simm.s32 @!p2 $0x0  }
0x1d: {  	s5 =	simm.s32 @p1 $0x1;
	p0 =	seq.s32 s7, s2  }
0x1e: {  	s7 =	smul.u32 @!p0 $0xF7A, s2;
	p2 =	seq.s32 @!p0 s5, $0x0  }
0x1f: {  	s9 =	smul.u32 $0xF7A, s1;
	s8 =	simm.s32 @!p0 $0x1BF5;
	p2 =	por !p2, p0  }
0x20: {  	[sflag:s8] =	ssyncset.s32 @!p0 $0xFFFFF086;
	s6 =	sadd.s32 @!p0 s3, s7;
	s7 =	simm.s32 @!p0 $0x108  }
0x21: {  	s3 =	sadd.s32 s3, s9;
	s6 =	sadd.s32 @!p0 $0x88, s6;
	s7 =	simm.s32 @p2 $0x1082  }
0x22: {  	[simem:s7], [sflag:s8] =	dma.local @!p0 [hbm:s6], $0xF7A  }
0x23: {  	s9 =	sor.u32 $0xD0000000, s2;
	s6 =	simm.s32 $0x108;
	_ =	swait.ge @!p0 [sflag:s8], $0x0  }
0x24: {  	s3 =	sadd.s32 $0x88, s3;
	s6 =	simm.s32 @!p1 $0x1082;
	[sflag:s4] =	ssyncset.s32 $0xFFFFF086  }
0x25: {  	[simem:s6], [sflag:s4] =	dma.local [hbm:s3], $0xF7A  }
0x26: {  	[smem:$0x3F76] =	sst s1;
	(tag) =	ssettag s2;
	_ =	strace s9  }
0x27: {  	s1 =	sld [smem:$0x3F86]  }
0x28: {  	s2 =	sld [smem:$0x3F87]  }
0x29: {  	s4 =	sld [smem:$0x3F89]  }
0x2a: {  	p0 =	seq.s32 s5, $0x0;
	s5 =	sld [smem:$0x3F8A]  }
0x2b: {  	s6 =	sld [smem:$0x3F8B]  }
0x2c: {  	s7 =	sld [smem:$0x3F8C]  }
0x2d: {  	s3 =	simm.s32 $0x108;
	s8 =	sld [smem:$0x3F8D]  }
0x2e: {  	s3 =	simm.s32 @!p0 $0x1082;
	s9 =	sld [smem:$0x3F8E]  }
0x2f: {  	lr =	sadd.s32 s0, s3;
	s0 =	sld [smem:$0x3F85]  }
0x30: {  	s3 =	sld [smem:$0x3F88]  }
0x31: {  	[smem:$0x3F91] =	sst s10  }
0x32: {  	s10 =	sld [smem:$0x3F8F];
	_ =	sdelay $0x3  }
0x33: {  	p0 =	seq.s32 s10, $0x1;
	s10 =	sld [smem:$0x3F91];
	_ =	sdelay $0x3  }
0x34: {  	[smem:$0x3F91] =	sst s10  }
0x35: {  	s10 =	sld [smem:$0x3F90];
	_ =	sdelay $0x3  }
0x36: {  	p1 =	seq.s32 s10, $0x1;
	s10 =	sld [smem:$0x3F91];
	_ =	sdelay $0x3  }
0x37: {  	[smem:$0x3F91] =	sst s10  }
0x38: {  	s10 =	sld [smem:$0x3F92]  }
0x39: {  	_ = 	snop;
	(pc) =	sbr.ind lr, $3  }
0x3a: {  	_ = 	snop  }
0x3b: {  	_ = 	snop  }
0x3c: {  	p2 =	seq.s32 s10, $0x1;
	s10 =	sld [smem:$0x3F91]  }
0x3d: {  	_ =	shalt  }
0x3e: {  	_ =	shalt  }
0x3f: {  	_ =	shalt  }
0x40: {  	_ =	shalt  }
0x41: {  	_ =	shalt  }
0x42: {  	_ =	shalt  }
0x43: {  	_ =	shalt  }
0x44: {  	_ =	shalt  }
0x45: {  	_ =	shalt  }
0x46: {  	_ =	shalt  }
0x47: {  	_ =	shalt  }
0x48: {  	_ =	shalt  }
0x49: {  	_ =	shalt  }
0x4a: {  	_ =	shalt  }
0x4b: {  	_ =	shalt  }
0x4c: {  	_ =	shalt  }
0x4d: {  	_ =	shalt  }
0x4e: {  	_ =	shalt  }
0x4f: {  	_ =	shalt  }
0x50: {  	_ =	shalt  }
0x51: {  	_ =	shalt  }
0x52: {  	_ =	shalt  }
0x53: {  	_ =	shalt  }
0x54: {  	_ =	shalt  }
0x55: {  	_ =	shalt  }
0x56: {  	_ =	shalt  }
0x57: {  	_ =	shalt  }
0x58: {  	_ =	shalt  }
0x59: {  	_ =	shalt  }
0x5a: {  	_ =	shalt  }
0x5b: {  	_ =	shalt  }
0x5c: {  	_ =	shalt  }
0x5d: {  	_ =	shalt  }
0x5e: {  	_ =	shalt  }
0x5f: {  	_ =	shalt  }
0x60: {  	_ =	shalt  }
0x61: {  	_ =	shalt  }
0x62: {  	_ =	shalt  }
0x63: {  	_ =	shalt  }
0x64: {  	_ =	shalt  }
0x65: {  	_ =	shalt  }
0x66: {  	_ =	shalt  }
0x67: {  	_ =	shalt  }
0x68: {  	_ =	shalt  }
0x69: {  	_ =	shalt  }
0x6a: {  	_ =	shalt  }
0x6b: {  	_ =	shalt  }
0x6c: {  	_ =	shalt  }
0x6d: {  	_ =	shalt  }
0x6e: {  	_ =	shalt  }
0x6f: {  	_ =	shalt  }
0x70: {  	_ =	shalt  }
0x71: {  	_ =	shalt  }
0x72: {  	_ =	shalt  }
0x73: {  	_ =	shalt  }
0x74: {  	_ =	shalt  }
0x75: {  	_ =	shalt  }
0x76: {  	_ =	shalt  }
0x77: {  	_ =	shalt  }
0x78: {  	_ =	shalt  }
0x79: {  	_ =	shalt  }
0x7a: {  	_ =	shalt  }
0x7b: {  	_ =	shalt  }
0x7c: {  	_ =	shalt  }
0x7d: {  	_ =	shalt  }
0x7e: {  	_ =	shalt  }
0x7f: {  	_ =	shalt  }
0x80: {  	_ =	shalt  }
0x81: {  	_ =	shalt  }
0x82: {  	_ =	shalt  }
0x83: {  	_ =	shalt  }
0x84: {  	_ =	shalt  }
0x85: {  	_ =	shalt  }
0x86: {  	_ =	shalt  }
0x87: {  	_ =	shalt  }
.Lfunc_end0:
.L_simem_size_0:
called_computation_lowered:
.L_overlay_start_0:
0x88: {  	s2 =	sld [smem:$0x3FD9]  }
0x89: {  	s3 =	sld [smem:$0x3FFE];
	_ =	sdelay $0x1  }
0x8a: {  	s1 =	srdreg.scid  }
0x8b: {  	s0 =	sand.u32 $0x1, s1  }
0x8c: {  	s17 =	sshll.u32 s0, $0xA;
	s2 =	sadd.s32 s3, s2  }
0x8d: {  	s2 =	sadd.s32 s2, s17  }
0x8e: {  	[smem:$0x3F9D] =	sst s2  }
0x8f: {  	_ = 	snop  }
0x90: {  	(tm) =	ssettm $0x1  }
0x91: {  	s18 =	sld [smem:$0x3FFB];
	_ =	sdelay $0x3  }
0x92: {  	_ =	strace s18  }
0x93: {  	s2 =	sld [smem:$0x3FFC];
	_ =	sdelay $0x3  }
0x94: {  	_ =	strace s2  }
0x95: {  	s2 =	sld [smem:$0x3FFD];
	_ =	sdelay $0x3  }
0x96: {  	_ =	strace s2  }
0x97: {  	_ =	strace $0x8FFFFFFF  }
0x98: {  	s19 =	sld [smem:$0x3FDB];
	_ =	sdelay $0x1  }
0x99: {  	s20 =	simm.s32 $_scs_section_size  }
0x9a: {  	s4 =	simm.s32 $_size__tile_overlayer_lowered;
	s5 =	simm.s32 $_tile_overlayer_lowered  }
0x9b: {  	s6 =	simm.s32 $0x1BFF;
	s21 =	sshll.u32 s5, $0x1;
	s3 =	sadd.s32 s20, s19  }
0x9c: {  	s22 =	simm.s32 $0x0;
	s4 =	sshll.u32 s4, $0x1;
	s5 =	sadd.s32 s21, s3  }
0x9d: {  	[timem:s22], [sflag:s6] =	dma.local [hbm:s5], s4  }
0x9e: {  	_ =	swait.ge [sflag:s6], s4  }
0x9f: {  	s4 =	ssub.s32 $0x0, s4;
	[sflag:s6] =	ssyncset.done $0x0  }
0xa0: {  	[sflag:s6] =	ssyncadd.s32 s4;
	_ =	sdelay $0x1  }
0xa1: {  	s23 =	simm.s32 $0x1B8B  }
0xa2: {  	_ =	swait.ge [sflag:s23], $0x1  }
0xa3: {  	[sflag:s23] =	ssyncset.done $0x0  }
0xa4: {  	[sflag:s23] =	ssyncadd.s32 $0xFFFFFFFF  }
0xa5: {  	s4 =	sld [smem:$0x0]  }
0xa6: {  	s5 =	sand.u32 $0xFFFFFFFE, s1  }
0xa7: {  	p0 =	sne.s32 s1, s5  }
0xa8: {  	s5 =	sshll.u32 @p0 s5, $0xE  }
0xa9: {  	s5 =	sadd.s32 @p0 $0x11B8D, s5;
	s6 =	sshll.u32 @p0 s4, $0x11  }
0xaa: {  	s5 =	sor.u32 @p0 s6, s5  }
0xab: {  	[sflag:s5] =	ssyncadd.remote.s32 @p0 $0x1;
	_ =	sdelay $0x1  }
0xac: {  	s5 =	simm.s32 @p0 $0x1B8D  }
0xad: {  	_ =	swait.eq @p0 [sflag:s5], $0x1  }
0xae: {  	[sflag:s5] =	ssyncadd.s32 @p0 $0xFFFFFFFF  }
0xaf: {  	s6 =	sshll.u32 @!p0 s1, $0xE  }
0xb0: {  	s6 =	sor.u32 @!p0 $0x4000, s6;
	s5 =	simm.s32 @!p0 $0x1B8D  }
0xb1: {  	s4 =	sshll.u32 @!p0 s4, $0x11;
	s6 =	sadd.s32 @!p0 $0x11B8D, s6;
	_ =	swait.eq @!p0 [sflag:s5], $0x1  }
0xb2: {  	s4 =	sor.u32 @!p0 s4, s6;
	[sflag:s5] =	ssyncadd.s32 @!p0 $0xFFFFFFFF  }
0xb3: {  	s25 =	simm.s32 $0x1B8E;
	s24 =	sld [smem:$0x3FFE];
	[sflag:s4] =	ssyncadd.remote.s32 @!p0 $0x1  }
0xb4: {  	s26 =	simm.s32 $execute0_lowered;
	[smem:$0x3FD2] =	sst s25  }
0xb5: {  	s5 =	sshll.u32 s26, $0x1;
	_ =	strace $0x80000049;
	[dreg:$0x1] =	wrdreg $0xFFFFFFFF  }
0xb6: {  	s28 =	simm.s32 $_size_execute0_lowered;
	s3 =	sadd.s32 s3, s5;
	[dreg:$0x0] =	wrdreg $0x0  }
0xb7: {  	s5 =	sshll.u32 s28, $0x1;
	[dreg:$0x2] =	wrdreg s3  }
0xb8: {  	[dreg:$0x3] =	wrdreg s5  }
0xb9: {  	[dreg:$0x4] =	wrdreg $0xC0  }
0xba: {  	_ =	task [dreg:s22], $0x5FFFF  }
0xbb: {  	[dreg:$0x1] =	wrdreg $0xFFFFFFFF  }
0xbc: {  	[dreg:$0x0] =	wrdreg $0x60  }
0xbd: {  	[dreg:$0x2] =	wrdreg s24  }
0xbe: {  	[dreg:$0x3] =	wrdreg $0x60800  }
0xbf: {  	[dreg:$0x4] =	wrdreg $0x9  }
0xc0: {  	_ =	task.clear_ibuf [dreg:s22], $0x5FFFF;
	_ =	strace $0x90000049  }
0xc1: {  	s29 =	simm.s32 $0x9;
	_ =	strace $0x8000004B  }
0xc2: {  	_ =	swait.ge [sflag:s29], $0x1  }
0xc3: {  	[sflag:s29] =	ssyncadd.s32 $0xFFFFFFFF  }
0xc4: {  	_ =	strace $0x9000004B  }
0xc5: {  	_ =	sfence  }
0xc6: {  	s30 =	sld [smem:$0x0];
	_ =	sdelay $0x2  }
0xc7: {  	s31 =	sshll.u32 s1, $0xD;
	s1 =	sshrl.u32 s1, $0x2  }
0xc8: {  	s4 =	sand.u32 $0x4000, s31;
	s1 =	sadd.s32 s1, s30  }
0xc9: {  	s0 =	sor.u32 s4, s0;
	s1 =	sshll.u32 s1, $0x11  }
0xca: {  	s0 =	sor.u32 s1, s0  }
0xcb: {  	s0 =	sadd.s32 $0x8F2B, s0  }
0xcc: {  	[sflag:s0] =	ssyncadd.remote.s32 $0x1  }
0xcd: {  	_ =	sfence.sel $0xFFFF  }
0xce: {  	[dreg:$0x0] =	wrdreg $0xFFFFFFFF;
	(pc) =	sbr.abs _section_cstart, $3  }
0xcf: {  	[dreg:$0x1] =	wrdreg $0xFFFFFFFF  }
0xd0: {  	_ =	task.clear_ibuf [dreg:s22], $0x2FFFF;
	_ =	strace $0x9FFFFFFF  }
0xd1: {  	(tm) =	ssettm $0x7FFFFFFF  }
tec
execute0_lowered:
.L_overlay_start_1:
0x0: {  	(tag) =	ssettag $0x1  }
0x1: {  	s4 =	rddreg [dreg:$0x0]  }
0x2: {  	s1 =	stileid.u32;
	s2 =	rddreg [dreg:$0x1]  }
0x3: {  	s5 =	srdreg.scid;
	s0 =	rddreg [dreg:$0x2]  }
0x4: {  	s17 =	simm.s32 $0x4080;
	s18 =	simm.s32 $0x1;
	s3 =	smul.u32 $0x271, s1  }
0x5: {  	s19 =	simm.s32 $0x80;
	s20 =	simm.s32 $0x0;
	s5 =	sand.u32 $0x1, s5  }
0x6: {  	p0 =	sne.s32 s1, $0x0;
	s7 =	smul.u32 $0x138800, s5;
	s6 =	sand.u32 $0x3FF8, s3  }
0x7: {  	s8 =	smul.u32 $0x4E20, s5;
	s5 =	ssub.s32 $0x2, s5;
	s6 =	smin.u32 s6, $0x2498  }
0x8: {  	s3 =	simm.s32 $0x0;
	s31 =	sshrl.u32 s5, $0x1;
	s6 =	sshll.u32 s6, $0x7  }
0x9: {  	[smem:$0x7FF] =	sst s3;
	s16 =	sadd.s32 s8, s4;
	s7 =	sadd.s32 s7, s6  }
0xa: {  	s8 =	ssub.s32 s5, s31;
	_ =	strace $0x8000004A;
	s7 =	sshrl.u32 s7, $0x3  }
.Ltmp0:
0xb: {  	s7 =	sadd.s32 s7, s4;
	s4 =	sadd.s32 s6, s2;
	(pc) =	sbr.rel .LBB2_1-.Ltmp0, $4  }
0xc: {  	s16 =	sadd.s32 $0x18400, s16;
	s5 =	sadd.s32 $0x12000, s4;
	s6 =	sadd.s32 $0x1446800, s7  }
0xd: {  	s7 =	smax.u32 s8, $0x1;
	s8 =	sadd.s32 $0x2000, s4;
	s9 =	sadd.s32 $0x4000, s4  }
0xe: {  	v0 =	vimm.f32 $0.0e+00;
	vm0 =	vcmask $0x300;
	s10 =	sadd.s32 $0x6000, s4;
	s11 =	sadd.s32 $0x8000, s4;
	s12 =	sadd.s32 $0xA000, s4  }
0xf: {  	v1 =	vsel vm0, $0x3F800000, v0;
	s13 =	sadd.s32 $0xC000, s4;
	s14 =	sadd.s32 $0xE000, s4;
	s15 =	sadd.s32 $0x10000, s4  }
.LBB2_8:
0x10: {  	s21 =	sadd.s32 s21, s16;
	[sflag:s18] =	ssyncadd.s32 $0xFFFFC000  }
0x11: {  	[tilespmem:s3], [sflag:$0x1] =	stream.linear.gather [hbm4b:s21+s3], $0x80, $0x38;
	[tilespmem:$0x19900] =	vst v63  }
0x12: {  	_ =	swait.ge [sflag:s18], $0x80  }
0x13: {  	[sflag:s18] =	ssyncset.done $0x0  }
0x14: {  	[sflag:s18] =	ssyncadd.s32 $0xFFFFFF80  }
0x15: {  	[spmem:s2] =	stream.indirect.scatter.add.f32 [tilespmem:s19], [sflag:$0x1], $0x80, s3, s19, $0xb8;
	[tilespmem:$0x19900] =	vst v63  }
0x16: {  	_ =	swait.ge [sflag:s18], $0x4000  }
0x17: {  	[sflag:s18] =	ssyncset.done $0x0  }
0x18: {  	[sflag:s18] =	ssyncadd.s32 $0xFFFFC000  }
.LBB2_9:
0x19: {  	s20 =	sadd.s32 $0x1, s20  }
0x1a: {  	s21 =	sshll.u32 s1, $0x6;
	[bflag:$0x0] =	sbarrier.arrive $0xFFFF;
	p1 =	sne.s32 s20, s7  }
.Ltmp1:
0x1b: {  	s22 =	sshrl.u32 s4, $0x3;
	s21 =	sor.u32 $0x1C01, s21;
	(pc) =	sbr.rel @!p1 .LBB2_10-.Ltmp1, $4  }
0x1c: {  	[hbm:s6], [sflag:s21] =	dma.local [spmem:s22], $0x2780  }
0x1d: {  	_ =	swait.ge [sflag:s18], $0x2780  }
0x1e: {  	[sflag:s18] =	ssyncset.done $0x0  }
0x1f: {  	[sflag:s18] =	ssyncadd.s32 $0xFFFFD880  }
.LBB2_1:
0x20: {  	s21 =	simm.s32 $0x0;
	s22 =	simm.s32 $0x0  }
.LBB2_2:
0x21: {  	s23 =	sand.u32 $0x7, s22  }
0x22: {  	p1 =	seq.s32 s23, $0x0  }
0x23: {  	v2 =	vpsel !p1, $0x0, v1;
	p1 =	sne.s32 s22, $0x3FF  }
.Ltmp2:
0x24: {  	_ = 	snop;
	(pc) =	sbr.rel @p1 .LBB2_2-.Ltmp2, $4  }
0x25: {  	s24 =	sand.u32 $0xFE00, s21  }
0x26: {  	s24 =	sshrl.u32 s24, $0x2;
	s23 =	sshll.u32 s23, $0x4  }
0x27: {  	s23 =	sor.u32 s23, s24  }
0x28: {  	s21 =	sadd.s32 $0x40, s21;
	s22 =	sadd.s32 $0x1, s22;
	[tilespmem:s23+$0x80] =	vst v2  }
0x29: {  	s21 =	simm.s32 $0x0  }
0x2a: {  	s22 =	sand.u32 $0x7E00, s21  }
0x2b: {  	s23 =	sand.u32 $0x70, s21;
	s24 =	sshrl.u32 s22, $0x2  }
0x2c: {  	s22 =	simm.s32 $0x40;
	s23 =	sor.u32 s23, s24  }
.LBB2_4:
0x2d: {  	p1 =	sne.s32 s22, $0x7FC0  }
0x2e: {  	[tilespmem:s23+$0x4080] =	vst v0;
	s21 =	sadd.s32 $0x10, s21;
	s23 =	smov.u32 s22;
	s22 =	sadd.s32 $0x40, s22  }
.Ltmp3:
0x2f: {  	(pc) =	sbr.rel @p1 .LBB2_4-.Ltmp3, $4  }
0x30: {  	_ = 	snop  }
0x31: {  	s23 =	sand.u32 $0x7E00, s23  }
0x32: {  	s24 =	sand.u32 $0x70, s21;
	s23 =	sshrl.u32 s23, $0x2  }
0x33: {  	s23 =	sor.u32 s24, s23  }
0x34: {  	[tilespmem:s23+$0x4080] =	vst v0  }
0x35: {  	[spmem:s4] =	stream.linear.scatter [tilespmem:s17], [sflag:$0x1], $0x2000, $0x38;
	[tilespmem:$0x19900] =	vst v63  }
0x36: {  	_ =	swait.ge [sflag:s18], $0x2000  }
0x37: {  	[sflag:s18] =	ssyncset.done $0x0  }
0x38: {  	[sflag:s18] =	ssyncadd.s32 $0xFFFFE000  }
0x39: {  	[spmem:s8] =	stream.linear.scatter [tilespmem:s17], [sflag:$0x1], $0x2000, $0x38;
	[tilespmem:$0x19900] =	vst v63  }
0x3a: {  	_ =	swait.ge [sflag:s18], $0x2000  }
0x3b: {  	[sflag:s18] =	ssyncset.done $0x0  }
0x3c: {  	[sflag:s18] =	ssyncadd.s32 $0xFFFFE000  }
0x3d: {  	[spmem:s9] =	stream.linear.scatter [tilespmem:s17], [sflag:$0x1], $0x2000, $0x38;
	[tilespmem:$0x19900] =	vst v63  }
0x3e: {  	_ =	swait.ge [sflag:s18], $0x2000  }
0x3f: {  	[sflag:s18] =	ssyncset.done $0x0  }
0x40: {  	[sflag:s18] =	ssyncadd.s32 $0xFFFFE000  }
0x41: {  	[spmem:s10] =	stream.linear.scatter [tilespmem:s17], [sflag:$0x1], $0x2000, $0x38;
	[tilespmem:$0x19900] =	vst v63  }
0x42: {  	_ =	swait.ge [sflag:s18], $0x2000  }
0x43: {  	[sflag:s18] =	ssyncset.done $0x0  }
0x44: {  	[sflag:s18] =	ssyncadd.s32 $0xFFFFE000  }
0x45: {  	[spmem:s11] =	stream.linear.scatter [tilespmem:s17], [sflag:$0x1], $0x2000, $0x38;
	[tilespmem:$0x19900] =	vst v63  }
0x46: {  	_ =	swait.ge [sflag:s18], $0x2000  }
0x47: {  	[sflag:s18] =	ssyncset.done $0x0  }
0x48: {  	[sflag:s18] =	ssyncadd.s32 $0xFFFFE000  }
0x49: {  	[spmem:s12] =	stream.linear.scatter [tilespmem:s17], [sflag:$0x1], $0x2000, $0x38;
	[tilespmem:$0x19900] =	vst v63  }
0x4a: {  	_ =	swait.ge [sflag:s18], $0x2000  }
0x4b: {  	[sflag:s18] =	ssyncset.done $0x0  }
0x4c: {  	[sflag:s18] =	ssyncadd.s32 $0xFFFFE000  }
0x4d: {  	[spmem:s13] =	stream.linear.scatter [tilespmem:s17], [sflag:$0x1], $0x2000, $0x38;
	[tilespmem:$0x19900] =	vst v63  }
0x4e: {  	_ =	swait.ge [sflag:s18], $0x2000  }
0x4f: {  	[sflag:s18] =	ssyncset.done $0x0  }
0x50: {  	[sflag:s18] =	ssyncadd.s32 $0xFFFFE000  }
0x51: {  	[spmem:s14] =	stream.linear.scatter [tilespmem:s17], [sflag:$0x1], $0x2000, $0x38;
	[tilespmem:$0x19900] =	vst v63  }
0x52: {  	_ =	swait.ge [sflag:s18], $0x2000  }
0x53: {  	[sflag:s18] =	ssyncset.done $0x0  }
0x54: {  	[sflag:s18] =	ssyncadd.s32 $0xFFFFE000  }
0x55: {  	[spmem:s15] =	stream.linear.scatter [tilespmem:s17], [sflag:$0x1], $0x2000, $0x38;
	[tilespmem:$0x19900] =	vst v63  }
0x56: {  	_ =	swait.ge [sflag:s18], $0x2000  }
0x57: {  	[sflag:s18] =	ssyncset.done $0x0  }
0x58: {  	[sflag:s18] =	ssyncadd.s32 $0xFFFFE000  }
0x59: {  	[spmem:s5] =	stream.linear.scatter [tilespmem:s17], [sflag:$0x1], $0x1C00, $0x38;
	[tilespmem:$0x19900] =	vst v63  }
.Ltmp4:
0x5a: {  	_ =	swait.ge [sflag:s18], $0x1C00;
	(pc) =	sbr.rel @p0 .LBB2_9-.Ltmp4, $3  }
0x5b: {  	[sflag:s18] =	ssyncset.done $0x0  }
0x5c: {  	[sflag:s18] =	ssyncadd.s32 $0xFFFFE400  }
0x5d: {  	[bflag:$0x0] =	sbarrier.arrive $0xFFFF;
	_ =	sdelay $0x1  }
0x5e: {  	s21 =	sadd.s32 $0x0, s16  }
0x5f: {  	[tilespmem:s3], [sflag:$0x1] =	stream.linear.gather [hbm4b:s21+s3], $0x80, $0x38;
	[tilespmem:$0x19900] =	vst v63  }
0x60: {  	_ =	swait.ge [sflag:s18], $0x80  }
0x61: {  	[sflag:s18] =	ssyncset.done $0x0  }
0x62: {  	[sflag:s18] =	ssyncadd.s32 $0xFFFFFF80  }
0x63: {  	[spmem:s2] =	stream.indirect.scatter.add.f32 [tilespmem:s19], [sflag:$0x1], $0x80, s3, s19, $0xb8;
	[tilespmem:$0x19900] =	vst v63  }
0x64: {  	_ =	swait.ge [sflag:s18], $0x4000  }
0x65: {  	s22 =	simm.s32 $0x20;
	s21 =	simm.s32 $0x10;
	[sflag:s18] =	ssyncset.done $0x0  }
.LBB2_7:
0x66: {  	s23 =	sadd.s32 s21, s16  }
0x67: {  	[sflag:s18] =	ssyncadd.s32 $0xFFFFC000;
	s21 =	smov.u32 s22;
	s24 =	sadd.s32 $0x10, s22  }
0x68: {  	[tilespmem:s3], [sflag:$0x1] =	stream.linear.gather [hbm4b:s23+s3], $0x80, $0x38;
	[tilespmem:$0x19900] =	vst v63  }
0x69: {  	p1 =	sne.s32 s22, $0x4E10;
	_ =	swait.ge [sflag:s18], $0x80  }
.Ltmp5:
0x6a: {  	[sflag:s18] =	ssyncset.done $0x0;
	(pc) =	sbr.rel @p1 .LBB2_7-.Ltmp5, $4  }
0x6b: {  	[sflag:s18] =	ssyncadd.s32 $0xFFFFFF80  }
0x6c: {  	[spmem:s2] =	stream.indirect.scatter.add.f32 [tilespmem:s19], [sflag:$0x1], $0x80, s3, s19, $0xb8;
	[tilespmem:$0x19900] =	vst v63  }
0x6d: {  	_ =	swait.ge [sflag:s18], $0x4000  }
0x6e: {  	s22 =	smov.u32 s24;
	[sflag:s18] =	ssyncset.done $0x0  }
.Ltmp6:
0x6f: {  	_ = 	snop;
	(pc) =	sbr.rel .LBB2_8-.Ltmp6, $1  }
0x70: {  	_ =	sdelay $0x3  }
.LBB2_10:
0x71: {  	_ =	sfence.sel $0x180000  }
0x72: {  	[bflag:$0x0] =	sbarrier.arrive $0xFFFF  }
0x73: {  	_ =	strace $0x9000004A  }
0x74: {  	s0 =	sadd.s32 @!p0 $0x100000, s0;
	[bflag:$0x2] =	sbarrier.arrive $0xFFFF  }
0x75: {  	[sflag:s0] =	ssyncadd.tile.s32 @!p0 $0x1;
	_ =	shalt  }
.Lfunc_end2:
_tile_overlayer_lowered:
.L_overlay_start_2:
0x76: {  	(tag) =	ssettag $0x2  }
0x77: {  	s0 =	rddreg [dreg:$0x0];
	s2 =	stileid.u32  }
0x78: {  	s1 =	rddreg [dreg:$0x1];
	p0 =	sne.s32 s2, $0x0  }
0x79: {  	s3 =	rddreg [dreg:$0x2];
	[bflag:$0x3] =	sbarrier.arrive $0xFFFF;
	s2 =	simm.s32 @!p0 $0x1C01  }
0x7a: {  	[timem:s3], [sflag:s2] =	dma.local @!p0 [hbm:s0], s1  }
0x7b: {  	s0 =	simm.s32 @!p0 $0x1  }
0x7c: {  	_ =	swait.ge @!p0 [sflag:s0], s1  }
0x7d: {  	s1 =	ssub.s32 @!p0 $0x0, s1;
	[sflag:s0] =	ssyncset.done @!p0 $0x0  }
0x7e: {  	[sflag:s0] =	ssyncadd.s32 @!p0 s1  }
0x7f: {  	[bflag:$0x3] =	sbarrier.arrive $0xFFFF  }
0x80: {  	_ =	shalt  }

// kernel: kernel.25.cloned.1.call-start
scs
__scs_entry_jumppad:
0x0: {  	(pc) =	sbr.rel $0x88, $3  }
0x1: {  	(tag) =	ssettag $0x0;
	lr =	simm.s32 $0x1  }
0x2: {  	[smem:$0x3F76] =	sst lr;
	_ =	strace $0xD0000000  }
0x3: {  	_ = 	snop  }
0x4: {  	_ = 	snop  }
0x5: {  	_ = 	snop  }
0x6: {  	_ = 	snop  }
0x7: {  	_ = 	snop  }
__scs_overlays_trampoline_lowered:
0x8: {  	[smem:$0x3F85] =	sst s0  }
0x9: {  	[smem:$0x3F86] =	sst s1  }
0xa: {  	[smem:$0x3F87] =	sst s2  }
0xb: {  	[smem:$0x3F88] =	sst s3  }
0xc: {  	[smem:$0x3F89] =	sst s4  }
0xd: {  	[smem:$0x3F8A] =	sst s5  }
0xe: {  	[smem:$0x3F8B] =	sst s6  }
0xf: {  	[smem:$0x3F8C] =	sst s7  }
0x10: {  	[smem:$0x3F8D] =	sst s8  }
0x11: {  	[smem:$0x3F8E] =	sst s9;
	s0 =	simm.s32 @!p0 $0x0  }
0x12: {  	s1 =	sld [smem:$0x3F74];
	s0 =	simm.s32 @p0 $0x1  }
0x13: {  	[smem:$0x3F8F] =	sst s0;
	s0 =	simm.s32 @!p1 $0x0  }
0x14: {  	s2 =	sld [smem:$0x3F73];
	s0 =	simm.s32 @p1 $0x1  }
0x15: {  	[smem:$0x3F90] =	sst s0;
	s0 =	simm.s32 @!p2 $0x0  }
0x16: {  	s3 =	sld [smem:$0x3FDB];
	s0 =	simm.s32 @p2 $0x1  }
0x17: {  	s4 =	simm.s32 $0x1BF5;
	[smem:$0x3F92] =	sst s0  }
0x18: {  	s0 =	sld [smem:$0x3F75];
	_ =	swait.ge [sflag:s4], $0x0  }
0x19: {  	s7 =	sld [smem:$0x3F76]  }
0x1a: {  	s8 =	sadd.s32 $0xFFFFE003, lr  }
0x1b: {  	s9 =	sadd.s32 $0xFFFFFEF7, lr;
	s5 =	simm.s32 $0xFFFFFFFF;
	p2 =	slt.u32 s8, $0xFFFFF086  }
0x1c: {  	p1 =	slt.u32 s9, $0xF7A;
	s5 =	simm.s32 @!p2 $0x0  }
0x1d: {  	s5 =	simm.s32 @p1 $0x1;
	p0 =	seq.s32 s7, s2  }
0x1e: {  	s7 =	smul.u32 @!p0 $0xF7A, s2;
	p2 =	seq.s32 @!p0 s5, $0x0  }
0x1f: {  	s9 =	smul.u32 $0xF7A, s1;
	s8 =	simm.s32 @!p0 $0x1BF5;
	p2 =	por !p2, p0  }
0x20: {  	[sflag:s8] =	ssyncset.s32 @!p0 $0xFFFFF086;
	s6 =	sadd.s32 @!p0 s3, s7;
	s7 =	simm.s32 @!p0 $0x108  }
0x21: {  	s3 =	sadd.s32 s3, s9;
	s6 =	sadd.s32 @!p0 $0x88, s6;
	s7 =	simm.s32 @p2 $0x1082  }
0x22: {  	[simem:s7], [sflag:s8] =	dma.local @!p0 [hbm:s6], $0xF7A  }
0x23: {  	s9 =	sor.u32 $0xD0000000, s2;
	s6 =	simm.s32 $0x108;
	_ =	swait.ge @!p0 [sflag:s8], $0x0  }
0x24: {  	s3 =	sadd.s32 $0x88, s3;
	s6 =	simm.s32 @!p1 $0x1082;
	[sflag:s4] =	ssyncset.s32 $0xFFFFF086  }
0x25: {  	[simem:s6], [sflag:s4] =	dma.local [hbm:s3], $0xF7A  }
0x26: {  	[smem:$0x3F76] =	sst s1;
	(tag) =	ssettag s2;
	_ =	strace s9  }
0x27: {  	s1 =	sld [smem:$0x3F86]  }
0x28: {  	s2 =	sld [smem:$0x3F87]  }
0x29: {  	s4 =	sld [smem:$0x3F89]  }
0x2a: {  	p0 =	seq.s32 s5, $0x0;
	s5 =	sld [smem:$0x3F8A]  }
0x2b: {  	s6 =	sld [smem:$0x3F8B]  }
0x2c: {  	s7 =	sld [smem:$0x3F8C]  }
0x2d: {  	s3 =	simm.s32 $0x108;
	s8 =	sld [smem:$0x3F8D]  }
0x2e: {  	s3 =	simm.s32 @!p0 $0x1082;
	s9 =	sld [smem:$0x3F8E]  }
0x2f: {  	lr =	sadd.s32 s0, s3;
	s0 =	sld [smem:$0x3F85]  }
0x30: {  	s3 =	sld [smem:$0x3F88]  }
0x31: {  	[smem:$0x3F91] =	sst s10  }
0x32: {  	s10 =	sld [smem:$0x3F8F];
	_ =	sdelay $0x3  }
0x33: {  	p0 =	seq.s32 s10, $0x1;
	s10 =	sld [smem:$0x3F91];
	_ =	sdelay $0x3  }
0x34: {  	[smem:$0x3F91] =	sst s10  }
0x35: {  	s10 =	sld [smem:$0x3F90];
	_ =	sdelay $0x3  }
0x36: {  	p1 =	seq.s32 s10, $0x1;
	s10 =	sld [smem:$0x3F91];
	_ =	sdelay $0x3  }
0x37: {  	[smem:$0x3F91] =	sst s10  }
0x38: {  	s10 =	sld [smem:$0x3F92]  }
0x39: {  	_ = 	snop;
	(pc) =	sbr.ind lr, $3  }
0x3a: {  	_ = 	snop  }
0x3b: {  	_ = 	snop  }
0x3c: {  	p2 =	seq.s32 s10, $0x1;
	s10 =	sld [smem:$0x3F91]  }
0x3d: {  	_ =	shalt  }
0x3e: {  	_ =	shalt  }
0x3f: {  	_ =	shalt  }
0x40: {  	_ =	shalt  }
0x41: {  	_ =	shalt  }
0x42: {  	_ =	shalt  }
0x43: {  	_ =	shalt  }
0x44: {  	_ =	shalt  }
0x45: {  	_ =	shalt  }
0x46: {  	_ =	shalt  }
0x47: {  	_ =	shalt  }
0x48: {  	_ =	shalt  }
0x49: {  	_ =	shalt  }
0x4a: {  	_ =	shalt  }
0x4b: {  	_ =	shalt  }
0x4c: {  	_ =	shalt  }
0x4d: {  	_ =	shalt  }
0x4e: {  	_ =	shalt  }
0x4f: {  	_ =	shalt  }
0x50: {  	_ =	shalt  }
0x51: {  	_ =	shalt  }
0x52: {  	_ =	shalt  }
0x53: {  	_ =	shalt  }
0x54: {  	_ =	shalt  }
0x55: {  	_ =	shalt  }
0x56: {  	_ =	shalt  }
0x57: {  	_ =	shalt  }
0x58: {  	_ =	shalt  }
0x59: {  	_ =	shalt  }
0x5a: {  	_ =	shalt  }
0x5b: {  	_ =	shalt  }
0x5c: {  	_ =	shalt  }
0x5d: {  	_ =	shalt  }
0x5e: {  	_ =	shalt  }
0x5f: {  	_ =	shalt  }
0x60: {  	_ =	shalt  }
0x61: {  	_ =	shalt  }
0x62: {  	_ =	shalt  }
0x63: {  	_ =	shalt  }
0x64: {  	_ =	shalt  }
0x65: {  	_ =	shalt  }
0x66: {  	_ =	shalt  }
0x67: {  	_ =	shalt  }
0x68: {  	_ =	shalt  }
0x69: {  	_ =	shalt  }
0x6a: {  	_ =	shalt  }
0x6b: {  	_ =	shalt  }
0x6c: {  	_ =	shalt  }
0x6d: {  	_ =	shalt  }
0x6e: {  	_ =	shalt  }
0x6f: {  	_ =	shalt  }
0x70: {  	_ =	shalt  }
0x71: {  	_ =	shalt  }
0x72: {  	_ =	shalt  }
0x73: {  	_ =	shalt  }
0x74: {  	_ =	shalt  }
0x75: {  	_ =	shalt  }
0x76: {  	_ =	shalt  }
0x77: {  	_ =	shalt  }
0x78: {  	_ =	shalt  }
0x79: {  	_ =	shalt  }
0x7a: {  	_ =	shalt  }
0x7b: {  	_ =	shalt  }
0x7c: {  	_ =	shalt  }
0x7d: {  	_ =	shalt  }
0x7e: {  	_ =	shalt  }
0x7f: {  	_ =	shalt  }
0x80: {  	_ =	shalt  }
0x81: {  	_ =	shalt  }
0x82: {  	_ =	shalt  }
0x83: {  	_ =	shalt  }
0x84: {  	_ =	shalt  }
0x85: {  	_ =	shalt  }
0x86: {  	_ =	shalt  }
0x87: {  	_ =	shalt  }
.Lfunc_end0:
.L_simem_size_0:
called_computation.1_lowered:
.L_overlay_start_0:
0x88: {  	s2 =	sld [smem:$0x3FD9]  }
0x89: {  	s3 =	sld [smem:$0x3FFE];
	_ =	sdelay $0x1  }
0x8a: {  	s1 =	srdreg.scid  }
0x8b: {  	s0 =	sand.u32 $0x1, s1  }
0x8c: {  	s16 =	sshll.u32 s0, $0xA;
	s2 =	sadd.s32 s3, s2  }
0x8d: {  	s2 =	sadd.s32 s2, s16  }
0x8e: {  	[smem:$0x3F9D] =	sst s2  }
0x8f: {  	_ = 	snop  }
0x90: {  	(tm) =	ssettm $0x1  }
0x91: {  	s17 =	sld [smem:$0x3FFB];
	_ =	sdelay $0x3  }
0x92: {  	_ =	strace s17  }
0x93: {  	s2 =	sld [smem:$0x3FFC];
	_ =	sdelay $0x3  }
0x94: {  	_ =	strace s2  }
0x95: {  	s2 =	sld [smem:$0x3FFD];
	_ =	sdelay $0x3  }
0x96: {  	_ =	strace s2  }
0x97: {  	_ =	strace $0x8FFFFFFF  }
0x98: {  	s18 =	sld [smem:$0x3FDB];
	_ =	sdelay $0x1  }
0x99: {  	s19 =	simm.s32 $_scs_section_size  }
0x9a: {  	s4 =	simm.s32 $_size__tile_overlayer_lowered;
	s5 =	simm.s32 $_tile_overlayer_lowered  }
0x9b: {  	s22 =	simm.s32 $0x1BFF;
	s21 =	sshll.u32 s5, $0x1;
	s2 =	sadd.s32 s19, s18  }
0x9c: {  	s6 =	simm.s32 $0x0;
	s20 =	sshll.u32 s4, $0x1;
	s4 =	sadd.s32 s21, s2  }
0x9d: {  	[timem:s6], [sflag:s22] =	dma.local [hbm:s4], s20  }
0x9e: {  	_ =	swait.ge [sflag:s22], s20  }
0x9f: {  	s3 =	ssub.s32 $0x0, s20;
	[sflag:s22] =	ssyncset.done $0x0  }
0xa0: {  	[sflag:s22] =	ssyncadd.s32 s3;
	_ =	sdelay $0x1  }
0xa1: {  	s23 =	simm.s32 $0x1B8B  }
0xa2: {  	_ =	swait.ge [sflag:s23], $0x1  }
0xa3: {  	[sflag:s23] =	ssyncset.done $0x0  }
0xa4: {  	s25 =	simm.s32 $0x1B8E;
	s24 =	sld [smem:$0x3FFE];
	[sflag:s23] =	ssyncadd.s32 $0xFFFFFFFF  }
0xa5: {  	s26 =	simm.s32 $execute0_lowered;
	[smem:$0x3FD2] =	sst s25  }
0xa6: {  	s4 =	sshll.u32 s26, $0x1;
	_ =	strace $0x80000046;
	[dreg:$0x1] =	wrdreg $0xFFFFFFFF  }
0xa7: {  	s28 =	simm.s32 $_size_execute0_lowered;
	s2 =	sadd.s32 s2, s4;
	[dreg:$0x0] =	wrdreg $0x0  }
0xa8: {  	s4 =	sshll.u32 s28, $0x1;
	[dreg:$0x2] =	wrdreg s2  }
0xa9: {  	[dreg:$0x3] =	wrdreg s4  }
0xaa: {  	[dreg:$0x4] =	wrdreg $0xC0  }
0xab: {  	_ =	task [dreg:s6], $0x5FFFF  }
0xac: {  	[dreg:$0x1] =	wrdreg $0xFFFFFFFF  }
0xad: {  	[dreg:$0x0] =	wrdreg $0x60  }
0xae: {  	[dreg:$0x2] =	wrdreg s24  }
0xaf: {  	[dreg:$0x3] =	wrdreg $0xA  }
0xb0: {  	_ =	task.clear_ibuf [dreg:s6], $0x4FFFF;
	_ =	strace $0x90000046  }
0xb1: {  	s29 =	simm.s32 $0xA;
	_ =	strace $0x80000048  }
0xb2: {  	_ =	swait.ge [sflag:s29], $0x1  }
0xb3: {  	[sflag:s29] =	ssyncadd.s32 $0xFFFFFFFF  }
0xb4: {  	_ =	strace $0x90000048  }
0xb5: {  	_ =	sfence  }
0xb6: {  	s30 =	sld [smem:$0x0];
	_ =	sdelay $0x2  }
0xb7: {  	s31 =	sshll.u32 s1, $0xD;
	s1 =	sshrl.u32 s1, $0x2  }
0xb8: {  	s3 =	sand.u32 $0x4000, s31;
	s1 =	sadd.s32 s1, s30  }
0xb9: {  	s0 =	sor.u32 s3, s0;
	s1 =	sshll.u32 s1, $0x11  }
0xba: {  	s0 =	sor.u32 s1, s0  }
0xbb: {  	s0 =	sadd.s32 $0x8F2B, s0  }
0xbc: {  	[sflag:s0] =	ssyncadd.remote.s32 $0x1  }
0xbd: {  	_ =	sfence.sel $0xFFFF  }
0xbe: {  	[dreg:$0x0] =	wrdreg $0xFFFFFFFF;
	(pc) =	sbr.abs _section_cstart, $3  }
0xbf: {  	[dreg:$0x1] =	wrdreg $0xFFFFFFFF  }
0xc0: {  	_ =	task.clear_ibuf [dreg:s6], $0x2FFFF;
	_ =	strace $0x9FFFFFFF  }
0xc1: {  	(tm) =	ssettm $0x7FFFFFFF  }
tec
execute0_lowered:
.L_overlay_start_1:
0x0: {  	(tag) =	ssettag $0x1  }
0x1: {  	s0 =	rddreg [dreg:$0x0];
	s1 =	simm.s32 $0x0  }
0x2: {  	s2 =	srdreg.scid;
	s8 =	stileid.u32;
	s10 =	simm.s32 $0x4  }
0x3: {  	s12 =	simm.s32 $0x100;
	s29 =	simm.s32 $0x8100;
	s30 =	simm.s32 $0x8900  }
0x4: {  	s31 =	simm.s32 $0x9100;
	s9 =	simm.s32 $0xC100;
	s11 =	simm.s32 $0xC900  }
0x5: {  	s13 =	simm.s32 $0xD100;
	s14 =	simm.s32 $0xD900;
	s15 =	simm.s32 $0xE100  }
0x6: {  	s16 =	simm.s32 $0xE900;
	s17 =	simm.s32 $0xF100;
	s18 =	simm.s32 $0xF900  }
0x7: {  	s19 =	simm.s32 $0x1;
	s20 =	simm.s32 $0x2;
	s21 =	simm.s32 $0x3  }
0x8: {  	s23 =	simm.s32 $0x0;
	s28 =	simm.s32 $0x80;
	[smem:$0x7FF] =	sst s1  }
0x9: {  	s2 =	sand.u32 $0x1, s2;
	s3 =	sadd.s32 $0x70600, s0;
	s5 =	sshll.u32 s8, $0x5  }
0xa: {  	s6 =	sshll.u32 s8, $0xD;
	s24 =	sshll.u32 s8, $0x1;
	s8 =	simm.s32 $0xB900  }
0xb: {  	_ =	strace $0x80000047;
	s4 =	ssub.s32 $0x2, s2;
	s5 =	sadd.s32 s5, s0  }
0xc: {  	s0 =	sadd.s32 s6, s0;
	[dreg:$0x2] =	wrdreg s24;
	s25 =	sshll.u32 s2, $0x4  }
0xd: {  	s2 =	sshll.u32 s2, $0xC;
	s7 =	sshrl.u32 s4, $0x1;
	s26 =	sadd.s32 s25, s5  }
.Ltmp0:
0xe: {  	s0 =	sadd.s32 s2, s0;
	s5 =	simm.s32 $0xB100;
	(pc) =	sbr.rel .LBB2_1-.Ltmp0, $4  }
0xf: {  	s4 =	ssub.s32 s4, s7;
	s6 =	sadd.s32 $0x18400, s26;
	s2 =	sadd.s32 $0xA82800, s0  }
0x10: {  	v2 =	vlaneseq.u32;
	s7 =	sadd.s32 $0xE600, s26;
	s0 =	sadd.s32 $0xBE800, s0;
	[dreg:$0x4] =	wrdreg s2  }
0x11: {  	vm0 =	vmmov $0xffff;
	v1 =	vshrl.u32 v2, $0x3;
	s4 =	smax.u32 s4, $0x1;
	[dreg:$0x5] =	wrdreg s0;
	s0 =	simm.s32 $0x9900  }
0x12: {  	v0 =	vand.u32 $0x7, v2;
	v2 =	vor.u32 $0x8, v2;
	v1 =	vmul.u32 $0x8, v1;
	s2 =	simm.s32 $0xA100;
	[dreg:$0x3] =	wrdreg s4;
	s4 =	simm.s32 $0xA900  }
.LBB2_5:
0x13: {  	s23 =	rddreg [dreg:$0x6]  }
0x14: {  	s22 =	rddreg [dreg:$0x3];
	s23 =	sadd.s32 $0x1, s23  }
0x15: {  	p0 =	sne.s32 s23, s22  }
.Ltmp1:
0x16: {  	_ = 	snop;
	(pc) =	sbr.rel @!p0 .LBB2_6-.Ltmp1, $1  }
0x17: {  	_ =	sdelay $0x3  }
.LBB2_1:
.Ltmp2:
0x18: {  	(pc) =	sbr.rel .LBB2_2-.Ltmp2, $4  }
0x19: {  	[dreg:$0x6] =	wrdreg s23  }
0x1a: {  	s22 =	rddreg [dreg:$0x2]  }
0x1b: {  	s23 =	rddreg [dreg:$0x5]  }
0x1c: {  	s24 =	rddreg [dreg:$0x4];
	s25 =	simm.s32 $0x0  }
.LBB2_4:
0x1d: {  	s25 =	sadd.s32 $0x200, s25  }
0x1e: {  	p0 =	sne.s32 s25, $0x9E00  }
.Ltmp3:
0x1f: {  	_ = 	snop;
	(pc) =	sbr.rel @!p0 .LBB2_5-.Ltmp3, $2  }
0x20: {  	_ =	sdelay $0x2  }
0x21: {  	s24 =	sadd.s32 $0x20000, s24;
	s23 =	sadd.s32 $0x20000, s23;
	s22 =	sadd.s32 $0x20, s22  }
.LBB2_2:
0x22: {  	p0 =	sgt.u32 s22, $0x9C3  }
.Ltmp4:
0x23: {  	_ = 	snop;
	(pc) =	sbr.rel @p0 .LBB2_4-.Ltmp4, $1  }
0x24: {  	_ =	sdelay $0x3  }
0x25: {  	s26 =	sadd.s32 s25, s7  }
0x26: {  	[tilespmem:s1], [sflag:$0x4] =	stream.linear.gather [hbm4b:s26+s1], $0x80, $0x38;
	[tilespmem:$0x10100] =	vst v63  }
0x27: {  	_ =	swait.ge [sflag:s10], $0x80  }
0x28: {  	[sflag:s10] =	ssyncset.done $0x0  }
0x29: {  	s26 =	sadd.s32 s25, s6;
	[sflag:s10] =	ssyncadd.s32 $0xFFFFFF80  }
0x2a: {  	[tilespmem:s28], [sflag:$0x4] =	stream.linear.gather [hbm4b:s26+s1], $0x80, $0x38;
	[tilespmem:$0x10100] =	vst v63  }
0x2b: {  	_ =	swait.ge [sflag:s10], $0x80  }
0x2c: {  	[sflag:s10] =	ssyncset.done $0x0  }
0x2d: {  	[sflag:s10] =	ssyncadd.s32 $0xFFFFFF80  }
0x2e: {  	v3 =	vld [tilespmem:$0x0];
	_ =	sdelay $0x4  }
0x2f: {  	v4 =	vshll.u32 v3, $0x1  }
0x30: {  	v3 =	vand.u32 $0x7, v3;
	v4 =	vand.u32 $0xFFFFFFF0, v4  }
0x31: {  	v3 =	vor.u32 v3, v4  }
0x32: {  	v4 =	vperm.xlane v3, v0;
	_ =	sdelay $0x1  }
0x33: {  	v3 =	vperm.xlane v3, v2;
	v4 =	vadd.s32 v1, v4;
	_ =	sdelay $0x1  }
0x34: {  	v3 =	vadd.s32 v1, v3;
	_ =	sdelay $0x2  }
0x35: {  	[tilespmem:s12], [sflag:$0x1] =	stream.indirect_vreg.gather [hbm4b:s3+s1], $0x80, v4, vm0, $0xb8;
	[tilespmem:$0x10100] =	vst v63  }
0x36: {  	s26 =	simm.s32 $0x900  }
0x37: {  	[tilespmem:s26], [sflag:$0x1] =	stream.indirect_vreg.gather [hbm4b:s3+s1], $0x80, v3, vm0, $0xb8;
	[tilespmem:$0x10100] =	vst v63  }
0x38: {  	v3 =	vld [tilespmem:$0x10];
	_ =	sdelay $0x4  }
0x39: {  	v49 =	vshll.u32 v3, $0x1  }
0x3a: {  	v3 =	vand.u32 $0x7, v3;
	v4 =	vand.u32 $0xFFFFFFF0, v49  }
0x3b: {  	v3 =	vor.u32 v3, v4  }
0x3c: {  	v4 =	vperm.xlane v3, v0;
	_ =	sdelay $0x1  }
0x3d: {  	v3 =	vperm.xlane v3, v2;
	v4 =	vadd.s32 v1, v4;
	_ =	sdelay $0x1  }
0x3e: {  	v3 =	vadd.s32 v1, v3;
	_ =	sdelay $0x1  }
0x3f: {  	s26 =	simm.s32 $0x1100  }
0x40: {  	[tilespmem:s26], [sflag:$0x1] =	stream.indirect_vreg.gather [hbm4b:s3+s1], $0x80, v4, vm0, $0xb8;
	[tilespmem:$0x10100] =	vst v63  }
0x41: {  	s26 =	simm.s32 $0x1900  }
0x42: {  	[tilespmem:s26], [sflag:$0x1] =	stream.indirect_vreg.gather [hbm4b:s3+s1], $0x80, v3, vm0, $0xb8;
	[tilespmem:$0x10100] =	vst v63  }
0x43: {  	v3 =	vld [tilespmem:$0x20];
	_ =	sdelay $0x4  }
0x44: {  	v50 =	vshll.u32 v3, $0x1  }
0x45: {  	v3 =	vand.u32 $0x7, v3;
	v4 =	vand.u32 $0xFFFFFFF0, v50  }
0x46: {  	v3 =	vor.u32 v3, v4  }
0x47: {  	v4 =	vperm.xlane v3, v0;
	_ =	sdelay $0x1  }
0x48: {  	v3 =	vperm.xlane v3, v2;
	v4 =	vadd.s32 v1, v4;
	_ =	sdelay $0x1  }
0x49: {  	v3 =	vadd.s32 v1, v3;
	_ =	sdelay $0x1  }
0x4a: {  	s26 =	simm.s32 $0x2100  }
0x4b: {  	[tilespmem:s26], [sflag:$0x1] =	stream.indirect_vreg.gather [hbm4b:s3+s1], $0x80, v4, vm0, $0xb8;
	[tilespmem:$0x10100] =	vst v63  }
0x4c: {  	s26 =	simm.s32 $0x2900  }
0x4d: {  	[tilespmem:s26], [sflag:$0x1] =	stream.indirect_vreg.gather [hbm4b:s3+s1], $0x80, v3, vm0, $0xb8;
	[tilespmem:$0x10100] =	vst v63  }
0x4e: {  	v3 =	vld [tilespmem:$0x30];
	_ =	sdelay $0x4  }
0x4f: {  	v51 =	vshll.u32 v3, $0x1  }
0x50: {  	v3 =	vand.u32 $0x7, v3;
	v4 =	vand.u32 $0xFFFFFFF0, v51  }
0x51: {  	v3 =	vor.u32 v3, v4  }
0x52: {  	v4 =	vperm.xlane v3, v0;
	_ =	sdelay $0x1  }
0x53: {  	v3 =	vperm.xlane v3, v2;
	v4 =	vadd.s32 v1, v4;
	_ =	sdelay $0x1  }
0x54: {  	v3 =	vadd.s32 v1, v3;
	_ =	sdelay $0x1  }
0x55: {  	s26 =	simm.s32 $0x3100  }
0x56: {  	[tilespmem:s26], [sflag:$0x1] =	stream.indirect_vreg.gather [hbm4b:s3+s1], $0x80, v4, vm0, $0xb8;
	[tilespmem:$0x10100] =	vst v63  }
0x57: {  	s26 =	simm.s32 $0x3900  }
0x58: {  	[tilespmem:s26], [sflag:$0x1] =	stream.indirect_vreg.gather [hbm4b:s3+s1], $0x80, v3, vm0, $0xb8;
	[tilespmem:$0x10100] =	vst v63  }
0x59: {  	v3 =	vld [tilespmem:$0x40];
	_ =	sdelay $0x4  }
0x5a: {  	v52 =	vshll.u32 v3, $0x1  }
0x5b: {  	v3 =	vand.u32 $0x7, v3;
	v4 =	vand.u32 $0xFFFFFFF0, v52  }
0x5c: {  	v3 =	vor.u32 v3, v4  }
0x5d: {  	v4 =	vperm.xlane v3, v0;
	_ =	sdelay $0x1  }
0x5e: {  	v3 =	vperm.xlane v3, v2;
	v4 =	vadd.s32 v1, v4;
	_ =	sdelay $0x1  }
0x5f: {  	v3 =	vadd.s32 v1, v3;
	_ =	sdelay $0x1  }
0x60: {  	s26 =	simm.s32 $0x4100  }
0x61: {  	[tilespmem:s26], [sflag:$0x1] =	stream.indirect_vreg.gather [hbm4b:s3+s1], $0x80, v4, vm0, $0xb8;
	[tilespmem:$0x10100] =	vst v63  }
0x62: {  	s26 =	simm.s32 $0x4900  }
0x63: {  	[tilespmem:s26], [sflag:$0x1] =	stream.indirect_vreg.gather [hbm4b:s3+s1], $0x80, v3, vm0, $0xb8;
	[tilespmem:$0x10100] =	vst v63  }
0x64: {  	v3 =	vld [tilespmem:$0x50];
	_ =	sdelay $0x4  }
0x65: {  	v53 =	vshll.u32 v3, $0x1  }
0x66: {  	v3 =	vand.u32 $0x7, v3;
	v4 =	vand.u32 $0xFFFFFFF0, v53  }
0x67: {  	v3 =	vor.u32 v3, v4  }
0x68: {  	v4 =	vperm.xlane v3, v0;
	_ =	sdelay $0x1  }
0x69: {  	v3 =	vperm.xlane v3, v2;
	v4 =	vadd.s32 v1, v4;
	_ =	sdelay $0x1  }
0x6a: {  	v3 =	vadd.s32 v1, v3;
	_ =	sdelay $0x1  }
0x6b: {  	s26 =	simm.s32 $0x5100  }
0x6c: {  	[tilespmem:s26], [sflag:$0x1] =	stream.indirect_vreg.gather [hbm4b:s3+s1], $0x80, v4, vm0, $0xb8;
	[tilespmem:$0x10100] =	vst v63  }
0x6d: {  	s26 =	simm.s32 $0x5900  }
0x6e: {  	[tilespmem:s26], [sflag:$0x1] =	stream.indirect_vreg.gather [hbm4b:s3+s1], $0x80, v3, vm0, $0xb8;
	[tilespmem:$0x10100] =	vst v63  }
0x6f: {  	v3 =	vld [tilespmem:$0x60];
	_ =	sdelay $0x4  }
0x70: {  	v54 =	vshll.u32 v3, $0x1  }
0x71: {  	v3 =	vand.u32 $0x7, v3;
	v4 =	vand.u32 $0xFFFFFFF0, v54  }
0x72: {  	v3 =	vor.u32 v3, v4  }
0x73: {  	v4 =	vperm.xlane v3, v0;
	_ =	sdelay $0x1  }
0x74: {  	v3 =	vperm.xlane v3, v2;
	v4 =	vadd.s32 v1, v4;
	_ =	sdelay $0x1  }
0x75: {  	v3 =	vadd.s32 v1, v3;
	_ =	sdelay $0x1  }
0x76: {  	s26 =	simm.s32 $0x6100  }
0x77: {  	[tilespmem:s26], [sflag:$0x1] =	stream.indirect_vreg.gather [hbm4b:s3+s1], $0x80, v4, vm0, $0xb8;
	[tilespmem:$0x10100] =	vst v63  }
0x78: {  	s26 =	simm.s32 $0x6900  }
0x79: {  	[tilespmem:s26], [sflag:$0x1] =	stream.indirect_vreg.gather [hbm4b:s3+s1], $0x80, v3, vm0, $0xb8;
	[tilespmem:$0x10100] =	vst v63  }
0x7a: {  	v3 =	vld [tilespmem:$0x70];
	_ =	sdelay $0x4  }
0x7b: {  	v55 =	vshll.u32 v3, $0x1  }
0x7c: {  	v3 =	vand.u32 $0x7, v3;
	v4 =	vand.u32 $0xFFFFFFF0, v55  }
0x7d: {  	v3 =	vor.u32 v3, v4  }
0x7e: {  	v4 =	vperm.xlane v3, v0;
	_ =	sdelay $0x1  }
0x7f: {  	v3 =	vperm.xlane v3, v2;
	v4 =	vadd.s32 v1, v4;
	_ =	sdelay $0x1  }
0x80: {  	v3 =	vadd.s32 v1, v3;
	_ =	sdelay $0x1  }
0x81: {  	s26 =	simm.s32 $0x7100  }
0x82: {  	[tilespmem:s26], [sflag:$0x1] =	stream.indirect_vreg.gather [hbm4b:s3+s1], $0x80, v4, vm0, $0xb8;
	[tilespmem:$0x10100] =	vst v63  }
0x83: {  	s26 =	simm.s32 $0x7900  }
0x84: {  	[tilespmem:s26], [sflag:$0x1] =	stream.indirect_vreg.gather [hbm4b:s3+s1], $0x80, v3, vm0, $0xb8;
	[tilespmem:$0x10100] =	vst v63  }
0x85: {  	v3 =	vld [tilespmem:$0x80];
	_ =	sdelay $0x4  }
0x86: {  	v56 =	vshll.u32 v3, $0x1  }
0x87: {  	v3 =	vand.u32 $0x7, v3;
	v4 =	vand.u32 $0xFFFFFFF0, v56  }
0x88: {  	v3 =	vor.u32 v3, v4  }
0x89: {  	v4 =	vperm.xlane v3, v0;
	_ =	sdelay $0x1  }
0x8a: {  	v3 =	vperm.xlane v3, v2;
	v4 =	vadd.s32 v1, v4;
	_ =	sdelay $0x1  }
0x8b: {  	v3 =	vadd.s32 v1, v3;
	_ =	sdelay $0x2  }
0x8c: {  	[tilespmem:s29], [sflag:$0x2] =	stream.indirect_vreg.gather [hbm4b:s3+s1], $0x80, v4, vm0, $0xb8;
	[tilespmem:$0x10100] =	vst v63  }
0x8d: {  	_ = 	snop  }
0x8e: {  	[tilespmem:s30], [sflag:$0x2] =	stream.indirect_vreg.gather [hbm4b:s3+s1], $0x80, v3, vm0, $0xb8;
	[tilespmem:$0x10100] =	vst v63  }
0x8f: {  	v3 =	vld [tilespmem:$0x90];
	_ =	sdelay $0x4  }
0x90: {  	v57 =	vshll.u32 v3, $0x1  }
0x91: {  	v3 =	vand.u32 $0x7, v3;
	v4 =	vand.u32 $0xFFFFFFF0, v57  }
0x92: {  	v3 =	vor.u32 v3, v4  }
0x93: {  	v4 =	vperm.xlane v3, v0;
	_ =	sdelay $0x1  }
0x94: {  	v3 =	vperm.xlane v3, v2;
	v4 =	vadd.s32 v1, v4;
	_ =	sdelay $0x1  }
0x95: {  	v3 =	vadd.s32 v1, v3;
	_ =	sdelay $0x2  }
0x96: {  	[tilespmem:s31], [sflag:$0x2] =	stream.indirect_vreg.gather [hbm4b:s3+s1], $0x80, v4, vm0, $0xb8;
	[tilespmem:$0x10100] =	vst v63  }
0x97: {  	_ = 	snop  }
0x98: {  	[tilespmem:s0], [sflag:$0x2] =	stream.indirect_vreg.gather [hbm4b:s3+s1], $0x80, v3, vm0, $0xb8;
	[tilespmem:$0x10100] =	vst v63  }
0x99: {  	v3 =	vld [tilespmem:$0xA0];
	_ =	sdelay $0x4  }
0x9a: {  	v58 =	vshll.u32 v3, $0x1  }
0x9b: {  	v3 =	vand.u32 $0x7, v3;
	v4 =	vand.u32 $0xFFFFFFF0, v58  }
0x9c: {  	v3 =	vor.u32 v3, v4  }
0x9d: {  	v4 =	vperm.xlane v3, v0;
	_ =	sdelay $0x1  }
0x9e: {  	v3 =	vperm.xlane v3, v2;
	v4 =	vadd.s32 v1, v4;
	_ =	sdelay $0x1  }
0x9f: {  	v3 =	vadd.s32 v1, v3;
	_ =	sdelay $0x2  }
0xa0: {  	[tilespmem:s2], [sflag:$0x2] =	stream.indirect_vreg.gather [hbm4b:s3+s1], $0x80, v4, vm0, $0xb8;
	[tilespmem:$0x10100] =	vst v63  }
0xa1: {  	_ = 	snop  }
0xa2: {  	[tilespmem:s4], [sflag:$0x2] =	stream.indirect_vreg.gather [hbm4b:s3+s1], $0x80, v3, vm0, $0xb8;
	[tilespmem:$0x10100] =	vst v63  }
0xa3: {  	v3 =	vld [tilespmem:$0xB0];
	_ =	sdelay $0x4  }
0xa4: {  	v59 =	vshll.u32 v3, $0x1  }
0xa5: {  	v3 =	vand.u32 $0x7, v3;
	v4 =	vand.u32 $0xFFFFFFF0, v59  }
0xa6: {  	v3 =	vor.u32 v3, v4  }
0xa7: {  	v4 =	vperm.xlane v3, v0;
	_ =	sdelay $0x1  }
0xa8: {  	v3 =	vperm.xlane v3, v2;
	v4 =	vadd.s32 v1, v4;
	_ =	sdelay $0x1  }
0xa9: {  	v3 =	vadd.s32 v1, v3;
	_ =	sdelay $0x2  }
0xaa: {  	[tilespmem:s5], [sflag:$0x2] =	stream.indirect_vreg.gather [hbm4b:s3+s1], $0x80, v4, vm0, $0xb8;
	[tilespmem:$0x10100] =	vst v63  }
0xab: {  	_ = 	snop  }
0xac: {  	[tilespmem:s8], [sflag:$0x2] =	stream.indirect_vreg.gather [hbm4b:s3+s1], $0x80, v3, vm0, $0xb8;
	[tilespmem:$0x10100] =	vst v63  }
0xad: {  	v3 =	vld [tilespmem:$0xC0];
	_ =	sdelay $0x4  }
0xae: {  	v60 =	vshll.u32 v3, $0x1  }
0xaf: {  	v3 =	vand.u32 $0x7, v3;
	v4 =	vand.u32 $0xFFFFFFF0, v60  }
0xb0: {  	v3 =	vor.u32 v3, v4  }
0xb1: {  	v4 =	vperm.xlane v3, v0;
	_ =	sdelay $0x1  }
0xb2: {  	v3 =	vperm.xlane v3, v2;
	v4 =	vadd.s32 v1, v4;
	_ =	sdelay $0x1  }
0xb3: {  	v3 =	vadd.s32 v1, v3;
	_ =	sdelay $0x2  }
0xb4: {  	[tilespmem:s9], [sflag:$0x2] =	stream.indirect_vreg.gather [hbm4b:s3+s1], $0x80, v4, vm0, $0xb8;
	[tilespmem:$0x10100] =	vst v63  }
0xb5: {  	_ = 	snop  }
0xb6: {  	[tilespmem:s11], [sflag:$0x2] =	stream.indirect_vreg.gather [hbm4b:s3+s1], $0x80, v3, vm0, $0xb8;
	[tilespmem:$0x10100] =	vst v63  }
0xb7: {  	v3 =	vld [tilespmem:$0xD0];
	_ =	sdelay $0x4  }
0xb8: {  	v61 =	vshll.u32 v3, $0x1  }
0xb9: {  	v3 =	vand.u32 $0x7, v3;
	v4 =	vand.u32 $0xFFFFFFF0, v61  }
0xba: {  	v3 =	vor.u32 v3, v4  }
0xbb: {  	v4 =	vperm.xlane v3, v0;
	_ =	sdelay $0x1  }
0xbc: {  	v3 =	vperm.xlane v3, v2;
	v4 =	vadd.s32 v1, v4;
	_ =	sdelay $0x1  }
0xbd: {  	v3 =	vadd.s32 v1, v3;
	_ =	sdelay $0x2  }
0xbe: {  	[tilespmem:s13], [sflag:$0x2] =	stream.indirect_vreg.gather [hbm4b:s3+s1], $0x80, v4, vm0, $0xb8;
	[tilespmem:$0x10100] =	vst v63  }
0xbf: {  	_ = 	snop  }
0xc0: {  	[tilespmem:s14], [sflag:$0x2] =	stream.indirect_vreg.gather [hbm4b:s3+s1], $0x80, v3, vm0, $0xb8;
	[tilespmem:$0x10100] =	vst v63  }
0xc1: {  	v3 =	vld [tilespmem:$0xE0];
	_ =	sdelay $0x4  }
0xc2: {  	v62 =	vshll.u32 v3, $0x1  }
0xc3: {  	v3 =	vand.u32 $0x7, v3;
	v4 =	vand.u32 $0xFFFFFFF0, v62  }
0xc4: {  	v3 =	vor.u32 v3, v4  }
0xc5: {  	v4 =	vperm.xlane v3, v0;
	_ =	sdelay $0x1  }
0xc6: {  	v3 =	vperm.xlane v3, v2;
	v4 =	vadd.s32 v1, v4;
	_ =	sdelay $0x1  }
0xc7: {  	v3 =	vadd.s32 v1, v3;
	_ =	sdelay $0x2  }
0xc8: {  	[tilespmem:s15], [sflag:$0x2] =	stream.indirect_vreg.gather [hbm4b:s3+s1], $0x80, v4, vm0, $0xb8;
	[tilespmem:$0x10100] =	vst v63  }
0xc9: {  	_ = 	snop  }
0xca: {  	[tilespmem:s16], [sflag:$0x2] =	stream.indirect_vreg.gather [hbm4b:s3+s1], $0x80, v3, vm0, $0xb8;
	[tilespmem:$0x10100] =	vst v63  }
0xcb: {  	v3 =	vld [tilespmem:$0xF0];
	_ =	sdelay $0x4  }
0xcc: {  	v63 =	vshll.u32 v3, $0x1  }
0xcd: {  	v3 =	vand.u32 $0x7, v3;
	v4 =	vand.u32 $0xFFFFFFF0, v63  }
0xce: {  	v3 =	vor.u32 v3, v4  }
0xcf: {  	v4 =	vperm.xlane v3, v0;
	_ =	sdelay $0x1  }
0xd0: {  	v3 =	vperm.xlane v3, v2;
	v4 =	vadd.s32 v1, v4;
	_ =	sdelay $0x1  }
0xd1: {  	v3 =	vadd.s32 v1, v3;
	_ =	sdelay $0x2  }
0xd2: {  	[tilespmem:s17], [sflag:$0x2] =	stream.indirect_vreg.gather [hbm4b:s3+s1], $0x80, v4, vm0, $0xb8;
	[tilespmem:$0x10100] =	vst v63  }
0xd3: {  	_ = 	snop  }
0xd4: {  	[tilespmem:s18], [sflag:$0x2] =	stream.indirect_vreg.gather [hbm4b:s3+s1], $0x80, v3, vm0, $0xb8;
	[tilespmem:$0x10100] =	vst v63  }
0xd5: {  	_ =	swait.ge [sflag:s19], $0x8000  }
0xd6: {  	[sflag:s19] =	ssyncset.done $0x0  }
0xd7: {  	[sflag:s19] =	ssyncadd.s32 $0xFFFF8000  }
0xd8: {  	_ =	swait.ge [sflag:s20], $0x8000  }
0xd9: {  	[sflag:s20] =	ssyncset.done $0x0  }
0xda: {  	[sflag:s20] =	ssyncadd.s32 $0xFFFF8000  }
0xdb: {  	[hbm4b:s23+s1] =	stream.linear.scatter [tilespmem:s12], [sflag:$0x4], $0x8000, $0x38;
	[tilespmem:$0x10100] =	vst v63  }
0xdc: {  	_ =	swait.ge [sflag:s10], $0x8000  }
0xdd: {  	[sflag:s10] =	ssyncset.done $0x0  }
.Ltmp5:
0xde: {  	[sflag:s10] =	ssyncadd.s32 $0xFFFF8000;
	(pc) =	sbr.rel .LBB2_4-.Ltmp5, $4  }
0xdf: {  	[hbm4b:s24+s1] =	stream.linear.scatter [tilespmem:s29], [sflag:$0x3], $0x8000, $0x38;
	[tilespmem:$0x10100] =	vst v63  }
0xe0: {  	_ =	swait.ge [sflag:s21], $0x8000  }
0xe1: {  	[sflag:s21] =	ssyncset.done $0x0  }
0xe2: {  	[sflag:s21] =	ssyncadd.s32 $0xFFFF8000  }
.LBB2_6:
0xe3: {  	_ =	sfence.sel $0x180000  }
0xe4: {  	[bflag:$0x0] =	sbarrier.arrive $0xFFFF  }
0xe5: {  	_ =	strace $0x90000047  }
0xe6: {  	s0 =	stileid.u32;
	[bflag:$0x2] =	sbarrier.arrive $0xFFFF  }
0xe7: {  	p0 =	sne.s32 s0, $0x0;
	s0 =	rddreg [dreg:$0x1]  }
0xe8: {  	s0 =	sadd.s32 @!p0 $0x100000, s0  }
0xe9: {  	[sflag:s0] =	ssyncadd.tile.s32 @!p0 $0x1;
	_ =	shalt  }
.Lfunc_end2:
_tile_overlayer_lowered:
.L_overlay_start_2:
0xea: {  	(tag) =	ssettag $0x2  }
0xeb: {  	s0 =	rddreg [dreg:$0x0];
	s2 =	stileid.u32  }
0xec: {  	s1 =	rddreg [dreg:$0x1];
	p0 =	sne.s32 s2, $0x0  }
0xed: {  	s3 =	rddreg [dreg:$0x2];
	[bflag:$0x3] =	sbarrier.arrive $0xFFFF;
	s2 =	simm.s32 @!p0 $0x1C03  }
0xee: {  	[timem:s3], [sflag:s2] =	dma.local @!p0 [hbm:s0], s1  }
0xef: {  	s0 =	simm.s32 @!p0 $0x3  }
0xf0: {  	_ =	swait.ge @!p0 [sflag:s0], s1  }
0xf1: {  	s1 =	ssub.s32 @!p0 $0x0, s1;
	[sflag:s0] =	ssyncset.done @!p0 $0x0  }
0xf2: {  	[sflag:s0] =	ssyncadd.s32 @!p0 s1  }
0xf3: {  	[bflag:$0x3] =	sbarrier.arrive $0xFFFF  }
0xf4: {  	_ =	shalt  }

// kernel: kernel.28.cloned.1.call-start
scs
__scs_entry_jumppad:
0x0: {  	(pc) =	sbr.rel $0x88, $3  }
0x1: {  	(tag) =	ssettag $0x0;
	lr =	simm.s32 $0x1  }
0x2: {  	[smem:$0x3F76] =	sst lr;
	_ =	strace $0xD0000000  }
0x3: {  	_ = 	snop  }
0x4: {  	_ = 	snop  }
0x5: {  	_ = 	snop  }
0x6: {  	_ = 	snop  }
0x7: {  	_ = 	snop  }
__scs_overlays_trampoline_lowered:
0x8: {  	[smem:$0x3F85] =	sst s0  }
0x9: {  	[smem:$0x3F86] =	sst s1  }
0xa: {  	[smem:$0x3F87] =	sst s2  }
0xb: {  	[smem:$0x3F88] =	sst s3  }
0xc: {  	[smem:$0x3F89] =	sst s4  }
0xd: {  	[smem:$0x3F8A] =	sst s5  }
0xe: {  	[smem:$0x3F8B] =	sst s6  }
0xf: {  	[smem:$0x3F8C] =	sst s7  }
0x10: {  	[smem:$0x3F8D] =	sst s8  }
0x11: {  	[smem:$0x3F8E] =	sst s9;
	s0 =	simm.s32 @!p0 $0x0  }
0x12: {  	s1 =	sld [smem:$0x3F74];
	s0 =	simm.s32 @p0 $0x1  }
0x13: {  	[smem:$0x3F8F] =	sst s0;
	s0 =	simm.s32 @!p1 $0x0  }
0x14: {  	s2 =	sld [smem:$0x3F73];
	s0 =	simm.s32 @p1 $0x1  }
0x15: {  	[smem:$0x3F90] =	sst s0;
	s0 =	simm.s32 @!p2 $0x0  }
0x16: {  	s3 =	sld [smem:$0x3FDB];
	s0 =	simm.s32 @p2 $0x1  }
0x17: {  	s4 =	simm.s32 $0x1BF5;
	[smem:$0x3F92] =	sst s0  }
0x18: {  	s0 =	sld [smem:$0x3F75];
	_ =	swait.ge [sflag:s4], $0x0  }
0x19: {  	s7 =	sld [smem:$0x3F76]  }
0x1a: {  	s8 =	sadd.s32 $0xFFFFE003, lr  }
0x1b: {  	s9 =	sadd.s32 $0xFFFFFEF7, lr;
	s5 =	simm.s32 $0xFFFFFFFF;
	p2 =	slt.u32 s8, $0xFFFFF086  }
0x1c: {  	p1 =	slt.u32 s9, $0xF7A;
	s5 =	simm.s32 @!p2 $0x0  }
0x1d: {  	s5 =	simm.s32 @p1 $0x1;
	p0 =	seq.s32 s7, s2  }
0x1e: {  	s7 =	smul.u32 @!p0 $0xF7A, s2;
	p2 =	seq.s32 @!p0 s5, $0x0  }
0x1f: {  	s9 =	smul.u32 $0xF7A, s1;
	s8 =	simm.s32 @!p0 $0x1BF5;
	p2 =	por !p2, p0  }
0x20: {  	[sflag:s8] =	ssyncset.s32 @!p0 $0xFFFFF086;
	s6 =	sadd.s32 @!p0 s3, s7;
	s7 =	simm.s32 @!p0 $0x108  }
0x21: {  	s3 =	sadd.s32 s3, s9;
	s6 =	sadd.s32 @!p0 $0x88, s6;
	s7 =	simm.s32 @p2 $0x1082  }
0x22: {  	[simem:s7], [sflag:s8] =	dma.local @!p0 [hbm:s6], $0xF7A  }
0x23: {  	s9 =	sor.u32 $0xD0000000, s2;
	s6 =	simm.s32 $0x108;
	_ =	swait.ge @!p0 [sflag:s8], $0x0  }
0x24: {  	s3 =	sadd.s32 $0x88, s3;
	s6 =	simm.s32 @!p1 $0x1082;
	[sflag:s4] =	ssyncset.s32 $0xFFFFF086  }
0x25: {  	[simem:s6], [sflag:s4] =	dma.local [hbm:s3], $0xF7A  }
0x26: {  	[smem:$0x3F76] =	sst s1;
	(tag) =	ssettag s2;
	_ =	strace s9  }
0x27: {  	s1 =	sld [smem:$0x3F86]  }
0x28: {  	s2 =	sld [smem:$0x3F87]  }
0x29: {  	s4 =	sld [smem:$0x3F89]  }
0x2a: {  	p0 =	seq.s32 s5, $0x0;
	s5 =	sld [smem:$0x3F8A]  }
0x2b: {  	s6 =	sld [smem:$0x3F8B]  }
0x2c: {  	s7 =	sld [smem:$0x3F8C]  }
0x2d: {  	s3 =	simm.s32 $0x108;
	s8 =	sld [smem:$0x3F8D]  }
0x2e: {  	s3 =	simm.s32 @!p0 $0x1082;
	s9 =	sld [smem:$0x3F8E]  }
0x2f: {  	lr =	sadd.s32 s0, s3;
	s0 =	sld [smem:$0x3F85]  }
0x30: {  	s3 =	sld [smem:$0x3F88]  }
0x31: {  	[smem:$0x3F91] =	sst s10  }
0x32: {  	s10 =	sld [smem:$0x3F8F];
	_ =	sdelay $0x3  }
0x33: {  	p0 =	seq.s32 s10, $0x1;
	s10 =	sld [smem:$0x3F91];
	_ =	sdelay $0x3  }
0x34: {  	[smem:$0x3F91] =	sst s10  }
0x35: {  	s10 =	sld [smem:$0x3F90];
	_ =	sdelay $0x3  }
0x36: {  	p1 =	seq.s32 s10, $0x1;
	s10 =	sld [smem:$0x3F91];
	_ =	sdelay $0x3  }
0x37: {  	[smem:$0x3F91] =	sst s10  }
0x38: {  	s10 =	sld [smem:$0x3F92]  }
0x39: {  	_ = 	snop;
	(pc) =	sbr.ind lr, $3  }
0x3a: {  	_ = 	snop  }
0x3b: {  	_ = 	snop  }
0x3c: {  	p2 =	seq.s32 s10, $0x1;
	s10 =	sld [smem:$0x3F91]  }
0x3d: {  	_ =	shalt  }
0x3e: {  	_ =	shalt  }
0x3f: {  	_ =	shalt  }
0x40: {  	_ =	shalt  }
0x41: {  	_ =	shalt  }
0x42: {  	_ =	shalt  }
0x43: {  	_ =	shalt  }
0x44: {  	_ =	shalt  }
0x45: {  	_ =	shalt  }
0x46: {  	_ =	shalt  }
0x47: {  	_ =	shalt  }
0x48: {  	_ =	shalt  }
0x49: {  	_ =	shalt  }
0x4a: {  	_ =	shalt  }
0x4b: {  	_ =	shalt  }
0x4c: {  	_ =	shalt  }
0x4d: {  	_ =	shalt  }
0x4e: {  	_ =	shalt  }
0x4f: {  	_ =	shalt  }
0x50: {  	_ =	shalt  }
0x51: {  	_ =	shalt  }
0x52: {  	_ =	shalt  }
0x53: {  	_ =	shalt  }
0x54: {  	_ =	shalt  }
0x55: {  	_ =	shalt  }
0x56: {  	_ =	shalt  }
0x57: {  	_ =	shalt  }
0x58: {  	_ =	shalt  }
0x59: {  	_ =	shalt  }
0x5a: {  	_ =	shalt  }
0x5b: {  	_ =	shalt  }
0x5c: {  	_ =	shalt  }
0x5d: {  	_ =	shalt  }
0x5e: {  	_ =	shalt  }
0x5f: {  	_ =	shalt  }
0x60: {  	_ =	shalt  }
0x61: {  	_ =	shalt  }
0x62: {  	_ =	shalt  }
0x63: {  	_ =	shalt  }
0x64: {  	_ =	shalt  }
0x65: {  	_ =	shalt  }
0x66: {  	_ =	shalt  }
0x67: {  	_ =	shalt  }
0x68: {  	_ =	shalt  }
0x69: {  	_ =	shalt  }
0x6a: {  	_ =	shalt  }
0x6b: {  	_ =	shalt  }
0x6c: {  	_ =	shalt  }
0x6d: {  	_ =	shalt  }
0x6e: {  	_ =	shalt  }
0x6f: {  	_ =	shalt  }
0x70: {  	_ =	shalt  }
0x71: {  	_ =	shalt  }
0x72: {  	_ =	shalt  }
0x73: {  	_ =	shalt  }
0x74: {  	_ =	shalt  }
0x75: {  	_ =	shalt  }
0x76: {  	_ =	shalt  }
0x77: {  	_ =	shalt  }
0x78: {  	_ =	shalt  }
0x79: {  	_ =	shalt  }
0x7a: {  	_ =	shalt  }
0x7b: {  	_ =	shalt  }
0x7c: {  	_ =	shalt  }
0x7d: {  	_ =	shalt  }
0x7e: {  	_ =	shalt  }
0x7f: {  	_ =	shalt  }
0x80: {  	_ =	shalt  }
0x81: {  	_ =	shalt  }
0x82: {  	_ =	shalt  }
0x83: {  	_ =	shalt  }
0x84: {  	_ =	shalt  }
0x85: {  	_ =	shalt  }
0x86: {  	_ =	shalt  }
0x87: {  	_ =	shalt  }
.Lfunc_end0:
.L_simem_size_0:
called_computation.2_lowered:
.L_overlay_start_0:
0x88: {  	s2 =	sld [smem:$0x3FD9]  }
0x89: {  	s3 =	sld [smem:$0x3FFE];
	_ =	sdelay $0x1  }
0x8a: {  	s1 =	srdreg.scid  }
0x8b: {  	s0 =	sand.u32 $0x1, s1  }
0x8c: {  	s17 =	sshll.u32 s0, $0xA;
	s2 =	sadd.s32 s3, s2  }
0x8d: {  	s2 =	sadd.s32 s2, s17  }
0x8e: {  	[smem:$0x3F9D] =	sst s2  }
0x8f: {  	_ = 	snop  }
0x90: {  	(tm) =	ssettm $0x1  }
0x91: {  	s18 =	sld [smem:$0x3FFB];
	_ =	sdelay $0x3  }
0x92: {  	_ =	strace s18  }
0x93: {  	s2 =	sld [smem:$0x3FFC];
	_ =	sdelay $0x3  }
0x94: {  	_ =	strace s2  }
0x95: {  	s2 =	sld [smem:$0x3FFD];
	_ =	sdelay $0x3  }
0x96: {  	_ =	strace s2  }
0x97: {  	_ =	strace $0x8FFFFFFF  }
0x98: {  	s19 =	sld [smem:$0x3FDB];
	_ =	sdelay $0x1  }
0x99: {  	s20 =	simm.s32 $_scs_section_size  }
0x9a: {  	s4 =	simm.s32 $_size__tile_overlayer_lowered;
	s5 =	simm.s32 $_tile_overlayer_lowered  }
0x9b: {  	s6 =	simm.s32 $0x1BFF;
	s21 =	sshll.u32 s5, $0x1;
	s3 =	sadd.s32 s20, s19  }
0x9c: {  	s22 =	simm.s32 $0x0;
	s4 =	sshll.u32 s4, $0x1;
	s5 =	sadd.s32 s21, s3  }
0x9d: {  	[timem:s22], [sflag:s6] =	dma.local [hbm:s5], s4  }
0x9e: {  	_ =	swait.ge [sflag:s6], s4  }
0x9f: {  	s4 =	ssub.s32 $0x0, s4;
	[sflag:s6] =	ssyncset.done $0x0  }
0xa0: {  	[sflag:s6] =	ssyncadd.s32 s4;
	_ =	sdelay $0x1  }
0xa1: {  	s23 =	simm.s32 $0x1B8B  }
0xa2: {  	_ =	swait.ge [sflag:s23], $0x1  }
0xa3: {  	[sflag:s23] =	ssyncset.done $0x0  }
0xa4: {  	[sflag:s23] =	ssyncadd.s32 $0xFFFFFFFF  }
0xa5: {  	s4 =	sld [smem:$0x0]  }
0xa6: {  	s5 =	sand.u32 $0xFFFFFFFE, s1  }
0xa7: {  	p0 =	sne.s32 s1, s5  }
0xa8: {  	s5 =	sshll.u32 @p0 s5, $0xE  }
0xa9: {  	s5 =	sadd.s32 @p0 $0x11B8D, s5;
	s6 =	sshll.u32 @p0 s4, $0x11  }
0xaa: {  	s5 =	sor.u32 @p0 s6, s5  }
0xab: {  	[sflag:s5] =	ssyncadd.remote.s32 @p0 $0x1;
	_ =	sdelay $0x1  }
0xac: {  	s5 =	simm.s32 @p0 $0x1B8D  }
0xad: {  	_ =	swait.eq @p0 [sflag:s5], $0x1  }
0xae: {  	[sflag:s5] =	ssyncadd.s32 @p0 $0xFFFFFFFF  }
0xaf: {  	s6 =	sshll.u32 @!p0 s1, $0xE  }
0xb0: {  	s6 =	sor.u32 @!p0 $0x4000, s6;
	s5 =	simm.s32 @!p0 $0x1B8D  }
0xb1: {  	s4 =	sshll.u32 @!p0 s4, $0x11;
	s6 =	sadd.s32 @!p0 $0x11B8D, s6;
	_ =	swait.eq @!p0 [sflag:s5], $0x1  }
0xb2: {  	s4 =	sor.u32 @!p0 s4, s6;
	[sflag:s5] =	ssyncadd.s32 @!p0 $0xFFFFFFFF  }
0xb3: {  	s25 =	simm.s32 $0x1B8E;
	s24 =	sld [smem:$0x3FFE];
	[sflag:s4] =	ssyncadd.remote.s32 @!p0 $0x1  }
0xb4: {  	s26 =	simm.s32 $execute0_lowered;
	[smem:$0x3FD2] =	sst s25  }
0xb5: {  	s5 =	sshll.u32 s26, $0x1;
	_ =	strace $0x8000004C;
	[dreg:$0x1] =	wrdreg $0xFFFFFFFF  }
0xb6: {  	s28 =	simm.s32 $_size_execute0_lowered;
	s3 =	sadd.s32 s3, s5;
	[dreg:$0x0] =	wrdreg $0x0  }
0xb7: {  	s5 =	sshll.u32 s28, $0x1;
	[dreg:$0x2] =	wrdreg s3  }
0xb8: {  	[dreg:$0x3] =	wrdreg s5  }
0xb9: {  	[dreg:$0x4] =	wrdreg $0xC0  }
0xba: {  	_ =	task [dreg:s22], $0x5FFFF  }
0xbb: {  	[dreg:$0x1] =	wrdreg $0xFFFFFFFF  }
0xbc: {  	[dreg:$0x0] =	wrdreg $0x60  }
0xbd: {  	[dreg:$0x2] =	wrdreg s24  }
0xbe: {  	[dreg:$0x3] =	wrdreg $0x60800  }
0xbf: {  	[dreg:$0x4] =	wrdreg $0xA  }
0xc0: {  	_ =	task.clear_ibuf [dreg:s22], $0x5FFFF;
	_ =	strace $0x9000004C  }
0xc1: {  	s29 =	simm.s32 $0xA;
	_ =	strace $0x8000004E  }
0xc2: {  	_ =	swait.ge [sflag:s29], $0x1  }
0xc3: {  	[sflag:s29] =	ssyncadd.s32 $0xFFFFFFFF  }
0xc4: {  	_ =	strace $0x9000004E  }
0xc5: {  	_ =	sfence  }
0xc6: {  	s30 =	sld [smem:$0x0];
	_ =	sdelay $0x2  }
0xc7: {  	s31 =	sshll.u32 s1, $0xD;
	s1 =	sshrl.u32 s1, $0x2  }
0xc8: {  	s4 =	sand.u32 $0x4000, s31;
	s1 =	sadd.s32 s1, s30  }
0xc9: {  	s0 =	sor.u32 s4, s0;
	s1 =	sshll.u32 s1, $0x11  }
0xca: {  	s0 =	sor.u32 s1, s0  }
0xcb: {  	s0 =	sadd.s32 $0x8F2B, s0  }
0xcc: {  	[sflag:s0] =	ssyncadd.remote.s32 $0x1  }
0xcd: {  	_ =	sfence.sel $0xFFFF  }
0xce: {  	[dreg:$0x0] =	wrdreg $0xFFFFFFFF;
	(pc) =	sbr.abs _section_cstart, $3  }
0xcf: {  	[dreg:$0x1] =	wrdreg $0xFFFFFFFF  }
0xd0: {  	_ =	task.clear_ibuf [dreg:s22], $0x2FFFF;
	_ =	strace $0x9FFFFFFF  }
0xd1: {  	(tm) =	ssettm $0x7FFFFFFF  }
tec
execute0_lowered:
.L_overlay_start_1:
0x0: {  	(tag) =	ssettag $0x1  }
0x1: {  	s4 =	rddreg [dreg:$0x0]  }
0x2: {  	s1 =	rddreg [dreg:$0x1];
	s2 =	stileid.u32  }
0x3: {  	s3 =	srdreg.scid;
	s0 =	rddreg [dreg:$0x2]  }
0x4: {  	s18 =	simm.s32 $0x4080;
	s19 =	simm.s32 $0x1;
	s20 =	simm.s32 $0x80  }
0x5: {  	s21 =	simm.s32 $0x0;
	s5 =	smul.u32 $0x271, s2;
	s6 =	sand.u32 $0x1, s3  }
0x6: {  	s3 =	simm.s32 $0x0;
	p0 =	sne.s32 s2, $0x0;
	s7 =	smul.u32 $0x271000, s6  }
0x7: {  	[smem:$0x7FF] =	sst s3;
	s8 =	smul.u32 $0x138800, s6;
	s5 =	sand.u32 $0x3FF8, s5  }
0x8: {  	s9 =	smul.u32 $0x4E20, s6;
	s6 =	ssub.s32 $0x2, s6;
	s5 =	smin.u32 s5, $0x2498  }
0x9: {  	_ =	strace $0x8000004D;
	s31 =	sshrl.u32 s6, $0x1;
	s5 =	sshll.u32 s5, $0x7  }
0xa: {  	s16 =	sadd.s32 s7, s4;
	s17 =	sadd.s32 s9, s4;
	s30 =	sadd.s32 s8, s5  }
0xb: {  	s16 =	sadd.s32 $0x1976A00, s16;
	s17 =	sadd.s32 $0x18400, s17;
	s7 =	sshrl.u32 s30, $0x3  }
.Ltmp0:
0xc: {  	s7 =	sadd.s32 s7, s4;
	s4 =	sadd.s32 s5, s1;
	(pc) =	sbr.rel .LBB2_1-.Ltmp0, $4  }
0xd: {  	s8 =	ssub.s32 s6, s31;
	s5 =	sadd.s32 $0x12000, s4;
	s6 =	sadd.s32 $0x70600, s7  }
0xe: {  	s7 =	smax.u32 s8, $0x1;
	s8 =	sadd.s32 $0x2000, s4;
	s9 =	sadd.s32 $0x4000, s4  }
0xf: {  	s10 =	sadd.s32 $0x6000, s4;
	s11 =	sadd.s32 $0x8000, s4;
	s12 =	sadd.s32 $0xA000, s4  }
0x10: {  	v0 =	vimm.f32 $0.0e+00;
	s13 =	sadd.s32 $0xC000, s4;
	s14 =	sadd.s32 $0xE000, s4;
	s15 =	sadd.s32 $0x10000, s4  }
.LBB2_6:
0x11: {  	s23 =	sadd.s32 s23, s17;
	[sflag:s19] =	ssyncadd.s32 $0xFFFFC000  }
0x12: {  	[tilespmem:s3], [sflag:$0x1] =	stream.linear.gather [hbm4b:s23+s3], $0x80, $0x38;
	[tilespmem:$0x19900] =	vst v63  }
0x13: {  	_ =	swait.ge [sflag:s19], $0x80  }
0x14: {  	[sflag:s19] =	ssyncset.done $0x0  }
0x15: {  	[sflag:s19] =	ssyncadd.s32 $0xFFFFFF80  }
0x16: {  	[tilespmem:s20], [sflag:$0x1] =	stream.linear.gather [hbm4b:s22+s3], $0x4000, $0x38;
	[tilespmem:$0x19900] =	vst v63  }
0x17: {  	_ =	swait.ge [sflag:s19], $0x4000  }
0x18: {  	[sflag:s19] =	ssyncset.done $0x0  }
0x19: {  	[sflag:s19] =	ssyncadd.s32 $0xFFFFC000  }
0x1a: {  	[spmem:s1] =	stream.indirect.scatter.add.f32 [tilespmem:s20], [sflag:$0x1], $0x80, s3, s20, $0xb8;
	[tilespmem:$0x19900] =	vst v63  }
0x1b: {  	_ =	swait.ge [sflag:s19], $0x4000  }
0x1c: {  	[sflag:s19] =	ssyncset.done $0x0  }
0x1d: {  	[sflag:s19] =	ssyncadd.s32 $0xFFFFC000  }
.LBB2_7:
0x1e: {  	s21 =	sadd.s32 $0x1, s21  }
0x1f: {  	s22 =	sshll.u32 s2, $0x6;
	[bflag:$0x0] =	sbarrier.arrive $0xFFFF;
	p1 =	sne.s32 s21, s7  }
.Ltmp1:
0x20: {  	s23 =	sshrl.u32 s4, $0x3;
	s22 =	sor.u32 $0x1C01, s22;
	(pc) =	sbr.rel @!p1 .LBB2_8-.Ltmp1, $4  }
0x21: {  	[hbm:s6], [sflag:s22] =	dma.local [spmem:s23], $0x2780  }
0x22: {  	_ =	swait.ge [sflag:s19], $0x2780  }
0x23: {  	[sflag:s19] =	ssyncset.done $0x0  }
0x24: {  	[sflag:s19] =	ssyncadd.s32 $0xFFFFD880  }
.LBB2_1:
0x25: {  	s22 =	sand.u32 $0x7E00, s3  }
0x26: {  	s23 =	sand.u32 $0x70, s3;
	s24 =	sshrl.u32 s22, $0x2  }
0x27: {  	s22 =	simm.s32 $0x40;
	s24 =	sor.u32 s23, s24;
	s23 =	simm.s32 $0x0  }
.LBB2_2:
0x28: {  	p1 =	sne.s32 s22, $0x7FC0  }
0x29: {  	[tilespmem:s24+$0x4080] =	vst v0;
	s23 =	sadd.s32 $0x10, s23;
	s24 =	smov.u32 s22;
	s22 =	sadd.s32 $0x40, s22  }
.Ltmp2:
0x2a: {  	(pc) =	sbr.rel @p1 .LBB2_2-.Ltmp2, $4  }
0x2b: {  	_ = 	snop  }
0x2c: {  	s24 =	sand.u32 $0x7E00, s24  }
0x2d: {  	s25 =	sand.u32 $0x70, s23;
	s24 =	sshrl.u32 s24, $0x2  }
0x2e: {  	s24 =	sor.u32 s25, s24  }
0x2f: {  	[tilespmem:s24+$0x4080] =	vst v0  }
0x30: {  	[spmem:s4] =	stream.linear.scatter [tilespmem:s18], [sflag:$0x1], $0x2000, $0x38;
	[tilespmem:$0x19900] =	vst v63  }
0x31: {  	_ =	swait.ge [sflag:s19], $0x2000  }
0x32: {  	[sflag:s19] =	ssyncset.done $0x0  }
0x33: {  	[sflag:s19] =	ssyncadd.s32 $0xFFFFE000  }
0x34: {  	[spmem:s8] =	stream.linear.scatter [tilespmem:s18], [sflag:$0x1], $0x2000, $0x38;
	[tilespmem:$0x19900] =	vst v63  }
0x35: {  	_ =	swait.ge [sflag:s19], $0x2000  }
0x36: {  	[sflag:s19] =	ssyncset.done $0x0  }
0x37: {  	[sflag:s19] =	ssyncadd.s32 $0xFFFFE000  }
0x38: {  	[spmem:s9] =	stream.linear.scatter [tilespmem:s18], [sflag:$0x1], $0x2000, $0x38;
	[tilespmem:$0x19900] =	vst v63  }
0x39: {  	_ =	swait.ge [sflag:s19], $0x2000  }
0x3a: {  	[sflag:s19] =	ssyncset.done $0x0  }
0x3b: {  	[sflag:s19] =	ssyncadd.s32 $0xFFFFE000  }
0x3c: {  	[spmem:s10] =	stream.linear.scatter [tilespmem:s18], [sflag:$0x1], $0x2000, $0x38;
	[tilespmem:$0x19900] =	vst v63  }
0x3d: {  	_ =	swait.ge [sflag:s19], $0x2000  }
0x3e: {  	[sflag:s19] =	ssyncset.done $0x0  }
0x3f: {  	[sflag:s19] =	ssyncadd.s32 $0xFFFFE000  }
0x40: {  	[spmem:s11] =	stream.linear.scatter [tilespmem:s18], [sflag:$0x1], $0x2000, $0x38;
	[tilespmem:$0x19900] =	vst v63  }
0x41: {  	_ =	swait.ge [sflag:s19], $0x2000  }
0x42: {  	[sflag:s19] =	ssyncset.done $0x0  }
0x43: {  	[sflag:s19] =	ssyncadd.s32 $0xFFFFE000  }
0x44: {  	[spmem:s12] =	stream.linear.scatter [tilespmem:s18], [sflag:$0x1], $0x2000, $0x38;
	[tilespmem:$0x19900] =	vst v63  }
0x45: {  	_ =	swait.ge [sflag:s19], $0x2000  }
0x46: {  	[sflag:s19] =	ssyncset.done $0x0  }
0x47: {  	[sflag:s19] =	ssyncadd.s32 $0xFFFFE000  }
0x48: {  	[spmem:s13] =	stream.linear.scatter [tilespmem:s18], [sflag:$0x1], $0x2000, $0x38;
	[tilespmem:$0x19900] =	vst v63  }
0x49: {  	_ =	swait.ge [sflag:s19], $0x2000  }
0x4a: {  	[sflag:s19] =	ssyncset.done $0x0  }
0x4b: {  	[sflag:s19] =	ssyncadd.s32 $0xFFFFE000  }
0x4c: {  	[spmem:s14] =	stream.linear.scatter [tilespmem:s18], [sflag:$0x1], $0x2000, $0x38;
	[tilespmem:$0x19900] =	vst v63  }
0x4d: {  	_ =	swait.ge [sflag:s19], $0x2000  }
0x4e: {  	[sflag:s19] =	ssyncset.done $0x0  }
0x4f: {  	[sflag:s19] =	ssyncadd.s32 $0xFFFFE000  }
0x50: {  	[spmem:s15] =	stream.linear.scatter [tilespmem:s18], [sflag:$0x1], $0x2000, $0x38;
	[tilespmem:$0x19900] =	vst v63  }
0x51: {  	_ =	swait.ge [sflag:s19], $0x2000  }
0x52: {  	[sflag:s19] =	ssyncset.done $0x0  }
0x53: {  	[sflag:s19] =	ssyncadd.s32 $0xFFFFE000  }
0x54: {  	[spmem:s5] =	stream.linear.scatter [tilespmem:s18], [sflag:$0x1], $0x1C00, $0x38;
	[tilespmem:$0x19900] =	vst v63  }
.Ltmp3:
0x55: {  	_ =	swait.ge [sflag:s19], $0x1C00;
	(pc) =	sbr.rel @p0 .LBB2_7-.Ltmp3, $3  }
0x56: {  	[sflag:s19] =	ssyncset.done $0x0  }
0x57: {  	[sflag:s19] =	ssyncadd.s32 $0xFFFFE400  }
0x58: {  	[bflag:$0x0] =	sbarrier.arrive $0xFFFF;
	_ =	sdelay $0x1  }
0x59: {  	s22 =	sadd.s32 $0x0, s17  }
0x5a: {  	[tilespmem:s3], [sflag:$0x1] =	stream.linear.gather [hbm4b:s22+s3], $0x80, $0x38;
	[tilespmem:$0x19900] =	vst v63  }
0x5b: {  	_ =	swait.ge [sflag:s19], $0x80  }
0x5c: {  	[sflag:s19] =	ssyncset.done $0x0  }
0x5d: {  	[sflag:s19] =	ssyncadd.s32 $0xFFFFFF80  }
0x5e: {  	[tilespmem:s20], [sflag:$0x1] =	stream.linear.gather [hbm4b:s16+s3], $0x4000, $0x38;
	[tilespmem:$0x19900] =	vst v63  }
0x5f: {  	_ =	swait.ge [sflag:s19], $0x4000  }
0x60: {  	[sflag:s19] =	ssyncset.done $0x0  }
0x61: {  	[sflag:s19] =	ssyncadd.s32 $0xFFFFC000  }
0x62: {  	[spmem:s1] =	stream.indirect.scatter.add.f32 [tilespmem:s20], [sflag:$0x1], $0x80, s3, s20, $0xb8;
	[tilespmem:$0x19900] =	vst v63  }
0x63: {  	s23 =	simm.s32 $0x10;
	_ =	swait.ge [sflag:s19], $0x4000  }
0x64: {  	s24 =	simm.s32 $0x20;
	s22 =	sadd.s32 $0x800, s16;
	[sflag:s19] =	ssyncset.done $0x0  }
.LBB2_5:
0x65: {  	s25 =	sadd.s32 s23, s17  }
0x66: {  	[sflag:s19] =	ssyncadd.s32 $0xFFFFC000;
	s23 =	smov.u32 s24;
	s26 =	sadd.s32 $0x10, s24  }
0x67: {  	[tilespmem:s3], [sflag:$0x1] =	stream.linear.gather [hbm4b:s25+s3], $0x80, $0x38;
	[tilespmem:$0x19900] =	vst v63  }
0x68: {  	p1 =	sne.s32 s24, $0x4E10;
	_ =	swait.ge [sflag:s19], $0x80  }
0x69: {  	[sflag:s19] =	ssyncset.done $0x0  }
0x6a: {  	[sflag:s19] =	ssyncadd.s32 $0xFFFFFF80  }
0x6b: {  	[tilespmem:s20], [sflag:$0x1] =	stream.linear.gather [hbm4b:s22+s3], $0x4000, $0x38;
	[tilespmem:$0x19900] =	vst v63  }
0x6c: {  	_ =	swait.ge [sflag:s19], $0x4000  }
.Ltmp4:
0x6d: {  	[sflag:s19] =	ssyncset.done $0x0;
	(pc) =	sbr.rel @p1 .LBB2_5-.Ltmp4, $4  }
0x6e: {  	[sflag:s19] =	ssyncadd.s32 $0xFFFFC000  }
0x6f: {  	[spmem:s1] =	stream.indirect.scatter.add.f32 [tilespmem:s20], [sflag:$0x1], $0x80, s3, s20, $0xb8;
	[tilespmem:$0x19900] =	vst v63  }
0x70: {  	_ =	swait.ge [sflag:s19], $0x4000  }
0x71: {  	s24 =	smov.u32 s26;
	s22 =	sadd.s32 $0x800, s22;
	[sflag:s19] =	ssyncset.done $0x0  }
.Ltmp5:
0x72: {  	_ = 	snop;
	(pc) =	sbr.rel .LBB2_6-.Ltmp5, $1  }
0x73: {  	_ =	sdelay $0x3  }
.LBB2_8:
0x74: {  	_ =	sfence.sel $0x180000  }
0x75: {  	[bflag:$0x0] =	sbarrier.arrive $0xFFFF  }
0x76: {  	_ =	strace $0x9000004D  }
0x77: {  	s0 =	sadd.s32 @!p0 $0x100000, s0;
	[bflag:$0x2] =	sbarrier.arrive $0xFFFF  }
0x78: {  	[sflag:s0] =	ssyncadd.tile.s32 @!p0 $0x1;
	_ =	shalt  }
.Lfunc_end2:
_tile_overlayer_lowered:
.L_overlay_start_2:
0x79: {  	(tag) =	ssettag $0x2  }
0x7a: {  	s0 =	rddreg [dreg:$0x0];
	s2 =	stileid.u32  }
0x7b: {  	s1 =	rddreg [dreg:$0x1];
	p0 =	sne.s32 s2, $0x0  }
0x7c: {  	s3 =	rddreg [dreg:$0x2];
	[bflag:$0x3] =	sbarrier.arrive $0xFFFF;
	s2 =	simm.s32 @!p0 $0x1C01  }
0x7d: {  	[timem:s3], [sflag:s2] =	dma.local @!p0 [hbm:s0], s1  }
0x7e: {  	s0 =	simm.s32 @!p0 $0x1  }
0x7f: {  	_ =	swait.ge @!p0 [sflag:s0], s1  }
0x80: {  	s1 =	ssub.s32 @!p0 $0x0, s1;
	[sflag:s0] =	ssyncset.done @!p0 $0x0  }
0x81: {  	[sflag:s0] =	ssyncadd.s32 @!p0 s1  }
0x82: {  	[bflag:$0x3] =	sbarrier.arrive $0xFFFF  }
0x83: {  	_ =	shalt  }

// kernel: kernel.31.cloned.1.call-start
scs
__scs_entry_jumppad:
0x0: {  	(pc) =	sbr.rel $0x88, $3  }
0x1: {  	(tag) =	ssettag $0x0;
	lr =	simm.s32 $0x1  }
0x2: {  	[smem:$0x3F76] =	sst lr;
	_ =	strace $0xD0000000  }
0x3: {  	_ = 	snop  }
0x4: {  	_ = 	snop  }
0x5: {  	_ = 	snop  }
0x6: {  	_ = 	snop  }
0x7: {  	_ = 	snop  }
__scs_overlays_trampoline_lowered:
0x8: {  	[smem:$0x3F85] =	sst s0  }
0x9: {  	[smem:$0x3F86] =	sst s1  }
0xa: {  	[smem:$0x3F87] =	sst s2  }
0xb: {  	[smem:$0x3F88] =	sst s3  }
0xc: {  	[smem:$0x3F89] =	sst s4  }
0xd: {  	[smem:$0x3F8A] =	sst s5  }
0xe: {  	[smem:$0x3F8B] =	sst s6  }
0xf: {  	[smem:$0x3F8C] =	sst s7  }
0x10: {  	[smem:$0x3F8D] =	sst s8  }
0x11: {  	[smem:$0x3F8E] =	sst s9;
	s0 =	simm.s32 @!p0 $0x0  }
0x12: {  	s1 =	sld [smem:$0x3F74];
	s0 =	simm.s32 @p0 $0x1  }
0x13: {  	[smem:$0x3F8F] =	sst s0;
	s0 =	simm.s32 @!p1 $0x0  }
0x14: {  	s2 =	sld [smem:$0x3F73];
	s0 =	simm.s32 @p1 $0x1  }
0x15: {  	[smem:$0x3F90] =	sst s0;
	s0 =	simm.s32 @!p2 $0x0  }
0x16: {  	s3 =	sld [smem:$0x3FDB];
	s0 =	simm.s32 @p2 $0x1  }
0x17: {  	s4 =	simm.s32 $0x1BF5;
	[smem:$0x3F92] =	sst s0  }
0x18: {  	s0 =	sld [smem:$0x3F75];
	_ =	swait.ge [sflag:s4], $0x0  }
0x19: {  	s7 =	sld [smem:$0x3F76]  }
0x1a: {  	s8 =	sadd.s32 $0xFFFFE003, lr  }
0x1b: {  	s9 =	sadd.s32 $0xFFFFFEF7, lr;
	s5 =	simm.s32 $0xFFFFFFFF;
	p2 =	slt.u32 s8, $0xFFFFF086  }
0x1c: {  	p1 =	slt.u32 s9, $0xF7A;
	s5 =	simm.s32 @!p2 $0x0  }
0x1d: {  	s5 =	simm.s32 @p1 $0x1;
	p0 =	seq.s32 s7, s2  }
0x1e: {  	s7 =	smul.u32 @!p0 $0xF7A, s2;
	p2 =	seq.s32 @!p0 s5, $0x0  }
0x1f: {  	s9 =	smul.u32 $0xF7A, s1;
	s8 =	simm.s32 @!p0 $0x1BF5;
	p2 =	por !p2, p0  }
0x20: {  	[sflag:s8] =	ssyncset.s32 @!p0 $0xFFFFF086;
	s6 =	sadd.s32 @!p0 s3, s7;
	s7 =	simm.s32 @!p0 $0x108  }
0x21: {  	s3 =	sadd.s32 s3, s9;
	s6 =	sadd.s32 @!p0 $0x88, s6;
	s7 =	simm.s32 @p2 $0x1082  }
0x22: {  	[simem:s7], [sflag:s8] =	dma.local @!p0 [hbm:s6], $0xF7A  }
0x23: {  	s9 =	sor.u32 $0xD0000000, s2;
	s6 =	simm.s32 $0x108;
	_ =	swait.ge @!p0 [sflag:s8], $0x0  }
0x24: {  	s3 =	sadd.s32 $0x88, s3;
	s6 =	simm.s32 @!p1 $0x1082;
	[sflag:s4] =	ssyncset.s32 $0xFFFFF086  }
0x25: {  	[simem:s6], [sflag:s4] =	dma.local [hbm:s3], $0xF7A  }
0x26: {  	[smem:$0x3F76] =	sst s1;
	(tag) =	ssettag s2;
	_ =	strace s9  }
0x27: {  	s1 =	sld [smem:$0x3F86]  }
0x28: {  	s2 =	sld [smem:$0x3F87]  }
0x29: {  	s4 =	sld [smem:$0x3F89]  }
0x2a: {  	p0 =	seq.s32 s5, $0x0;
	s5 =	sld [smem:$0x3F8A]  }
0x2b: {  	s6 =	sld [smem:$0x3F8B]  }
0x2c: {  	s7 =	sld [smem:$0x3F8C]  }
0x2d: {  	s3 =	simm.s32 $0x108;
	s8 =	sld [smem:$0x3F8D]  }
0x2e: {  	s3 =	simm.s32 @!p0 $0x1082;
	s9 =	sld [smem:$0x3F8E]  }
0x2f: {  	lr =	sadd.s32 s0, s3;
	s0 =	sld [smem:$0x3F85]  }
0x30: {  	s3 =	sld [smem:$0x3F88]  }
0x31: {  	[smem:$0x3F91] =	sst s10  }
0x32: {  	s10 =	sld [smem:$0x3F8F];
	_ =	sdelay $0x3  }
0x33: {  	p0 =	seq.s32 s10, $0x1;
	s10 =	sld [smem:$0x3F91];
	_ =	sdelay $0x3  }
0x34: {  	[smem:$0x3F91] =	sst s10  }
0x35: {  	s10 =	sld [smem:$0x3F90];
	_ =	sdelay $0x3  }
0x36: {  	p1 =	seq.s32 s10, $0x1;
	s10 =	sld [smem:$0x3F91];
	_ =	sdelay $0x3  }
0x37: {  	[smem:$0x3F91] =	sst s10  }
0x38: {  	s10 =	sld [smem:$0x3F92]  }
0x39: {  	_ = 	snop;
	(pc) =	sbr.ind lr, $3  }
0x3a: {  	_ = 	snop  }
0x3b: {  	_ = 	snop  }
0x3c: {  	p2 =	seq.s32 s10, $0x1;
	s10 =	sld [smem:$0x3F91]  }
0x3d: {  	_ =	shalt  }
0x3e: {  	_ =	shalt  }
0x3f: {  	_ =	shalt  }
0x40: {  	_ =	shalt  }
0x41: {  	_ =	shalt  }
0x42: {  	_ =	shalt  }
0x43: {  	_ =	shalt  }
0x44: {  	_ =	shalt  }
0x45: {  	_ =	shalt  }
0x46: {  	_ =	shalt  }
0x47: {  	_ =	shalt  }
0x48: {  	_ =	shalt  }
0x49: {  	_ =	shalt  }
0x4a: {  	_ =	shalt  }
0x4b: {  	_ =	shalt  }
0x4c: {  	_ =	shalt  }
0x4d: {  	_ =	shalt  }
0x4e: {  	_ =	shalt  }
0x4f: {  	_ =	shalt  }
0x50: {  	_ =	shalt  }
0x51: {  	_ =	shalt  }
0x52: {  	_ =	shalt  }
0x53: {  	_ =	shalt  }
0x54: {  	_ =	shalt  }
0x55: {  	_ =	shalt  }
0x56: {  	_ =	shalt  }
0x57: {  	_ =	shalt  }
0x58: {  	_ =	shalt  }
0x59: {  	_ =	shalt  }
0x5a: {  	_ =	shalt  }
0x5b: {  	_ =	shalt  }
0x5c: {  	_ =	shalt  }
0x5d: {  	_ =	shalt  }
0x5e: {  	_ =	shalt  }
0x5f: {  	_ =	shalt  }
0x60: {  	_ =	shalt  }
0x61: {  	_ =	shalt  }
0x62: {  	_ =	shalt  }
0x63: {  	_ =	shalt  }
0x64: {  	_ =	shalt  }
0x65: {  	_ =	shalt  }
0x66: {  	_ =	shalt  }
0x67: {  	_ =	shalt  }
0x68: {  	_ =	shalt  }
0x69: {  	_ =	shalt  }
0x6a: {  	_ =	shalt  }
0x6b: {  	_ =	shalt  }
0x6c: {  	_ =	shalt  }
0x6d: {  	_ =	shalt  }
0x6e: {  	_ =	shalt  }
0x6f: {  	_ =	shalt  }
0x70: {  	_ =	shalt  }
0x71: {  	_ =	shalt  }
0x72: {  	_ =	shalt  }
0x73: {  	_ =	shalt  }
0x74: {  	_ =	shalt  }
0x75: {  	_ =	shalt  }
0x76: {  	_ =	shalt  }
0x77: {  	_ =	shalt  }
0x78: {  	_ =	shalt  }
0x79: {  	_ =	shalt  }
0x7a: {  	_ =	shalt  }
0x7b: {  	_ =	shalt  }
0x7c: {  	_ =	shalt  }
0x7d: {  	_ =	shalt  }
0x7e: {  	_ =	shalt  }
0x7f: {  	_ =	shalt  }
0x80: {  	_ =	shalt  }
0x81: {  	_ =	shalt  }
0x82: {  	_ =	shalt  }
0x83: {  	_ =	shalt  }
0x84: {  	_ =	shalt  }
0x85: {  	_ =	shalt  }
0x86: {  	_ =	shalt  }
0x87: {  	_ =	shalt  }
.Lfunc_end0:
.L_simem_size_0:
called_computation.3_lowered:
.L_overlay_start_0:
0x88: {  	s2 =	sld [smem:$0x3FD9]  }
0x89: {  	s3 =	sld [smem:$0x3FFE];
	_ =	sdelay $0x1  }
0x8a: {  	s1 =	srdreg.scid  }
0x8b: {  	s0 =	sand.u32 $0x1, s1  }
0x8c: {  	s16 =	sshll.u32 s0, $0xA;
	s2 =	sadd.s32 s3, s2  }
0x8d: {  	s2 =	sadd.s32 s2, s16  }
0x8e: {  	[smem:$0x3F9D] =	sst s2  }
0x8f: {  	_ = 	snop  }
0x90: {  	(tm) =	ssettm $0x1  }
0x91: {  	s17 =	sld [smem:$0x3FFB];
	_ =	sdelay $0x3  }
0x92: {  	_ =	strace s17  }
0x93: {  	s2 =	sld [smem:$0x3FFC];
	_ =	sdelay $0x3  }
0x94: {  	_ =	strace s2  }
0x95: {  	s2 =	sld [smem:$0x3FFD];
	_ =	sdelay $0x3  }
0x96: {  	_ =	strace s2  }
0x97: {  	_ =	strace $0x8FFFFFFF  }
0x98: {  	s18 =	sld [smem:$0x3FDB];
	_ =	sdelay $0x1  }
0x99: {  	s19 =	simm.s32 $_scs_section_size  }
0x9a: {  	s4 =	simm.s32 $_size__tile_overlayer_lowered;
	s5 =	simm.s32 $_tile_overlayer_lowered  }
0x9b: {  	s22 =	simm.s32 $0x1BFF;
	s21 =	sshll.u32 s5, $0x1;
	s2 =	sadd.s32 s19, s18  }
0x9c: {  	s6 =	simm.s32 $0x0;
	s20 =	sshll.u32 s4, $0x1;
	s4 =	sadd.s32 s21, s2  }
0x9d: {  	[timem:s6], [sflag:s22] =	dma.local [hbm:s4], s20  }
0x9e: {  	_ =	swait.ge [sflag:s22], s20  }
0x9f: {  	s3 =	ssub.s32 $0x0, s20;
	[sflag:s22] =	ssyncset.done $0x0  }
0xa0: {  	[sflag:s22] =	ssyncadd.s32 s3;
	_ =	sdelay $0x1  }
0xa1: {  	s23 =	simm.s32 $0x1B8B  }
0xa2: {  	_ =	swait.ge [sflag:s23], $0x1  }
0xa3: {  	[sflag:s23] =	ssyncset.done $0x0  }
0xa4: {  	s25 =	simm.s32 $0x1B8E;
	s24 =	sld [smem:$0x3FFE];
	[sflag:s23] =	ssyncadd.s32 $0xFFFFFFFF  }
0xa5: {  	s26 =	simm.s32 $execute0_lowered;
	[smem:$0x3FD2] =	sst s25  }
0xa6: {  	s4 =	sshll.u32 s26, $0x1;
	_ =	strace $0x8000004F;
	[dreg:$0x1] =	wrdreg $0xFFFFFFFF  }
0xa7: {  	s28 =	simm.s32 $_size_execute0_lowered;
	s2 =	sadd.s32 s2, s4;
	[dreg:$0x0] =	wrdreg $0x0  }
0xa8: {  	s4 =	sshll.u32 s28, $0x1;
	[dreg:$0x2] =	wrdreg s2  }
0xa9: {  	[dreg:$0x3] =	wrdreg s4  }
0xaa: {  	[dreg:$0x4] =	wrdreg $0xC0  }
0xab: {  	_ =	task [dreg:s6], $0x5FFFF  }
0xac: {  	[dreg:$0x1] =	wrdreg $0xFFFFFFFF  }
0xad: {  	[dreg:$0x0] =	wrdreg $0x60  }
0xae: {  	[dreg:$0x2] =	wrdreg s24  }
0xaf: {  	[dreg:$0x3] =	wrdreg $0x9  }
0xb0: {  	_ =	task.clear_ibuf [dreg:s6], $0x4FFFF;
	_ =	strace $0x9000004F  }
0xb1: {  	s29 =	simm.s32 $0x9;
	_ =	strace $0x80000051  }
0xb2: {  	_ =	swait.ge [sflag:s29], $0x1  }
0xb3: {  	[sflag:s29] =	ssyncadd.s32 $0xFFFFFFFF  }
0xb4: {  	_ =	strace $0x90000051  }
0xb5: {  	_ =	sfence  }
0xb6: {  	s30 =	sld [smem:$0x0];
	_ =	sdelay $0x2  }
0xb7: {  	s31 =	sshll.u32 s1, $0xD;
	s1 =	sshrl.u32 s1, $0x2  }
0xb8: {  	s3 =	sand.u32 $0x4000, s31;
	s1 =	sadd.s32 s1, s30  }
0xb9: {  	s0 =	sor.u32 s3, s0;
	s1 =	sshll.u32 s1, $0x11  }
0xba: {  	s0 =	sor.u32 s1, s0  }
0xbb: {  	s0 =	sadd.s32 $0x8F2B, s0  }
0xbc: {  	[sflag:s0] =	ssyncadd.remote.s32 $0x1  }
0xbd: {  	_ =	sfence.sel $0xFFFF  }
0xbe: {  	[dreg:$0x0] =	wrdreg $0xFFFFFFFF;
	(pc) =	sbr.abs _section_cstart, $3  }
0xbf: {  	[dreg:$0x1] =	wrdreg $0xFFFFFFFF  }
0xc0: {  	_ =	task.clear_ibuf [dreg:s6], $0x2FFFF;
	_ =	strace $0x9FFFFFFF  }
0xc1: {  	(tm) =	ssettm $0x7FFFFFFF  }
tec
execute0_lowered:
.L_overlay_start_1:
0x0: {  	(tag) =	ssettag $0x1  }
0x1: {  	s0 =	rddreg [dreg:$0x0];
	s1 =	simm.s32 $0x0  }
0x2: {  	s2 =	srdreg.scid;
	s8 =	stileid.u32;
	s10 =	simm.s32 $0x4  }
0x3: {  	s12 =	simm.s32 $0x100;
	s29 =	simm.s32 $0x8100;
	s30 =	simm.s32 $0x8900  }
0x4: {  	s31 =	simm.s32 $0x9100;
	s9 =	simm.s32 $0xC100;
	s11 =	simm.s32 $0xC900  }
0x5: {  	s13 =	simm.s32 $0xD100;
	s14 =	simm.s32 $0xD900;
	s15 =	simm.s32 $0xE100  }
0x6: {  	s16 =	simm.s32 $0xE900;
	s17 =	simm.s32 $0xF100;
	s18 =	simm.s32 $0xF900  }
0x7: {  	s19 =	simm.s32 $0x1;
	s20 =	simm.s32 $0x2;
	s21 =	simm.s32 $0x3  }
0x8: {  	s23 =	simm.s32 $0x0;
	s28 =	simm.s32 $0x80;
	[smem:$0x7FF] =	sst s1  }
0x9: {  	s2 =	sand.u32 $0x1, s2;
	s3 =	sadd.s32 $0x49400, s0;
	s5 =	sshll.u32 s8, $0x5  }
0xa: {  	s6 =	sshll.u32 s8, $0xD;
	s24 =	sshll.u32 s8, $0x1;
	s8 =	simm.s32 $0xB900  }
0xb: {  	_ =	strace $0x80000050;
	s4 =	ssub.s32 $0x2, s2;
	s5 =	sadd.s32 s5, s0  }
0xc: {  	s0 =	sadd.s32 s6, s0;
	[dreg:$0x2] =	wrdreg s24;
	s25 =	sshll.u32 s2, $0x4  }
0xd: {  	s2 =	sshll.u32 s2, $0xC;
	s7 =	sshrl.u32 s4, $0x1;
	s26 =	sadd.s32 s25, s5  }
.Ltmp0:
0xe: {  	s0 =	sadd.s32 s2, s0;
	s5 =	simm.s32 $0xB100;
	(pc) =	sbr.rel .LBB2_1-.Ltmp0, $4  }
0xf: {  	s4 =	ssub.s32 s4, s7;
	s6 =	sadd.s32 $0x18400, s26;
	s2 =	sadd.s32 $0x1976A00, s0  }
0x10: {  	v2 =	vlaneseq.u32;
	s7 =	sadd.s32 $0xE600, s26;
	s0 =	sadd.s32 $0x10FC00, s0;
	[dreg:$0x4] =	wrdreg s2  }
0x11: {  	vm0 =	vmmov $0xffff;
	v1 =	vshrl.u32 v2, $0x3;
	s4 =	smax.u32 s4, $0x1;
	[dreg:$0x5] =	wrdreg s0;
	s0 =	simm.s32 $0x9900  }
0x12: {  	v0 =	vand.u32 $0x7, v2;
	v2 =	vor.u32 $0x8, v2;
	v1 =	vmul.u32 $0x8, v1;
	s2 =	simm.s32 $0xA100;
	[dreg:$0x3] =	wrdreg s4;
	s4 =	simm.s32 $0xA900  }
.LBB2_5:
0x13: {  	s23 =	rddreg [dreg:$0x6]  }
0x14: {  	s22 =	rddreg [dreg:$0x3];
	s23 =	sadd.s32 $0x1, s23  }
0x15: {  	p0 =	sne.s32 s23, s22  }
.Ltmp1:
0x16: {  	_ = 	snop;
	(pc) =	sbr.rel @!p0 .LBB2_6-.Ltmp1, $1  }
0x17: {  	_ =	sdelay $0x3  }
.LBB2_1:
.Ltmp2:
0x18: {  	(pc) =	sbr.rel .LBB2_2-.Ltmp2, $4  }
0x19: {  	[dreg:$0x6] =	wrdreg s23  }
0x1a: {  	s22 =	rddreg [dreg:$0x2]  }
0x1b: {  	s23 =	rddreg [dreg:$0x5]  }
0x1c: {  	s24 =	rddreg [dreg:$0x4];
	s25 =	simm.s32 $0x0  }
.LBB2_4:
0x1d: {  	s25 =	sadd.s32 $0x200, s25  }
0x1e: {  	p0 =	sne.s32 s25, $0x9E00  }
.Ltmp3:
0x1f: {  	_ = 	snop;
	(pc) =	sbr.rel @!p0 .LBB2_5-.Ltmp3, $2  }
0x20: {  	_ =	sdelay $0x2  }
0x21: {  	s24 =	sadd.s32 $0x20000, s24;
	s23 =	sadd.s32 $0x20000, s23;
	s22 =	sadd.s32 $0x20, s22  }
.LBB2_2:
0x22: {  	p0 =	sgt.u32 s22, $0x9C3  }
.Ltmp4:
0x23: {  	_ = 	snop;
	(pc) =	sbr.rel @p0 .LBB2_4-.Ltmp4, $1  }
0x24: {  	_ =	sdelay $0x3  }
0x25: {  	s26 =	sadd.s32 s25, s7  }
0x26: {  	[tilespmem:s1], [sflag:$0x4] =	stream.linear.gather [hbm4b:s26+s1], $0x80, $0x38;
	[tilespmem:$0x10100] =	vst v63  }
0x27: {  	_ =	swait.ge [sflag:s10], $0x80  }
0x28: {  	[sflag:s10] =	ssyncset.done $0x0  }
0x29: {  	s26 =	sadd.s32 s25, s6;
	[sflag:s10] =	ssyncadd.s32 $0xFFFFFF80  }
0x2a: {  	[tilespmem:s28], [sflag:$0x4] =	stream.linear.gather [hbm4b:s26+s1], $0x80, $0x38;
	[tilespmem:$0x10100] =	vst v63  }
0x2b: {  	_ =	swait.ge [sflag:s10], $0x80  }
0x2c: {  	[sflag:s10] =	ssyncset.done $0x0  }
0x2d: {  	[sflag:s10] =	ssyncadd.s32 $0xFFFFFF80  }
0x2e: {  	v3 =	vld [tilespmem:$0x0];
	_ =	sdelay $0x4  }
0x2f: {  	v4 =	vshll.u32 v3, $0x1  }
0x30: {  	v3 =	vand.u32 $0x7, v3;
	v4 =	vand.u32 $0xFFFFFFF0, v4  }
0x31: {  	v3 =	vor.u32 v3, v4  }
0x32: {  	v4 =	vperm.xlane v3, v0;
	_ =	sdelay $0x1  }
0x33: {  	v3 =	vperm.xlane v3, v2;
	v4 =	vadd.s32 v1, v4;
	_ =	sdelay $0x1  }
0x34: {  	v3 =	vadd.s32 v1, v3;
	_ =	sdelay $0x2  }
0x35: {  	[tilespmem:s12], [sflag:$0x1] =	stream.indirect_vreg.gather [hbm4b:s3+s1], $0x80, v4, vm0, $0xb8;
	[tilespmem:$0x10100] =	vst v63  }
0x36: {  	s26 =	simm.s32 $0x900  }
0x37: {  	[tilespmem:s26], [sflag:$0x1] =	stream.indirect_vreg.gather [hbm4b:s3+s1], $0x80, v3, vm0, $0xb8;
	[tilespmem:$0x10100] =	vst v63  }
0x38: {  	v3 =	vld [tilespmem:$0x10];
	_ =	sdelay $0x4  }
0x39: {  	v49 =	vshll.u32 v3, $0x1  }
0x3a: {  	v3 =	vand.u32 $0x7, v3;
	v4 =	vand.u32 $0xFFFFFFF0, v49  }
0x3b: {  	v3 =	vor.u32 v3, v4  }
0x3c: {  	v4 =	vperm.xlane v3, v0;
	_ =	sdelay $0x1  }
0x3d: {  	v3 =	vperm.xlane v3, v2;
	v4 =	vadd.s32 v1, v4;
	_ =	sdelay $0x1  }
0x3e: {  	v3 =	vadd.s32 v1, v3;
	_ =	sdelay $0x1  }
0x3f: {  	s26 =	simm.s32 $0x1100  }
0x40: {  	[tilespmem:s26], [sflag:$0x1] =	stream.indirect_vreg.gather [hbm4b:s3+s1], $0x80, v4, vm0, $0xb8;
	[tilespmem:$0x10100] =	vst v63  }
0x41: {  	s26 =	simm.s32 $0x1900  }
0x42: {  	[tilespmem:s26], [sflag:$0x1] =	stream.indirect_vreg.gather [hbm4b:s3+s1], $0x80, v3, vm0, $0xb8;
	[tilespmem:$0x10100] =	vst v63  }
0x43: {  	v3 =	vld [tilespmem:$0x20];
	_ =	sdelay $0x4  }
0x44: {  	v50 =	vshll.u32 v3, $0x1  }
0x45: {  	v3 =	vand.u32 $0x7, v3;
	v4 =	vand.u32 $0xFFFFFFF0, v50  }
0x46: {  	v3 =	vor.u32 v3, v4  }
0x47: {  	v4 =	vperm.xlane v3, v0;
	_ =	sdelay $0x1  }
0x48: {  	v3 =	vperm.xlane v3, v2;
	v4 =	vadd.s32 v1, v4;
	_ =	sdelay $0x1  }
0x49: {  	v3 =	vadd.s32 v1, v3;
	_ =	sdelay $0x1  }
0x4a: {  	s26 =	simm.s32 $0x2100  }
0x4b: {  	[tilespmem:s26], [sflag:$0x1] =	stream.indirect_vreg.gather [hbm4b:s3+s1], $0x80, v4, vm0, $0xb8;
	[tilespmem:$0x10100] =	vst v63  }
0x4c: {  	s26 =	simm.s32 $0x2900  }
0x4d: {  	[tilespmem:s26], [sflag:$0x1] =	stream.indirect_vreg.gather [hbm4b:s3+s1], $0x80, v3, vm0, $0xb8;
	[tilespmem:$0x10100] =	vst v63  }
0x4e: {  	v3 =	vld [tilespmem:$0x30];
	_ =	sdelay $0x4  }
0x4f: {  	v51 =	vshll.u32 v3, $0x1  }
0x50: {  	v3 =	vand.u32 $0x7, v3;
	v4 =	vand.u32 $0xFFFFFFF0, v51  }
0x51: {  	v3 =	vor.u32 v3, v4  }
0x52: {  	v4 =	vperm.xlane v3, v0;
	_ =	sdelay $0x1  }
0x53: {  	v3 =	vperm.xlane v3, v2;
	v4 =	vadd.s32 v1, v4;
	_ =	sdelay $0x1  }
0x54: {  	v3 =	vadd.s32 v1, v3;
	_ =	sdelay $0x1  }
0x55: {  	s26 =	simm.s32 $0x3100  }
0x56: {  	[tilespmem:s26], [sflag:$0x1] =	stream.indirect_vreg.gather [hbm4b:s3+s1], $0x80, v4, vm0, $0xb8;
	[tilespmem:$0x10100] =	vst v63  }
0x57: {  	s26 =	simm.s32 $0x3900  }
0x58: {  	[tilespmem:s26], [sflag:$0x1] =	stream.indirect_vreg.gather [hbm4b:s3+s1], $0x80, v3, vm0, $0xb8;
	[tilespmem:$0x10100] =	vst v63  }
0x59: {  	v3 =	vld [tilespmem:$0x40];
	_ =	sdelay $0x4  }
0x5a: {  	v52 =	vshll.u32 v3, $0x1  }
0x5b: {  	v3 =	vand.u32 $0x7, v3;
	v4 =	vand.u32 $0xFFFFFFF0, v52  }
0x5c: {  	v3 =	vor.u32 v3, v4  }
0x5d: {  	v4 =	vperm.xlane v3, v0;
	_ =	sdelay $0x1  }
0x5e: {  	v3 =	vperm.xlane v3, v2;
	v4 =	vadd.s32 v1, v4;
	_ =	sdelay $0x1  }
0x5f: {  	v3 =	vadd.s32 v1, v3;
	_ =	sdelay $0x1  }
0x60: {  	s26 =	simm.s32 $0x4100  }
0x61: {  	[tilespmem:s26], [sflag:$0x1] =	stream.indirect_vreg.gather [hbm4b:s3+s1], $0x80, v4, vm0, $0xb8;
	[tilespmem:$0x10100] =	vst v63  }
0x62: {  	s26 =	simm.s32 $0x4900  }
0x63: {  	[tilespmem:s26], [sflag:$0x1] =	stream.indirect_vreg.gather [hbm4b:s3+s1], $0x80, v3, vm0, $0xb8;
	[tilespmem:$0x10100] =	vst v63  }
0x64: {  	v3 =	vld [tilespmem:$0x50];
	_ =	sdelay $0x4  }
0x65: {  	v53 =	vshll.u32 v3, $0x1  }
0x66: {  	v3 =	vand.u32 $0x7, v3;
	v4 =	vand.u32 $0xFFFFFFF0, v53  }
0x67: {  	v3 =	vor.u32 v3, v4  }
0x68: {  	v4 =	vperm.xlane v3, v0;
	_ =	sdelay $0x1  }
0x69: {  	v3 =	vperm.xlane v3, v2;
	v4 =	vadd.s32 v1, v4;
	_ =	sdelay $0x1  }
0x6a: {  	v3 =	vadd.s32 v1, v3;
	_ =	sdelay $0x1  }
0x6b: {  	s26 =	simm.s32 $0x5100  }
0x6c: {  	[tilespmem:s26], [sflag:$0x1] =	stream.indirect_vreg.gather [hbm4b:s3+s1], $0x80, v4, vm0, $0xb8;
	[tilespmem:$0x10100] =	vst v63  }
0x6d: {  	s26 =	simm.s32 $0x5900  }
0x6e: {  	[tilespmem:s26], [sflag:$0x1] =	stream.indirect_vreg.gather [hbm4b:s3+s1], $0x80, v3, vm0, $0xb8;
	[tilespmem:$0x10100] =	vst v63  }
0x6f: {  	v3 =	vld [tilespmem:$0x60];
	_ =	sdelay $0x4  }
0x70: {  	v54 =	vshll.u32 v3, $0x1  }
0x71: {  	v3 =	vand.u32 $0x7, v3;
	v4 =	vand.u32 $0xFFFFFFF0, v54  }
0x72: {  	v3 =	vor.u32 v3, v4  }
0x73: {  	v4 =	vperm.xlane v3, v0;
	_ =	sdelay $0x1  }
0x74: {  	v3 =	vperm.xlane v3, v2;
	v4 =	vadd.s32 v1, v4;
	_ =	sdelay $0x1  }
0x75: {  	v3 =	vadd.s32 v1, v3;
	_ =	sdelay $0x1  }
0x76: {  	s26 =	simm.s32 $0x6100  }
0x77: {  	[tilespmem:s26], [sflag:$0x1] =	stream.indirect_vreg.gather [hbm4b:s3+s1], $0x80, v4, vm0, $0xb8;
	[tilespmem:$0x10100] =	vst v63  }
0x78: {  	s26 =	simm.s32 $0x6900  }
0x79: {  	[tilespmem:s26], [sflag:$0x1] =	stream.indirect_vreg.gather [hbm4b:s3+s1], $0x80, v3, vm0, $0xb8;
	[tilespmem:$0x10100] =	vst v63  }
0x7a: {  	v3 =	vld [tilespmem:$0x70];
	_ =	sdelay $0x4  }
0x7b: {  	v55 =	vshll.u32 v3, $0x1  }
0x7c: {  	v3 =	vand.u32 $0x7, v3;
	v4 =	vand.u32 $0xFFFFFFF0, v55  }
0x7d: {  	v3 =	vor.u32 v3, v4  }
0x7e: {  	v4 =	vperm.xlane v3, v0;
	_ =	sdelay $0x1  }
0x7f: {  	v3 =	vperm.xlane v3, v2;
	v4 =	vadd.s32 v1, v4;
	_ =	sdelay $0x1  }
0x80: {  	v3 =	vadd.s32 v1, v3;
	_ =	sdelay $0x1  }
0x81: {  	s26 =	simm.s32 $0x7100  }
0x82: {  	[tilespmem:s26], [sflag:$0x1] =	stream.indirect_vreg.gather [hbm4b:s3+s1], $0x80, v4, vm0, $0xb8;
	[tilespmem:$0x10100] =	vst v63  }
0x83: {  	s26 =	simm.s32 $0x7900  }
0x84: {  	[tilespmem:s26], [sflag:$0x1] =	stream.indirect_vreg.gather [hbm4b:s3+s1], $0x80, v3, vm0, $0xb8;
	[tilespmem:$0x10100] =	vst v63  }
0x85: {  	v3 =	vld [tilespmem:$0x80];
	_ =	sdelay $0x4  }
0x86: {  	v56 =	vshll.u32 v3, $0x1  }
0x87: {  	v3 =	vand.u32 $0x7, v3;
	v4 =	vand.u32 $0xFFFFFFF0, v56  }
0x88: {  	v3 =	vor.u32 v3, v4  }
0x89: {  	v4 =	vperm.xlane v3, v0;
	_ =	sdelay $0x1  }
0x8a: {  	v3 =	vperm.xlane v3, v2;
	v4 =	vadd.s32 v1, v4;
	_ =	sdelay $0x1  }
0x8b: {  	v3 =	vadd.s32 v1, v3;
	_ =	sdelay $0x2  }
0x8c: {  	[tilespmem:s29], [sflag:$0x2] =	stream.indirect_vreg.gather [hbm4b:s3+s1], $0x80, v4, vm0, $0xb8;
	[tilespmem:$0x10100] =	vst v63  }
0x8d: {  	_ = 	snop  }
0x8e: {  	[tilespmem:s30], [sflag:$0x2] =	stream.indirect_vreg.gather [hbm4b:s3+s1], $0x80, v3, vm0, $0xb8;
	[tilespmem:$0x10100] =	vst v63  }
0x8f: {  	v3 =	vld [tilespmem:$0x90];
	_ =	sdelay $0x4  }
0x90: {  	v57 =	vshll.u32 v3, $0x1  }
0x91: {  	v3 =	vand.u32 $0x7, v3;
	v4 =	vand.u32 $0xFFFFFFF0, v57  }
0x92: {  	v3 =	vor.u32 v3, v4  }
0x93: {  	v4 =	vperm.xlane v3, v0;
	_ =	sdelay $0x1  }
0x94: {  	v3 =	vperm.xlane v3, v2;
	v4 =	vadd.s32 v1, v4;
	_ =	sdelay $0x1  }
0x95: {  	v3 =	vadd.s32 v1, v3;
	_ =	sdelay $0x2  }
0x96: {  	[tilespmem:s31], [sflag:$0x2] =	stream.indirect_vreg.gather [hbm4b:s3+s1], $0x80, v4, vm0, $0xb8;
	[tilespmem:$0x10100] =	vst v63  }
0x97: {  	_ = 	snop  }
0x98: {  	[tilespmem:s0], [sflag:$0x2] =	stream.indirect_vreg.gather [hbm4b:s3+s1], $0x80, v3, vm0, $0xb8;
	[tilespmem:$0x10100] =	vst v63  }
0x99: {  	v3 =	vld [tilespmem:$0xA0];
	_ =	sdelay $0x4  }
0x9a: {  	v58 =	vshll.u32 v3, $0x1  }
0x9b: {  	v3 =	vand.u32 $0x7, v3;
	v4 =	vand.u32 $0xFFFFFFF0, v58  }
0x9c: {  	v3 =	vor.u32 v3, v4  }
0x9d: {  	v4 =	vperm.xlane v3, v0;
	_ =	sdelay $0x1  }
0x9e: {  	v3 =	vperm.xlane v3, v2;
	v4 =	vadd.s32 v1, v4;
	_ =	sdelay $0x1  }
0x9f: {  	v3 =	vadd.s32 v1, v3;
	_ =	sdelay $0x2  }
0xa0: {  	[tilespmem:s2], [sflag:$0x2] =	stream.indirect_vreg.gather [hbm4b:s3+s1], $0x80, v4, vm0, $0xb8;
	[tilespmem:$0x10100] =	vst v63  }
0xa1: {  	_ = 	snop  }
0xa2: {  	[tilespmem:s4], [sflag:$0x2] =	stream.indirect_vreg.gather [hbm4b:s3+s1], $0x80, v3, vm0, $0xb8;
	[tilespmem:$0x10100] =	vst v63  }
0xa3: {  	v3 =	vld [tilespmem:$0xB0];
	_ =	sdelay $0x4  }
0xa4: {  	v59 =	vshll.u32 v3, $0x1  }
0xa5: {  	v3 =	vand.u32 $0x7, v3;
	v4 =	vand.u32 $0xFFFFFFF0, v59  }
0xa6: {  	v3 =	vor.u32 v3, v4  }
0xa7: {  	v4 =	vperm.xlane v3, v0;
	_ =	sdelay $0x1  }
0xa8: {  	v3 =	vperm.xlane v3, v2;
	v4 =	vadd.s32 v1, v4;
	_ =	sdelay $0x1  }
0xa9: {  	v3 =	vadd.s32 v1, v3;
	_ =	sdelay $0x2  }
0xaa: {  	[tilespmem:s5], [sflag:$0x2] =	stream.indirect_vreg.gather [hbm4b:s3+s1], $0x80, v4, vm0, $0xb8;
	[tilespmem:$0x10100] =	vst v63  }
0xab: {  	_ = 	snop  }
0xac: {  	[tilespmem:s8], [sflag:$0x2] =	stream.indirect_vreg.gather [hbm4b:s3+s1], $0x80, v3, vm0, $0xb8;
	[tilespmem:$0x10100] =	vst v63  }
0xad: {  	v3 =	vld [tilespmem:$0xC0];
	_ =	sdelay $0x4  }
0xae: {  	v60 =	vshll.u32 v3, $0x1  }
0xaf: {  	v3 =	vand.u32 $0x7, v3;
	v4 =	vand.u32 $0xFFFFFFF0, v60  }
0xb0: {  	v3 =	vor.u32 v3, v4  }
0xb1: {  	v4 =	vperm.xlane v3, v0;
	_ =	sdelay $0x1  }
0xb2: {  	v3 =	vperm.xlane v3, v2;
	v4 =	vadd.s32 v1, v4;
	_ =	sdelay $0x1  }
0xb3: {  	v3 =	vadd.s32 v1, v3;
	_ =	sdelay $0x2  }
0xb4: {  	[tilespmem:s9], [sflag:$0x2] =	stream.indirect_vreg.gather [hbm4b:s3+s1], $0x80, v4, vm0, $0xb8;
	[tilespmem:$0x10100] =	vst v63  }
0xb5: {  	_ = 	snop  }
0xb6: {  	[tilespmem:s11], [sflag:$0x2] =	stream.indirect_vreg.gather [hbm4b:s3+s1], $0x80, v3, vm0, $0xb8;
	[tilespmem:$0x10100] =	vst v63  }
0xb7: {  	v3 =	vld [tilespmem:$0xD0];
	_ =	sdelay $0x4  }
0xb8: {  	v61 =	vshll.u32 v3, $0x1  }
0xb9: {  	v3 =	vand.u32 $0x7, v3;
	v4 =	vand.u32 $0xFFFFFFF0, v61  }
0xba: {  	v3 =	vor.u32 v3, v4  }
0xbb: {  	v4 =	vperm.xlane v3, v0;
	_ =	sdelay $0x1  }
0xbc: {  	v3 =	vperm.xlane v3, v2;
	v4 =	vadd.s32 v1, v4;
	_ =	sdelay $0x1  }
0xbd: {  	v3 =	vadd.s32 v1, v3;
	_ =	sdelay $0x2  }
0xbe: {  	[tilespmem:s13], [sflag:$0x2] =	stream.indirect_vreg.gather [hbm4b:s3+s1], $0x80, v4, vm0, $0xb8;
	[tilespmem:$0x10100] =	vst v63  }
0xbf: {  	_ = 	snop  }
0xc0: {  	[tilespmem:s14], [sflag:$0x2] =	stream.indirect_vreg.gather [hbm4b:s3+s1], $0x80, v3, vm0, $0xb8;
	[tilespmem:$0x10100] =	vst v63  }
0xc1: {  	v3 =	vld [tilespmem:$0xE0];
	_ =	sdelay $0x4  }
0xc2: {  	v62 =	vshll.u32 v3, $0x1  }
0xc3: {  	v3 =	vand.u32 $0x7, v3;
	v4 =	vand.u32 $0xFFFFFFF0, v62  }
0xc4: {  	v3 =	vor.u32 v3, v4  }
0xc5: {  	v4 =	vperm.xlane v3, v0;
	_ =	sdelay $0x1  }
0xc6: {  	v3 =	vperm.xlane v3, v2;
	v4 =	vadd.s32 v1, v4;
	_ =	sdelay $0x1  }
0xc7: {  	v3 =	vadd.s32 v1, v3;
	_ =	sdelay $0x2  }
0xc8: {  	[tilespmem:s15], [sflag:$0x2] =	stream.indirect_vreg.gather [hbm4b:s3+s1], $0x80, v4, vm0, $0xb8;
	[tilespmem:$0x10100] =	vst v63  }
0xc9: {  	_ = 	snop  }
0xca: {  	[tilespmem:s16], [sflag:$0x2] =	stream.indirect_vreg.gather [hbm4b:s3+s1], $0x80, v3, vm0, $0xb8;
	[tilespmem:$0x10100] =	vst v63  }
0xcb: {  	v3 =	vld [tilespmem:$0xF0];
	_ =	sdelay $0x4  }
0xcc: {  	v63 =	vshll.u32 v3, $0x1  }
0xcd: {  	v3 =	vand.u32 $0x7, v3;
	v4 =	vand.u32 $0xFFFFFFF0, v63  }
0xce: {  	v3 =	vor.u32 v3, v4  }
0xcf: {  	v4 =	vperm.xlane v3, v0;
	_ =	sdelay $0x1  }
0xd0: {  	v3 =	vperm.xlane v3, v2;
	v4 =	vadd.s32 v1, v4;
	_ =	sdelay $0x1  }
0xd1: {  	v3 =	vadd.s32 v1, v3;
	_ =	sdelay $0x2  }
0xd2: {  	[tilespmem:s17], [sflag:$0x2] =	stream.indirect_vreg.gather [hbm4b:s3+s1], $0x80, v4, vm0, $0xb8;
	[tilespmem:$0x10100] =	vst v63  }
0xd3: {  	_ = 	snop  }
0xd4: {  	[tilespmem:s18], [sflag:$0x2] =	stream.indirect_vreg.gather [hbm4b:s3+s1], $0x80, v3, vm0, $0xb8;
	[tilespmem:$0x10100] =	vst v63  }
0xd5: {  	_ =	swait.ge [sflag:s19], $0x8000  }
0xd6: {  	[sflag:s19] =	ssyncset.done $0x0  }
0xd7: {  	[sflag:s19] =	ssyncadd.s32 $0xFFFF8000  }
0xd8: {  	_ =	swait.ge [sflag:s20], $0x8000  }
0xd9: {  	[sflag:s20] =	ssyncset.done $0x0  }
0xda: {  	[sflag:s20] =	ssyncadd.s32 $0xFFFF8000  }
0xdb: {  	[hbm4b:s23+s1] =	stream.linear.scatter [tilespmem:s12], [sflag:$0x4], $0x8000, $0x38;
	[tilespmem:$0x10100] =	vst v63  }
0xdc: {  	_ =	swait.ge [sflag:s10], $0x8000  }
0xdd: {  	[sflag:s10] =	ssyncset.done $0x0  }
.Ltmp5:
0xde: {  	[sflag:s10] =	ssyncadd.s32 $0xFFFF8000;
	(pc) =	sbr.rel .LBB2_4-.Ltmp5, $4  }
0xdf: {  	[hbm4b:s24+s1] =	stream.linear.scatter [tilespmem:s29], [sflag:$0x3], $0x8000, $0x38;
	[tilespmem:$0x10100] =	vst v63  }
0xe0: {  	_ =	swait.ge [sflag:s21], $0x8000  }
0xe1: {  	[sflag:s21] =	ssyncset.done $0x0  }
0xe2: {  	[sflag:s21] =	ssyncadd.s32 $0xFFFF8000  }
.LBB2_6:
0xe3: {  	_ =	sfence.sel $0x180000  }
0xe4: {  	[bflag:$0x0] =	sbarrier.arrive $0xFFFF  }
0xe5: {  	_ =	strace $0x90000050  }
0xe6: {  	s0 =	stileid.u32;
	[bflag:$0x2] =	sbarrier.arrive $0xFFFF  }
0xe7: {  	p0 =	sne.s32 s0, $0x0;
	s0 =	rddreg [dreg:$0x1]  }
0xe8: {  	s0 =	sadd.s32 @!p0 $0x100000, s0  }
0xe9: {  	[sflag:s0] =	ssyncadd.tile.s32 @!p0 $0x1;
	_ =	shalt  }
.Lfunc_end2:
_tile_overlayer_lowered:
.L_overlay_start_2:
0xea: {  	(tag) =	ssettag $0x2  }
0xeb: {  	s0 =	rddreg [dreg:$0x0];
	s2 =	stileid.u32  }
0xec: {  	s1 =	rddreg [dreg:$0x1];
	p0 =	sne.s32 s2, $0x0  }
0xed: {  	s3 =	rddreg [dreg:$0x2];
	[bflag:$0x3] =	sbarrier.arrive $0xFFFF;
	s2 =	simm.s32 @!p0 $0x1C03  }
0xee: {  	[timem:s3], [sflag:s2] =	dma.local @!p0 [hbm:s0], s1  }
0xef: {  	s0 =	simm.s32 @!p0 $0x3  }
0xf0: {  	_ =	swait.ge @!p0 [sflag:s0], s1  }
0xf1: {  	s1 =	ssub.s32 @!p0 $0x0, s1;
	[sflag:s0] =	ssyncset.done @!p0 $0x0  }
0xf2: {  	[sflag:s0] =	ssyncadd.s32 @!p0 s1  }
0xf3: {  	[bflag:$0x3] =	sbarrier.arrive $0xFFFF  }
0xf4: {  	_ =	shalt  }

// kernel: kernel.34.cloned.1.call-start
scs
__scs_entry_jumppad:
0x0: {  	(pc) =	sbr.rel $0x88, $3  }
0x1: {  	(tag) =	ssettag $0x0;
	lr =	simm.s32 $0x1  }
0x2: {  	[smem:$0x3F76] =	sst lr;
	_ =	strace $0xD0000000  }
0x3: {  	_ = 	snop  }
0x4: {  	_ = 	snop  }
0x5: {  	_ = 	snop  }
0x6: {  	_ = 	snop  }
0x7: {  	_ = 	snop  }
__scs_overlays_trampoline_lowered:
0x8: {  	[smem:$0x3F85] =	sst s0  }
0x9: {  	[smem:$0x3F86] =	sst s1  }
0xa: {  	[smem:$0x3F87] =	sst s2  }
0xb: {  	[smem:$0x3F88] =	sst s3  }
0xc: {  	[smem:$0x3F89] =	sst s4  }
0xd: {  	[smem:$0x3F8A] =	sst s5  }
0xe: {  	[smem:$0x3F8B] =	sst s6  }
0xf: {  	[smem:$0x3F8C] =	sst s7  }
0x10: {  	[smem:$0x3F8D] =	sst s8  }
0x11: {  	[smem:$0x3F8E] =	sst s9;
	s0 =	simm.s32 @!p0 $0x0  }
0x12: {  	s1 =	sld [smem:$0x3F74];
	s0 =	simm.s32 @p0 $0x1  }
0x13: {  	[smem:$0x3F8F] =	sst s0;
	s0 =	simm.s32 @!p1 $0x0  }
0x14: {  	s2 =	sld [smem:$0x3F73];
	s0 =	simm.s32 @p1 $0x1  }
0x15: {  	[smem:$0x3F90] =	sst s0;
	s0 =	simm.s32 @!p2 $0x0  }
0x16: {  	s3 =	sld [smem:$0x3FDB];
	s0 =	simm.s32 @p2 $0x1  }
0x17: {  	s4 =	simm.s32 $0x1BF5;
	[smem:$0x3F92] =	sst s0  }
0x18: {  	s0 =	sld [smem:$0x3F75];
	_ =	swait.ge [sflag:s4], $0x0  }
0x19: {  	s7 =	sld [smem:$0x3F76]  }
0x1a: {  	s8 =	sadd.s32 $0xFFFFE003, lr  }
0x1b: {  	s9 =	sadd.s32 $0xFFFFFEF7, lr;
	s5 =	simm.s32 $0xFFFFFFFF;
	p2 =	slt.u32 s8, $0xFFFFF086  }
0x1c: {  	p1 =	slt.u32 s9, $0xF7A;
	s5 =	simm.s32 @!p2 $0x0  }
0x1d: {  	s5 =	simm.s32 @p1 $0x1;
	p0 =	seq.s32 s7, s2  }
0x1e: {  	s7 =	smul.u32 @!p0 $0xF7A, s2;
	p2 =	seq.s32 @!p0 s5, $0x0  }
0x1f: {  	s9 =	smul.u32 $0xF7A, s1;
	s8 =	simm.s32 @!p0 $0x1BF5;
	p2 =	por !p2, p0  }
0x20: {  	[sflag:s8] =	ssyncset.s32 @!p0 $0xFFFFF086;
	s6 =	sadd.s32 @!p0 s3, s7;
	s7 =	simm.s32 @!p0 $0x108  }
0x21: {  	s3 =	sadd.s32 s3, s9;
	s6 =	sadd.s32 @!p0 $0x88, s6;
	s7 =	simm.s32 @p2 $0x1082  }
0x22: {  	[simem:s7], [sflag:s8] =	dma.local @!p0 [hbm:s6], $0xF7A  }
0x23: {  	s9 =	sor.u32 $0xD0000000, s2;
	s6 =	simm.s32 $0x108;
	_ =	swait.ge @!p0 [sflag:s8], $0x0  }
0x24: {  	s3 =	sadd.s32 $0x88, s3;
	s6 =	simm.s32 @!p1 $0x1082;
	[sflag:s4] =	ssyncset.s32 $0xFFFFF086  }
0x25: {  	[simem:s6], [sflag:s4] =	dma.local [hbm:s3], $0xF7A  }
0x26: {  	[smem:$0x3F76] =	sst s1;
	(tag) =	ssettag s2;
	_ =	strace s9  }
0x27: {  	s1 =	sld [smem:$0x3F86]  }
0x28: {  	s2 =	sld [smem:$0x3F87]  }
0x29: {  	s4 =	sld [smem:$0x3F89]  }
0x2a: {  	p0 =	seq.s32 s5, $0x0;
	s5 =	sld [smem:$0x3F8A]  }
0x2b: {  	s6 =	sld [smem:$0x3F8B]  }
0x2c: {  	s7 =	sld [smem:$0x3F8C]  }
0x2d: {  	s3 =	simm.s32 $0x108;
	s8 =	sld [smem:$0x3F8D]  }
0x2e: {  	s3 =	simm.s32 @!p0 $0x1082;
	s9 =	sld [smem:$0x3F8E]  }
0x2f: {  	lr =	sadd.s32 s0, s3;
	s0 =	sld [smem:$0x3F85]  }
0x30: {  	s3 =	sld [smem:$0x3F88]  }
0x31: {  	[smem:$0x3F91] =	sst s10  }
0x32: {  	s10 =	sld [smem:$0x3F8F];
	_ =	sdelay $0x3  }
0x33: {  	p0 =	seq.s32 s10, $0x1;
	s10 =	sld [smem:$0x3F91];
	_ =	sdelay $0x3  }
0x34: {  	[smem:$0x3F91] =	sst s10  }
0x35: {  	s10 =	sld [smem:$0x3F90];
	_ =	sdelay $0x3  }
0x36: {  	p1 =	seq.s32 s10, $0x1;
	s10 =	sld [smem:$0x3F91];
	_ =	sdelay $0x3  }
0x37: {  	[smem:$0x3F91] =	sst s10  }
0x38: {  	s10 =	sld [smem:$0x3F92]  }
0x39: {  	_ = 	snop;
	(pc) =	sbr.ind lr, $3  }
0x3a: {  	_ = 	snop  }
0x3b: {  	_ = 	snop  }
0x3c: {  	p2 =	seq.s32 s10, $0x1;
	s10 =	sld [smem:$0x3F91]  }
0x3d: {  	_ =	shalt  }
0x3e: {  	_ =	shalt  }
0x3f: {  	_ =	shalt  }
0x40: {  	_ =	shalt  }
0x41: {  	_ =	shalt  }
0x42: {  	_ =	shalt  }
0x43: {  	_ =	shalt  }
0x44: {  	_ =	shalt  }
0x45: {  	_ =	shalt  }
0x46: {  	_ =	shalt  }
0x47: {  	_ =	shalt  }
0x48: {  	_ =	shalt  }
0x49: {  	_ =	shalt  }
0x4a: {  	_ =	shalt  }
0x4b: {  	_ =	shalt  }
0x4c: {  	_ =	shalt  }
0x4d: {  	_ =	shalt  }
0x4e: {  	_ =	shalt  }
0x4f: {  	_ =	shalt  }
0x50: {  	_ =	shalt  }
0x51: {  	_ =	shalt  }
0x52: {  	_ =	shalt  }
0x53: {  	_ =	shalt  }
0x54: {  	_ =	shalt  }
0x55: {  	_ =	shalt  }
0x56: {  	_ =	shalt  }
0x57: {  	_ =	shalt  }
0x58: {  	_ =	shalt  }
0x59: {  	_ =	shalt  }
0x5a: {  	_ =	shalt  }
0x5b: {  	_ =	shalt  }
0x5c: {  	_ =	shalt  }
0x5d: {  	_ =	shalt  }
0x5e: {  	_ =	shalt  }
0x5f: {  	_ =	shalt  }
0x60: {  	_ =	shalt  }
0x61: {  	_ =	shalt  }
0x62: {  	_ =	shalt  }
0x63: {  	_ =	shalt  }
0x64: {  	_ =	shalt  }
0x65: {  	_ =	shalt  }
0x66: {  	_ =	shalt  }
0x67: {  	_ =	shalt  }
0x68: {  	_ =	shalt  }
0x69: {  	_ =	shalt  }
0x6a: {  	_ =	shalt  }
0x6b: {  	_ =	shalt  }
0x6c: {  	_ =	shalt  }
0x6d: {  	_ =	shalt  }
0x6e: {  	_ =	shalt  }
0x6f: {  	_ =	shalt  }
0x70: {  	_ =	shalt  }
0x71: {  	_ =	shalt  }
0x72: {  	_ =	shalt  }
0x73: {  	_ =	shalt  }
0x74: {  	_ =	shalt  }
0x75: {  	_ =	shalt  }
0x76: {  	_ =	shalt  }
0x77: {  	_ =	shalt  }
0x78: {  	_ =	shalt  }
0x79: {  	_ =	shalt  }
0x7a: {  	_ =	shalt  }
0x7b: {  	_ =	shalt  }
0x7c: {  	_ =	shalt  }
0x7d: {  	_ =	shalt  }
0x7e: {  	_ =	shalt  }
0x7f: {  	_ =	shalt  }
0x80: {  	_ =	shalt  }
0x81: {  	_ =	shalt  }
0x82: {  	_ =	shalt  }
0x83: {  	_ =	shalt  }
0x84: {  	_ =	shalt  }
0x85: {  	_ =	shalt  }
0x86: {  	_ =	shalt  }
0x87: {  	_ =	shalt  }
.Lfunc_end0:
.L_simem_size_0:
called_computation.4_lowered:
.L_overlay_start_0:
0x88: {  	s2 =	sld [smem:$0x3FD9]  }
0x89: {  	s3 =	sld [smem:$0x3FFE];
	_ =	sdelay $0x1  }
0x8a: {  	s1 =	srdreg.scid  }
0x8b: {  	s0 =	sand.u32 $0x1, s1  }
0x8c: {  	s16 =	sshll.u32 s0, $0xA;
	s2 =	sadd.s32 s3, s2  }
0x8d: {  	s2 =	sadd.s32 s2, s16  }
0x8e: {  	[smem:$0x3F9D] =	sst s2  }
0x8f: {  	_ = 	snop  }
0x90: {  	(tm) =	ssettm $0x1  }
0x91: {  	s17 =	sld [smem:$0x3FFB];
	_ =	sdelay $0x3  }
0x92: {  	_ =	strace s17  }
0x93: {  	s2 =	sld [smem:$0x3FFC];
	_ =	sdelay $0x3  }
0x94: {  	_ =	strace s2  }
0x95: {  	s2 =	sld [smem:$0x3FFD];
	_ =	sdelay $0x3  }
0x96: {  	_ =	strace s2  }
0x97: {  	_ =	strace $0x8FFFFFFF  }
0x98: {  	s18 =	sld [smem:$0x3FDB];
	_ =	sdelay $0x1  }
0x99: {  	s19 =	simm.s32 $_scs_section_size  }
0x9a: {  	s4 =	simm.s32 $_size__tile_overlayer_lowered;
	s5 =	simm.s32 $_tile_overlayer_lowered  }
0x9b: {  	s22 =	simm.s32 $0x1BFF;
	s21 =	sshll.u32 s5, $0x1;
	s2 =	sadd.s32 s19, s18  }
0x9c: {  	s6 =	simm.s32 $0x0;
	s20 =	sshll.u32 s4, $0x1;
	s4 =	sadd.s32 s21, s2  }
0x9d: {  	[timem:s6], [sflag:s22] =	dma.local [hbm:s4], s20  }
0x9e: {  	_ =	swait.ge [sflag:s22], s20  }
0x9f: {  	s3 =	ssub.s32 $0x0, s20;
	[sflag:s22] =	ssyncset.done $0x0  }
0xa0: {  	[sflag:s22] =	ssyncadd.s32 s3;
	_ =	sdelay $0x1  }
0xa1: {  	s23 =	simm.s32 $0x1B8B  }
0xa2: {  	_ =	swait.ge [sflag:s23], $0x1  }
0xa3: {  	[sflag:s23] =	ssyncset.done $0x0  }
0xa4: {  	s25 =	simm.s32 $0x1B8E;
	s24 =	sld [smem:$0x3FFE];
	[sflag:s23] =	ssyncadd.s32 $0xFFFFFFFF  }
0xa5: {  	s26 =	simm.s32 $execute0_lowered;
	[smem:$0x3FD2] =	sst s25  }
0xa6: {  	s4 =	sshll.u32 s26, $0x1;
	_ =	strace $0x80000052;
	[dreg:$0x1] =	wrdreg $0xFFFFFFFF  }
0xa7: {  	s28 =	simm.s32 $_size_execute0_lowered;
	s2 =	sadd.s32 s2, s4;
	[dreg:$0x0] =	wrdreg $0x0  }
0xa8: {  	s4 =	sshll.u32 s28, $0x1;
	[dreg:$0x2] =	wrdreg s2  }
0xa9: {  	[dreg:$0x3] =	wrdreg s4  }
0xaa: {  	[dreg:$0x4] =	wrdreg $0xC0  }
0xab: {  	_ =	task [dreg:s6], $0x5FFFF  }
0xac: {  	[dreg:$0x1] =	wrdreg $0xFFFFFFFF  }
0xad: {  	[dreg:$0x0] =	wrdreg $0x60  }
0xae: {  	[dreg:$0x2] =	wrdreg s24  }
0xaf: {  	[dreg:$0x3] =	wrdreg $0x60800  }
0xb0: {  	[dreg:$0x4] =	wrdreg $0x9  }
0xb1: {  	_ =	task.clear_ibuf [dreg:s6], $0x5FFFF;
	_ =	strace $0x90000052  }
0xb2: {  	s29 =	simm.s32 $0x9;
	_ =	strace $0x80000054  }
0xb3: {  	_ =	swait.ge [sflag:s29], $0x1  }
0xb4: {  	[sflag:s29] =	ssyncadd.s32 $0xFFFFFFFF  }
0xb5: {  	_ =	strace $0x90000054  }
0xb6: {  	_ =	sfence  }
0xb7: {  	s30 =	sld [smem:$0x0];
	_ =	sdelay $0x2  }
0xb8: {  	s31 =	sshll.u32 s1, $0xD;
	s1 =	sshrl.u32 s1, $0x2  }
0xb9: {  	s3 =	sand.u32 $0x4000, s31;
	s1 =	sadd.s32 s1, s30  }
0xba: {  	s0 =	sor.u32 s3, s0;
	s1 =	sshll.u32 s1, $0x11  }
0xbb: {  	s0 =	sor.u32 s1, s0  }
0xbc: {  	s0 =	sadd.s32 $0x8F2B, s0  }
0xbd: {  	[sflag:s0] =	ssyncadd.remote.s32 $0x1  }
0xbe: {  	_ =	sfence.sel $0xFFFF  }
0xbf: {  	[dreg:$0x0] =	wrdreg $0xFFFFFFFF;
	(pc) =	sbr.abs _section_cstart, $3  }
0xc0: {  	[dreg:$0x1] =	wrdreg $0xFFFFFFFF  }
0xc1: {  	_ =	task.clear_ibuf [dreg:s6], $0x2FFFF;
	_ =	strace $0x9FFFFFFF  }
0xc2: {  	(tm) =	ssettm $0x7FFFFFFF  }
0xc3: {  	_ =	shalt  }
tec
execute0_lowered:
.L_overlay_start_1:
0x0: {  	(tag) =	ssettag $0x1  }
0x1: {  	s4 =	rddreg [dreg:$0x0]  }
0x2: {  	s1 =	rddreg [dreg:$0x1];
	s2 =	stileid.u32  }
0x3: {  	s3 =	srdreg.scid;
	s0 =	rddreg [dreg:$0x2]  }
0x4: {  	s18 =	simm.s32 $0x4080;
	s19 =	simm.s32 $0x1;
	s20 =	simm.s32 $0x80  }
0x5: {  	s21 =	simm.s32 $0x0;
	s5 =	smul.u32 $0x271, s2;
	s6 =	sand.u32 $0x1, s3  }
0x6: {  	s3 =	simm.s32 $0x0;
	p0 =	sne.s32 s2, $0x0;
	s7 =	smul.u32 $0x271000, s6  }
0x7: {  	[smem:$0x7FF] =	sst s3;
	s8 =	smul.u32 $0x138800, s6;
	s5 =	sand.u32 $0x3FF8, s5  }
0x8: {  	s9 =	smul.u32 $0x4E20, s6;
	s6 =	ssub.s32 $0x2, s6;
	s5 =	smin.u32 s5, $0x2498  }
0x9: {  	_ =	strace $0x80000053;
	s31 =	sshrl.u32 s6, $0x1;
	s5 =	sshll.u32 s5, $0x7  }
0xa: {  	s16 =	sadd.s32 s7, s4;
	s17 =	sadd.s32 s9, s4;
	s30 =	sadd.s32 s8, s5  }
0xb: {  	s16 =	sadd.s32 $0xAD3C00, s16;
	s17 =	sadd.s32 $0x18400, s17;
	s7 =	sshrl.u32 s30, $0x3  }
.Ltmp0:
0xc: {  	s7 =	sadd.s32 s7, s4;
	s4 =	sadd.s32 s5, s1;
	(pc) =	sbr.rel .LBB2_1-.Ltmp0, $4  }
0xd: {  	s8 =	ssub.s32 s6, s31;
	s5 =	sadd.s32 $0x12000, s4;
	s6 =	sadd.s32 $0x49400, s7  }
0xe: {  	s7 =	smax.u32 s8, $0x1;
	s8 =	sadd.s32 $0x2000, s4;
	s9 =	sadd.s32 $0x4000, s4  }
0xf: {  	s10 =	sadd.s32 $0x6000, s4;
	s11 =	sadd.s32 $0x8000, s4;
	s12 =	sadd.s32 $0xA000, s4  }
0x10: {  	v0 =	vimm.f32 $0.0e+00;
	s13 =	sadd.s32 $0xC000, s4;
	s14 =	sadd.s32 $0xE000, s4;
	s15 =	sadd.s32 $0x10000, s4  }
.LBB2_6:
0x11: {  	s23 =	sadd.s32 s23, s17;
	[sflag:s19] =	ssyncadd.s32 $0xFFFFC000  }
0x12: {  	[tilespmem:s3], [sflag:$0x1] =	stream.linear.gather [hbm4b:s23+s3], $0x80, $0x38;
	[tilespmem:$0x19900] =	vst v63  }
0x13: {  	_ =	swait.ge [sflag:s19], $0x80  }
0x14: {  	[sflag:s19] =	ssyncset.done $0x0  }
0x15: {  	[sflag:s19] =	ssyncadd.s32 $0xFFFFFF80  }
0x16: {  	[tilespmem:s20], [sflag:$0x1] =	stream.linear.gather [hbm4b:s22+s3], $0x4000, $0x38;
	[tilespmem:$0x19900] =	vst v63  }
0x17: {  	_ =	swait.ge [sflag:s19], $0x4000  }
0x18: {  	[sflag:s19] =	ssyncset.done $0x0  }
0x19: {  	[sflag:s19] =	ssyncadd.s32 $0xFFFFC000  }
0x1a: {  	[spmem:s1] =	stream.indirect.scatter.add.f32 [tilespmem:s20], [sflag:$0x1], $0x80, s3, s20, $0xb8;
	[tilespmem:$0x19900] =	vst v63  }
0x1b: {  	_ =	swait.ge [sflag:s19], $0x4000  }
0x1c: {  	[sflag:s19] =	ssyncset.done $0x0  }
0x1d: {  	[sflag:s19] =	ssyncadd.s32 $0xFFFFC000  }
.LBB2_7:
0x1e: {  	s21 =	sadd.s32 $0x1, s21  }
0x1f: {  	s22 =	sshll.u32 s2, $0x6;
	[bflag:$0x0] =	sbarrier.arrive $0xFFFF;
	p1 =	sne.s32 s21, s7  }
.Ltmp1:
0x20: {  	s23 =	sshrl.u32 s4, $0x3;
	s22 =	sor.u32 $0x1C01, s22;
	(pc) =	sbr.rel @!p1 .LBB2_8-.Ltmp1, $4  }
0x21: {  	[hbm:s6], [sflag:s22] =	dma.local [spmem:s23], $0x2780  }
0x22: {  	_ =	swait.ge [sflag:s19], $0x2780  }
0x23: {  	[sflag:s19] =	ssyncset.done $0x0  }
0x24: {  	[sflag:s19] =	ssyncadd.s32 $0xFFFFD880  }
.LBB2_1:
0x25: {  	s22 =	sand.u32 $0x7E00, s3  }
0x26: {  	s23 =	sand.u32 $0x70, s3;
	s24 =	sshrl.u32 s22, $0x2  }
0x27: {  	s22 =	simm.s32 $0x40;
	s24 =	sor.u32 s23, s24;
	s23 =	simm.s32 $0x0  }
.LBB2_2:
0x28: {  	p1 =	sne.s32 s22, $0x7FC0  }
0x29: {  	[tilespmem:s24+$0x4080] =	vst v0;
	s23 =	sadd.s32 $0x10, s23;
	s24 =	smov.u32 s22;
	s22 =	sadd.s32 $0x40, s22  }
.Ltmp2:
0x2a: {  	(pc) =	sbr.rel @p1 .LBB2_2-.Ltmp2, $4  }
0x2b: {  	_ = 	snop  }
0x2c: {  	s24 =	sand.u32 $0x7E00, s24  }
0x2d: {  	s25 =	sand.u32 $0x70, s23;
	s24 =	sshrl.u32 s24, $0x2  }
0x2e: {  	s24 =	sor.u32 s25, s24  }
0x2f: {  	[tilespmem:s24+$0x4080] =	vst v0  }
0x30: {  	[spmem:s4] =	stream.linear.scatter [tilespmem:s18], [sflag:$0x1], $0x2000, $0x38;
	[tilespmem:$0x19900] =	vst v63  }
0x31: {  	_ =	swait.ge [sflag:s19], $0x2000  }
0x32: {  	[sflag:s19] =	ssyncset.done $0x0  }
0x33: {  	[sflag:s19] =	ssyncadd.s32 $0xFFFFE000  }
0x34: {  	[spmem:s8] =	stream.linear.scatter [tilespmem:s18], [sflag:$0x1], $0x2000, $0x38;
	[tilespmem:$0x19900] =	vst v63  }
0x35: {  	_ =	swait.ge [sflag:s19], $0x2000  }
0x36: {  	[sflag:s19] =	ssyncset.done $0x0  }
0x37: {  	[sflag:s19] =	ssyncadd.s32 $0xFFFFE000  }
0x38: {  	[spmem:s9] =	stream.linear.scatter [tilespmem:s18], [sflag:$0x1], $0x2000, $0x38;
	[tilespmem:$0x19900] =	vst v63  }
0x39: {  	_ =	swait.ge [sflag:s19], $0x2000  }
0x3a: {  	[sflag:s19] =	ssyncset.done $0x0  }
0x3b: {  	[sflag:s19] =	ssyncadd.s32 $0xFFFFE000  }
0x3c: {  	[spmem:s10] =	stream.linear.scatter [tilespmem:s18], [sflag:$0x1], $0x2000, $0x38;
	[tilespmem:$0x19900] =	vst v63  }
0x3d: {  	_ =	swait.ge [sflag:s19], $0x2000  }
0x3e: {  	[sflag:s19] =	ssyncset.done $0x0  }
0x3f: {  	[sflag:s19] =	ssyncadd.s32 $0xFFFFE000  }
0x40: {  	[spmem:s11] =	stream.linear.scatter [tilespmem:s18], [sflag:$0x1], $0x2000, $0x38;
	[tilespmem:$0x19900] =	vst v63  }
0x41: {  	_ =	swait.ge [sflag:s19], $0x2000  }
0x42: {  	[sflag:s19] =	ssyncset.done $0x0  }
0x43: {  	[sflag:s19] =	ssyncadd.s32 $0xFFFFE000  }
0x44: {  	[spmem:s12] =	stream.linear.scatter [tilespmem:s18], [sflag:$0x1], $0x2000, $0x38;
	[tilespmem:$0x19900] =	vst v63  }
0x45: {  	_ =	swait.ge [sflag:s19], $0x2000  }
0x46: {  	[sflag:s19] =	ssyncset.done $0x0  }
0x47: {  	[sflag:s19] =	ssyncadd.s32 $0xFFFFE000  }
0x48: {  	[spmem:s13] =	stream.linear.scatter [tilespmem:s18], [sflag:$0x1], $0x2000, $0x38;
	[tilespmem:$0x19900] =	vst v63  }
0x49: {  	_ =	swait.ge [sflag:s19], $0x2000  }
0x4a: {  	[sflag:s19] =	ssyncset.done $0x0  }
0x4b: {  	[sflag:s19] =	ssyncadd.s32 $0xFFFFE000  }
0x4c: {  	[spmem:s14] =	stream.linear.scatter [tilespmem:s18], [sflag:$0x1], $0x2000, $0x38;
	[tilespmem:$0x19900] =	vst v63  }
0x4d: {  	_ =	swait.ge [sflag:s19], $0x2000  }
0x4e: {  	[sflag:s19] =	ssyncset.done $0x0  }
0x4f: {  	[sflag:s19] =	ssyncadd.s32 $0xFFFFE000  }
0x50: {  	[spmem:s15] =	stream.linear.scatter [tilespmem:s18], [sflag:$0x1], $0x2000, $0x38;
	[tilespmem:$0x19900] =	vst v63  }
0x51: {  	_ =	swait.ge [sflag:s19], $0x2000  }
0x52: {  	[sflag:s19] =	ssyncset.done $0x0  }
0x53: {  	[sflag:s19] =	ssyncadd.s32 $0xFFFFE000  }
0x54: {  	[spmem:s5] =	stream.linear.scatter [tilespmem:s18], [sflag:$0x1], $0x1C00, $0x38;
	[tilespmem:$0x19900] =	vst v63  }
.Ltmp3:
0x55: {  	_ =	swait.ge [sflag:s19], $0x1C00;
	(pc) =	sbr.rel @p0 .LBB2_7-.Ltmp3, $3  }
0x56: {  	[sflag:s19] =	ssyncset.done $0x0  }
0x57: {  	[sflag:s19] =	ssyncadd.s32 $0xFFFFE400  }
0x58: {  	[bflag:$0x0] =	sbarrier.arrive $0xFFFF;
	_ =	sdelay $0x1  }
0x59: {  	s22 =	sadd.s32 $0x0, s17  }
0x5a: {  	[tilespmem:s3], [sflag:$0x1] =	stream.linear.gather [hbm4b:s22+s3], $0x80, $0x38;
	[tilespmem:$0x19900] =	vst v63  }
0x5b: {  	_ =	swait.ge [sflag:s19], $0x80  }
0x5c: {  	[sflag:s19] =	ssyncset.done $0x0  }
0x5d: {  	[sflag:s19] =	ssyncadd.s32 $0xFFFFFF80  }
0x5e: {  	[tilespmem:s20], [sflag:$0x1] =	stream.linear.gather [hbm4b:s16+s3], $0x4000, $0x38;
	[tilespmem:$0x19900] =	vst v63  }
0x5f: {  	_ =	swait.ge [sflag:s19], $0x4000  }
0x60: {  	[sflag:s19] =	ssyncset.done $0x0  }
0x61: {  	[sflag:s19] =	ssyncadd.s32 $0xFFFFC000  }
0x62: {  	[spmem:s1] =	stream.indirect.scatter.add.f32 [tilespmem:s20], [sflag:$0x1], $0x80, s3, s20, $0xb8;
	[tilespmem:$0x19900] =	vst v63  }
0x63: {  	s23 =	simm.s32 $0x10;
	_ =	swait.ge [sflag:s19], $0x4000  }
0x64: {  	s24 =	simm.s32 $0x20;
	s22 =	sadd.s32 $0x800, s16;
	[sflag:s19] =	ssyncset.done $0x0  }
.LBB2_5:
0x65: {  	s25 =	sadd.s32 s23, s17  }
0x66: {  	[sflag:s19] =	ssyncadd.s32 $0xFFFFC000;
	s23 =	smov.u32 s24;
	s26 =	sadd.s32 $0x10, s24  }
0x67: {  	[tilespmem:s3], [sflag:$0x1] =	stream.linear.gather [hbm4b:s25+s3], $0x80, $0x38;
	[tilespmem:$0x19900] =	vst v63  }
0x68: {  	p1 =	sne.s32 s24, $0x4E10;
	_ =	swait.ge [sflag:s19], $0x80  }
0x69: {  	[sflag:s19] =	ssyncset.done $0x0  }
0x6a: {  	[sflag:s19] =	ssyncadd.s32 $0xFFFFFF80  }
0x6b: {  	[tilespmem:s20], [sflag:$0x1] =	stream.linear.gather [hbm4b:s22+s3], $0x4000, $0x38;
	[tilespmem:$0x19900] =	vst v63  }
0x6c: {  	_ =	swait.ge [sflag:s19], $0x4000  }
.Ltmp4:
0x6d: {  	[sflag:s19] =	ssyncset.done $0x0;
	(pc) =	sbr.rel @p1 .LBB2_5-.Ltmp4, $4  }
0x6e: {  	[sflag:s19] =	ssyncadd.s32 $0xFFFFC000  }
0x6f: {  	[spmem:s1] =	stream.indirect.scatter.add.f32 [tilespmem:s20], [sflag:$0x1], $0x80, s3, s20, $0xb8;
	[tilespmem:$0x19900] =	vst v63  }
0x70: {  	_ =	swait.ge [sflag:s19], $0x4000  }
0x71: {  	s24 =	smov.u32 s26;
	s22 =	sadd.s32 $0x800, s22;
	[sflag:s19] =	ssyncset.done $0x0  }
.Ltmp5:
0x72: {  	_ = 	snop;
	(pc) =	sbr.rel .LBB2_6-.Ltmp5, $1  }
0x73: {  	_ =	sdelay $0x3  }
.LBB2_8:
0x74: {  	_ =	sfence.sel $0x180000  }
0x75: {  	[bflag:$0x0] =	sbarrier.arrive $0xFFFF  }
0x76: {  	_ =	strace $0x90000053  }
0x77: {  	s0 =	sadd.s32 @!p0 $0x100000, s0;
	[bflag:$0x2] =	sbarrier.arrive $0xFFFF  }
0x78: {  	[sflag:s0] =	ssyncadd.tile.s32 @!p0 $0x1;
	_ =	shalt  }
.Lfunc_end2:
_tile_overlayer_lowered:
.L_overlay_start_2:
0x79: {  	(tag) =	ssettag $0x2  }
0x7a: {  	s0 =	rddreg [dreg:$0x0];
	s2 =	stileid.u32  }
0x7b: {  	s1 =	rddreg [dreg:$0x1];
	p0 =	sne.s32 s2, $0x0  }
0x7c: {  	s3 =	rddreg [dreg:$0x2];
	[bflag:$0x3] =	sbarrier.arrive $0xFFFF;
	s2 =	simm.s32 @!p0 $0x1C01  }
0x7d: {  	[timem:s3], [sflag:s2] =	dma.local @!p0 [hbm:s0], s1  }
0x7e: {  	s0 =	simm.s32 @!p0 $0x1  }
0x7f: {  	_ =	swait.ge @!p0 [sflag:s0], s1  }
0x80: {  	s1 =	ssub.s32 @!p0 $0x0, s1;
	[sflag:s0] =	ssyncset.done @!p0 $0x0  }
0x81: {  	[sflag:s0] =	ssyncadd.s32 @!p0 s1  }
0x82: {  	[bflag:$0x3] =	sbarrier.arrive $0xFFFF  }
0x83: {  	_ =	shalt  }

// kernel: kernel.37.cloned.1.call-start
scs
__scs_entry_jumppad:
0x0: {  	(pc) =	sbr.rel $0x88, $3  }
0x1: {  	(tag) =	ssettag $0x0;
	lr =	simm.s32 $0x1  }
0x2: {  	[smem:$0x3F76] =	sst lr;
	_ =	strace $0xD0000000  }
0x3: {  	_ = 	snop  }
0x4: {  	_ = 	snop  }
0x5: {  	_ = 	snop  }
0x6: {  	_ = 	snop  }
0x7: {  	_ = 	snop  }
__scs_overlays_trampoline_lowered:
0x8: {  	[smem:$0x3F85] =	sst s0  }
0x9: {  	[smem:$0x3F86] =	sst s1  }
0xa: {  	[smem:$0x3F87] =	sst s2  }
0xb: {  	[smem:$0x3F88] =	sst s3  }
0xc: {  	[smem:$0x3F89] =	sst s4  }
0xd: {  	[smem:$0x3F8A] =	sst s5  }
0xe: {  	[smem:$0x3F8B] =	sst s6  }
0xf: {  	[smem:$0x3F8C] =	sst s7  }
0x10: {  	[smem:$0x3F8D] =	sst s8  }
0x11: {  	[smem:$0x3F8E] =	sst s9;
	s0 =	simm.s32 @!p0 $0x0  }
0x12: {  	s1 =	sld [smem:$0x3F74];
	s0 =	simm.s32 @p0 $0x1  }
0x13: {  	[smem:$0x3F8F] =	sst s0;
	s0 =	simm.s32 @!p1 $0x0  }
0x14: {  	s2 =	sld [smem:$0x3F73];
	s0 =	simm.s32 @p1 $0x1  }
0x15: {  	[smem:$0x3F90] =	sst s0;
	s0 =	simm.s32 @!p2 $0x0  }
0x16: {  	s3 =	sld [smem:$0x3FDB];
	s0 =	simm.s32 @p2 $0x1  }
0x17: {  	s4 =	simm.s32 $0x1BF5;
	[smem:$0x3F92] =	sst s0  }
0x18: {  	s0 =	sld [smem:$0x3F75];
	_ =	swait.ge [sflag:s4], $0x0  }
0x19: {  	s7 =	sld [smem:$0x3F76]  }
0x1a: {  	s8 =	sadd.s32 $0xFFFFE003, lr  }
0x1b: {  	s9 =	sadd.s32 $0xFFFFFEF7, lr;
	s5 =	simm.s32 $0xFFFFFFFF;
	p2 =	slt.u32 s8, $0xFFFFF086  }
0x1c: {  	p1 =	slt.u32 s9, $0xF7A;
	s5 =	simm.s32 @!p2 $0x0  }
0x1d: {  	s5 =	simm.s32 @p1 $0x1;
	p0 =	seq.s32 s7, s2  }
0x1e: {  	s7 =	smul.u32 @!p0 $0xF7A, s2;
	p2 =	seq.s32 @!p0 s5, $0x0  }
0x1f: {  	s9 =	smul.u32 $0xF7A, s1;
	s8 =	simm.s32 @!p0 $0x1BF5;
	p2 =	por !p2, p0  }
0x20: {  	[sflag:s8] =	ssyncset.s32 @!p0 $0xFFFFF086;
	s6 =	sadd.s32 @!p0 s3, s7;
	s7 =	simm.s32 @!p0 $0x108  }
0x21: {  	s3 =	sadd.s32 s3, s9;
	s6 =	sadd.s32 @!p0 $0x88, s6;
	s7 =	simm.s32 @p2 $0x1082  }
0x22: {  	[simem:s7], [sflag:s8] =	dma.local @!p0 [hbm:s6], $0xF7A  }
0x23: {  	s9 =	sor.u32 $0xD0000000, s2;
	s6 =	simm.s32 $0x108;
	_ =	swait.ge @!p0 [sflag:s8], $0x0  }
0x24: {  	s3 =	sadd.s32 $0x88, s3;
	s6 =	simm.s32 @!p1 $0x1082;
	[sflag:s4] =	ssyncset.s32 $0xFFFFF086  }
0x25: {  	[simem:s6], [sflag:s4] =	dma.local [hbm:s3], $0xF7A  }
0x26: {  	[smem:$0x3F76] =	sst s1;
	(tag) =	ssettag s2;
	_ =	strace s9  }
0x27: {  	s1 =	sld [smem:$0x3F86]  }
0x28: {  	s2 =	sld [smem:$0x3F87]  }
0x29: {  	s4 =	sld [smem:$0x3F89]  }
0x2a: {  	p0 =	seq.s32 s5, $0x0;
	s5 =	sld [smem:$0x3F8A]  }
0x2b: {  	s6 =	sld [smem:$0x3F8B]  }
0x2c: {  	s7 =	sld [smem:$0x3F8C]  }
0x2d: {  	s3 =	simm.s32 $0x108;
	s8 =	sld [smem:$0x3F8D]  }
0x2e: {  	s3 =	simm.s32 @!p0 $0x1082;
	s9 =	sld [smem:$0x3F8E]  }
0x2f: {  	lr =	sadd.s32 s0, s3;
	s0 =	sld [smem:$0x3F85]  }
0x30: {  	s3 =	sld [smem:$0x3F88]  }
0x31: {  	[smem:$0x3F91] =	sst s10  }
0x32: {  	s10 =	sld [smem:$0x3F8F];
	_ =	sdelay $0x3  }
0x33: {  	p0 =	seq.s32 s10, $0x1;
	s10 =	sld [smem:$0x3F91];
	_ =	sdelay $0x3  }
0x34: {  	[smem:$0x3F91] =	sst s10  }
0x35: {  	s10 =	sld [smem:$0x3F90];
	_ =	sdelay $0x3  }
0x36: {  	p1 =	seq.s32 s10, $0x1;
	s10 =	sld [smem:$0x3F91];
	_ =	sdelay $0x3  }
0x37: {  	[smem:$0x3F91] =	sst s10  }
0x38: {  	s10 =	sld [smem:$0x3F92]  }
0x39: {  	_ = 	snop;
	(pc) =	sbr.ind lr, $3  }
0x3a: {  	_ = 	snop  }
0x3b: {  	_ = 	snop  }
0x3c: {  	p2 =	seq.s32 s10, $0x1;
	s10 =	sld [smem:$0x3F91]  }
0x3d: {  	_ =	shalt  }
0x3e: {  	_ =	shalt  }
0x3f: {  	_ =	shalt  }
0x40: {  	_ =	shalt  }
0x41: {  	_ =	shalt  }
0x42: {  	_ =	shalt  }
0x43: {  	_ =	shalt  }
0x44: {  	_ =	shalt  }
0x45: {  	_ =	shalt  }
0x46: {  	_ =	shalt  }
0x47: {  	_ =	shalt  }
0x48: {  	_ =	shalt  }
0x49: {  	_ =	shalt  }
0x4a: {  	_ =	shalt  }
0x4b: {  	_ =	shalt  }
0x4c: {  	_ =	shalt  }
0x4d: {  	_ =	shalt  }
0x4e: {  	_ =	shalt  }
0x4f: {  	_ =	shalt  }
0x50: {  	_ =	shalt  }
0x51: {  	_ =	shalt  }
0x52: {  	_ =	shalt  }
0x53: {  	_ =	shalt  }
0x54: {  	_ =	shalt  }
0x55: {  	_ =	shalt  }
0x56: {  	_ =	shalt  }
0x57: {  	_ =	shalt  }
0x58: {  	_ =	shalt  }
0x59: {  	_ =	shalt  }
0x5a: {  	_ =	shalt  }
0x5b: {  	_ =	shalt  }
0x5c: {  	_ =	shalt  }
0x5d: {  	_ =	shalt  }
0x5e: {  	_ =	shalt  }
0x5f: {  	_ =	shalt  }
0x60: {  	_ =	shalt  }
0x61: {  	_ =	shalt  }
0x62: {  	_ =	shalt  }
0x63: {  	_ =	shalt  }
0x64: {  	_ =	shalt  }
0x65: {  	_ =	shalt  }
0x66: {  	_ =	shalt  }
0x67: {  	_ =	shalt  }
0x68: {  	_ =	shalt  }
0x69: {  	_ =	shalt  }
0x6a: {  	_ =	shalt  }
0x6b: {  	_ =	shalt  }
0x6c: {  	_ =	shalt  }
0x6d: {  	_ =	shalt  }
0x6e: {  	_ =	shalt  }
0x6f: {  	_ =	shalt  }
0x70: {  	_ =	shalt  }
0x71: {  	_ =	shalt  }
0x72: {  	_ =	shalt  }
0x73: {  	_ =	shalt  }
0x74: {  	_ =	shalt  }
0x75: {  	_ =	shalt  }
0x76: {  	_ =	shalt  }
0x77: {  	_ =	shalt  }
0x78: {  	_ =	shalt  }
0x79: {  	_ =	shalt  }
0x7a: {  	_ =	shalt  }
0x7b: {  	_ =	shalt  }
0x7c: {  	_ =	shalt  }
0x7d: {  	_ =	shalt  }
0x7e: {  	_ =	shalt  }
0x7f: {  	_ =	shalt  }
0x80: {  	_ =	shalt  }
0x81: {  	_ =	shalt  }
0x82: {  	_ =	shalt  }
0x83: {  	_ =	shalt  }
0x84: {  	_ =	shalt  }
0x85: {  	_ =	shalt  }
0x86: {  	_ =	shalt  }
0x87: {  	_ =	shalt  }
.Lfunc_end0:
.L_simem_size_0:
called_computation.5_lowered:
.L_overlay_start_0:
0x88: {  	s2 =	sld [smem:$0x3FD9]  }
0x89: {  	s3 =	sld [smem:$0x3FFE];
	_ =	sdelay $0x1  }
0x8a: {  	s1 =	srdreg.scid  }
0x8b: {  	s0 =	sand.u32 $0x1, s1  }
0x8c: {  	s16 =	sshll.u32 s0, $0xA;
	s2 =	sadd.s32 s3, s2  }
0x8d: {  	s2 =	sadd.s32 s2, s16  }
0x8e: {  	[smem:$0x3F9D] =	sst s2  }
0x8f: {  	_ = 	snop  }
0x90: {  	(tm) =	ssettm $0x1  }
0x91: {  	s17 =	sld [smem:$0x3FFB];
	_ =	sdelay $0x3  }
0x92: {  	_ =	strace s17  }
0x93: {  	s2 =	sld [smem:$0x3FFC];
	_ =	sdelay $0x3  }
0x94: {  	_ =	strace s2  }
0x95: {  	s2 =	sld [smem:$0x3FFD];
	_ =	sdelay $0x3  }
0x96: {  	_ =	strace s2  }
0x97: {  	_ =	strace $0x8FFFFFFF  }
0x98: {  	s18 =	sld [smem:$0x3FDB];
	_ =	sdelay $0x1  }
0x99: {  	s19 =	simm.s32 $_scs_section_size  }
0x9a: {  	s4 =	simm.s32 $_size__tile_overlayer_lowered;
	s5 =	simm.s32 $_tile_overlayer_lowered  }
0x9b: {  	s22 =	simm.s32 $0x1BFF;
	s21 =	sshll.u32 s5, $0x1;
	s2 =	sadd.s32 s19, s18  }
0x9c: {  	s6 =	simm.s32 $0x0;
	s20 =	sshll.u32 s4, $0x1;
	s4 =	sadd.s32 s21, s2  }
0x9d: {  	[timem:s6], [sflag:s22] =	dma.local [hbm:s4], s20  }
0x9e: {  	_ =	swait.ge [sflag:s22], s20  }
0x9f: {  	s3 =	ssub.s32 $0x0, s20;
	[sflag:s22] =	ssyncset.done $0x0  }
0xa0: {  	[sflag:s22] =	ssyncadd.s32 s3;
	_ =	sdelay $0x1  }
0xa1: {  	s23 =	simm.s32 $0x1B8B  }
0xa2: {  	_ =	swait.ge [sflag:s23], $0x1  }
0xa3: {  	[sflag:s23] =	ssyncset.done $0x0  }
0xa4: {  	s25 =	simm.s32 $0x1B8E;
	s24 =	sld [smem:$0x3FFE];
	[sflag:s23] =	ssyncadd.s32 $0xFFFFFFFF  }
0xa5: {  	s26 =	simm.s32 $execute0_lowered;
	[smem:$0x3FD2] =	sst s25  }
0xa6: {  	s4 =	sshll.u32 s26, $0x1;
	_ =	strace $0x80000055;
	[dreg:$0x1] =	wrdreg $0xFFFFFFFF  }
0xa7: {  	s28 =	simm.s32 $_size_execute0_lowered;
	s2 =	sadd.s32 s2, s4;
	[dreg:$0x0] =	wrdreg $0x0  }
0xa8: {  	s4 =	sshll.u32 s28, $0x1;
	[dreg:$0x2] =	wrdreg s2  }
0xa9: {  	[dreg:$0x3] =	wrdreg s4  }
0xaa: {  	[dreg:$0x4] =	wrdreg $0xC0  }
0xab: {  	_ =	task [dreg:s6], $0x5FFFF  }
0xac: {  	[dreg:$0x1] =	wrdreg $0xFFFFFFFF  }
0xad: {  	[dreg:$0x0] =	wrdreg $0x60  }
0xae: {  	[dreg:$0x2] =	wrdreg s24  }
0xaf: {  	[dreg:$0x3] =	wrdreg $0x9  }
0xb0: {  	_ =	task.clear_ibuf [dreg:s6], $0x4FFFF;
	_ =	strace $0x90000055  }
0xb1: {  	s29 =	simm.s32 $0x9;
	_ =	strace $0x80000057  }
0xb2: {  	_ =	swait.ge [sflag:s29], $0x1  }
0xb3: {  	[sflag:s29] =	ssyncadd.s32 $0xFFFFFFFF  }
0xb4: {  	_ =	strace $0x90000057  }
0xb5: {  	_ =	sfence  }
0xb6: {  	s30 =	sld [smem:$0x0];
	_ =	sdelay $0x2  }
0xb7: {  	s31 =	sshll.u32 s1, $0xD;
	s1 =	sshrl.u32 s1, $0x2  }
0xb8: {  	s3 =	sand.u32 $0x4000, s31;
	s1 =	sadd.s32 s1, s30  }
0xb9: {  	s0 =	sor.u32 s3, s0;
	s1 =	sshll.u32 s1, $0x11  }
0xba: {  	s0 =	sor.u32 s1, s0  }
0xbb: {  	s0 =	sadd.s32 $0x8F2B, s0  }
0xbc: {  	[sflag:s0] =	ssyncadd.remote.s32 $0x1  }
0xbd: {  	_ =	sfence.sel $0xFFFF  }
0xbe: {  	[dreg:$0x0] =	wrdreg $0xFFFFFFFF;
	(pc) =	sbr.abs _section_cstart, $3  }
0xbf: {  	[dreg:$0x1] =	wrdreg $0xFFFFFFFF  }
0xc0: {  	_ =	task.clear_ibuf [dreg:s6], $0x2FFFF;
	_ =	strace $0x9FFFFFFF  }
0xc1: {  	(tm) =	ssettm $0x7FFFFFFF  }
tec
execute0_lowered:
.L_overlay_start_1:
0x0: {  	(tag) =	ssettag $0x1  }
0x1: {  	s0 =	rddreg [dreg:$0x0];
	s1 =	simm.s32 $0x0  }
0x2: {  	s2 =	srdreg.scid;
	s8 =	stileid.u32;
	s10 =	simm.s32 $0x4  }
0x3: {  	s12 =	simm.s32 $0x100;
	s29 =	simm.s32 $0x8100;
	s30 =	simm.s32 $0x8900  }
0x4: {  	s31 =	simm.s32 $0x9100;
	s9 =	simm.s32 $0xC100;
	s11 =	simm.s32 $0xC900  }
0x5: {  	s13 =	simm.s32 $0xD100;
	s14 =	simm.s32 $0xD900;
	s15 =	simm.s32 $0xE100  }
0x6: {  	s16 =	simm.s32 $0xE900;
	s17 =	simm.s32 $0xF100;
	s18 =	simm.s32 $0xF900  }
0x7: {  	s19 =	simm.s32 $0x1;
	s20 =	simm.s32 $0x2;
	s21 =	simm.s32 $0x3  }
0x8: {  	s23 =	simm.s32 $0x0;
	s28 =	simm.s32 $0x80;
	[smem:$0x7FF] =	sst s1  }
0x9: {  	s2 =	sand.u32 $0x1, s2;
	s3 =	sadd.s32 $0x49400, s0;
	s5 =	sshll.u32 s8, $0x5  }
0xa: {  	s6 =	sshll.u32 s8, $0xD;
	s24 =	sshll.u32 s8, $0x1;
	s8 =	simm.s32 $0xB900  }
0xb: {  	_ =	strace $0x80000056;
	s4 =	ssub.s32 $0x2, s2;
	s5 =	sadd.s32 s5, s0  }
0xc: {  	s0 =	sadd.s32 s6, s0;
	[dreg:$0x2] =	wrdreg s24;
	s25 =	sshll.u32 s2, $0x4  }
0xd: {  	s2 =	sshll.u32 s2, $0xC;
	s7 =	sshrl.u32 s4, $0x1;
	s26 =	sadd.s32 s25, s5  }
.Ltmp0:
0xe: {  	s0 =	sadd.s32 s2, s0;
	s5 =	simm.s32 $0xB100;
	(pc) =	sbr.rel .LBB2_1-.Ltmp0, $4  }
0xf: {  	s4 =	ssub.s32 s4, s7;
	s6 =	sadd.s32 $0x18400, s26;
	s2 =	sadd.s32 $0x1976A00, s0  }
0x10: {  	v2 =	vlaneseq.u32;
	s7 =	sadd.s32 $0xE600, s26;
	s0 =	sadd.s32 $0x10FC00, s0;
	[dreg:$0x4] =	wrdreg s2  }
0x11: {  	vm0 =	vmmov $0xffff;
	v1 =	vshrl.u32 v2, $0x3;
	s4 =	smax.u32 s4, $0x1;
	[dreg:$0x5] =	wrdreg s0;
	s0 =	simm.s32 $0x9900  }
0x12: {  	v0 =	vand.u32 $0x7, v2;
	v2 =	vor.u32 $0x8, v2;
	v1 =	vmul.u32 $0x8, v1;
	s2 =	simm.s32 $0xA100;
	[dreg:$0x3] =	wrdreg s4;
	s4 =	simm.s32 $0xA900  }
.LBB2_5:
0x13: {  	s23 =	rddreg [dreg:$0x6]  }
0x14: {  	s22 =	rddreg [dreg:$0x3];
	s23 =	sadd.s32 $0x1, s23  }
0x15: {  	p0 =	sne.s32 s23, s22  }
.Ltmp1:
0x16: {  	_ = 	snop;
	(pc) =	sbr.rel @!p0 .LBB2_6-.Ltmp1, $1  }
0x17: {  	_ =	sdelay $0x3  }
.LBB2_1:
.Ltmp2:
0x18: {  	(pc) =	sbr.rel .LBB2_2-.Ltmp2, $4  }
0x19: {  	[dreg:$0x6] =	wrdreg s23  }
0x1a: {  	s22 =	rddreg [dreg:$0x2]  }
0x1b: {  	s23 =	rddreg [dreg:$0x5]  }
0x1c: {  	s24 =	rddreg [dreg:$0x4];
	s25 =	simm.s32 $0x0  }
.LBB2_4:
0x1d: {  	s25 =	sadd.s32 $0x200, s25  }
0x1e: {  	p0 =	sne.s32 s25, $0x9E00  }
.Ltmp3:
0x1f: {  	_ = 	snop;
	(pc) =	sbr.rel @!p0 .LBB2_5-.Ltmp3, $2  }
0x20: {  	_ =	sdelay $0x2  }
0x21: {  	s24 =	sadd.s32 $0x20000, s24;
	s23 =	sadd.s32 $0x20000, s23;
	s22 =	sadd.s32 $0x20, s22  }
.LBB2_2:
0x22: {  	p0 =	sgt.u32 s22, $0x9C3  }
.Ltmp4:
0x23: {  	_ = 	snop;
	(pc) =	sbr.rel @p0 .LBB2_4-.Ltmp4, $1  }
0x24: {  	_ =	sdelay $0x3  }
0x25: {  	s26 =	sadd.s32 s25, s7  }
0x26: {  	[tilespmem:s1], [sflag:$0x4] =	stream.linear.gather [hbm4b:s26+s1], $0x80, $0x38;
	[tilespmem:$0x10100] =	vst v63  }
0x27: {  	_ =	swait.ge [sflag:s10], $0x80  }
0x28: {  	[sflag:s10] =	ssyncset.done $0x0  }
0x29: {  	s26 =	sadd.s32 s25, s6;
	[sflag:s10] =	ssyncadd.s32 $0xFFFFFF80  }
0x2a: {  	[tilespmem:s28], [sflag:$0x4] =	stream.linear.gather [hbm4b:s26+s1], $0x80, $0x38;
	[tilespmem:$0x10100] =	vst v63  }
0x2b: {  	_ =	swait.ge [sflag:s10], $0x80  }
0x2c: {  	[sflag:s10] =	ssyncset.done $0x0  }
0x2d: {  	[sflag:s10] =	ssyncadd.s32 $0xFFFFFF80  }
0x2e: {  	v3 =	vld [tilespmem:$0x0];
	_ =	sdelay $0x4  }
0x2f: {  	v4 =	vshll.u32 v3, $0x1  }
0x30: {  	v3 =	vand.u32 $0x7, v3;
	v4 =	vand.u32 $0xFFFFFFF0, v4  }
0x31: {  	v3 =	vor.u32 v3, v4  }
0x32: {  	v4 =	vperm.xlane v3, v0;
	_ =	sdelay $0x1  }
0x33: {  	v3 =	vperm.xlane v3, v2;
	v4 =	vadd.s32 v1, v4;
	_ =	sdelay $0x1  }
0x34: {  	v3 =	vadd.s32 v1, v3;
	_ =	sdelay $0x2  }
0x35: {  	[tilespmem:s12], [sflag:$0x1] =	stream.indirect_vreg.gather [hbm4b:s3+s1], $0x80, v4, vm0, $0xb8;
	[tilespmem:$0x10100] =	vst v63  }
0x36: {  	s26 =	simm.s32 $0x900  }
0x37: {  	[tilespmem:s26], [sflag:$0x1] =	stream.indirect_vreg.gather [hbm4b:s3+s1], $0x80, v3, vm0, $0xb8;
	[tilespmem:$0x10100] =	vst v63  }
0x38: {  	v3 =	vld [tilespmem:$0x10];
	_ =	sdelay $0x4  }
0x39: {  	v49 =	vshll.u32 v3, $0x1  }
0x3a: {  	v3 =	vand.u32 $0x7, v3;
	v4 =	vand.u32 $0xFFFFFFF0, v49  }
0x3b: {  	v3 =	vor.u32 v3, v4  }
0x3c: {  	v4 =	vperm.xlane v3, v0;
	_ =	sdelay $0x1  }
0x3d: {  	v3 =	vperm.xlane v3, v2;
	v4 =	vadd.s32 v1, v4;
	_ =	sdelay $0x1  }
0x3e: {  	v3 =	vadd.s32 v1, v3;
	_ =	sdelay $0x1  }
0x3f: {  	s26 =	simm.s32 $0x1100  }
0x40: {  	[tilespmem:s26], [sflag:$0x1] =	stream.indirect_vreg.gather [hbm4b:s3+s1], $0x80, v4, vm0, $0xb8;
	[tilespmem:$0x10100] =	vst v63  }
0x41: {  	s26 =	simm.s32 $0x1900  }
0x42: {  	[tilespmem:s26], [sflag:$0x1] =	stream.indirect_vreg.gather [hbm4b:s3+s1], $0x80, v3, vm0, $0xb8;
	[tilespmem:$0x10100] =	vst v63  }
0x43: {  	v3 =	vld [tilespmem:$0x20];
	_ =	sdelay $0x4  }
0x44: {  	v50 =	vshll.u32 v3, $0x1  }
0x45: {  	v3 =	vand.u32 $0x7, v3;
	v4 =	vand.u32 $0xFFFFFFF0, v50  }
0x46: {  	v3 =	vor.u32 v3, v4  }
0x47: {  	v4 =	vperm.xlane v3, v0;
	_ =	sdelay $0x1  }
0x48: {  	v3 =	vperm.xlane v3, v2;
	v4 =	vadd.s32 v1, v4;
	_ =	sdelay $0x1  }
0x49: {  	v3 =	vadd.s32 v1, v3;
	_ =	sdelay $0x1  }
0x4a: {  	s26 =	simm.s32 $0x2100  }
0x4b: {  	[tilespmem:s26], [sflag:$0x1] =	stream.indirect_vreg.gather [hbm4b:s3+s1], $0x80, v4, vm0, $0xb8;
	[tilespmem:$0x10100] =	vst v63  }
0x4c: {  	s26 =	simm.s32 $0x2900  }
0x4d: {  	[tilespmem:s26], [sflag:$0x1] =	stream.indirect_vreg.gather [hbm4b:s3+s1], $0x80, v3, vm0, $0xb8;
	[tilespmem:$0x10100] =	vst v63  }
0x4e: {  	v3 =	vld [tilespmem:$0x30];
	_ =	sdelay $0x4  }
0x4f: {  	v51 =	vshll.u32 v3, $0x1  }
0x50: {  	v3 =	vand.u32 $0x7, v3;
	v4 =	vand.u32 $0xFFFFFFF0, v51  }
0x51: {  	v3 =	vor.u32 v3, v4  }
0x52: {  	v4 =	vperm.xlane v3, v0;
	_ =	sdelay $0x1  }
0x53: {  	v3 =	vperm.xlane v3, v2;
	v4 =	vadd.s32 v1, v4;
	_ =	sdelay $0x1  }
0x54: {  	v3 =	vadd.s32 v1, v3;
	_ =	sdelay $0x1  }
0x55: {  	s26 =	simm.s32 $0x3100  }
0x56: {  	[tilespmem:s26], [sflag:$0x1] =	stream.indirect_vreg.gather [hbm4b:s3+s1], $0x80, v4, vm0, $0xb8;
	[tilespmem:$0x10100] =	vst v63  }
0x57: {  	s26 =	simm.s32 $0x3900  }
0x58: {  	[tilespmem:s26], [sflag:$0x1] =	stream.indirect_vreg.gather [hbm4b:s3+s1], $0x80, v3, vm0, $0xb8;
	[tilespmem:$0x10100] =	vst v63  }
0x59: {  	v3 =	vld [tilespmem:$0x40];
	_ =	sdelay $0x4  }
0x5a: {  	v52 =	vshll.u32 v3, $0x1  }
0x5b: {  	v3 =	vand.u32 $0x7, v3;
	v4 =	vand.u32 $0xFFFFFFF0, v52  }
0x5c: {  	v3 =	vor.u32 v3, v4  }
0x5d: {  	v4 =	vperm.xlane v3, v0;
	_ =	sdelay $0x1  }
0x5e: {  	v3 =	vperm.xlane v3, v2;
	v4 =	vadd.s32 v1, v4;
	_ =	sdelay $0x1  }
0x5f: {  	v3 =	vadd.s32 v1, v3;
	_ =	sdelay $0x1  }
0x60: {  	s26 =	simm.s32 $0x4100  }
0x61: {  	[tilespmem:s26], [sflag:$0x1] =	stream.indirect_vreg.gather [hbm4b:s3+s1], $0x80, v4, vm0, $0xb8;
	[tilespmem:$0x10100] =	vst v63  }
0x62: {  	s26 =	simm.s32 $0x4900  }
0x63: {  	[tilespmem:s26], [sflag:$0x1] =	stream.indirect_vreg.gather [hbm4b:s3+s1], $0x80, v3, vm0, $0xb8;
	[tilespmem:$0x10100] =	vst v63  }
0x64: {  	v3 =	vld [tilespmem:$0x50];
	_ =	sdelay $0x4  }
0x65: {  	v53 =	vshll.u32 v3, $0x1  }
0x66: {  	v3 =	vand.u32 $0x7, v3;
	v4 =	vand.u32 $0xFFFFFFF0, v53  }
0x67: {  	v3 =	vor.u32 v3, v4  }
0x68: {  	v4 =	vperm.xlane v3, v0;
	_ =	sdelay $0x1  }
0x69: {  	v3 =	vperm.xlane v3, v2;
	v4 =	vadd.s32 v1, v4;
	_ =	sdelay $0x1  }
0x6a: {  	v3 =	vadd.s32 v1, v3;
	_ =	sdelay $0x1  }
0x6b: {  	s26 =	simm.s32 $0x5100  }
0x6c: {  	[tilespmem:s26], [sflag:$0x1] =	stream.indirect_vreg.gather [hbm4b:s3+s1], $0x80, v4, vm0, $0xb8;
	[tilespmem:$0x10100] =	vst v63  }
0x6d: {  	s26 =	simm.s32 $0x5900  }
0x6e: {  	[tilespmem:s26], [sflag:$0x1] =	stream.indirect_vreg.gather [hbm4b:s3+s1], $0x80, v3, vm0, $0xb8;
	[tilespmem:$0x10100] =	vst v63  }
0x6f: {  	v3 =	vld [tilespmem:$0x60];
	_ =	sdelay $0x4  }
0x70: {  	v54 =	vshll.u32 v3, $0x1  }
0x71: {  	v3 =	vand.u32 $0x7, v3;
	v4 =	vand.u32 $0xFFFFFFF0, v54  }
0x72: {  	v3 =	vor.u32 v3, v4  }
0x73: {  	v4 =	vperm.xlane v3, v0;
	_ =	sdelay $0x1  }
0x74: {  	v3 =	vperm.xlane v3, v2;
	v4 =	vadd.s32 v1, v4;
	_ =	sdelay $0x1  }
0x75: {  	v3 =	vadd.s32 v1, v3;
	_ =	sdelay $0x1  }
0x76: {  	s26 =	simm.s32 $0x6100  }
0x77: {  	[tilespmem:s26], [sflag:$0x1] =	stream.indirect_vreg.gather [hbm4b:s3+s1], $0x80, v4, vm0, $0xb8;
	[tilespmem:$0x10100] =	vst v63  }
0x78: {  	s26 =	simm.s32 $0x6900  }
0x79: {  	[tilespmem:s26], [sflag:$0x1] =	stream.indirect_vreg.gather [hbm4b:s3+s1], $0x80, v3, vm0, $0xb8;
	[tilespmem:$0x10100] =	vst v63  }
0x7a: {  	v3 =	vld [tilespmem:$0x70];
	_ =	sdelay $0x4  }
0x7b: {  	v55 =	vshll.u32 v3, $0x1  }
0x7c: {  	v3 =	vand.u32 $0x7, v3;
	v4 =	vand.u32 $0xFFFFFFF0, v55  }
0x7d: {  	v3 =	vor.u32 v3, v4  }
0x7e: {  	v4 =	vperm.xlane v3, v0;
	_ =	sdelay $0x1  }
0x7f: {  	v3 =	vperm.xlane v3, v2;
	v4 =	vadd.s32 v1, v4;
	_ =	sdelay $0x1  }
0x80: {  	v3 =	vadd.s32 v1, v3;
	_ =	sdelay $0x1  }
0x81: {  	s26 =	simm.s32 $0x7100  }
0x82: {  	[tilespmem:s26], [sflag:$0x1] =	stream.indirect_vreg.gather [hbm4b:s3+s1], $0x80, v4, vm0, $0xb8;
	[tilespmem:$0x10100] =	vst v63  }
0x83: {  	s26 =	simm.s32 $0x7900  }
0x84: {  	[tilespmem:s26], [sflag:$0x1] =	stream.indirect_vreg.gather [hbm4b:s3+s1], $0x80, v3, vm0, $0xb8;
	[tilespmem:$0x10100] =	vst v63  }
0x85: {  	v3 =	vld [tilespmem:$0x80];
	_ =	sdelay $0x4  }
0x86: {  	v56 =	vshll.u32 v3, $0x1  }
0x87: {  	v3 =	vand.u32 $0x7, v3;
	v4 =	vand.u32 $0xFFFFFFF0, v56  }
0x88: {  	v3 =	vor.u32 v3, v4  }
0x89: {  	v4 =	vperm.xlane v3, v0;
	_ =	sdelay $0x1  }
0x8a: {  	v3 =	vperm.xlane v3, v2;
	v4 =	vadd.s32 v1, v4;
	_ =	sdelay $0x1  }
0x8b: {  	v3 =	vadd.s32 v1, v3;
	_ =	sdelay $0x2  }
0x8c: {  	[tilespmem:s29], [sflag:$0x2] =	stream.indirect_vreg.gather [hbm4b:s3+s1], $0x80, v4, vm0, $0xb8;
	[tilespmem:$0x10100] =	vst v63  }
0x8d: {  	_ = 	snop  }
0x8e: {  	[tilespmem:s30], [sflag:$0x2] =	stream.indirect_vreg.gather [hbm4b:s3+s1], $0x80, v3, vm0, $0xb8;
	[tilespmem:$0x10100] =	vst v63  }
0x8f: {  	v3 =	vld [tilespmem:$0x90];
	_ =	sdelay $0x4  }
0x90: {  	v57 =	vshll.u32 v3, $0x1  }
0x91: {  	v3 =	vand.u32 $0x7, v3;
	v4 =	vand.u32 $0xFFFFFFF0, v57  }
0x92: {  	v3 =	vor.u32 v3, v4  }
0x93: {  	v4 =	vperm.xlane v3, v0;
	_ =	sdelay $0x1  }
0x94: {  	v3 =	vperm.xlane v3, v2;
	v4 =	vadd.s32 v1, v4;
	_ =	sdelay $0x1  }
0x95: {  	v3 =	vadd.s32 v1, v3;
	_ =	sdelay $0x2  }
0x96: {  	[tilespmem:s31], [sflag:$0x2] =	stream.indirect_vreg.gather [hbm4b:s3+s1], $0x80, v4, vm0, $0xb8;
	[tilespmem:$0x10100] =	vst v63  }
0x97: {  	_ = 	snop  }
0x98: {  	[tilespmem:s0], [sflag:$0x2] =	stream.indirect_vreg.gather [hbm4b:s3+s1], $0x80, v3, vm0, $0xb8;
	[tilespmem:$0x10100] =	vst v63  }
0x99: {  	v3 =	vld [tilespmem:$0xA0];
	_ =	sdelay $0x4  }
0x9a: {  	v58 =	vshll.u32 v3, $0x1  }
0x9b: {  	v3 =	vand.u32 $0x7, v3;
	v4 =	vand.u32 $0xFFFFFFF0, v58  }
0x9c: {  	v3 =	vor.u32 v3, v4  }
0x9d: {  	v4 =	vperm.xlane v3, v0;
	_ =	sdelay $0x1  }
0x9e: {  	v3 =	vperm.xlane v3, v2;
	v4 =	vadd.s32 v1, v4;
	_ =	sdelay $0x1  }
0x9f: {  	v3 =	vadd.s32 v1, v3;
	_ =	sdelay $0x2  }
0xa0: {  	[tilespmem:s2], [sflag:$0x2] =	stream.indirect_vreg.gather [hbm4b:s3+s1], $0x80, v4, vm0, $0xb8;
	[tilespmem:$0x10100] =	vst v63  }
0xa1: {  	_ = 	snop  }
0xa2: {  	[tilespmem:s4], [sflag:$0x2] =	stream.indirect_vreg.gather [hbm4b:s3+s1], $0x80, v3, vm0, $0xb8;
	[tilespmem:$0x10100] =	vst v63  }
0xa3: {  	v3 =	vld [tilespmem:$0xB0];
	_ =	sdelay $0x4  }
0xa4: {  	v59 =	vshll.u32 v3, $0x1  }
0xa5: {  	v3 =	vand.u32 $0x7, v3;
	v4 =	vand.u32 $0xFFFFFFF0, v59  }
0xa6: {  	v3 =	vor.u32 v3, v4  }
0xa7: {  	v4 =	vperm.xlane v3, v0;
	_ =	sdelay $0x1  }
0xa8: {  	v3 =	vperm.xlane v3, v2;
	v4 =	vadd.s32 v1, v4;
	_ =	sdelay $0x1  }
0xa9: {  	v3 =	vadd.s32 v1, v3;
	_ =	sdelay $0x2  }
0xaa: {  	[tilespmem:s5], [sflag:$0x2] =	stream.indirect_vreg.gather [hbm4b:s3+s1], $0x80, v4, vm0, $0xb8;
	[tilespmem:$0x10100] =	vst v63  }
0xab: {  	_ = 	snop  }
0xac: {  	[tilespmem:s8], [sflag:$0x2] =	stream.indirect_vreg.gather [hbm4b:s3+s1], $0x80, v3, vm0, $0xb8;
	[tilespmem:$0x10100] =	vst v63  }
0xad: {  	v3 =	vld [tilespmem:$0xC0];
	_ =	sdelay $0x4  }
0xae: {  	v60 =	vshll.u32 v3, $0x1  }
0xaf: {  	v3 =	vand.u32 $0x7, v3;
	v4 =	vand.u32 $0xFFFFFFF0, v60  }
0xb0: {  	v3 =	vor.u32 v3, v4  }
0xb1: {  	v4 =	vperm.xlane v3, v0;
	_ =	sdelay $0x1  }
0xb2: {  	v3 =	vperm.xlane v3, v2;
	v4 =	vadd.s32 v1, v4;
	_ =	sdelay $0x1  }
0xb3: {  	v3 =	vadd.s32 v1, v3;
	_ =	sdelay $0x2  }
0xb4: {  	[tilespmem:s9], [sflag:$0x2] =	stream.indirect_vreg.gather [hbm4b:s3+s1], $0x80, v4, vm0, $0xb8;
	[tilespmem:$0x10100] =	vst v63  }
0xb5: {  	_ = 	snop  }
0xb6: {  	[tilespmem:s11], [sflag:$0x2] =	stream.indirect_vreg.gather [hbm4b:s3+s1], $0x80, v3, vm0, $0xb8;
	[tilespmem:$0x10100] =	vst v63  }
0xb7: {  	v3 =	vld [tilespmem:$0xD0];
	_ =	sdelay $0x4  }
0xb8: {  	v61 =	vshll.u32 v3, $0x1  }
0xb9: {  	v3 =	vand.u32 $0x7, v3;
	v4 =	vand.u32 $0xFFFFFFF0, v61  }
0xba: {  	v3 =	vor.u32 v3, v4  }
0xbb: {  	v4 =	vperm.xlane v3, v0;
	_ =	sdelay $0x1  }
0xbc: {  	v3 =	vperm.xlane v3, v2;
	v4 =	vadd.s32 v1, v4;
	_ =	sdelay $0x1  }
0xbd: {  	v3 =	vadd.s32 v1, v3;
	_ =	sdelay $0x2  }
0xbe: {  	[tilespmem:s13], [sflag:$0x2] =	stream.indirect_vreg.gather [hbm4b:s3+s1], $0x80, v4, vm0, $0xb8;
	[tilespmem:$0x10100] =	vst v63  }
0xbf: {  	_ = 	snop  }
0xc0: {  	[tilespmem:s14], [sflag:$0x2] =	stream.indirect_vreg.gather [hbm4b:s3+s1], $0x80, v3, vm0, $0xb8;
	[tilespmem:$0x10100] =	vst v63  }
0xc1: {  	v3 =	vld [tilespmem:$0xE0];
	_ =	sdelay $0x4  }
0xc2: {  	v62 =	vshll.u32 v3, $0x1  }
0xc3: {  	v3 =	vand.u32 $0x7, v3;
	v4 =	vand.u32 $0xFFFFFFF0, v62  }
0xc4: {  	v3 =	vor.u32 v3, v4  }
0xc5: {  	v4 =	vperm.xlane v3, v0;
	_ =	sdelay $0x1  }
0xc6: {  	v3 =	vperm.xlane v3, v2;
	v4 =	vadd.s32 v1, v4;
	_ =	sdelay $0x1  }
0xc7: {  	v3 =	vadd.s32 v1, v3;
	_ =	sdelay $0x2  }
0xc8: {  	[tilespmem:s15], [sflag:$0x2] =	stream.indirect_vreg.gather [hbm4b:s3+s1], $0x80, v4, vm0, $0xb8;
	[tilespmem:$0x10100] =	vst v63  }
0xc9: {  	_ = 	snop  }
0xca: {  	[tilespmem:s16], [sflag:$0x2] =	stream.indirect_vreg.gather [hbm4b:s3+s1], $0x80, v3, vm0, $0xb8;
	[tilespmem:$0x10100] =	vst v63  }
0xcb: {  	v3 =	vld [tilespmem:$0xF0];
	_ =	sdelay $0x4  }
0xcc: {  	v63 =	vshll.u32 v3, $0x1  }
0xcd: {  	v3 =	vand.u32 $0x7, v3;
	v4 =	vand.u32 $0xFFFFFFF0, v63  }
0xce: {  	v3 =	vor.u32 v3, v4  }
0xcf: {  	v4 =	vperm.xlane v3, v0;
	_ =	sdelay $0x1  }
0xd0: {  	v3 =	vperm.xlane v3, v2;
	v4 =	vadd.s32 v1, v4;
	_ =	sdelay $0x1  }
0xd1: {  	v3 =	vadd.s32 v1, v3;
	_ =	sdelay $0x2  }
0xd2: {  	[tilespmem:s17], [sflag:$0x2] =	stream.indirect_vreg.gather [hbm4b:s3+s1], $0x80, v4, vm0, $0xb8;
	[tilespmem:$0x10100] =	vst v63  }
0xd3: {  	_ = 	snop  }
0xd4: {  	[tilespmem:s18], [sflag:$0x2] =	stream.indirect_vreg.gather [hbm4b:s3+s1], $0x80, v3, vm0, $0xb8;
	[tilespmem:$0x10100] =	vst v63  }
0xd5: {  	_ =	swait.ge [sflag:s19], $0x8000  }
0xd6: {  	[sflag:s19] =	ssyncset.done $0x0  }
0xd7: {  	[sflag:s19] =	ssyncadd.s32 $0xFFFF8000  }
0xd8: {  	_ =	swait.ge [sflag:s20], $0x8000  }
0xd9: {  	[sflag:s20] =	ssyncset.done $0x0  }
0xda: {  	[sflag:s20] =	ssyncadd.s32 $0xFFFF8000  }
0xdb: {  	[hbm4b:s23+s1] =	stream.linear.scatter [tilespmem:s12], [sflag:$0x4], $0x8000, $0x38;
	[tilespmem:$0x10100] =	vst v63  }
0xdc: {  	_ =	swait.ge [sflag:s10], $0x8000  }
0xdd: {  	[sflag:s10] =	ssyncset.done $0x0  }
.Ltmp5:
0xde: {  	[sflag:s10] =	ssyncadd.s32 $0xFFFF8000;
	(pc) =	sbr.rel .LBB2_4-.Ltmp5, $4  }
0xdf: {  	[hbm4b:s24+s1] =	stream.linear.scatter [tilespmem:s29], [sflag:$0x3], $0x8000, $0x38;
	[tilespmem:$0x10100] =	vst v63  }
0xe0: {  	_ =	swait.ge [sflag:s21], $0x8000  }
0xe1: {  	[sflag:s21] =	ssyncset.done $0x0  }
0xe2: {  	[sflag:s21] =	ssyncadd.s32 $0xFFFF8000  }
.LBB2_6:
0xe3: {  	_ =	sfence.sel $0x180000  }
0xe4: {  	[bflag:$0x0] =	sbarrier.arrive $0xFFFF  }
0xe5: {  	_ =	strace $0x90000056  }
0xe6: {  	s0 =	stileid.u32;
	[bflag:$0x2] =	sbarrier.arrive $0xFFFF  }
0xe7: {  	p0 =	sne.s32 s0, $0x0;
	s0 =	rddreg [dreg:$0x1]  }
0xe8: {  	s0 =	sadd.s32 @!p0 $0x100000, s0  }
0xe9: {  	[sflag:s0] =	ssyncadd.tile.s32 @!p0 $0x1;
	_ =	shalt  }
.Lfunc_end2:
_tile_overlayer_lowered:
.L_overlay_start_2:
0xea: {  	(tag) =	ssettag $0x2  }
0xeb: {  	s0 =	rddreg [dreg:$0x0];
	s2 =	stileid.u32  }
0xec: {  	s1 =	rddreg [dreg:$0x1];
	p0 =	sne.s32 s2, $0x0  }
0xed: {  	s3 =	rddreg [dreg:$0x2];
	[bflag:$0x3] =	sbarrier.arrive $0xFFFF;
	s2 =	simm.s32 @!p0 $0x1C03  }
0xee: {  	[timem:s3], [sflag:s2] =	dma.local @!p0 [hbm:s0], s1  }
0xef: {  	s0 =	simm.s32 @!p0 $0x3  }
0xf0: {  	_ =	swait.ge @!p0 [sflag:s0], s1  }
0xf1: {  	s1 =	ssub.s32 @!p0 $0x0, s1;
	[sflag:s0] =	ssyncset.done @!p0 $0x0  }
0xf2: {  	[sflag:s0] =	ssyncadd.s32 @!p0 s1  }
0xf3: {  	[bflag:$0x3] =	sbarrier.arrive $0xFFFF  }
0xf4: {  	_ =	shalt  }

// kernel: kernel.40.cloned.1.call-start
scs
__scs_entry_jumppad:
0x0: {  	(pc) =	sbr.rel $0x88, $3  }
0x1: {  	(tag) =	ssettag $0x0;
	lr =	simm.s32 $0x1  }
0x2: {  	[smem:$0x3F76] =	sst lr;
	_ =	strace $0xD0000000  }
0x3: {  	_ = 	snop  }
0x4: {  	_ = 	snop  }
0x5: {  	_ = 	snop  }
0x6: {  	_ = 	snop  }
0x7: {  	_ = 	snop  }
__scs_overlays_trampoline_lowered:
0x8: {  	[smem:$0x3F85] =	sst s0  }
0x9: {  	[smem:$0x3F86] =	sst s1  }
0xa: {  	[smem:$0x3F87] =	sst s2  }
0xb: {  	[smem:$0x3F88] =	sst s3  }
0xc: {  	[smem:$0x3F89] =	sst s4  }
0xd: {  	[smem:$0x3F8A] =	sst s5  }
0xe: {  	[smem:$0x3F8B] =	sst s6  }
0xf: {  	[smem:$0x3F8C] =	sst s7  }
0x10: {  	[smem:$0x3F8D] =	sst s8  }
0x11: {  	[smem:$0x3F8E] =	sst s9;
	s0 =	simm.s32 @!p0 $0x0  }
0x12: {  	s1 =	sld [smem:$0x3F74];
	s0 =	simm.s32 @p0 $0x1  }
0x13: {  	[smem:$0x3F8F] =	sst s0;
	s0 =	simm.s32 @!p1 $0x0  }
0x14: {  	s2 =	sld [smem:$0x3F73];
	s0 =	simm.s32 @p1 $0x1  }
0x15: {  	[smem:$0x3F90] =	sst s0;
	s0 =	simm.s32 @!p2 $0x0  }
0x16: {  	s3 =	sld [smem:$0x3FDB];
	s0 =	simm.s32 @p2 $0x1  }
0x17: {  	s4 =	simm.s32 $0x1BF5;
	[smem:$0x3F92] =	sst s0  }
0x18: {  	s0 =	sld [smem:$0x3F75];
	_ =	swait.ge [sflag:s4], $0x0  }
0x19: {  	s7 =	sld [smem:$0x3F76]  }
0x1a: {  	s8 =	sadd.s32 $0xFFFFE003, lr  }
0x1b: {  	s9 =	sadd.s32 $0xFFFFFEF7, lr;
	s5 =	simm.s32 $0xFFFFFFFF;
	p2 =	slt.u32 s8, $0xFFFFF086  }
0x1c: {  	p1 =	slt.u32 s9, $0xF7A;
	s5 =	simm.s32 @!p2 $0x0  }
0x1d: {  	s5 =	simm.s32 @p1 $0x1;
	p0 =	seq.s32 s7, s2  }
0x1e: {  	s7 =	smul.u32 @!p0 $0xF7A, s2;
	p2 =	seq.s32 @!p0 s5, $0x0  }
0x1f: {  	s9 =	smul.u32 $0xF7A, s1;
	s8 =	simm.s32 @!p0 $0x1BF5;
	p2 =	por !p2, p0  }
0x20: {  	[sflag:s8] =	ssyncset.s32 @!p0 $0xFFFFF086;
	s6 =	sadd.s32 @!p0 s3, s7;
	s7 =	simm.s32 @!p0 $0x108  }
0x21: {  	s3 =	sadd.s32 s3, s9;
	s6 =	sadd.s32 @!p0 $0x88, s6;
	s7 =	simm.s32 @p2 $0x1082  }
0x22: {  	[simem:s7], [sflag:s8] =	dma.local @!p0 [hbm:s6], $0xF7A  }
0x23: {  	s9 =	sor.u32 $0xD0000000, s2;
	s6 =	simm.s32 $0x108;
	_ =	swait.ge @!p0 [sflag:s8], $0x0  }
0x24: {  	s3 =	sadd.s32 $0x88, s3;
	s6 =	simm.s32 @!p1 $0x1082;
	[sflag:s4] =	ssyncset.s32 $0xFFFFF086  }
0x25: {  	[simem:s6], [sflag:s4] =	dma.local [hbm:s3], $0xF7A  }
0x26: {  	[smem:$0x3F76] =	sst s1;
	(tag) =	ssettag s2;
	_ =	strace s9  }
0x27: {  	s1 =	sld [smem:$0x3F86]  }
0x28: {  	s2 =	sld [smem:$0x3F87]  }
0x29: {  	s4 =	sld [smem:$0x3F89]  }
0x2a: {  	p0 =	seq.s32 s5, $0x0;
	s5 =	sld [smem:$0x3F8A]  }
0x2b: {  	s6 =	sld [smem:$0x3F8B]  }
0x2c: {  	s7 =	sld [smem:$0x3F8C]  }
0x2d: {  	s3 =	simm.s32 $0x108;
	s8 =	sld [smem:$0x3F8D]  }
0x2e: {  	s3 =	simm.s32 @!p0 $0x1082;
	s9 =	sld [smem:$0x3F8E]  }
0x2f: {  	lr =	sadd.s32 s0, s3;
	s0 =	sld [smem:$0x3F85]  }
0x30: {  	s3 =	sld [smem:$0x3F88]  }
0x31: {  	[smem:$0x3F91] =	sst s10  }
0x32: {  	s10 =	sld [smem:$0x3F8F];
	_ =	sdelay $0x3  }
0x33: {  	p0 =	seq.s32 s10, $0x1;
	s10 =	sld [smem:$0x3F91];
	_ =	sdelay $0x3  }
0x34: {  	[smem:$0x3F91] =	sst s10  }
0x35: {  	s10 =	sld [smem:$0x3F90];
	_ =	sdelay $0x3  }
0x36: {  	p1 =	seq.s32 s10, $0x1;
	s10 =	sld [smem:$0x3F91];
	_ =	sdelay $0x3  }
0x37: {  	[smem:$0x3F91] =	sst s10  }
0x38: {  	s10 =	sld [smem:$0x3F92]  }
0x39: {  	_ = 	snop;
	(pc) =	sbr.ind lr, $3  }
0x3a: {  	_ = 	snop  }
0x3b: {  	_ = 	snop  }
0x3c: {  	p2 =	seq.s32 s10, $0x1;
	s10 =	sld [smem:$0x3F91]  }
0x3d: {  	_ =	shalt  }
0x3e: {  	_ =	shalt  }
0x3f: {  	_ =	shalt  }
0x40: {  	_ =	shalt  }
0x41: {  	_ =	shalt  }
0x42: {  	_ =	shalt  }
0x43: {  	_ =	shalt  }
0x44: {  	_ =	shalt  }
0x45: {  	_ =	shalt  }
0x46: {  	_ =	shalt  }
0x47: {  	_ =	shalt  }
0x48: {  	_ =	shalt  }
0x49: {  	_ =	shalt  }
0x4a: {  	_ =	shalt  }
0x4b: {  	_ =	shalt  }
0x4c: {  	_ =	shalt  }
0x4d: {  	_ =	shalt  }
0x4e: {  	_ =	shalt  }
0x4f: {  	_ =	shalt  }
0x50: {  	_ =	shalt  }
0x51: {  	_ =	shalt  }
0x52: {  	_ =	shalt  }
0x53: {  	_ =	shalt  }
0x54: {  	_ =	shalt  }
0x55: {  	_ =	shalt  }
0x56: {  	_ =	shalt  }
0x57: {  	_ =	shalt  }
0x58: {  	_ =	shalt  }
0x59: {  	_ =	shalt  }
0x5a: {  	_ =	shalt  }
0x5b: {  	_ =	shalt  }
0x5c: {  	_ =	shalt  }
0x5d: {  	_ =	shalt  }
0x5e: {  	_ =	shalt  }
0x5f: {  	_ =	shalt  }
0x60: {  	_ =	shalt  }
0x61: {  	_ =	shalt  }
0x62: {  	_ =	shalt  }
0x63: {  	_ =	shalt  }
0x64: {  	_ =	shalt  }
0x65: {  	_ =	shalt  }
0x66: {  	_ =	shalt  }
0x67: {  	_ =	shalt  }
0x68: {  	_ =	shalt  }
0x69: {  	_ =	shalt  }
0x6a: {  	_ =	shalt  }
0x6b: {  	_ =	shalt  }
0x6c: {  	_ =	shalt  }
0x6d: {  	_ =	shalt  }
0x6e: {  	_ =	shalt  }
0x6f: {  	_ =	shalt  }
0x70: {  	_ =	shalt  }
0x71: {  	_ =	shalt  }
0x72: {  	_ =	shalt  }
0x73: {  	_ =	shalt  }
0x74: {  	_ =	shalt  }
0x75: {  	_ =	shalt  }
0x76: {  	_ =	shalt  }
0x77: {  	_ =	shalt  }
0x78: {  	_ =	shalt  }
0x79: {  	_ =	shalt  }
0x7a: {  	_ =	shalt  }
0x7b: {  	_ =	shalt  }
0x7c: {  	_ =	shalt  }
0x7d: {  	_ =	shalt  }
0x7e: {  	_ =	shalt  }
0x7f: {  	_ =	shalt  }
0x80: {  	_ =	shalt  }
0x81: {  	_ =	shalt  }
0x82: {  	_ =	shalt  }
0x83: {  	_ =	shalt  }
0x84: {  	_ =	shalt  }
0x85: {  	_ =	shalt  }
0x86: {  	_ =	shalt  }
0x87: {  	_ =	shalt  }
.Lfunc_end0:
.L_simem_size_0:
called_computation.6_lowered:
.L_overlay_start_0:
0x88: {  	s2 =	sld [smem:$0x3FD9]  }
0x89: {  	s3 =	sld [smem:$0x3FFE];
	_ =	sdelay $0x1  }
0x8a: {  	s1 =	srdreg.scid  }
0x8b: {  	s0 =	sand.u32 $0x1, s1  }
0x8c: {  	s16 =	sshll.u32 s0, $0xA;
	s2 =	sadd.s32 s3, s2  }
0x8d: {  	s2 =	sadd.s32 s2, s16  }
0x8e: {  	[smem:$0x3F9D] =	sst s2  }
0x8f: {  	_ = 	snop  }
0x90: {  	(tm) =	ssettm $0x1  }
0x91: {  	s17 =	sld [smem:$0x3FFB];
	_ =	sdelay $0x3  }
0x92: {  	_ =	strace s17  }
0x93: {  	s2 =	sld [smem:$0x3FFC];
	_ =	sdelay $0x3  }
0x94: {  	_ =	strace s2  }
0x95: {  	s2 =	sld [smem:$0x3FFD];
	_ =	sdelay $0x3  }
0x96: {  	_ =	strace s2  }
0x97: {  	_ =	strace $0x8FFFFFFF  }
0x98: {  	s18 =	sld [smem:$0x3FDB];
	_ =	sdelay $0x1  }
0x99: {  	s19 =	simm.s32 $_scs_section_size  }
0x9a: {  	s4 =	simm.s32 $_size__tile_overlayer_lowered;
	s5 =	simm.s32 $_tile_overlayer_lowered  }
0x9b: {  	s22 =	simm.s32 $0x1BFF;
	s21 =	sshll.u32 s5, $0x1;
	s2 =	sadd.s32 s19, s18  }
0x9c: {  	s6 =	simm.s32 $0x0;
	s20 =	sshll.u32 s4, $0x1;
	s4 =	sadd.s32 s21, s2  }
0x9d: {  	[timem:s6], [sflag:s22] =	dma.local [hbm:s4], s20  }
0x9e: {  	_ =	swait.ge [sflag:s22], s20  }
0x9f: {  	s3 =	ssub.s32 $0x0, s20;
	[sflag:s22] =	ssyncset.done $0x0  }
0xa0: {  	[sflag:s22] =	ssyncadd.s32 s3;
	_ =	sdelay $0x1  }
0xa1: {  	s23 =	simm.s32 $0x1B8B  }
0xa2: {  	_ =	swait.ge [sflag:s23], $0x1  }
0xa3: {  	[sflag:s23] =	ssyncset.done $0x0  }
0xa4: {  	s25 =	simm.s32 $0x1B8E;
	s24 =	sld [smem:$0x3FFE];
	[sflag:s23] =	ssyncadd.s32 $0xFFFFFFFF  }
0xa5: {  	s26 =	simm.s32 $execute0_lowered;
	[smem:$0x3FD2] =	sst s25  }
0xa6: {  	s4 =	sshll.u32 s26, $0x1;
	_ =	strace $0x80000058;
	[dreg:$0x1] =	wrdreg $0xFFFFFFFF  }
0xa7: {  	s28 =	simm.s32 $_size_execute0_lowered;
	s2 =	sadd.s32 s2, s4;
	[dreg:$0x0] =	wrdreg $0x0  }
0xa8: {  	s4 =	sshll.u32 s28, $0x1;
	[dreg:$0x2] =	wrdreg s2  }
0xa9: {  	[dreg:$0x3] =	wrdreg s4  }
0xaa: {  	[dreg:$0x4] =	wrdreg $0xC0  }
0xab: {  	_ =	task [dreg:s6], $0x5FFFF  }
0xac: {  	[dreg:$0x1] =	wrdreg $0xFFFFFFFF  }
0xad: {  	[dreg:$0x0] =	wrdreg $0x60  }
0xae: {  	[dreg:$0x2] =	wrdreg s24  }
0xaf: {  	[dreg:$0x3] =	wrdreg $0x60800  }
0xb0: {  	[dreg:$0x4] =	wrdreg $0x9  }
0xb1: {  	_ =	task.clear_ibuf [dreg:s6], $0x5FFFF;
	_ =	strace $0x90000058  }
0xb2: {  	s29 =	simm.s32 $0x9;
	_ =	strace $0x8000005A  }
0xb3: {  	_ =	swait.ge [sflag:s29], $0x1  }
0xb4: {  	[sflag:s29] =	ssyncadd.s32 $0xFFFFFFFF  }
0xb5: {  	_ =	strace $0x9000005A  }
0xb6: {  	_ =	sfence  }
0xb7: {  	s30 =	sld [smem:$0x0];
	_ =	sdelay $0x2  }
0xb8: {  	s31 =	sshll.u32 s1, $0xD;
	s1 =	sshrl.u32 s1, $0x2  }
0xb9: {  	s3 =	sand.u32 $0x4000, s31;
	s1 =	sadd.s32 s1, s30  }
0xba: {  	s0 =	sor.u32 s3, s0;
	s1 =	sshll.u32 s1, $0x11  }
0xbb: {  	s0 =	sor.u32 s1, s0  }
0xbc: {  	s0 =	sadd.s32 $0x8F2B, s0  }
0xbd: {  	[sflag:s0] =	ssyncadd.remote.s32 $0x1  }
0xbe: {  	_ =	sfence.sel $0xFFFF  }
0xbf: {  	[dreg:$0x0] =	wrdreg $0xFFFFFFFF;
	(pc) =	sbr.abs _section_cstart, $3  }
0xc0: {  	[dreg:$0x1] =	wrdreg $0xFFFFFFFF  }
0xc1: {  	_ =	task.clear_ibuf [dreg:s6], $0x2FFFF;
	_ =	strace $0x9FFFFFFF  }
0xc2: {  	(tm) =	ssettm $0x7FFFFFFF  }
0xc3: {  	_ =	shalt  }
tec
execute0_lowered:
.L_overlay_start_1:
0x0: {  	(tag) =	ssettag $0x1  }
0x1: {  	s4 =	rddreg [dreg:$0x0]  }
0x2: {  	s1 =	rddreg [dreg:$0x1];
	s2 =	stileid.u32  }
0x3: {  	s3 =	srdreg.scid;
	s0 =	rddreg [dreg:$0x2]  }
0x4: {  	s18 =	simm.s32 $0x4080;
	s19 =	simm.s32 $0x1;
	s20 =	simm.s32 $0x80  }
0x5: {  	s21 =	simm.s32 $0x0;
	s5 =	smul.u32 $0x271, s2;
	s6 =	sand.u32 $0x1, s3  }
0x6: {  	s3 =	simm.s32 $0x0;
	p0 =	sne.s32 s2, $0x0;
	s7 =	smul.u32 $0x271000, s6  }
0x7: {  	[smem:$0x7FF] =	sst s3;
	s8 =	smul.u32 $0x138800, s6;
	s5 =	sand.u32 $0x3FF8, s5  }
0x8: {  	s9 =	smul.u32 $0x4E20, s6;
	s6 =	ssub.s32 $0x2, s6;
	s5 =	smin.u32 s5, $0x2498  }
0x9: {  	_ =	strace $0x80000059;
	s31 =	sshrl.u32 s6, $0x1;
	s5 =	sshll.u32 s5, $0x7  }
0xa: {  	s16 =	sadd.s32 s7, s4;
	s17 =	sadd.s32 s9, s4;
	s30 =	sadd.s32 s8, s5  }
0xb: {  	s16 =	sadd.s32 $0xAD3C00, s16;
	s17 =	sadd.s32 $0x18400, s17;
	s7 =	sshrl.u32 s30, $0x3  }
.Ltmp0:
0xc: {  	s7 =	sadd.s32 s7, s4;
	s4 =	sadd.s32 s5, s1;
	(pc) =	sbr.rel .LBB2_1-.Ltmp0, $4  }
0xd: {  	s8 =	ssub.s32 s6, s31;
	s5 =	sadd.s32 $0x12000, s4;
	s6 =	sadd.s32 $0x49400, s7  }
0xe: {  	s7 =	smax.u32 s8, $0x1;
	s8 =	sadd.s32 $0x2000, s4;
	s9 =	sadd.s32 $0x4000, s4  }
0xf: {  	s10 =	sadd.s32 $0x6000, s4;
	s11 =	sadd.s32 $0x8000, s4;
	s12 =	sadd.s32 $0xA000, s4  }
0x10: {  	v0 =	vimm.f32 $0.0e+00;
	s13 =	sadd.s32 $0xC000, s4;
	s14 =	sadd.s32 $0xE000, s4;
	s15 =	sadd.s32 $0x10000, s4  }
.LBB2_6:
0x11: {  	s23 =	sadd.s32 s23, s17;
	[sflag:s19] =	ssyncadd.s32 $0xFFFFC000  }
0x12: {  	[tilespmem:s3], [sflag:$0x1] =	stream.linear.gather [hbm4b:s23+s3], $0x80, $0x38;
	[tilespmem:$0x19900] =	vst v63  }
0x13: {  	_ =	swait.ge [sflag:s19], $0x80  }
0x14: {  	[sflag:s19] =	ssyncset.done $0x0  }
0x15: {  	[sflag:s19] =	ssyncadd.s32 $0xFFFFFF80  }
0x16: {  	[tilespmem:s20], [sflag:$0x1] =	stream.linear.gather [hbm4b:s22+s3], $0x4000, $0x38;
	[tilespmem:$0x19900] =	vst v63  }
0x17: {  	_ =	swait.ge [sflag:s19], $0x4000  }
0x18: {  	[sflag:s19] =	ssyncset.done $0x0  }
0x19: {  	[sflag:s19] =	ssyncadd.s32 $0xFFFFC000  }
0x1a: {  	[spmem:s1] =	stream.indirect.scatter.add.f32 [tilespmem:s20], [sflag:$0x1], $0x80, s3, s20, $0xb8;
	[tilespmem:$0x19900] =	vst v63  }
0x1b: {  	_ =	swait.ge [sflag:s19], $0x4000  }
0x1c: {  	[sflag:s19] =	ssyncset.done $0x0  }
0x1d: {  	[sflag:s19] =	ssyncadd.s32 $0xFFFFC000  }
.LBB2_7:
0x1e: {  	s21 =	sadd.s32 $0x1, s21  }
0x1f: {  	s22 =	sshll.u32 s2, $0x6;
	[bflag:$0x0] =	sbarrier.arrive $0xFFFF;
	p1 =	sne.s32 s21, s7  }
.Ltmp1:
0x20: {  	s23 =	sshrl.u32 s4, $0x3;
	s22 =	sor.u32 $0x1C01, s22;
	(pc) =	sbr.rel @!p1 .LBB2_8-.Ltmp1, $4  }
0x21: {  	[hbm:s6], [sflag:s22] =	dma.local [spmem:s23], $0x2780  }
0x22: {  	_ =	swait.ge [sflag:s19], $0x2780  }
0x23: {  	[sflag:s19] =	ssyncset.done $0x0  }
0x24: {  	[sflag:s19] =	ssyncadd.s32 $0xFFFFD880  }
.LBB2_1:
0x25: {  	s22 =	sand.u32 $0x7E00, s3  }
0x26: {  	s23 =	sand.u32 $0x70, s3;
	s24 =	sshrl.u32 s22, $0x2  }
0x27: {  	s22 =	simm.s32 $0x40;
	s24 =	sor.u32 s23, s24;
	s23 =	simm.s32 $0x0  }
.LBB2_2:
0x28: {  	p1 =	sne.s32 s22, $0x7FC0  }
0x29: {  	[tilespmem:s24+$0x4080] =	vst v0;
	s23 =	sadd.s32 $0x10, s23;
	s24 =	smov.u32 s22;
	s22 =	sadd.s32 $0x40, s22  }
.Ltmp2:
0x2a: {  	(pc) =	sbr.rel @p1 .LBB2_2-.Ltmp2, $4  }
0x2b: {  	_ = 	snop  }
0x2c: {  	s24 =	sand.u32 $0x7E00, s24  }
0x2d: {  	s25 =	sand.u32 $0x70, s23;
	s24 =	sshrl.u32 s24, $0x2  }
0x2e: {  	s24 =	sor.u32 s25, s24  }
0x2f: {  	[tilespmem:s24+$0x4080] =	vst v0  }
0x30: {  	[spmem:s4] =	stream.linear.scatter [tilespmem:s18], [sflag:$0x1], $0x2000, $0x38;
	[tilespmem:$0x19900] =	vst v63  }
0x31: {  	_ =	swait.ge [sflag:s19], $0x2000  }
0x32: {  	[sflag:s19] =	ssyncset.done $0x0  }
0x33: {  	[sflag:s19] =	ssyncadd.s32 $0xFFFFE000  }
0x34: {  	[spmem:s8] =	stream.linear.scatter [tilespmem:s18], [sflag:$0x1], $0x2000, $0x38;
	[tilespmem:$0x19900] =	vst v63  }
0x35: {  	_ =	swait.ge [sflag:s19], $0x2000  }
0x36: {  	[sflag:s19] =	ssyncset.done $0x0  }
0x37: {  	[sflag:s19] =	ssyncadd.s32 $0xFFFFE000  }
0x38: {  	[spmem:s9] =	stream.linear.scatter [tilespmem:s18], [sflag:$0x1], $0x2000, $0x38;
	[tilespmem:$0x19900] =	vst v63  }
0x39: {  	_ =	swait.ge [sflag:s19], $0x2000  }
0x3a: {  	[sflag:s19] =	ssyncset.done $0x0  }
0x3b: {  	[sflag:s19] =	ssyncadd.s32 $0xFFFFE000  }
0x3c: {  	[spmem:s10] =	stream.linear.scatter [tilespmem:s18], [sflag:$0x1], $0x2000, $0x38;
	[tilespmem:$0x19900] =	vst v63  }
0x3d: {  	_ =	swait.ge [sflag:s19], $0x2000  }
0x3e: {  	[sflag:s19] =	ssyncset.done $0x0  }
0x3f: {  	[sflag:s19] =	ssyncadd.s32 $0xFFFFE000  }
0x40: {  	[spmem:s11] =	stream.linear.scatter [tilespmem:s18], [sflag:$0x1], $0x2000, $0x38;
	[tilespmem:$0x19900] =	vst v63  }
0x41: {  	_ =	swait.ge [sflag:s19], $0x2000  }
0x42: {  	[sflag:s19] =	ssyncset.done $0x0  }
0x43: {  	[sflag:s19] =	ssyncadd.s32 $0xFFFFE000  }
0x44: {  	[spmem:s12] =	stream.linear.scatter [tilespmem:s18], [sflag:$0x1], $0x2000, $0x38;
	[tilespmem:$0x19900] =	vst v63  }
0x45: {  	_ =	swait.ge [sflag:s19], $0x2000  }
0x46: {  	[sflag:s19] =	ssyncset.done $0x0  }
0x47: {  	[sflag:s19] =	ssyncadd.s32 $0xFFFFE000  }
0x48: {  	[spmem:s13] =	stream.linear.scatter [tilespmem:s18], [sflag:$0x1], $0x2000, $0x38;
	[tilespmem:$0x19900] =	vst v63  }
0x49: {  	_ =	swait.ge [sflag:s19], $0x2000  }
0x4a: {  	[sflag:s19] =	ssyncset.done $0x0  }
0x4b: {  	[sflag:s19] =	ssyncadd.s32 $0xFFFFE000  }
0x4c: {  	[spmem:s14] =	stream.linear.scatter [tilespmem:s18], [sflag:$0x1], $0x2000, $0x38;
	[tilespmem:$0x19900] =	vst v63  }
0x4d: {  	_ =	swait.ge [sflag:s19], $0x2000  }
0x4e: {  	[sflag:s19] =	ssyncset.done $0x0  }
0x4f: {  	[sflag:s19] =	ssyncadd.s32 $0xFFFFE000  }
0x50: {  	[spmem:s15] =	stream.linear.scatter [tilespmem:s18], [sflag:$0x1], $0x2000, $0x38;
	[tilespmem:$0x19900] =	vst v63  }
0x51: {  	_ =	swait.ge [sflag:s19], $0x2000  }
0x52: {  	[sflag:s19] =	ssyncset.done $0x0  }
0x53: {  	[sflag:s19] =	ssyncadd.s32 $0xFFFFE000  }
0x54: {  	[spmem:s5] =	stream.linear.scatter [tilespmem:s18], [sflag:$0x1], $0x1C00, $0x38;
	[tilespmem:$0x19900] =	vst v63  }
.Ltmp3:
0x55: {  	_ =	swait.ge [sflag:s19], $0x1C00;
	(pc) =	sbr.rel @p0 .LBB2_7-.Ltmp3, $3  }
0x56: {  	[sflag:s19] =	ssyncset.done $0x0  }
0x57: {  	[sflag:s19] =	ssyncadd.s32 $0xFFFFE400  }
0x58: {  	[bflag:$0x0] =	sbarrier.arrive $0xFFFF;
	_ =	sdelay $0x1  }
0x59: {  	s22 =	sadd.s32 $0x0, s17  }
0x5a: {  	[tilespmem:s3], [sflag:$0x1] =	stream.linear.gather [hbm4b:s22+s3], $0x80, $0x38;
	[tilespmem:$0x19900] =	vst v63  }
0x5b: {  	_ =	swait.ge [sflag:s19], $0x80  }
0x5c: {  	[sflag:s19] =	ssyncset.done $0x0  }
0x5d: {  	[sflag:s19] =	ssyncadd.s32 $0xFFFFFF80  }
0x5e: {  	[tilespmem:s20], [sflag:$0x1] =	stream.linear.gather [hbm4b:s16+s3], $0x4000, $0x38;
	[tilespmem:$0x19900] =	vst v63  }
0x5f: {  	_ =	swait.ge [sflag:s19], $0x4000  }
0x60: {  	[sflag:s19] =	ssyncset.done $0x0  }
0x61: {  	[sflag:s19] =	ssyncadd.s32 $0xFFFFC000  }
0x62: {  	[spmem:s1] =	stream.indirect.scatter.add.f32 [tilespmem:s20], [sflag:$0x1], $0x80, s3, s20, $0xb8;
	[tilespmem:$0x19900] =	vst v63  }
0x63: {  	s23 =	simm.s32 $0x10;
	_ =	swait.ge [sflag:s19], $0x4000  }
0x64: {  	s24 =	simm.s32 $0x20;
	s22 =	sadd.s32 $0x800, s16;
	[sflag:s19] =	ssyncset.done $0x0  }
.LBB2_5:
0x65: {  	s25 =	sadd.s32 s23, s17  }
0x66: {  	[sflag:s19] =	ssyncadd.s32 $0xFFFFC000;
	s23 =	smov.u32 s24;
	s26 =	sadd.s32 $0x10, s24  }
0x67: {  	[tilespmem:s3], [sflag:$0x1] =	stream.linear.gather [hbm4b:s25+s3], $0x80, $0x38;
	[tilespmem:$0x19900] =	vst v63  }
0x68: {  	p1 =	sne.s32 s24, $0x4E10;
	_ =	swait.ge [sflag:s19], $0x80  }
0x69: {  	[sflag:s19] =	ssyncset.done $0x0  }
0x6a: {  	[sflag:s19] =	ssyncadd.s32 $0xFFFFFF80  }
0x6b: {  	[tilespmem:s20], [sflag:$0x1] =	stream.linear.gather [hbm4b:s22+s3], $0x4000, $0x38;
	[tilespmem:$0x19900] =	vst v63  }
0x6c: {  	_ =	swait.ge [sflag:s19], $0x4000  }
.Ltmp4:
0x6d: {  	[sflag:s19] =	ssyncset.done $0x0;
	(pc) =	sbr.rel @p1 .LBB2_5-.Ltmp4, $4  }
0x6e: {  	[sflag:s19] =	ssyncadd.s32 $0xFFFFC000  }
0x6f: {  	[spmem:s1] =	stream.indirect.scatter.add.f32 [tilespmem:s20], [sflag:$0x1], $0x80, s3, s20, $0xb8;
	[tilespmem:$0x19900] =	vst v63  }
0x70: {  	_ =	swait.ge [sflag:s19], $0x4000  }
0x71: {  	s24 =	smov.u32 s26;
	s22 =	sadd.s32 $0x800, s22;
	[sflag:s19] =	ssyncset.done $0x0  }
.Ltmp5:
0x72: {  	_ = 	snop;
	(pc) =	sbr.rel .LBB2_6-.Ltmp5, $1  }
0x73: {  	_ =	sdelay $0x3  }
.LBB2_8:
0x74: {  	_ =	sfence.sel $0x180000  }
0x75: {  	[bflag:$0x0] =	sbarrier.arrive $0xFFFF  }
0x76: {  	_ =	strace $0x90000059  }
0x77: {  	s0 =	sadd.s32 @!p0 $0x100000, s0;
	[bflag:$0x2] =	sbarrier.arrive $0xFFFF  }
0x78: {  	[sflag:s0] =	ssyncadd.tile.s32 @!p0 $0x1;
	_ =	shalt  }
.Lfunc_end2:
_tile_overlayer_lowered:
.L_overlay_start_2:
0x79: {  	(tag) =	ssettag $0x2  }
0x7a: {  	s0 =	rddreg [dreg:$0x0];
	s2 =	stileid.u32  }
0x7b: {  	s1 =	rddreg [dreg:$0x1];
	p0 =	sne.s32 s2, $0x0  }
0x7c: {  	s3 =	rddreg [dreg:$0x2];
	[bflag:$0x3] =	sbarrier.arrive $0xFFFF;
	s2 =	simm.s32 @!p0 $0x1C01  }
0x7d: {  	[timem:s3], [sflag:s2] =	dma.local @!p0 [hbm:s0], s1  }
0x7e: {  	s0 =	simm.s32 @!p0 $0x1  }
0x7f: {  	_ =	swait.ge @!p0 [sflag:s0], s1  }
0x80: {  	s1 =	ssub.s32 @!p0 $0x0, s1;
	[sflag:s0] =	ssyncset.done @!p0 $0x0  }
0x81: {  	[sflag:s0] =	ssyncadd.s32 @!p0 s1  }
0x82: {  	[bflag:$0x3] =	sbarrier.arrive $0xFFFF  }
0x83: {  	_ =	shalt  }

// kernel: kernel.43.cloned.1.call-start
scs
__scs_entry_jumppad:
0x0: {  	(pc) =	sbr.rel $0x88, $3  }
0x1: {  	(tag) =	ssettag $0x0;
	lr =	simm.s32 $0x1  }
0x2: {  	[smem:$0x3F76] =	sst lr;
	_ =	strace $0xD0000000  }
0x3: {  	_ = 	snop  }
0x4: {  	_ = 	snop  }
0x5: {  	_ = 	snop  }
0x6: {  	_ = 	snop  }
0x7: {  	_ = 	snop  }
__scs_overlays_trampoline_lowered:
0x8: {  	[smem:$0x3F85] =	sst s0  }
0x9: {  	[smem:$0x3F86] =	sst s1  }
0xa: {  	[smem:$0x3F87] =	sst s2  }
0xb: {  	[smem:$0x3F88] =	sst s3  }
0xc: {  	[smem:$0x3F89] =	sst s4  }
0xd: {  	[smem:$0x3F8A] =	sst s5  }
0xe: {  	[smem:$0x3F8B] =	sst s6  }
0xf: {  	[smem:$0x3F8C] =	sst s7  }
0x10: {  	[smem:$0x3F8D] =	sst s8  }
0x11: {  	[smem:$0x3F8E] =	sst s9;
	s0 =	simm.s32 @!p0 $0x0  }
0x12: {  	s1 =	sld [smem:$0x3F74];
	s0 =	simm.s32 @p0 $0x1  }
0x13: {  	[smem:$0x3F8F] =	sst s0;
	s0 =	simm.s32 @!p1 $0x0  }
0x14: {  	s2 =	sld [smem:$0x3F73];
	s0 =	simm.s32 @p1 $0x1  }
0x15: {  	[smem:$0x3F90] =	sst s0;
	s0 =	simm.s32 @!p2 $0x0  }
0x16: {  	s3 =	sld [smem:$0x3FDB];
	s0 =	simm.s32 @p2 $0x1  }
0x17: {  	s4 =	simm.s32 $0x1BF5;
	[smem:$0x3F92] =	sst s0  }
0x18: {  	s0 =	sld [smem:$0x3F75];
	_ =	swait.ge [sflag:s4], $0x0  }
0x19: {  	s7 =	sld [smem:$0x3F76]  }
0x1a: {  	s8 =	sadd.s32 $0xFFFFE003, lr  }
0x1b: {  	s9 =	sadd.s32 $0xFFFFFEF7, lr;
	s5 =	simm.s32 $0xFFFFFFFF;
	p2 =	slt.u32 s8, $0xFFFFF086  }
0x1c: {  	p1 =	slt.u32 s9, $0xF7A;
	s5 =	simm.s32 @!p2 $0x0  }
0x1d: {  	s5 =	simm.s32 @p1 $0x1;
	p0 =	seq.s32 s7, s2  }
0x1e: {  	s7 =	smul.u32 @!p0 $0xF7A, s2;
	p2 =	seq.s32 @!p0 s5, $0x0  }
0x1f: {  	s9 =	smul.u32 $0xF7A, s1;
	s8 =	simm.s32 @!p0 $0x1BF5;
	p2 =	por !p2, p0  }
0x20: {  	[sflag:s8] =	ssyncset.s32 @!p0 $0xFFFFF086;
	s6 =	sadd.s32 @!p0 s3, s7;
	s7 =	simm.s32 @!p0 $0x108  }
0x21: {  	s3 =	sadd.s32 s3, s9;
	s6 =	sadd.s32 @!p0 $0x88, s6;
	s7 =	simm.s32 @p2 $0x1082  }
0x22: {  	[simem:s7], [sflag:s8] =	dma.local @!p0 [hbm:s6], $0xF7A  }
0x23: {  	s9 =	sor.u32 $0xD0000000, s2;
	s6 =	simm.s32 $0x108;
	_ =	swait.ge @!p0 [sflag:s8], $0x0  }
0x24: {  	s3 =	sadd.s32 $0x88, s3;
	s6 =	simm.s32 @!p1 $0x1082;
	[sflag:s4] =	ssyncset.s32 $0xFFFFF086  }
0x25: {  	[simem:s6], [sflag:s4] =	dma.local [hbm:s3], $0xF7A  }
0x26: {  	[smem:$0x3F76] =	sst s1;
	(tag) =	ssettag s2;
	_ =	strace s9  }
0x27: {  	s1 =	sld [smem:$0x3F86]  }
0x28: {  	s2 =	sld [smem:$0x3F87]  }
0x29: {  	s4 =	sld [smem:$0x3F89]  }
0x2a: {  	p0 =	seq.s32 s5, $0x0;
	s5 =	sld [smem:$0x3F8A]  }
0x2b: {  	s6 =	sld [smem:$0x3F8B]  }
0x2c: {  	s7 =	sld [smem:$0x3F8C]  }
0x2d: {  	s3 =	simm.s32 $0x108;
	s8 =	sld [smem:$0x3F8D]  }
0x2e: {  	s3 =	simm.s32 @!p0 $0x1082;
	s9 =	sld [smem:$0x3F8E]  }
0x2f: {  	lr =	sadd.s32 s0, s3;
	s0 =	sld [smem:$0x3F85]  }
0x30: {  	s3 =	sld [smem:$0x3F88]  }
0x31: {  	[smem:$0x3F91] =	sst s10  }
0x32: {  	s10 =	sld [smem:$0x3F8F];
	_ =	sdelay $0x3  }
0x33: {  	p0 =	seq.s32 s10, $0x1;
	s10 =	sld [smem:$0x3F91];
	_ =	sdelay $0x3  }
0x34: {  	[smem:$0x3F91] =	sst s10  }
0x35: {  	s10 =	sld [smem:$0x3F90];
	_ =	sdelay $0x3  }
0x36: {  	p1 =	seq.s32 s10, $0x1;
	s10 =	sld [smem:$0x3F91];
	_ =	sdelay $0x3  }
0x37: {  	[smem:$0x3F91] =	sst s10  }
0x38: {  	s10 =	sld [smem:$0x3F92]  }
0x39: {  	_ = 	snop;
	(pc) =	sbr.ind lr, $3  }
0x3a: {  	_ = 	snop  }
0x3b: {  	_ = 	snop  }
0x3c: {  	p2 =	seq.s32 s10, $0x1;
	s10 =	sld [smem:$0x3F91]  }
0x3d: {  	_ =	shalt  }
0x3e: {  	_ =	shalt  }
0x3f: {  	_ =	shalt  }
0x40: {  	_ =	shalt  }
0x41: {  	_ =	shalt  }
0x42: {  	_ =	shalt  }
0x43: {  	_ =	shalt  }
0x44: {  	_ =	shalt  }
0x45: {  	_ =	shalt  }
0x46: {  	_ =	shalt  }
0x47: {  	_ =	shalt  }
0x48: {  	_ =	shalt  }
0x49: {  	_ =	shalt  }
0x4a: {  	_ =	shalt  }
0x4b: {  	_ =	shalt  }
0x4c: {  	_ =	shalt  }
0x4d: {  	_ =	shalt  }
0x4e: {  	_ =	shalt  }
0x4f: {  	_ =	shalt  }
0x50: {  	_ =	shalt  }
0x51: {  	_ =	shalt  }
0x52: {  	_ =	shalt  }
0x53: {  	_ =	shalt  }
0x54: {  	_ =	shalt  }
0x55: {  	_ =	shalt  }
0x56: {  	_ =	shalt  }
0x57: {  	_ =	shalt  }
0x58: {  	_ =	shalt  }
0x59: {  	_ =	shalt  }
0x5a: {  	_ =	shalt  }
0x5b: {  	_ =	shalt  }
0x5c: {  	_ =	shalt  }
0x5d: {  	_ =	shalt  }
0x5e: {  	_ =	shalt  }
0x5f: {  	_ =	shalt  }
0x60: {  	_ =	shalt  }
0x61: {  	_ =	shalt  }
0x62: {  	_ =	shalt  }
0x63: {  	_ =	shalt  }
0x64: {  	_ =	shalt  }
0x65: {  	_ =	shalt  }
0x66: {  	_ =	shalt  }
0x67: {  	_ =	shalt  }
0x68: {  	_ =	shalt  }
0x69: {  	_ =	shalt  }
0x6a: {  	_ =	shalt  }
0x6b: {  	_ =	shalt  }
0x6c: {  	_ =	shalt  }
0x6d: {  	_ =	shalt  }
0x6e: {  	_ =	shalt  }
0x6f: {  	_ =	shalt  }
0x70: {  	_ =	shalt  }
0x71: {  	_ =	shalt  }
0x72: {  	_ =	shalt  }
0x73: {  	_ =	shalt  }
0x74: {  	_ =	shalt  }
0x75: {  	_ =	shalt  }
0x76: {  	_ =	shalt  }
0x77: {  	_ =	shalt  }
0x78: {  	_ =	shalt  }
0x79: {  	_ =	shalt  }
0x7a: {  	_ =	shalt  }
0x7b: {  	_ =	shalt  }
0x7c: {  	_ =	shalt  }
0x7d: {  	_ =	shalt  }
0x7e: {  	_ =	shalt  }
0x7f: {  	_ =	shalt  }
0x80: {  	_ =	shalt  }
0x81: {  	_ =	shalt  }
0x82: {  	_ =	shalt  }
0x83: {  	_ =	shalt  }
0x84: {  	_ =	shalt  }
0x85: {  	_ =	shalt  }
0x86: {  	_ =	shalt  }
0x87: {  	_ =	shalt  }
.Lfunc_end0:
.L_simem_size_0:
called_computation.7_lowered:
.L_overlay_start_0:
0x88: {  	s2 =	sld [smem:$0x3FD9]  }
0x89: {  	s3 =	sld [smem:$0x3FFE];
	_ =	sdelay $0x1  }
0x8a: {  	s1 =	srdreg.scid  }
0x8b: {  	s0 =	sand.u32 $0x1, s1  }
0x8c: {  	s16 =	sshll.u32 s0, $0xA;
	s2 =	sadd.s32 s3, s2  }
0x8d: {  	s2 =	sadd.s32 s2, s16  }
0x8e: {  	[smem:$0x3F9D] =	sst s2  }
0x8f: {  	_ = 	snop  }
0x90: {  	(tm) =	ssettm $0x1  }
0x91: {  	s17 =	sld [smem:$0x3FFB];
	_ =	sdelay $0x3  }
0x92: {  	_ =	strace s17  }
0x93: {  	s2 =	sld [smem:$0x3FFC];
	_ =	sdelay $0x3  }
0x94: {  	_ =	strace s2  }
0x95: {  	s2 =	sld [smem:$0x3FFD];
	_ =	sdelay $0x3  }
0x96: {  	_ =	strace s2  }
0x97: {  	_ =	strace $0x8FFFFFFF  }
0x98: {  	s18 =	sld [smem:$0x3FDB];
	_ =	sdelay $0x1  }
0x99: {  	s19 =	simm.s32 $_scs_section_size  }
0x9a: {  	s4 =	simm.s32 $_size__tile_overlayer_lowered;
	s5 =	simm.s32 $_tile_overlayer_lowered  }
0x9b: {  	s22 =	simm.s32 $0x1BFF;
	s21 =	sshll.u32 s5, $0x1;
	s2 =	sadd.s32 s19, s18  }
0x9c: {  	s6 =	simm.s32 $0x0;
	s20 =	sshll.u32 s4, $0x1;
	s4 =	sadd.s32 s21, s2  }
0x9d: {  	[timem:s6], [sflag:s22] =	dma.local [hbm:s4], s20  }
0x9e: {  	_ =	swait.ge [sflag:s22], s20  }
0x9f: {  	s3 =	ssub.s32 $0x0, s20;
	[sflag:s22] =	ssyncset.done $0x0  }
0xa0: {  	[sflag:s22] =	ssyncadd.s32 s3;
	_ =	sdelay $0x1  }
0xa1: {  	s23 =	simm.s32 $0x1B8B  }
0xa2: {  	_ =	swait.ge [sflag:s23], $0x1  }
0xa3: {  	[sflag:s23] =	ssyncset.done $0x0  }
0xa4: {  	s25 =	simm.s32 $0x1B8E;
	s24 =	sld [smem:$0x3FFE];
	[sflag:s23] =	ssyncadd.s32 $0xFFFFFFFF  }
0xa5: {  	s26 =	simm.s32 $execute0_lowered;
	[smem:$0x3FD2] =	sst s25  }
0xa6: {  	s4 =	sshll.u32 s26, $0x1;
	_ =	strace $0x8000005B;
	[dreg:$0x1] =	wrdreg $0xFFFFFFFF  }
0xa7: {  	s28 =	simm.s32 $_size_execute0_lowered;
	s2 =	sadd.s32 s2, s4;
	[dreg:$0x0] =	wrdreg $0x0  }
0xa8: {  	s4 =	sshll.u32 s28, $0x1;
	[dreg:$0x2] =	wrdreg s2  }
0xa9: {  	[dreg:$0x3] =	wrdreg s4  }
0xaa: {  	[dreg:$0x4] =	wrdreg $0xC0  }
0xab: {  	_ =	task [dreg:s6], $0x5FFFF  }
0xac: {  	[dreg:$0x1] =	wrdreg $0xFFFFFFFF  }
0xad: {  	[dreg:$0x0] =	wrdreg $0x60  }
0xae: {  	[dreg:$0x2] =	wrdreg s24  }
0xaf: {  	[dreg:$0x3] =	wrdreg $0x9  }
0xb0: {  	_ =	task.clear_ibuf [dreg:s6], $0x4FFFF;
	_ =	strace $0x9000005B  }
0xb1: {  	s29 =	simm.s32 $0x9;
	_ =	strace $0x8000005D  }
0xb2: {  	_ =	swait.ge [sflag:s29], $0x1  }
0xb3: {  	[sflag:s29] =	ssyncadd.s32 $0xFFFFFFFF  }
0xb4: {  	_ =	strace $0x9000005D  }
0xb5: {  	_ =	sfence  }
0xb6: {  	s30 =	sld [smem:$0x0];
	_ =	sdelay $0x2  }
0xb7: {  	s31 =	sshll.u32 s1, $0xD;
	s1 =	sshrl.u32 s1, $0x2  }
0xb8: {  	s3 =	sand.u32 $0x4000, s31;
	s1 =	sadd.s32 s1, s30  }
0xb9: {  	s0 =	sor.u32 s3, s0;
	s1 =	sshll.u32 s1, $0x11  }
0xba: {  	s0 =	sor.u32 s1, s0  }
0xbb: {  	s0 =	sadd.s32 $0x8F2B, s0  }
0xbc: {  	[sflag:s0] =	ssyncadd.remote.s32 $0x1  }
0xbd: {  	_ =	sfence.sel $0xFFFF  }
0xbe: {  	[dreg:$0x0] =	wrdreg $0xFFFFFFFF;
	(pc) =	sbr.abs _section_cstart, $3  }
0xbf: {  	[dreg:$0x1] =	wrdreg $0xFFFFFFFF  }
0xc0: {  	_ =	task.clear_ibuf [dreg:s6], $0x2FFFF;
	_ =	strace $0x9FFFFFFF  }
0xc1: {  	(tm) =	ssettm $0x7FFFFFFF  }
tec
execute0_lowered:
.L_overlay_start_1:
0x0: {  	(tag) =	ssettag $0x1  }
0x1: {  	s0 =	rddreg [dreg:$0x0];
	s1 =	simm.s32 $0x0  }
0x2: {  	s2 =	srdreg.scid;
	s8 =	stileid.u32;
	s10 =	simm.s32 $0x4  }
0x3: {  	s12 =	simm.s32 $0x100;
	s29 =	simm.s32 $0x8100;
	s30 =	simm.s32 $0x8900  }
0x4: {  	s31 =	simm.s32 $0x9100;
	s9 =	simm.s32 $0xC100;
	s11 =	simm.s32 $0xC900  }
0x5: {  	s13 =	simm.s32 $0xD100;
	s14 =	simm.s32 $0xD900;
	s15 =	simm.s32 $0xE100  }
0x6: {  	s16 =	simm.s32 $0xE900;
	s17 =	simm.s32 $0xF100;
	s18 =	simm.s32 $0xF900  }
0x7: {  	s19 =	simm.s32 $0x1;
	s20 =	simm.s32 $0x2;
	s21 =	simm.s32 $0x3  }
0x8: {  	s23 =	simm.s32 $0x0;
	s28 =	simm.s32 $0x80;
	[smem:$0x7FF] =	sst s1  }
0x9: {  	s2 =	sand.u32 $0x1, s2;
	s3 =	sadd.s32 $0x49400, s0;
	s5 =	sshll.u32 s8, $0x5  }
0xa: {  	s6 =	sshll.u32 s8, $0xD;
	s24 =	sshll.u32 s8, $0x1;
	s8 =	simm.s32 $0xB900  }
0xb: {  	_ =	strace $0x8000005C;
	s4 =	ssub.s32 $0x2, s2;
	s5 =	sadd.s32 s5, s0  }
0xc: {  	s0 =	sadd.s32 s6, s0;
	[dreg:$0x2] =	wrdreg s24;
	s25 =	sshll.u32 s2, $0x4  }
0xd: {  	s2 =	sshll.u32 s2, $0xC;
	s7 =	sshrl.u32 s4, $0x1;
	s26 =	sadd.s32 s25, s5  }
.Ltmp0:
0xe: {  	s0 =	sadd.s32 s2, s0;
	s5 =	simm.s32 $0xB100;
	(pc) =	sbr.rel .LBB2_1-.Ltmp0, $4  }
0xf: {  	s4 =	ssub.s32 s4, s7;
	s6 =	sadd.s32 $0x18400, s26;
	s2 =	sadd.s32 $0x1976A00, s0  }
0x10: {  	v2 =	vlaneseq.u32;
	s7 =	sadd.s32 $0xE600, s26;
	s0 =	sadd.s32 $0x10FC00, s0;
	[dreg:$0x4] =	wrdreg s2  }
0x11: {  	vm0 =	vmmov $0xffff;
	v1 =	vshrl.u32 v2, $0x3;
	s4 =	smax.u32 s4, $0x1;
	[dreg:$0x5] =	wrdreg s0;
	s0 =	simm.s32 $0x9900  }
0x12: {  	v0 =	vand.u32 $0x7, v2;
	v2 =	vor.u32 $0x8, v2;
	v1 =	vmul.u32 $0x8, v1;
	s2 =	simm.s32 $0xA100;
	[dreg:$0x3] =	wrdreg s4;
	s4 =	simm.s32 $0xA900  }
.LBB2_5:
0x13: {  	s23 =	rddreg [dreg:$0x6]  }
0x14: {  	s22 =	rddreg [dreg:$0x3];
	s23 =	sadd.s32 $0x1, s23  }
0x15: {  	p0 =	sne.s32 s23, s22  }
.Ltmp1:
0x16: {  	_ = 	snop;
	(pc) =	sbr.rel @!p0 .LBB2_6-.Ltmp1, $1  }
0x17: {  	_ =	sdelay $0x3  }
.LBB2_1:
.Ltmp2:
0x18: {  	(pc) =	sbr.rel .LBB2_2-.Ltmp2, $4  }
0x19: {  	[dreg:$0x6] =	wrdreg s23  }
0x1a: {  	s22 =	rddreg [dreg:$0x2]  }
0x1b: {  	s23 =	rddreg [dreg:$0x5]  }
0x1c: {  	s24 =	rddreg [dreg:$0x4];
	s25 =	simm.s32 $0x0  }
.LBB2_4:
0x1d: {  	s25 =	sadd.s32 $0x200, s25  }
0x1e: {  	p0 =	sne.s32 s25, $0x9E00  }
.Ltmp3:
0x1f: {  	_ = 	snop;
	(pc) =	sbr.rel @!p0 .LBB2_5-.Ltmp3, $2  }
0x20: {  	_ =	sdelay $0x2  }
0x21: {  	s24 =	sadd.s32 $0x20000, s24;
	s23 =	sadd.s32 $0x20000, s23;
	s22 =	sadd.s32 $0x20, s22  }
.LBB2_2:
0x22: {  	p0 =	sgt.u32 s22, $0x9C3  }
.Ltmp4:
0x23: {  	_ = 	snop;
	(pc) =	sbr.rel @p0 .LBB2_4-.Ltmp4, $1  }
0x24: {  	_ =	sdelay $0x3  }
0x25: {  	s26 =	sadd.s32 s25, s7  }
0x26: {  	[tilespmem:s1], [sflag:$0x4] =	stream.linear.gather [hbm4b:s26+s1], $0x80, $0x38;
	[tilespmem:$0x10100] =	vst v63  }
0x27: {  	_ =	swait.ge [sflag:s10], $0x80  }
0x28: {  	[sflag:s10] =	ssyncset.done $0x0  }
0x29: {  	s26 =	sadd.s32 s25, s6;
	[sflag:s10] =	ssyncadd.s32 $0xFFFFFF80  }
0x2a: {  	[tilespmem:s28], [sflag:$0x4] =	stream.linear.gather [hbm4b:s26+s1], $0x80, $0x38;
	[tilespmem:$0x10100] =	vst v63  }
0x2b: {  	_ =	swait.ge [sflag:s10], $0x80  }
0x2c: {  	[sflag:s10] =	ssyncset.done $0x0  }
0x2d: {  	[sflag:s10] =	ssyncadd.s32 $0xFFFFFF80  }
0x2e: {  	v3 =	vld [tilespmem:$0x0];
	_ =	sdelay $0x4  }
0x2f: {  	v4 =	vshll.u32 v3, $0x1  }
0x30: {  	v3 =	vand.u32 $0x7, v3;
	v4 =	vand.u32 $0xFFFFFFF0, v4  }
0x31: {  	v3 =	vor.u32 v3, v4  }
0x32: {  	v4 =	vperm.xlane v3, v0;
	_ =	sdelay $0x1  }
0x33: {  	v3 =	vperm.xlane v3, v2;
	v4 =	vadd.s32 v1, v4;
	_ =	sdelay $0x1  }
0x34: {  	v3 =	vadd.s32 v1, v3;
	_ =	sdelay $0x2  }
0x35: {  	[tilespmem:s12], [sflag:$0x1] =	stream.indirect_vreg.gather [hbm4b:s3+s1], $0x80, v4, vm0, $0xb8;
	[tilespmem:$0x10100] =	vst v63  }
0x36: {  	s26 =	simm.s32 $0x900  }
0x37: {  	[tilespmem:s26], [sflag:$0x1] =	stream.indirect_vreg.gather [hbm4b:s3+s1], $0x80, v3, vm0, $0xb8;
	[tilespmem:$0x10100] =	vst v63  }
0x38: {  	v3 =	vld [tilespmem:$0x10];
	_ =	sdelay $0x4  }
0x39: {  	v49 =	vshll.u32 v3, $0x1  }
0x3a: {  	v3 =	vand.u32 $0x7, v3;
	v4 =	vand.u32 $0xFFFFFFF0, v49  }
0x3b: {  	v3 =	vor.u32 v3, v4  }
0x3c: {  	v4 =	vperm.xlane v3, v0;
	_ =	sdelay $0x1  }
0x3d: {  	v3 =	vperm.xlane v3, v2;
	v4 =	vadd.s32 v1, v4;
	_ =	sdelay $0x1  }
0x3e: {  	v3 =	vadd.s32 v1, v3;
	_ =	sdelay $0x1  }
0x3f: {  	s26 =	simm.s32 $0x1100  }
0x40: {  	[tilespmem:s26], [sflag:$0x1] =	stream.indirect_vreg.gather [hbm4b:s3+s1], $0x80, v4, vm0, $0xb8;
	[tilespmem:$0x10100] =	vst v63  }
0x41: {  	s26 =	simm.s32 $0x1900  }
0x42: {  	[tilespmem:s26], [sflag:$0x1] =	stream.indirect_vreg.gather [hbm4b:s3+s1], $0x80, v3, vm0, $0xb8;
	[tilespmem:$0x10100] =	vst v63  }
0x43: {  	v3 =	vld [tilespmem:$0x20];
	_ =	sdelay $0x4  }
0x44: {  	v50 =	vshll.u32 v3, $0x1  }
0x45: {  	v3 =	vand.u32 $0x7, v3;
	v4 =	vand.u32 $0xFFFFFFF0, v50  }
0x46: {  	v3 =	vor.u32 v3, v4  }
0x47: {  	v4 =	vperm.xlane v3, v0;
	_ =	sdelay $0x1  }
0x48: {  	v3 =	vperm.xlane v3, v2;
	v4 =	vadd.s32 v1, v4;
	_ =	sdelay $0x1  }
0x49: {  	v3 =	vadd.s32 v1, v3;
	_ =	sdelay $0x1  }
0x4a: {  	s26 =	simm.s32 $0x2100  }
0x4b: {  	[tilespmem:s26], [sflag:$0x1] =	stream.indirect_vreg.gather [hbm4b:s3+s1], $0x80, v4, vm0, $0xb8;
	[tilespmem:$0x10100] =	vst v63  }
0x4c: {  	s26 =	simm.s32 $0x2900  }
0x4d: {  	[tilespmem:s26], [sflag:$0x1] =	stream.indirect_vreg.gather [hbm4b:s3+s1], $0x80, v3, vm0, $0xb8;
	[tilespmem:$0x10100] =	vst v63  }
0x4e: {  	v3 =	vld [tilespmem:$0x30];
	_ =	sdelay $0x4  }
0x4f: {  	v51 =	vshll.u32 v3, $0x1  }
0x50: {  	v3 =	vand.u32 $0x7, v3;
	v4 =	vand.u32 $0xFFFFFFF0, v51  }
0x51: {  	v3 =	vor.u32 v3, v4  }
0x52: {  	v4 =	vperm.xlane v3, v0;
	_ =	sdelay $0x1  }
0x53: {  	v3 =	vperm.xlane v3, v2;
	v4 =	vadd.s32 v1, v4;
	_ =	sdelay $0x1  }
0x54: {  	v3 =	vadd.s32 v1, v3;
	_ =	sdelay $0x1  }
0x55: {  	s26 =	simm.s32 $0x3100  }
0x56: {  	[tilespmem:s26], [sflag:$0x1] =	stream.indirect_vreg.gather [hbm4b:s3+s1], $0x80, v4, vm0, $0xb8;
	[tilespmem:$0x10100] =	vst v63  }
0x57: {  	s26 =	simm.s32 $0x3900  }
0x58: {  	[tilespmem:s26], [sflag:$0x1] =	stream.indirect_vreg.gather [hbm4b:s3+s1], $0x80, v3, vm0, $0xb8;
	[tilespmem:$0x10100] =	vst v63  }
0x59: {  	v3 =	vld [tilespmem:$0x40];
	_ =	sdelay $0x4  }
0x5a: {  	v52 =	vshll.u32 v3, $0x1  }
0x5b: {  	v3 =	vand.u32 $0x7, v3;
	v4 =	vand.u32 $0xFFFFFFF0, v52  }
0x5c: {  	v3 =	vor.u32 v3, v4  }
0x5d: {  	v4 =	vperm.xlane v3, v0;
	_ =	sdelay $0x1  }
0x5e: {  	v3 =	vperm.xlane v3, v2;
	v4 =	vadd.s32 v1, v4;
	_ =	sdelay $0x1  }
0x5f: {  	v3 =	vadd.s32 v1, v3;
	_ =	sdelay $0x1  }
0x60: {  	s26 =	simm.s32 $0x4100  }
0x61: {  	[tilespmem:s26], [sflag:$0x1] =	stream.indirect_vreg.gather [hbm4b:s3+s1], $0x80, v4, vm0, $0xb8;
	[tilespmem:$0x10100] =	vst v63  }
0x62: {  	s26 =	simm.s32 $0x4900  }
0x63: {  	[tilespmem:s26], [sflag:$0x1] =	stream.indirect_vreg.gather [hbm4b:s3+s1], $0x80, v3, vm0, $0xb8;
	[tilespmem:$0x10100] =	vst v63  }
0x64: {  	v3 =	vld [tilespmem:$0x50];
	_ =	sdelay $0x4  }
0x65: {  	v53 =	vshll.u32 v3, $0x1  }
0x66: {  	v3 =	vand.u32 $0x7, v3;
	v4 =	vand.u32 $0xFFFFFFF0, v53  }
0x67: {  	v3 =	vor.u32 v3, v4  }
0x68: {  	v4 =	vperm.xlane v3, v0;
	_ =	sdelay $0x1  }
0x69: {  	v3 =	vperm.xlane v3, v2;
	v4 =	vadd.s32 v1, v4;
	_ =	sdelay $0x1  }
0x6a: {  	v3 =	vadd.s32 v1, v3;
	_ =	sdelay $0x1  }
0x6b: {  	s26 =	simm.s32 $0x5100  }
0x6c: {  	[tilespmem:s26], [sflag:$0x1] =	stream.indirect_vreg.gather [hbm4b:s3+s1], $0x80, v4, vm0, $0xb8;
	[tilespmem:$0x10100] =	vst v63  }
0x6d: {  	s26 =	simm.s32 $0x5900  }
0x6e: {  	[tilespmem:s26], [sflag:$0x1] =	stream.indirect_vreg.gather [hbm4b:s3+s1], $0x80, v3, vm0, $0xb8;
	[tilespmem:$0x10100] =	vst v63  }
0x6f: {  	v3 =	vld [tilespmem:$0x60];
	_ =	sdelay $0x4  }
0x70: {  	v54 =	vshll.u32 v3, $0x1  }
0x71: {  	v3 =	vand.u32 $0x7, v3;
	v4 =	vand.u32 $0xFFFFFFF0, v54  }
0x72: {  	v3 =	vor.u32 v3, v4  }
0x73: {  	v4 =	vperm.xlane v3, v0;
	_ =	sdelay $0x1  }
0x74: {  	v3 =	vperm.xlane v3, v2;
	v4 =	vadd.s32 v1, v4;
	_ =	sdelay $0x1  }
0x75: {  	v3 =	vadd.s32 v1, v3;
	_ =	sdelay $0x1  }
0x76: {  	s26 =	simm.s32 $0x6100  }
0x77: {  	[tilespmem:s26], [sflag:$0x1] =	stream.indirect_vreg.gather [hbm4b:s3+s1], $0x80, v4, vm0, $0xb8;
	[tilespmem:$0x10100] =	vst v63  }
0x78: {  	s26 =	simm.s32 $0x6900  }
0x79: {  	[tilespmem:s26], [sflag:$0x1] =	stream.indirect_vreg.gather [hbm4b:s3+s1], $0x80, v3, vm0, $0xb8;
	[tilespmem:$0x10100] =	vst v63  }
0x7a: {  	v3 =	vld [tilespmem:$0x70];
	_ =	sdelay $0x4  }
0x7b: {  	v55 =	vshll.u32 v3, $0x1  }
0x7c: {  	v3 =	vand.u32 $0x7, v3;
	v4 =	vand.u32 $0xFFFFFFF0, v55  }
0x7d: {  	v3 =	vor.u32 v3, v4  }
0x7e: {  	v4 =	vperm.xlane v3, v0;
	_ =	sdelay $0x1  }
0x7f: {  	v3 =	vperm.xlane v3, v2;
	v4 =	vadd.s32 v1, v4;
	_ =	sdelay $0x1  }
0x80: {  	v3 =	vadd.s32 v1, v3;
	_ =	sdelay $0x1  }
0x81: {  	s26 =	simm.s32 $0x7100  }
0x82: {  	[tilespmem:s26], [sflag:$0x1] =	stream.indirect_vreg.gather [hbm4b:s3+s1], $0x80, v4, vm0, $0xb8;
	[tilespmem:$0x10100] =	vst v63  }
0x83: {  	s26 =	simm.s32 $0x7900  }
0x84: {  	[tilespmem:s26], [sflag:$0x1] =	stream.indirect_vreg.gather [hbm4b:s3+s1], $0x80, v3, vm0, $0xb8;
	[tilespmem:$0x10100] =	vst v63  }
0x85: {  	v3 =	vld [tilespmem:$0x80];
	_ =	sdelay $0x4  }
0x86: {  	v56 =	vshll.u32 v3, $0x1  }
0x87: {  	v3 =	vand.u32 $0x7, v3;
	v4 =	vand.u32 $0xFFFFFFF0, v56  }
0x88: {  	v3 =	vor.u32 v3, v4  }
0x89: {  	v4 =	vperm.xlane v3, v0;
	_ =	sdelay $0x1  }
0x8a: {  	v3 =	vperm.xlane v3, v2;
	v4 =	vadd.s32 v1, v4;
	_ =	sdelay $0x1  }
0x8b: {  	v3 =	vadd.s32 v1, v3;
	_ =	sdelay $0x2  }
0x8c: {  	[tilespmem:s29], [sflag:$0x2] =	stream.indirect_vreg.gather [hbm4b:s3+s1], $0x80, v4, vm0, $0xb8;
	[tilespmem:$0x10100] =	vst v63  }
0x8d: {  	_ = 	snop  }
0x8e: {  	[tilespmem:s30], [sflag:$0x2] =	stream.indirect_vreg.gather [hbm4b:s3+s1], $0x80, v3, vm0, $0xb8;
	[tilespmem:$0x10100] =	vst v63  }
0x8f: {  	v3 =	vld [tilespmem:$0x90];
	_ =	sdelay $0x4  }
0x90: {  	v57 =	vshll.u32 v3, $0x1  }
0x91: {  	v3 =	vand.u32 $0x7, v3;
	v4 =	vand.u32 $0xFFFFFFF0, v57  }
0x92: {  	v3 =	vor.u32 v3, v4  }
0x93: {  	v4 =	vperm.xlane v3, v0;
	_ =	sdelay $0x1  }
0x94: {  	v3 =	vperm.xlane v3, v2;
	v4 =	vadd.s32 v1, v4;
	_ =	sdelay $0x1  }
0x95: {  	v3 =	vadd.s32 v1, v3;
	_ =	sdelay $0x2  }
0x96: {  	[tilespmem:s31], [sflag:$0x2] =	stream.indirect_vreg.gather [hbm4b:s3+s1], $0x80, v4, vm0, $0xb8;
	[tilespmem:$0x10100] =	vst v63  }
0x97: {  	_ = 	snop  }
0x98: {  	[tilespmem:s0], [sflag:$0x2] =	stream.indirect_vreg.gather [hbm4b:s3+s1], $0x80, v3, vm0, $0xb8;
	[tilespmem:$0x10100] =	vst v63  }
0x99: {  	v3 =	vld [tilespmem:$0xA0];
	_ =	sdelay $0x4  }
0x9a: {  	v58 =	vshll.u32 v3, $0x1  }
0x9b: {  	v3 =	vand.u32 $0x7, v3;
	v4 =	vand.u32 $0xFFFFFFF0, v58  }
0x9c: {  	v3 =	vor.u32 v3, v4  }
0x9d: {  	v4 =	vperm.xlane v3, v0;
	_ =	sdelay $0x1  }
0x9e: {  	v3 =	vperm.xlane v3, v2;
	v4 =	vadd.s32 v1, v4;
	_ =	sdelay $0x1  }
0x9f: {  	v3 =	vadd.s32 v1, v3;
	_ =	sdelay $0x2  }
0xa0: {  	[tilespmem:s2], [sflag:$0x2] =	stream.indirect_vreg.gather [hbm4b:s3+s1], $0x80, v4, vm0, $0xb8;
	[tilespmem:$0x10100] =	vst v63  }
0xa1: {  	_ = 	snop  }
0xa2: {  	[tilespmem:s4], [sflag:$0x2] =	stream.indirect_vreg.gather [hbm4b:s3+s1], $0x80, v3, vm0, $0xb8;
	[tilespmem:$0x10100] =	vst v63  }
0xa3: {  	v3 =	vld [tilespmem:$0xB0];
	_ =	sdelay $0x4  }
0xa4: {  	v59 =	vshll.u32 v3, $0x1  }
0xa5: {  	v3 =	vand.u32 $0x7, v3;
	v4 =	vand.u32 $0xFFFFFFF0, v59  }
0xa6: {  	v3 =	vor.u32 v3, v4  }
0xa7: {  	v4 =	vperm.xlane v3, v0;
	_ =	sdelay $0x1  }
0xa8: {  	v3 =	vperm.xlane v3, v2;
	v4 =	vadd.s32 v1, v4;
	_ =	sdelay $0x1  }
0xa9: {  	v3 =	vadd.s32 v1, v3;
	_ =	sdelay $0x2  }
0xaa: {  	[tilespmem:s5], [sflag:$0x2] =	stream.indirect_vreg.gather [hbm4b:s3+s1], $0x80, v4, vm0, $0xb8;
	[tilespmem:$0x10100] =	vst v63  }
0xab: {  	_ = 	snop  }
0xac: {  	[tilespmem:s8], [sflag:$0x2] =	stream.indirect_vreg.gather [hbm4b:s3+s1], $0x80, v3, vm0, $0xb8;
	[tilespmem:$0x10100] =	vst v63  }
0xad: {  	v3 =	vld [tilespmem:$0xC0];
	_ =	sdelay $0x4  }
0xae: {  	v60 =	vshll.u32 v3, $0x1  }
0xaf: {  	v3 =	vand.u32 $0x7, v3;
	v4 =	vand.u32 $0xFFFFFFF0, v60  }
0xb0: {  	v3 =	vor.u32 v3, v4  }
0xb1: {  	v4 =	vperm.xlane v3, v0;
	_ =	sdelay $0x1  }
0xb2: {  	v3 =	vperm.xlane v3, v2;
	v4 =	vadd.s32 v1, v4;
	_ =	sdelay $0x1  }
0xb3: {  	v3 =	vadd.s32 v1, v3;
	_ =	sdelay $0x2  }
0xb4: {  	[tilespmem:s9], [sflag:$0x2] =	stream.indirect_vreg.gather [hbm4b:s3+s1], $0x80, v4, vm0, $0xb8;
	[tilespmem:$0x10100] =	vst v63  }
0xb5: {  	_ = 	snop  }
0xb6: {  	[tilespmem:s11], [sflag:$0x2] =	stream.indirect_vreg.gather [hbm4b:s3+s1], $0x80, v3, vm0, $0xb8;
	[tilespmem:$0x10100] =	vst v63  }
0xb7: {  	v3 =	vld [tilespmem:$0xD0];
	_ =	sdelay $0x4  }
0xb8: {  	v61 =	vshll.u32 v3, $0x1  }
0xb9: {  	v3 =	vand.u32 $0x7, v3;
	v4 =	vand.u32 $0xFFFFFFF0, v61  }
0xba: {  	v3 =	vor.u32 v3, v4  }
0xbb: {  	v4 =	vperm.xlane v3, v0;
	_ =	sdelay $0x1  }
0xbc: {  	v3 =	vperm.xlane v3, v2;
	v4 =	vadd.s32 v1, v4;
	_ =	sdelay $0x1  }
0xbd: {  	v3 =	vadd.s32 v1, v3;
	_ =	sdelay $0x2  }
0xbe: {  	[tilespmem:s13], [sflag:$0x2] =	stream.indirect_vreg.gather [hbm4b:s3+s1], $0x80, v4, vm0, $0xb8;
	[tilespmem:$0x10100] =	vst v63  }
0xbf: {  	_ = 	snop  }
0xc0: {  	[tilespmem:s14], [sflag:$0x2] =	stream.indirect_vreg.gather [hbm4b:s3+s1], $0x80, v3, vm0, $0xb8;
	[tilespmem:$0x10100] =	vst v63  }
0xc1: {  	v3 =	vld [tilespmem:$0xE0];
	_ =	sdelay $0x4  }
0xc2: {  	v62 =	vshll.u32 v3, $0x1  }
0xc3: {  	v3 =	vand.u32 $0x7, v3;
	v4 =	vand.u32 $0xFFFFFFF0, v62  }
0xc4: {  	v3 =	vor.u32 v3, v4  }
0xc5: {  	v4 =	vperm.xlane v3, v0;
	_ =	sdelay $0x1  }
0xc6: {  	v3 =	vperm.xlane v3, v2;
	v4 =	vadd.s32 v1, v4;
	_ =	sdelay $0x1  }
0xc7: {  	v3 =	vadd.s32 v1, v3;
	_ =	sdelay $0x2  }
0xc8: {  	[tilespmem:s15], [sflag:$0x2] =	stream.indirect_vreg.gather [hbm4b:s3+s1], $0x80, v4, vm0, $0xb8;
	[tilespmem:$0x10100] =	vst v63  }
0xc9: {  	_ = 	snop  }
0xca: {  	[tilespmem:s16], [sflag:$0x2] =	stream.indirect_vreg.gather [hbm4b:s3+s1], $0x80, v3, vm0, $0xb8;
	[tilespmem:$0x10100] =	vst v63  }
0xcb: {  	v3 =	vld [tilespmem:$0xF0];
	_ =	sdelay $0x4  }
0xcc: {  	v63 =	vshll.u32 v3, $0x1  }
0xcd: {  	v3 =	vand.u32 $0x7, v3;
	v4 =	vand.u32 $0xFFFFFFF0, v63  }
0xce: {  	v3 =	vor.u32 v3, v4  }
0xcf: {  	v4 =	vperm.xlane v3, v0;
	_ =	sdelay $0x1  }
0xd0: {  	v3 =	vperm.xlane v3, v2;
	v4 =	vadd.s32 v1, v4;
	_ =	sdelay $0x1  }
0xd1: {  	v3 =	vadd.s32 v1, v3;
	_ =	sdelay $0x2  }
0xd2: {  	[tilespmem:s17], [sflag:$0x2] =	stream.indirect_vreg.gather [hbm4b:s3+s1], $0x80, v4, vm0, $0xb8;
	[tilespmem:$0x10100] =	vst v63  }
0xd3: {  	_ = 	snop  }
0xd4: {  	[tilespmem:s18], [sflag:$0x2] =	stream.indirect_vreg.gather [hbm4b:s3+s1], $0x80, v3, vm0, $0xb8;
	[tilespmem:$0x10100] =	vst v63  }
0xd5: {  	_ =	swait.ge [sflag:s19], $0x8000  }
0xd6: {  	[sflag:s19] =	ssyncset.done $0x0  }
0xd7: {  	[sflag:s19] =	ssyncadd.s32 $0xFFFF8000  }
0xd8: {  	_ =	swait.ge [sflag:s20], $0x8000  }
0xd9: {  	[sflag:s20] =	ssyncset.done $0x0  }
0xda: {  	[sflag:s20] =	ssyncadd.s32 $0xFFFF8000  }
0xdb: {  	[hbm4b:s23+s1] =	stream.linear.scatter [tilespmem:s12], [sflag:$0x4], $0x8000, $0x38;
	[tilespmem:$0x10100] =	vst v63  }
0xdc: {  	_ =	swait.ge [sflag:s10], $0x8000  }
0xdd: {  	[sflag:s10] =	ssyncset.done $0x0  }
.Ltmp5:
0xde: {  	[sflag:s10] =	ssyncadd.s32 $0xFFFF8000;
	(pc) =	sbr.rel .LBB2_4-.Ltmp5, $4  }
0xdf: {  	[hbm4b:s24+s1] =	stream.linear.scatter [tilespmem:s29], [sflag:$0x3], $0x8000, $0x38;
	[tilespmem:$0x10100] =	vst v63  }
0xe0: {  	_ =	swait.ge [sflag:s21], $0x8000  }
0xe1: {  	[sflag:s21] =	ssyncset.done $0x0  }
0xe2: {  	[sflag:s21] =	ssyncadd.s32 $0xFFFF8000  }
.LBB2_6:
0xe3: {  	_ =	sfence.sel $0x180000  }
0xe4: {  	[bflag:$0x0] =	sbarrier.arrive $0xFFFF  }
0xe5: {  	_ =	strace $0x9000005C  }
0xe6: {  	s0 =	stileid.u32;
	[bflag:$0x2] =	sbarrier.arrive $0xFFFF  }
0xe7: {  	p0 =	sne.s32 s0, $0x0;
	s0 =	rddreg [dreg:$0x1]  }
0xe8: {  	s0 =	sadd.s32 @!p0 $0x100000, s0  }
0xe9: {  	[sflag:s0] =	ssyncadd.tile.s32 @!p0 $0x1;
	_ =	shalt  }
.Lfunc_end2:
_tile_overlayer_lowered:
.L_overlay_start_2:
0xea: {  	(tag) =	ssettag $0x2  }
0xeb: {  	s0 =	rddreg [dreg:$0x0];
	s2 =	stileid.u32  }
0xec: {  	s1 =	rddreg [dreg:$0x1];
	p0 =	sne.s32 s2, $0x0  }
0xed: {  	s3 =	rddreg [dreg:$0x2];
	[bflag:$0x3] =	sbarrier.arrive $0xFFFF;
	s2 =	simm.s32 @!p0 $0x1C03  }
0xee: {  	[timem:s3], [sflag:s2] =	dma.local @!p0 [hbm:s0], s1  }
0xef: {  	s0 =	simm.s32 @!p0 $0x3  }
0xf0: {  	_ =	swait.ge @!p0 [sflag:s0], s1  }
0xf1: {  	s1 =	ssub.s32 @!p0 $0x0, s1;
	[sflag:s0] =	ssyncset.done @!p0 $0x0  }
0xf2: {  	[sflag:s0] =	ssyncadd.s32 @!p0 s1  }
0xf3: {  	[bflag:$0x3] =	sbarrier.arrive $0xFFFF  }
0xf4: {  	_ =	shalt  }

// kernel: kernel.46.cloned.1.call-start
scs
__scs_entry_jumppad:
0x0: {  	(pc) =	sbr.rel $0x88, $3  }
0x1: {  	(tag) =	ssettag $0x0;
	lr =	simm.s32 $0x1  }
0x2: {  	[smem:$0x3F76] =	sst lr;
	_ =	strace $0xD0000000  }
0x3: {  	_ = 	snop  }
0x4: {  	_ = 	snop  }
0x5: {  	_ = 	snop  }
0x6: {  	_ = 	snop  }
0x7: {  	_ = 	snop  }
__scs_overlays_trampoline_lowered:
0x8: {  	[smem:$0x3F85] =	sst s0  }
0x9: {  	[smem:$0x3F86] =	sst s1  }
0xa: {  	[smem:$0x3F87] =	sst s2  }
0xb: {  	[smem:$0x3F88] =	sst s3  }
0xc: {  	[smem:$0x3F89] =	sst s4  }
0xd: {  	[smem:$0x3F8A] =	sst s5  }
0xe: {  	[smem:$0x3F8B] =	sst s6  }
0xf: {  	[smem:$0x3F8C] =	sst s7  }
0x10: {  	[smem:$0x3F8D] =	sst s8  }
0x11: {  	[smem:$0x3F8E] =	sst s9;
	s0 =	simm.s32 @!p0 $0x0  }
0x12: {  	s1 =	sld [smem:$0x3F74];
	s0 =	simm.s32 @p0 $0x1  }
0x13: {  	[smem:$0x3F8F] =	sst s0;
	s0 =	simm.s32 @!p1 $0x0  }
0x14: {  	s2 =	sld [smem:$0x3F73];
	s0 =	simm.s32 @p1 $0x1  }
0x15: {  	[smem:$0x3F90] =	sst s0;
	s0 =	simm.s32 @!p2 $0x0  }
0x16: {  	s3 =	sld [smem:$0x3FDB];
	s0 =	simm.s32 @p2 $0x1  }
0x17: {  	s4 =	simm.s32 $0x1BF5;
	[smem:$0x3F92] =	sst s0  }
0x18: {  	s0 =	sld [smem:$0x3F75];
	_ =	swait.ge [sflag:s4], $0x0  }
0x19: {  	s7 =	sld [smem:$0x3F76]  }
0x1a: {  	s8 =	sadd.s32 $0xFFFFE003, lr  }
0x1b: {  	s9 =	sadd.s32 $0xFFFFFEF7, lr;
	s5 =	simm.s32 $0xFFFFFFFF;
	p2 =	slt.u32 s8, $0xFFFFF086  }
0x1c: {  	p1 =	slt.u32 s9, $0xF7A;
	s5 =	simm.s32 @!p2 $0x0  }
0x1d: {  	s5 =	simm.s32 @p1 $0x1;
	p0 =	seq.s32 s7, s2  }
0x1e: {  	s7 =	smul.u32 @!p0 $0xF7A, s2;
	p2 =	seq.s32 @!p0 s5, $0x0  }
0x1f: {  	s9 =	smul.u32 $0xF7A, s1;
	s8 =	simm.s32 @!p0 $0x1BF5;
	p2 =	por !p2, p0  }
0x20: {  	[sflag:s8] =	ssyncset.s32 @!p0 $0xFFFFF086;
	s6 =	sadd.s32 @!p0 s3, s7;
	s7 =	simm.s32 @!p0 $0x108  }
0x21: {  	s3 =	sadd.s32 s3, s9;
	s6 =	sadd.s32 @!p0 $0x88, s6;
	s7 =	simm.s32 @p2 $0x1082  }
0x22: {  	[simem:s7], [sflag:s8] =	dma.local @!p0 [hbm:s6], $0xF7A  }
0x23: {  	s9 =	sor.u32 $0xD0000000, s2;
	s6 =	simm.s32 $0x108;
	_ =	swait.ge @!p0 [sflag:s8], $0x0  }
0x24: {  	s3 =	sadd.s32 $0x88, s3;
	s6 =	simm.s32 @!p1 $0x1082;
	[sflag:s4] =	ssyncset.s32 $0xFFFFF086  }
0x25: {  	[simem:s6], [sflag:s4] =	dma.local [hbm:s3], $0xF7A  }
0x26: {  	[smem:$0x3F76] =	sst s1;
	(tag) =	ssettag s2;
	_ =	strace s9  }
0x27: {  	s1 =	sld [smem:$0x3F86]  }
0x28: {  	s2 =	sld [smem:$0x3F87]  }
0x29: {  	s4 =	sld [smem:$0x3F89]  }
0x2a: {  	p0 =	seq.s32 s5, $0x0;
	s5 =	sld [smem:$0x3F8A]  }
0x2b: {  	s6 =	sld [smem:$0x3F8B]  }
0x2c: {  	s7 =	sld [smem:$0x3F8C]  }
0x2d: {  	s3 =	simm.s32 $0x108;
	s8 =	sld [smem:$0x3F8D]  }
0x2e: {  	s3 =	simm.s32 @!p0 $0x1082;
	s9 =	sld [smem:$0x3F8E]  }
0x2f: {  	lr =	sadd.s32 s0, s3;
	s0 =	sld [smem:$0x3F85]  }
0x30: {  	s3 =	sld [smem:$0x3F88]  }
0x31: {  	[smem:$0x3F91] =	sst s10  }
0x32: {  	s10 =	sld [smem:$0x3F8F];
	_ =	sdelay $0x3  }
0x33: {  	p0 =	seq.s32 s10, $0x1;
	s10 =	sld [smem:$0x3F91];
	_ =	sdelay $0x3  }
0x34: {  	[smem:$0x3F91] =	sst s10  }
0x35: {  	s10 =	sld [smem:$0x3F90];
	_ =	sdelay $0x3  }
0x36: {  	p1 =	seq.s32 s10, $0x1;
	s10 =	sld [smem:$0x3F91];
	_ =	sdelay $0x3  }
0x37: {  	[smem:$0x3F91] =	sst s10  }
0x38: {  	s10 =	sld [smem:$0x3F92]  }
0x39: {  	_ = 	snop;
	(pc) =	sbr.ind lr, $3  }
0x3a: {  	_ = 	snop  }
0x3b: {  	_ = 	snop  }
0x3c: {  	p2 =	seq.s32 s10, $0x1;
	s10 =	sld [smem:$0x3F91]  }
0x3d: {  	_ =	shalt  }
0x3e: {  	_ =	shalt  }
0x3f: {  	_ =	shalt  }
0x40: {  	_ =	shalt  }
0x41: {  	_ =	shalt  }
0x42: {  	_ =	shalt  }
0x43: {  	_ =	shalt  }
0x44: {  	_ =	shalt  }
0x45: {  	_ =	shalt  }
0x46: {  	_ =	shalt  }
0x47: {  	_ =	shalt  }
0x48: {  	_ =	shalt  }
0x49: {  	_ =	shalt  }
0x4a: {  	_ =	shalt  }
0x4b: {  	_ =	shalt  }
0x4c: {  	_ =	shalt  }
0x4d: {  	_ =	shalt  }
0x4e: {  	_ =	shalt  }
0x4f: {  	_ =	shalt  }
0x50: {  	_ =	shalt  }
0x51: {  	_ =	shalt  }
0x52: {  	_ =	shalt  }
0x53: {  	_ =	shalt  }
0x54: {  	_ =	shalt  }
0x55: {  	_ =	shalt  }
0x56: {  	_ =	shalt  }
0x57: {  	_ =	shalt  }
0x58: {  	_ =	shalt  }
0x59: {  	_ =	shalt  }
0x5a: {  	_ =	shalt  }
0x5b: {  	_ =	shalt  }
0x5c: {  	_ =	shalt  }
0x5d: {  	_ =	shalt  }
0x5e: {  	_ =	shalt  }
0x5f: {  	_ =	shalt  }
0x60: {  	_ =	shalt  }
0x61: {  	_ =	shalt  }
0x62: {  	_ =	shalt  }
0x63: {  	_ =	shalt  }
0x64: {  	_ =	shalt  }
0x65: {  	_ =	shalt  }
0x66: {  	_ =	shalt  }
0x67: {  	_ =	shalt  }
0x68: {  	_ =	shalt  }
0x69: {  	_ =	shalt  }
0x6a: {  	_ =	shalt  }
0x6b: {  	_ =	shalt  }
0x6c: {  	_ =	shalt  }
0x6d: {  	_ =	shalt  }
0x6e: {  	_ =	shalt  }
0x6f: {  	_ =	shalt  }
0x70: {  	_ =	shalt  }
0x71: {  	_ =	shalt  }
0x72: {  	_ =	shalt  }
0x73: {  	_ =	shalt  }
0x74: {  	_ =	shalt  }
0x75: {  	_ =	shalt  }
0x76: {  	_ =	shalt  }
0x77: {  	_ =	shalt  }
0x78: {  	_ =	shalt  }
0x79: {  	_ =	shalt  }
0x7a: {  	_ =	shalt  }
0x7b: {  	_ =	shalt  }
0x7c: {  	_ =	shalt  }
0x7d: {  	_ =	shalt  }
0x7e: {  	_ =	shalt  }
0x7f: {  	_ =	shalt  }
0x80: {  	_ =	shalt  }
0x81: {  	_ =	shalt  }
0x82: {  	_ =	shalt  }
0x83: {  	_ =	shalt  }
0x84: {  	_ =	shalt  }
0x85: {  	_ =	shalt  }
0x86: {  	_ =	shalt  }
0x87: {  	_ =	shalt  }
.Lfunc_end0:
.L_simem_size_0:
called_computation.8_lowered:
.L_overlay_start_0:
0x88: {  	s2 =	sld [smem:$0x3FD9]  }
0x89: {  	s3 =	sld [smem:$0x3FFE];
	_ =	sdelay $0x1  }
0x8a: {  	s1 =	srdreg.scid  }
0x8b: {  	s0 =	sand.u32 $0x1, s1  }
0x8c: {  	s16 =	sshll.u32 s0, $0xA;
	s2 =	sadd.s32 s3, s2  }
0x8d: {  	s2 =	sadd.s32 s2, s16  }
0x8e: {  	[smem:$0x3F9D] =	sst s2  }
0x8f: {  	_ = 	snop  }
0x90: {  	(tm) =	ssettm $0x1  }
0x91: {  	s17 =	sld [smem:$0x3FFB];
	_ =	sdelay $0x3  }
0x92: {  	_ =	strace s17  }
0x93: {  	s2 =	sld [smem:$0x3FFC];
	_ =	sdelay $0x3  }
0x94: {  	_ =	strace s2  }
0x95: {  	s2 =	sld [smem:$0x3FFD];
	_ =	sdelay $0x3  }
0x96: {  	_ =	strace s2  }
0x97: {  	_ =	strace $0x8FFFFFFF  }
0x98: {  	s18 =	sld [smem:$0x3FDB];
	_ =	sdelay $0x1  }
0x99: {  	s19 =	simm.s32 $_scs_section_size  }
0x9a: {  	s4 =	simm.s32 $_size__tile_overlayer_lowered;
	s5 =	simm.s32 $_tile_overlayer_lowered  }
0x9b: {  	s22 =	simm.s32 $0x1BFF;
	s21 =	sshll.u32 s5, $0x1;
	s2 =	sadd.s32 s19, s18  }
0x9c: {  	s6 =	simm.s32 $0x0;
	s20 =	sshll.u32 s4, $0x1;
	s4 =	sadd.s32 s21, s2  }
0x9d: {  	[timem:s6], [sflag:s22] =	dma.local [hbm:s4], s20  }
0x9e: {  	_ =	swait.ge [sflag:s22], s20  }
0x9f: {  	s3 =	ssub.s32 $0x0, s20;
	[sflag:s22] =	ssyncset.done $0x0  }
0xa0: {  	[sflag:s22] =	ssyncadd.s32 s3;
	_ =	sdelay $0x1  }
0xa1: {  	s23 =	simm.s32 $0x1B8B  }
0xa2: {  	_ =	swait.ge [sflag:s23], $0x1  }
0xa3: {  	[sflag:s23] =	ssyncset.done $0x0  }
0xa4: {  	s25 =	simm.s32 $0x1B8E;
	s24 =	sld [smem:$0x3FFE];
	[sflag:s23] =	ssyncadd.s32 $0xFFFFFFFF  }
0xa5: {  	s26 =	simm.s32 $execute0_lowered;
	[smem:$0x3FD2] =	sst s25  }
0xa6: {  	s4 =	sshll.u32 s26, $0x1;
	_ =	strace $0x8000005E;
	[dreg:$0x1] =	wrdreg $0xFFFFFFFF  }
0xa7: {  	s28 =	simm.s32 $_size_execute0_lowered;
	s2 =	sadd.s32 s2, s4;
	[dreg:$0x0] =	wrdreg $0x0  }
0xa8: {  	s4 =	sshll.u32 s28, $0x1;
	[dreg:$0x2] =	wrdreg s2  }
0xa9: {  	[dreg:$0x3] =	wrdreg s4  }
0xaa: {  	[dreg:$0x4] =	wrdreg $0xC0  }
0xab: {  	_ =	task [dreg:s6], $0x5FFFF  }
0xac: {  	[dreg:$0x1] =	wrdreg $0xFFFFFFFF  }
0xad: {  	[dreg:$0x0] =	wrdreg $0x60  }
0xae: {  	[dreg:$0x2] =	wrdreg s24  }
0xaf: {  	[dreg:$0x3] =	wrdreg $0x60800  }
0xb0: {  	[dreg:$0x4] =	wrdreg $0x9  }
0xb1: {  	_ =	task.clear_ibuf [dreg:s6], $0x5FFFF;
	_ =	strace $0x9000005E  }
0xb2: {  	s29 =	simm.s32 $0x9;
	_ =	strace $0x80000060  }
0xb3: {  	_ =	swait.ge [sflag:s29], $0x1  }
0xb4: {  	[sflag:s29] =	ssyncadd.s32 $0xFFFFFFFF  }
0xb5: {  	_ =	strace $0x90000060  }
0xb6: {  	_ =	sfence  }
0xb7: {  	s30 =	sld [smem:$0x0];
	_ =	sdelay $0x2  }
0xb8: {  	s31 =	sshll.u32 s1, $0xD;
	s1 =	sshrl.u32 s1, $0x2  }
0xb9: {  	s3 =	sand.u32 $0x4000, s31;
	s1 =	sadd.s32 s1, s30  }
0xba: {  	s0 =	sor.u32 s3, s0;
	s1 =	sshll.u32 s1, $0x11  }
0xbb: {  	s0 =	sor.u32 s1, s0  }
0xbc: {  	s0 =	sadd.s32 $0x8F2B, s0  }
0xbd: {  	[sflag:s0] =	ssyncadd.remote.s32 $0x1  }
0xbe: {  	_ =	sfence.sel $0xFFFF  }
0xbf: {  	[dreg:$0x0] =	wrdreg $0xFFFFFFFF;
	(pc) =	sbr.abs _section_cstart, $3  }
0xc0: {  	[dreg:$0x1] =	wrdreg $0xFFFFFFFF  }
0xc1: {  	_ =	task.clear_ibuf [dreg:s6], $0x2FFFF;
	_ =	strace $0x9FFFFFFF  }
0xc2: {  	(tm) =	ssettm $0x7FFFFFFF  }
0xc3: {  	_ =	shalt  }
tec
execute0_lowered:
.L_overlay_start_1:
0x0: {  	(tag) =	ssettag $0x1  }
0x1: {  	s4 =	rddreg [dreg:$0x0]  }
0x2: {  	s1 =	rddreg [dreg:$0x1];
	s2 =	stileid.u32  }
0x3: {  	s3 =	srdreg.scid;
	s0 =	rddreg [dreg:$0x2]  }
0x4: {  	s18 =	simm.s32 $0x4080;
	s19 =	simm.s32 $0x1;
	s20 =	simm.s32 $0x80  }
0x5: {  	s21 =	simm.s32 $0x0;
	s5 =	smul.u32 $0x271, s2;
	s6 =	sand.u32 $0x1, s3  }
0x6: {  	s3 =	simm.s32 $0x0;
	p0 =	sne.s32 s2, $0x0;
	s7 =	smul.u32 $0x271000, s6  }
0x7: {  	[smem:$0x7FF] =	sst s3;
	s8 =	smul.u32 $0x138800, s6;
	s5 =	sand.u32 $0x3FF8, s5  }
0x8: {  	s9 =	smul.u32 $0x4E20, s6;
	s6 =	ssub.s32 $0x2, s6;
	s5 =	smin.u32 s5, $0x2498  }
0x9: {  	_ =	strace $0x8000005F;
	s31 =	sshrl.u32 s6, $0x1;
	s5 =	sshll.u32 s5, $0x7  }
0xa: {  	s16 =	sadd.s32 s7, s4;
	s17 =	sadd.s32 s9, s4;
	s30 =	sadd.s32 s8, s5  }
0xb: {  	s16 =	sadd.s32 $0xAD3C00, s16;
	s17 =	sadd.s32 $0x18400, s17;
	s7 =	sshrl.u32 s30, $0x3  }
.Ltmp0:
0xc: {  	s7 =	sadd.s32 s7, s4;
	s4 =	sadd.s32 s5, s1;
	(pc) =	sbr.rel .LBB2_1-.Ltmp0, $4  }
0xd: {  	s8 =	ssub.s32 s6, s31;
	s5 =	sadd.s32 $0x12000, s4;
	s6 =	sadd.s32 $0x49400, s7  }
0xe: {  	s7 =	smax.u32 s8, $0x1;
	s8 =	sadd.s32 $0x2000, s4;
	s9 =	sadd.s32 $0x4000, s4  }
0xf: {  	s10 =	sadd.s32 $0x6000, s4;
	s11 =	sadd.s32 $0x8000, s4;
	s12 =	sadd.s32 $0xA000, s4  }
0x10: {  	v0 =	vimm.f32 $0.0e+00;
	s13 =	sadd.s32 $0xC000, s4;
	s14 =	sadd.s32 $0xE000, s4;
	s15 =	sadd.s32 $0x10000, s4  }
.LBB2_6:
0x11: {  	s23 =	sadd.s32 s23, s17;
	[sflag:s19] =	ssyncadd.s32 $0xFFFFC000  }
0x12: {  	[tilespmem:s3], [sflag:$0x1] =	stream.linear.gather [hbm4b:s23+s3], $0x80, $0x38;
	[tilespmem:$0x19900] =	vst v63  }
0x13: {  	_ =	swait.ge [sflag:s19], $0x80  }
0x14: {  	[sflag:s19] =	ssyncset.done $0x0  }
0x15: {  	[sflag:s19] =	ssyncadd.s32 $0xFFFFFF80  }
0x16: {  	[tilespmem:s20], [sflag:$0x1] =	stream.linear.gather [hbm4b:s22+s3], $0x4000, $0x38;
	[tilespmem:$0x19900] =	vst v63  }
0x17: {  	_ =	swait.ge [sflag:s19], $0x4000  }
0x18: {  	[sflag:s19] =	ssyncset.done $0x0  }
0x19: {  	[sflag:s19] =	ssyncadd.s32 $0xFFFFC000  }
0x1a: {  	[spmem:s1] =	stream.indirect.scatter.add.f32 [tilespmem:s20], [sflag:$0x1], $0x80, s3, s20, $0xb8;
	[tilespmem:$0x19900] =	vst v63  }
0x1b: {  	_ =	swait.ge [sflag:s19], $0x4000  }
0x1c: {  	[sflag:s19] =	ssyncset.done $0x0  }
0x1d: {  	[sflag:s19] =	ssyncadd.s32 $0xFFFFC000  }
.LBB2_7:
0x1e: {  	s21 =	sadd.s32 $0x1, s21  }
0x1f: {  	s22 =	sshll.u32 s2, $0x6;
	[bflag:$0x0] =	sbarrier.arrive $0xFFFF;
	p1 =	sne.s32 s21, s7  }
.Ltmp1:
0x20: {  	s23 =	sshrl.u32 s4, $0x3;
	s22 =	sor.u32 $0x1C01, s22;
	(pc) =	sbr.rel @!p1 .LBB2_8-.Ltmp1, $4  }
0x21: {  	[hbm:s6], [sflag:s22] =	dma.local [spmem:s23], $0x2780  }
0x22: {  	_ =	swait.ge [sflag:s19], $0x2780  }
0x23: {  	[sflag:s19] =	ssyncset.done $0x0  }
0x24: {  	[sflag:s19] =	ssyncadd.s32 $0xFFFFD880  }
.LBB2_1:
0x25: {  	s22 =	sand.u32 $0x7E00, s3  }
0x26: {  	s23 =	sand.u32 $0x70, s3;
	s24 =	sshrl.u32 s22, $0x2  }
0x27: {  	s22 =	simm.s32 $0x40;
	s24 =	sor.u32 s23, s24;
	s23 =	simm.s32 $0x0  }
.LBB2_2:
0x28: {  	p1 =	sne.s32 s22, $0x7FC0  }
0x29: {  	[tilespmem:s24+$0x4080] =	vst v0;
	s23 =	sadd.s32 $0x10, s23;
	s24 =	smov.u32 s22;
	s22 =	sadd.s32 $0x40, s22  }
.Ltmp2:
0x2a: {  	(pc) =	sbr.rel @p1 .LBB2_2-.Ltmp2, $4  }
0x2b: {  	_ = 	snop  }
0x2c: {  	s24 =	sand.u32 $0x7E00, s24  }
0x2d: {  	s25 =	sand.u32 $0x70, s23;
	s24 =	sshrl.u32 s24, $0x2  }
0x2e: {  	s24 =	sor.u32 s25, s24  }
0x2f: {  	[tilespmem:s24+$0x4080] =	vst v0  }
0x30: {  	[spmem:s4] =	stream.linear.scatter [tilespmem:s18], [sflag:$0x1], $0x2000, $0x38;
	[tilespmem:$0x19900] =	vst v63  }
0x31: {  	_ =	swait.ge [sflag:s19], $0x2000  }
0x32: {  	[sflag:s19] =	ssyncset.done $0x0  }
0x33: {  	[sflag:s19] =	ssyncadd.s32 $0xFFFFE000  }
0x34: {  	[spmem:s8] =	stream.linear.scatter [tilespmem:s18], [sflag:$0x1], $0x2000, $0x38;
	[tilespmem:$0x19900] =	vst v63  }
0x35: {  	_ =	swait.ge [sflag:s19], $0x2000  }
0x36: {  	[sflag:s19] =	ssyncset.done $0x0  }
0x37: {  	[sflag:s19] =	ssyncadd.s32 $0xFFFFE000  }
0x38: {  	[spmem:s9] =	stream.linear.scatter [tilespmem:s18], [sflag:$0x1], $0x2000, $0x38;
	[tilespmem:$0x19900] =	vst v63  }
0x39: {  	_ =	swait.ge [sflag:s19], $0x2000  }
0x3a: {  	[sflag:s19] =	ssyncset.done $0x0  }
0x3b: {  	[sflag:s19] =	ssyncadd.s32 $0xFFFFE000  }
0x3c: {  	[spmem:s10] =	stream.linear.scatter [tilespmem:s18], [sflag:$0x1], $0x2000, $0x38;
	[tilespmem:$0x19900] =	vst v63  }
0x3d: {  	_ =	swait.ge [sflag:s19], $0x2000  }
0x3e: {  	[sflag:s19] =	ssyncset.done $0x0  }
0x3f: {  	[sflag:s19] =	ssyncadd.s32 $0xFFFFE000  }
0x40: {  	[spmem:s11] =	stream.linear.scatter [tilespmem:s18], [sflag:$0x1], $0x2000, $0x38;
	[tilespmem:$0x19900] =	vst v63  }
0x41: {  	_ =	swait.ge [sflag:s19], $0x2000  }
0x42: {  	[sflag:s19] =	ssyncset.done $0x0  }
0x43: {  	[sflag:s19] =	ssyncadd.s32 $0xFFFFE000  }
0x44: {  	[spmem:s12] =	stream.linear.scatter [tilespmem:s18], [sflag:$0x1], $0x2000, $0x38;
	[tilespmem:$0x19900] =	vst v63  }
0x45: {  	_ =	swait.ge [sflag:s19], $0x2000  }
0x46: {  	[sflag:s19] =	ssyncset.done $0x0  }
0x47: {  	[sflag:s19] =	ssyncadd.s32 $0xFFFFE000  }
0x48: {  	[spmem:s13] =	stream.linear.scatter [tilespmem:s18], [sflag:$0x1], $0x2000, $0x38;
	[tilespmem:$0x19900] =	vst v63  }
0x49: {  	_ =	swait.ge [sflag:s19], $0x2000  }
0x4a: {  	[sflag:s19] =	ssyncset.done $0x0  }
0x4b: {  	[sflag:s19] =	ssyncadd.s32 $0xFFFFE000  }
0x4c: {  	[spmem:s14] =	stream.linear.scatter [tilespmem:s18], [sflag:$0x1], $0x2000, $0x38;
	[tilespmem:$0x19900] =	vst v63  }
0x4d: {  	_ =	swait.ge [sflag:s19], $0x2000  }
0x4e: {  	[sflag:s19] =	ssyncset.done $0x0  }
0x4f: {  	[sflag:s19] =	ssyncadd.s32 $0xFFFFE000  }
0x50: {  	[spmem:s15] =	stream.linear.scatter [tilespmem:s18], [sflag:$0x1], $0x2000, $0x38;
	[tilespmem:$0x19900] =	vst v63  }
0x51: {  	_ =	swait.ge [sflag:s19], $0x2000  }
0x52: {  	[sflag:s19] =	ssyncset.done $0x0  }
0x53: {  	[sflag:s19] =	ssyncadd.s32 $0xFFFFE000  }
0x54: {  	[spmem:s5] =	stream.linear.scatter [tilespmem:s18], [sflag:$0x1], $0x1C00, $0x38;
	[tilespmem:$0x19900] =	vst v63  }
.Ltmp3:
0x55: {  	_ =	swait.ge [sflag:s19], $0x1C00;
	(pc) =	sbr.rel @p0 .LBB2_7-.Ltmp3, $3  }
0x56: {  	[sflag:s19] =	ssyncset.done $0x0  }
0x57: {  	[sflag:s19] =	ssyncadd.s32 $0xFFFFE400  }
0x58: {  	[bflag:$0x0] =	sbarrier.arrive $0xFFFF;
	_ =	sdelay $0x1  }
0x59: {  	s22 =	sadd.s32 $0x0, s17  }
0x5a: {  	[tilespmem:s3], [sflag:$0x1] =	stream.linear.gather [hbm4b:s22+s3], $0x80, $0x38;
	[tilespmem:$0x19900] =	vst v63  }
0x5b: {  	_ =	swait.ge [sflag:s19], $0x80  }
0x5c: {  	[sflag:s19] =	ssyncset.done $0x0  }
0x5d: {  	[sflag:s19] =	ssyncadd.s32 $0xFFFFFF80  }
0x5e: {  	[tilespmem:s20], [sflag:$0x1] =	stream.linear.gather [hbm4b:s16+s3], $0x4000, $0x38;
	[tilespmem:$0x19900] =	vst v63  }
0x5f: {  	_ =	swait.ge [sflag:s19], $0x4000  }
0x60: {  	[sflag:s19] =	ssyncset.done $0x0  }
0x61: {  	[sflag:s19] =	ssyncadd.s32 $0xFFFFC000  }
0x62: {  	[spmem:s1] =	stream.indirect.scatter.add.f32 [tilespmem:s20], [sflag:$0x1], $0x80, s3, s20, $0xb8;
	[tilespmem:$0x19900] =	vst v63  }
0x63: {  	s23 =	simm.s32 $0x10;
	_ =	swait.ge [sflag:s19], $0x4000  }
0x64: {  	s24 =	simm.s32 $0x20;
	s22 =	sadd.s32 $0x800, s16;
	[sflag:s19] =	ssyncset.done $0x0  }
.LBB2_5:
0x65: {  	s25 =	sadd.s32 s23, s17  }
0x66: {  	[sflag:s19] =	ssyncadd.s32 $0xFFFFC000;
	s23 =	smov.u32 s24;
	s26 =	sadd.s32 $0x10, s24  }
0x67: {  	[tilespmem:s3], [sflag:$0x1] =	stream.linear.gather [hbm4b:s25+s3], $0x80, $0x38;
	[tilespmem:$0x19900] =	vst v63  }
0x68: {  	p1 =	sne.s32 s24, $0x4E10;
	_ =	swait.ge [sflag:s19], $0x80  }
0x69: {  	[sflag:s19] =	ssyncset.done $0x0  }
0x6a: {  	[sflag:s19] =	ssyncadd.s32 $0xFFFFFF80  }
0x6b: {  	[tilespmem:s20], [sflag:$0x1] =	stream.linear.gather [hbm4b:s22+s3], $0x4000, $0x38;
	[tilespmem:$0x19900] =	vst v63  }
0x6c: {  	_ =	swait.ge [sflag:s19], $0x4000  }
.Ltmp4:
0x6d: {  	[sflag:s19] =	ssyncset.done $0x0;
	(pc) =	sbr.rel @p1 .LBB2_5-.Ltmp4, $4  }
0x6e: {  	[sflag:s19] =	ssyncadd.s32 $0xFFFFC000  }
0x6f: {  	[spmem:s1] =	stream.indirect.scatter.add.f32 [tilespmem:s20], [sflag:$0x1], $0x80, s3, s20, $0xb8;
	[tilespmem:$0x19900] =	vst v63  }
0x70: {  	_ =	swait.ge [sflag:s19], $0x4000  }
0x71: {  	s24 =	smov.u32 s26;
	s22 =	sadd.s32 $0x800, s22;
	[sflag:s19] =	ssyncset.done $0x0  }
.Ltmp5:
0x72: {  	_ = 	snop;
	(pc) =	sbr.rel .LBB2_6-.Ltmp5, $1  }
0x73: {  	_ =	sdelay $0x3  }
.LBB2_8:
0x74: {  	_ =	sfence.sel $0x180000  }
0x75: {  	[bflag:$0x0] =	sbarrier.arrive $0xFFFF  }
0x76: {  	_ =	strace $0x9000005F  }
0x77: {  	s0 =	sadd.s32 @!p0 $0x100000, s0;
	[bflag:$0x2] =	sbarrier.arrive $0xFFFF  }
0x78: {  	[sflag:s0] =	ssyncadd.tile.s32 @!p0 $0x1;
	_ =	shalt  }
.Lfunc_end2:
_tile_overlayer_lowered:
.L_overlay_start_2:
0x79: {  	(tag) =	ssettag $0x2  }
0x7a: {  	s0 =	rddreg [dreg:$0x0];
	s2 =	stileid.u32  }
0x7b: {  	s1 =	rddreg [dreg:$0x1];
	p0 =	sne.s32 s2, $0x0  }
0x7c: {  	s3 =	rddreg [dreg:$0x2];
	[bflag:$0x3] =	sbarrier.arrive $0xFFFF;
	s2 =	simm.s32 @!p0 $0x1C01  }
0x7d: {  	[timem:s3], [sflag:s2] =	dma.local @!p0 [hbm:s0], s1  }
0x7e: {  	s0 =	simm.s32 @!p0 $0x1  }
0x7f: {  	_ =	swait.ge @!p0 [sflag:s0], s1  }
0x80: {  	s1 =	ssub.s32 @!p0 $0x0, s1;
	[sflag:s0] =	ssyncset.done @!p0 $0x0  }
0x81: {  	[sflag:s0] =	ssyncadd.s32 @!p0 s1  }
0x82: {  	[bflag:$0x3] =	sbarrier.arrive $0xFFFF  }
0x83: {  	_ =	shalt  }

</sc_bundles>
